<compile_context>
chip_gen: v7x
topology: tpu7x:2x2x1
jax: 0.10.2.dev20260603
libtpu: 0.0.44.dev20260713+nightly
codegen_flags: <defaults>
</compile_context>

<pallas_src>
import functools

import jax
import jax.numpy as jnp
from jax import lax
from jax.experimental import pallas as pl
from jax.experimental.pallas import tpu as pltpu
from jax.experimental.pallas import tpu_sc as plsc

NC = 2
NS = 16
L = 16


def _widx():
    return lax.axis_index("s") * NC + lax.axis_index("c")


NPAD = 2048
HASH = 8192


@functools.cache
def _resolve_kernel(B, M, N_in, K, idx_pad):
    assert M % L == 0
    zero_row = B * N_in
    mesh = plsc.VectorSubcoreMesh(core_axis_name="c", subcore_axis_name="s")

    @functools.partial(
        pl.kernel,
        out_type=jax.ShapeDtypeStruct((idx_pad,), jnp.int32),
        mesh=mesh,
        scratch_types=[
            pltpu.VMEM((M,), jnp.int32),
            pltpu.VMEM((2, K), jnp.int32),
            pltpu.VMEM((M,), jnp.int32),
            pltpu.VMEM((M,), jnp.int32),
            pltpu.VMEM((HASH,), jnp.int32),
            pltpu.SemaphoreType.DMA,
        ],
        compiler_params=pltpu.CompilerParams(needs_layout_passes=False),
    )
    def resolve(mask_hbm, order_hbm, idx_hbm, mp_v, order_v, g_v, out_v,
                marks_v, sem_o):
        wid = _widx()

        @pl.when(wid < B)
        def _():
            b = wid
            order_dma = pltpu.async_copy(order_hbm.at[b], order_v, sem_o)
            pltpu.sync_copy(mask_hbm.at[b], mp_v)
            boff = b * N_in
            iota = lax.iota(jnp.int32, L)

            def lane_bcast(v, j):
                return v.at[jnp.full((L,), j, jnp.int32)].get(
                    mode="promise_in_bounds"
                )

            with jax.named_scope("p1_cumsum"):
                U = 5
                assert M % (U * L) == 0

                def p1(i, carry):
                    css = []
                    for u in range(U):
                        css.append(plsc.cumsum(mp_v[pl.ds((i * U + u) * L, L)]))
                    for u in range(U):
                        off = (i * U + u) * L
                        v = mp_v[pl.ds(off, L)]
                        zspread = zero_row + ((iota + off) & (NPAD - 1))
                        posz = jnp.where(v > 0, css[u] + carry + (boff - 1),
                                         zspread)
                        mp_v[pl.ds(off, L)] = posz
                        g_v[pl.ds(off, L)] = iota + off
                        carry = carry + lane_bcast(css[u], L - 1)
                    return carry

                lax.fori_loop(0, M // (U * L), p1, jnp.zeros((L,), jnp.int32))

                @plsc.parallel_loop(0, HASH // L, unroll=8)
                def _(i):
                    marks_v[pl.ds(i * L, L)] = jnp.zeros((L,), jnp.int32)

            order_dma.wait()

            lane0 = iota == 0

            def p2(i, _):
                base = K - (i + 1) * L
                fv = lax.rev(order_v[0, pl.ds(base, L)], (0,))
                tv = lax.rev(order_v[1, pl.ds(base, L)], (0,))
                tagbase = (i + 1) * L
                ht = tv & (HASH - 1)
                plsc.store_scatter(marks_v, [ht], tagbase + iota)
                rt = plsc.load_gather(marks_v, [ht])
                rf = plsc.load_gather(marks_v, [fv & (HASH - 1)])
                conf = (rt != tagbase + iota) | (rf >= tagbase)

                def fast():
                    gf = plsc.load_gather(g_v, [fv])
                    plsc.store_scatter(g_v, [tv], gf)

                def slow():
                    for j in range(L):
                        fj = lane_bcast(fv, j)
                        tj = lane_bcast(tv, j)
                        gf = plsc.load_gather(g_v, [fj])
                        plsc.store_scatter(g_v, [tj], gf, mask=lane0)

                lax.cond(jnp.any(conf), slow, fast)
                return 0

            with jax.named_scope("p2_chain"):
                lax.fori_loop(0, K // L, p2, 0)

            with jax.named_scope("p3_compose"):
                @plsc.parallel_loop(0, M // L, unroll=5)
                def _(i):
                    gv = g_v[pl.ds(i * L, L)]
                    out_v[pl.ds(i * L, L)] = plsc.load_gather(mp_v, [gv])

            pltpu.sync_copy(out_v, idx_hbm.at[pl.ds(b * M, M)])

    return resolve


NBUF = 3


@functools.cache
def _gather_kernel(R, C, n_table):
    CHUNK = 128
    assert R % CHUNK == 0
    n_chunks = R // CHUNK
    n_tiles = NC * NS
    per_tile = -(-n_chunks // n_tiles)
    n_big = n_chunks - n_tiles * (per_tile - 1)
    mesh = plsc.VectorSubcoreMesh(core_axis_name="c", subcore_axis_name="s")

    @functools.partial(
        pl.kernel,
        out_type=jax.ShapeDtypeStruct((R, C), jnp.float32),
        mesh=mesh,
        scratch_types=[
            pltpu.VMEM((per_tile * CHUNK,), jnp.int32),
            [pltpu.VMEM((CHUNK, C), jnp.float32) for _ in range(NBUF)],
            [pltpu.SemaphoreType.DMA for _ in range(NBUF)],
            [pltpu.SemaphoreType.DMA for _ in range(NBUF)],
        ],
    )
    def gather(table_hbm, idx_hbm, out_hbm, idx_all, rows_v, sg, sw):
        wid = _widx()
        base = jnp.where(wid < n_big, wid * per_tile,
                         n_big * per_tile + (wid - n_big) * (per_tile - 1))
        cnt = jnp.where(wid < n_big, per_tile, per_tile - 1)
        pltpu.sync_copy(idx_hbm.at[pl.ds(base * CHUNK, per_tile * CHUNK)],
                        idx_all)

        def gather_desc(sl, j):
            return pltpu.make_async_copy(
                table_hbm.at[idx_all.at[pl.ds(j * CHUNK, CHUNK)]],
                rows_v[sl], sg[sl])

        def wb_desc(sl, j):
            return pltpu.make_async_copy(
                rows_v[sl], out_hbm.at[pl.ds((base + j) * CHUNK, CHUNK)],
                sw[sl],
            )

        for j in range(per_tile + NBUF):
            sl = j % NBUF
            if j >= NBUF:
                @pl.when(j - NBUF < cnt)
                def _(j=j, sl=sl):
                    wb_desc(sl, j - NBUF).wait()
            if j < per_tile:
                @pl.when(j < cnt)
                def _(j=j, sl=sl):
                    gather_desc(sl, j).start()
            if 1 <= j <= per_tile:
                psl = (j - 1) % NBUF

                @pl.when(j - 1 < cnt)
                def _(j=j, psl=psl):
                    gather_desc(psl, j - 1).wait()
                    wb_desc(psl, j - 1).start()

    return gather


def kernel(images, mask, order):
    B, N_in, C = images.shape
    M = mask.shape[1]
    K = order.shape[2]

    n_chunks = B * M // 128
    n_tiles = NC * NS
    per_tile = -(-n_chunks // n_tiles)
    idx_pad = n_tiles * per_tile * 128

    idx = _resolve_kernel(B, M, N_in, K, idx_pad)(
        mask.astype(jnp.int32), order.astype(jnp.int32)
    )
    table = jnp.concatenate(
        [images.reshape(B * N_in, C), jnp.zeros((NPAD, C), images.dtype)], axis=0
    )
    out = _gather_kernel(B * M, C, B * N_in + NPAD)(table, idx)
    return out.reshape(B, M, C)

# --- scband reference (transcript-rebuilt; emitter-appended) ---
"""Pipeline reference for scband-mesh-unpool-14946486190524 (READ-ONLY COPY).

The authoritative reference and input builder live on the scoring server;
editing this copy changes nothing except your own understanding.
"""

import jax, jax.numpy as jnp
import numpy as np


def _unpool_single(img, mask, order):
    # img: [N_in, C] pooled features; mask: bool[M] which unpooled vertices received pooled features;
    # order: int[2, K] (f, t) copy pairs, applied in reverse column order: v_f[t] = v_f[f]
    M = mask.shape[0]
    n_in = img.shape[0]
    C = img.shape[1]
    idx = jnp.nonzero(mask, size=n_in)[0]
    v_f = jnp.zeros((M, C), dtype=img.dtype).at[idx].set(img)  # v_f[mask] = img
    rev = order[:, ::-1]
    ft = jnp.stack([rev[0], rev[1]], axis=1)  # [K, 2] rows of (f, t) in the order the python loop visits them
    def step(vf, ft_i):
        f = ft_i[0]
        t = ft_i[1]
        return vf.at[t].set(vf[f]), None
    vf, _ = jax.lax.scan(step, v_f, ft)
    return vf


def setup_inputs(seed: int = 0):
    key = jax.random.key(seed)
    B, M, N_in, C, K = 4, 20000, 10000, 256, 10000
    k_img, k_mask, k_ord = jax.random.split(key, 3)
    images = jax.random.normal(k_img, (B, N_in, C), dtype=jnp.float32)
    mask = jnp.zeros((B, M), dtype=bool)
    for b in range(B):
        perm = jax.random.permutation(jax.random.fold_in(k_mask, b), M)
        mask = mask.at[b, perm[:N_in]].set(True)
    order = jax.random.randint(k_ord, (B, 2, K), 0, M)
    return {"images": images, "mask": mask, "order": order}


def reference(images, mask, order):
    # Faithful to MeshUnpool.forward: per-mesh boolean-mask scatter of pooled features,
    # then sequential reverse-order row copies v_f[t] = v_f[f]; stack over batch.
    outs = [_unpool_single(images[b], mask[b], order[b]) for b in range(images.shape[0])]
    return jnp.stack(outs)

if __name__ == "__main__":
    import jax
    _d = setup_inputs()
    print(jax.jit(kernel)(*tuple(_d.values())))

</pallas_src>

<mosaic_0001>
#map = affine_map<(d0, d1) -> (0, 0)>
#map1 = affine_map<(d0, d1) -> (0, 0, 0)>
#map2 = affine_map<(d0, d1) -> (0)>
module attributes {stable_mosaic.version = 14 : i64} {
  func.func @resolve(%arg0: i32, %arg1: i32, %arg2: memref<4x20000xi32, #tpu.memory_space<hbm>>, %arg3: memref<4x2x10000xi32, #tpu.memory_space<hbm>>, %arg4: memref<81920xi32, #tpu.memory_space<hbm>>, %arg5: memref<20000xi32, #tpu.memory_space<vmem>>, %arg6: memref<2x10000xi32, #tpu.memory_space<vmem>>, %arg7: memref<20000xi32, #tpu.memory_space<vmem>>, %arg8: memref<20000xi32, #tpu.memory_space<vmem>>, %arg9: memref<8192xi32, #tpu.memory_space<vmem>>, %arg10: memref<!tpu.dma_semaphore, #tpu.memory_space<semaphore_mem>>) attributes {dimension_semantics = [#tpu.dimension_semantics<core_parallel>, #tpu.dimension_semantics<subcore_parallel>], iteration_bounds = array<i64: 2, 16>, scalar_prefetch = 0 : i64, scratch_operands = 6 : i64, tpu.core_type = #tpu.core_type<sc_vector_subcore>, window_params = [{transform_indices = #map}, {transform_indices = #map1}, {transform_indices = #map2}]} {
    %mul3A = arith.constant 2 : i32
    %mul3A_0 = arith.muli %arg1, %mul3A : i32
    %add3A = arith.addi %mul3A_0, %arg0 : i32
    %lt3A = arith.constant 4 : i32
    %lt3A_1 = arith.cmpi slt, %add3A, %lt3A : i32
    %convert_element_type3A = arith.extui %lt3A_1 : i1 to i32
    %cond3A = arith.constant 0 : i32
    %cond3A_2 = arith.cmpi ne, %convert_element_type3A, %cond3A : i32
    scf.if %cond3A_2 {
      %dma_start3A = arith.constant 0 : i32
      %dma_start3A_3 = arith.constant 0 : i32
      %dma_start3A_4 = tpu.memref_slice %arg3[%add3A, %dma_start3A, %dma_start3A_3] : memref<4x2x10000xi32, #tpu.memory_space<hbm>> -> memref<1x2x10000xi32, #tpu.memory_space<hbm>>
      %dma_start3A_5 = tpu.memref_squeeze %dma_start3A_4 : memref<1x2x10000xi32, #tpu.memory_space<hbm>> -> memref<2x10000xi32, #tpu.memory_space<hbm>>
      %dma_start3A_6 = arith.constant 0 : i32
      %dma_start3A_7 = arith.constant 0 : i32
      %dma_start3A_8 = tpu.memref_slice %arg3[%add3A, %dma_start3A_6, %dma_start3A_7] : memref<4x2x10000xi32, #tpu.memory_space<hbm>> -> memref<1x2x10000xi32, #tpu.memory_space<hbm>>
      %dma_start3A_9 = tpu.memref_squeeze %dma_start3A_8 : memref<1x2x10000xi32, #tpu.memory_space<hbm>> -> memref<2x10000xi32, #tpu.memory_space<hbm>>
      tpu.enqueue_dma source(%dma_start3A_9 : memref<2x10000xi32, #tpu.memory_space<hbm>>) target(%arg6 : memref<2x10000xi32, #tpu.memory_space<vmem>>) target_semaphore(%arg10 : memref<!tpu.dma_semaphore, #tpu.memory_space<semaphore_mem>>)
      "tpu.region"() ({
        %run_scoped3A = tpu.sem_alloc : memref<!tpu.dma_semaphore, #tpu.memory_space<semaphore_mem>>
        %dma_start3A_41 = arith.constant 0 : i32
        %dma_start3A_42 = tpu.memref_slice %arg2[%add3A, %dma_start3A_41] : memref<4x20000xi32, #tpu.memory_space<hbm>> -> memref<1x20000xi32, #tpu.memory_space<hbm>>
        %dma_start3A_43 = tpu.memref_squeeze %dma_start3A_42 : memref<1x20000xi32, #tpu.memory_space<hbm>> -> memref<20000xi32, #tpu.memory_space<hbm>>
        %dma_start3A_44 = arith.constant 0 : i32
        %dma_start3A_45 = tpu.memref_slice %arg2[%add3A, %dma_start3A_44] : memref<4x20000xi32, #tpu.memory_space<hbm>> -> memref<1x20000xi32, #tpu.memory_space<hbm>>
        %dma_start3A_46 = tpu.memref_squeeze %dma_start3A_45 : memref<1x20000xi32, #tpu.memory_space<hbm>> -> memref<20000xi32, #tpu.memory_space<hbm>>
        tpu.enqueue_dma source(%dma_start3A_46 : memref<20000xi32, #tpu.memory_space<hbm>>) target(%arg5 : memref<20000xi32, #tpu.memory_space<vmem>>) target_semaphore(%run_scoped3A : memref<!tpu.dma_semaphore, #tpu.memory_space<semaphore_mem>>)
        %dma_wait3A_47 = arith.constant 0 : i32
        %dma_wait3A_48 = tpu.memref_slice %arg2[%add3A, %dma_wait3A_47] : memref<4x20000xi32, #tpu.memory_space<hbm>> -> memref<1x20000xi32, #tpu.memory_space<hbm>>
        %dma_wait3A_49 = tpu.memref_squeeze %dma_wait3A_48 : memref<1x20000xi32, #tpu.memory_space<hbm>> -> memref<20000xi32, #tpu.memory_space<hbm>>
        %dma_wait3A_50 = arith.constant 0 : i32
        %dma_wait3A_51 = tpu.memref_slice %arg2[%add3A, %dma_wait3A_50] : memref<4x20000xi32, #tpu.memory_space<hbm>> -> memref<1x20000xi32, #tpu.memory_space<hbm>>
        %dma_wait3A_52 = tpu.memref_squeeze %dma_wait3A_51 : memref<1x20000xi32, #tpu.memory_space<hbm>> -> memref<20000xi32, #tpu.memory_space<hbm>>
        tpu.wait_dma2 semaphore(%run_scoped3A : memref<!tpu.dma_semaphore, #tpu.memory_space<semaphore_mem>>) src(%dma_wait3A_52 : memref<20000xi32, #tpu.memory_space<hbm>>) dst(%arg5 : memref<20000xi32, #tpu.memory_space<vmem>>)
        tpu.yield
      }) : () -> ()
      %mul3A_10 = arith.constant 10000 : i32
      %mul3A_11 = arith.muli %add3A, %mul3A_10 : i32
      %iota3A = tpu.iota {dimensions = array<i32: 0>} : vector<16xi32>
      %broadcast_in_dim3A = arith.constant 0 : i32
      "tpu.trace_start"() <{level = 10 : i32, message = "p1_cumsum"}> : () -> ()
      %broadcast_in_dim3A_12 = vector.broadcast %broadcast_in_dim3A : i32 to vector<16xi32>
      %scan3A = arith.constant 0 : i32
      %scan3A_13 = arith.constant 250 : i32
      %scan3A_14 = arith.addi %scan3A, %scan3A_13 : i32
      %scan3A_15 = arith.constant 1 : i32
      %scan3A_16 = scf.for %scan3A_41 = %scan3A to %scan3A_14 step %scan3A_15 iter_args(%scan3A_42 = %broadcast_in_dim3A_12) -> (vector<16xi32>)  : i32 {
        %mul3A_43 = arith.constant 5 : i32
        %mul3A_44 = arith.muli %scan3A_41, %mul3A_43 : i32
        %add3A_45 = arith.constant 0 : i32
        %add3A_46 = arith.addi %mul3A_44, %add3A_45 : i32
        %mul3A_47 = arith.constant 16 : i32
        %mul3A_48 = arith.muli %add3A_46, %mul3A_47 : i32
        %get3A = arith.index_cast %mul3A_48 : i32 to index
        %get3A_49 = tpu.vector_load %arg5[%get3A] {strides = array<i32>} : memref<20000xi32, #tpu.memory_space<vmem>>, vector<16xi32>,
        %broadcast_in_dim3A_50 = arith.constant true
        %broadcast_in_dim3A_51 = vector.broadcast %broadcast_in_dim3A_50 : i1 to vector<16xi1>
        %masked_cumsum3A = tpu.scan <sum>, %get3A_49 masked %broadcast_in_dim3A_51 : vector<16xi32>, vector<16xi1> -> vector<16xi32>
        %mul3A_52 = arith.constant 5 : i32
        %mul3A_53 = arith.muli %scan3A_41, %mul3A_52 : i32
        %add3A_54 = arith.constant 1 : i32
        %add3A_55 = arith.addi %mul3A_53, %add3A_54 : i32
        %mul3A_56 = arith.constant 16 : i32
        %mul3A_57 = arith.muli %add3A_55, %mul3A_56 : i32
        %get3A_58 = arith.index_cast %mul3A_57 : i32 to index
        %get3A_59 = tpu.vector_load %arg5[%get3A_58] {strides = array<i32>} : memref<20000xi32, #tpu.memory_space<vmem>>, vector<16xi32>,
        %broadcast_in_dim3A_60 = arith.constant true
        %broadcast_in_dim3A_61 = vector.broadcast %broadcast_in_dim3A_60 : i1 to vector<16xi1>
        %masked_cumsum3A_62 = tpu.scan <sum>, %get3A_59 masked %broadcast_in_dim3A_61 : vector<16xi32>, vector<16xi1> -> vector<16xi32>
        %mul3A_63 = arith.constant 5 : i32
        %mul3A_64 = arith.muli %scan3A_41, %mul3A_63 : i32
        %add3A_65 = arith.constant 2 : i32
        %add3A_66 = arith.addi %mul3A_64, %add3A_65 : i32
        %mul3A_67 = arith.constant 16 : i32
        %mul3A_68 = arith.muli %add3A_66, %mul3A_67 : i32
        %get3A_69 = arith.index_cast %mul3A_68 : i32 to index
        %get3A_70 = tpu.vector_load %arg5[%get3A_69] {strides = array<i32>} : memref<20000xi32, #tpu.memory_space<vmem>>, vector<16xi32>,
        %broadcast_in_dim3A_71 = arith.constant true
        %broadcast_in_dim3A_72 = vector.broadcast %broadcast_in_dim3A_71 : i1 to vector<16xi1>
        %masked_cumsum3A_73 = tpu.scan <sum>, %get3A_70 masked %broadcast_in_dim3A_72 : vector<16xi32>, vector<16xi1> -> vector<16xi32>
        %mul3A_74 = arith.constant 5 : i32
        %mul3A_75 = arith.muli %scan3A_41, %mul3A_74 : i32
        %add3A_76 = arith.constant 3 : i32
        %add3A_77 = arith.addi %mul3A_75, %add3A_76 : i32
        %mul3A_78 = arith.constant 16 : i32
        %mul3A_79 = arith.muli %add3A_77, %mul3A_78 : i32
        %get3A_80 = arith.index_cast %mul3A_79 : i32 to index
        %get3A_81 = tpu.vector_load %arg5[%get3A_80] {strides = array<i32>} : memref<20000xi32, #tpu.memory_space<vmem>>, vector<16xi32>,
        %broadcast_in_dim3A_82 = arith.constant true
        %broadcast_in_dim3A_83 = vector.broadcast %broadcast_in_dim3A_82 : i1 to vector<16xi1>
        %masked_cumsum3A_84 = tpu.scan <sum>, %get3A_81 masked %broadcast_in_dim3A_83 : vector<16xi32>, vector<16xi1> -> vector<16xi32>
        %mul3A_85 = arith.constant 5 : i32
        %mul3A_86 = arith.muli %scan3A_41, %mul3A_85 : i32
        %add3A_87 = arith.constant 4 : i32
        %add3A_88 = arith.addi %mul3A_86, %add3A_87 : i32
        %mul3A_89 = arith.constant 16 : i32
        %mul3A_90 = arith.muli %add3A_88, %mul3A_89 : i32
        %get3A_91 = arith.index_cast %mul3A_90 : i32 to index
        %get3A_92 = tpu.vector_load %arg5[%get3A_91] {strides = array<i32>} : memref<20000xi32, #tpu.memory_space<vmem>>, vector<16xi32>,
        %broadcast_in_dim3A_93 = arith.constant true
        %broadcast_in_dim3A_94 = vector.broadcast %broadcast_in_dim3A_93 : i1 to vector<16xi1>
        %masked_cumsum3A_95 = tpu.scan <sum>, %get3A_92 masked %broadcast_in_dim3A_94 : vector<16xi32>, vector<16xi1> -> vector<16xi32>
        %mul3A_96 = arith.constant 5 : i32
        %mul3A_97 = arith.muli %scan3A_41, %mul3A_96 : i32
        %add3A_98 = arith.constant 0 : i32
        %add3A_99 = arith.addi %mul3A_97, %add3A_98 : i32
        %mul3A_100 = arith.constant 16 : i32
        %mul3A_101 = arith.muli %add3A_99, %mul3A_100 : i32
        %get3A_102 = arith.index_cast %mul3A_101 : i32 to index
        %get3A_103 = tpu.vector_load %arg5[%get3A_102] {strides = array<i32>} : memref<20000xi32, #tpu.memory_space<vmem>>, vector<16xi32>,
        %add3A_104 = vector.broadcast %mul3A_101 : i32 to vector<16xi32>
        %add3A_105 = arith.addi %iota3A, %add3A_104 : vector<16xi32>
        %and3A = arith.constant 2047 : i32
        %and3A_106 = vector.broadcast %and3A : i32 to vector<16xi32>
        %and3A_107 = arith.andi %add3A_105, %and3A_106 : vector<16xi32>
        %add3A_108 = arith.constant 40000 : i32
        %add3A_109 = vector.broadcast %add3A_108 : i32 to vector<16xi32>
        %add3A_110 = arith.addi %add3A_109, %and3A_107 : vector<16xi32>
        %gt3A = arith.constant 0 : i32
        %gt3A_111 = vector.broadcast %gt3A : i32 to vector<16xi32>
        %gt3A_112 = arith.cmpi sgt, %get3A_103, %gt3A_111 : vector<16xi32>
        %add3A_113 = arith.addi %masked_cumsum3A, %scan3A_42 : vector<16xi32>
        %sub3A = arith.constant 1 : i32
        %sub3A_114 = arith.subi %mul3A_11, %sub3A : i32
        %add3A_115 = vector.broadcast %sub3A_114 : i32 to vector<16xi32>
        %add3A_116 = arith.addi %add3A_113, %add3A_115 : vector<16xi32>
        %select_n3A = arith.select %gt3A_112, %add3A_116, %add3A_110 : vector<16xi1>, vector<16xi32>
        %swap3A = arith.index_cast %mul3A_101 : i32 to index
        %swap3A_117 = tpu.vector_load %arg5[%swap3A] {strides = array<i32>} : memref<20000xi32, #tpu.memory_space<vmem>>, vector<16xi32>,
        tpu.vector_store %arg5[%swap3A], %select_n3A {strides = array<i32>} : memref<20000xi32, #tpu.memory_space<vmem>>, vector<16xi32>,
        %add3A_118 = vector.broadcast %mul3A_101 : i32 to vector<16xi32>
        %add3A_119 = arith.addi %iota3A, %add3A_118 : vector<16xi32>
        %swap3A_120 = arith.index_cast %mul3A_101 : i32 to index
        %swap3A_121 = tpu.vector_load %arg7[%swap3A_120] {strides = array<i32>} : memref<20000xi32, #tpu.memory_space<vmem>>, vector<16xi32>,
        tpu.vector_store %arg7[%swap3A_120], %add3A_119 {strides = array<i32>} : memref<20000xi32, #tpu.memory_space<vmem>>, vector<16xi32>,
        %broadcast_in_dim3A_122 = arith.constant 15 : i32
        %broadcast_in_dim3A_123 = vector.broadcast %broadcast_in_dim3A_122 : i32 to vector<16xi32>
        %lt3A_124 = arith.constant 0 : i32
        %lt3A_125 = vector.broadcast %lt3A_124 : i32 to vector<16xi32>
        %lt3A_126 = arith.cmpi slt, %broadcast_in_dim3A_123, %lt3A_125 : vector<16xi32>
        %add3A_127 = arith.constant 16 : i32
        %add3A_128 = vector.broadcast %add3A_127 : i32 to vector<16xi32>
        %add3A_129 = arith.addi %broadcast_in_dim3A_123, %add3A_128 : vector<16xi32>
        %select_n3A_130 = arith.select %lt3A_126, %add3A_129, %broadcast_in_dim3A_123 : vector<16xi1>, vector<16xi32>
        %broadcast_in_dim3A_131 = vector.shape_cast %select_n3A_130 : vector<16xi32> to vector<16x1xi32>
        %gather3A = vector.shape_cast %broadcast_in_dim3A_131 : vector<16x1xi32> to vector<16xi32>
        %gather3A_132 = tpu.dynamic_gather %masked_cumsum3A[%gather3A] in [0] : vector<16xi32>, vector<16xi32> -> vector<16xi32>
        %add3A_133 = arith.addi %scan3A_42, %gather3A_132 : vector<16xi32>
        %mul3A_134 = arith.constant 5 : i32
        %mul3A_135 = arith.muli %scan3A_41, %mul3A_134 : i32
        %add3A_136 = arith.constant 1 : i32
        %add3A_137 = arith.addi %mul3A_135, %add3A_136 : i32
        %mul3A_138 = arith.constant 16 : i32
        %mul3A_139 = arith.muli %add3A_137, %mul3A_138 : i32
        %get3A_140 = arith.index_cast %mul3A_139 : i32 to index
        %get3A_141 = tpu.vector_load %arg5[%get3A_140] {strides = array<i32>} : memref<20000xi32, #tpu.memory_space<vmem>>, vector<16xi32>,
        %add3A_142 = vector.broadcast %mul3A_139 : i32 to vector<16xi32>
        %add3A_143 = arith.addi %iota3A, %add3A_142 : vector<16xi32>
        %and3A_144 = arith.constant 2047 : i32
        %and3A_145 = vector.broadcast %and3A_144 : i32 to vector<16xi32>
        %and3A_146 = arith.andi %add3A_143, %and3A_145 : vector<16xi32>
        %add3A_147 = arith.constant 40000 : i32
        %add3A_148 = vector.broadcast %add3A_147 : i32 to vector<16xi32>
        %add3A_149 = arith.addi %add3A_148, %and3A_146 : vector<16xi32>
        %gt3A_150 = arith.constant 0 : i32
        %gt3A_151 = vector.broadcast %gt3A_150 : i32 to vector<16xi32>
        %gt3A_152 = arith.cmpi sgt, %get3A_141, %gt3A_151 : vector<16xi32>
        %add3A_153 = arith.addi %masked_cumsum3A_62, %add3A_133 : vector<16xi32>
        %sub3A_154 = arith.constant 1 : i32
        %sub3A_155 = arith.subi %mul3A_11, %sub3A_154 : i32
        %add3A_156 = vector.broadcast %sub3A_155 : i32 to vector<16xi32>
        %add3A_157 = arith.addi %add3A_153, %add3A_156 : vector<16xi32>
        %select_n3A_158 = arith.select %gt3A_152, %add3A_157, %add3A_149 : vector<16xi1>, vector<16xi32>
        %swap3A_159 = arith.index_cast %mul3A_139 : i32 to index
        %swap3A_160 = tpu.vector_load %arg5[%swap3A_159] {strides = array<i32>} : memref<20000xi32, #tpu.memory_space<vmem>>, vector<16xi32>,
        tpu.vector_store %arg5[%swap3A_159], %select_n3A_158 {strides = array<i32>} : memref<20000xi32, #tpu.memory_space<vmem>>, vector<16xi32>,
        %add3A_161 = vector.broadcast %mul3A_139 : i32 to vector<16xi32>
        %add3A_162 = arith.addi %iota3A, %add3A_161 : vector<16xi32>
        %swap3A_163 = arith.index_cast %mul3A_139 : i32 to index
        %swap3A_164 = tpu.vector_load %arg7[%swap3A_163] {strides = array<i32>} : memref<20000xi32, #tpu.memory_space<vmem>>, vector<16xi32>,
        tpu.vector_store %arg7[%swap3A_163], %add3A_162 {strides = array<i32>} : memref<20000xi32, #tpu.memory_space<vmem>>, vector<16xi32>,
        %broadcast_in_dim3A_165 = arith.constant 15 : i32
        %broadcast_in_dim3A_166 = vector.broadcast %broadcast_in_dim3A_165 : i32 to vector<16xi32>
        %lt3A_167 = arith.constant 0 : i32
        %lt3A_168 = vector.broadcast %lt3A_167 : i32 to vector<16xi32>
        %lt3A_169 = arith.cmpi slt, %broadcast_in_dim3A_166, %lt3A_168 : vector<16xi32>
        %add3A_170 = arith.constant 16 : i32
        %add3A_171 = vector.broadcast %add3A_170 : i32 to vector<16xi32>
        %add3A_172 = arith.addi %broadcast_in_dim3A_166, %add3A_171 : vector<16xi32>
        %select_n3A_173 = arith.select %lt3A_169, %add3A_172, %broadcast_in_dim3A_166 : vector<16xi1>, vector<16xi32>
        %broadcast_in_dim3A_174 = vector.shape_cast %select_n3A_173 : vector<16xi32> to vector<16x1xi32>
        %gather3A_175 = vector.shape_cast %broadcast_in_dim3A_174 : vector<16x1xi32> to vector<16xi32>
        %gather3A_176 = tpu.dynamic_gather %masked_cumsum3A_62[%gather3A_175] in [0] : vector<16xi32>, vector<16xi32> -> vector<16xi32>
        %add3A_177 = arith.addi %add3A_133, %gather3A_176 : vector<16xi32>
        %mul3A_178 = arith.constant 5 : i32
        %mul3A_179 = arith.muli %scan3A_41, %mul3A_178 : i32
        %add3A_180 = arith.constant 2 : i32
        %add3A_181 = arith.addi %mul3A_179, %add3A_180 : i32
        %mul3A_182 = arith.constant 16 : i32
        %mul3A_183 = arith.muli %add3A_181, %mul3A_182 : i32
        %get3A_184 = arith.index_cast %mul3A_183 : i32 to index
        %get3A_185 = tpu.vector_load %arg5[%get3A_184] {strides = array<i32>} : memref<20000xi32, #tpu.memory_space<vmem>>, vector<16xi32>,
        %add3A_186 = vector.broadcast %mul3A_183 : i32 to vector<16xi32>
        %add3A_187 = arith.addi %iota3A, %add3A_186 : vector<16xi32>
        %and3A_188 = arith.constant 2047 : i32
        %and3A_189 = vector.broadcast %and3A_188 : i32 to vector<16xi32>
        %and3A_190 = arith.andi %add3A_187, %and3A_189 : vector<16xi32>
        %add3A_191 = arith.constant 40000 : i32
        %add3A_192 = vector.broadcast %add3A_191 : i32 to vector<16xi32>
        %add3A_193 = arith.addi %add3A_192, %and3A_190 : vector<16xi32>
        %gt3A_194 = arith.constant 0 : i32
        %gt3A_195 = vector.broadcast %gt3A_194 : i32 to vector<16xi32>
        %gt3A_196 = arith.cmpi sgt, %get3A_185, %gt3A_195 : vector<16xi32>
        %add3A_197 = arith.addi %masked_cumsum3A_73, %add3A_177 : vector<16xi32>
        %sub3A_198 = arith.constant 1 : i32
        %sub3A_199 = arith.subi %mul3A_11, %sub3A_198 : i32
        %add3A_200 = vector.broadcast %sub3A_199 : i32 to vector<16xi32>
        %add3A_201 = arith.addi %add3A_197, %add3A_200 : vector<16xi32>
        %select_n3A_202 = arith.select %gt3A_196, %add3A_201, %add3A_193 : vector<16xi1>, vector<16xi32>
        %swap3A_203 = arith.index_cast %mul3A_183 : i32 to index
        %swap3A_204 = tpu.vector_load %arg5[%swap3A_203] {strides = array<i32>} : memref<20000xi32, #tpu.memory_space<vmem>>, vector<16xi32>,
        tpu.vector_store %arg5[%swap3A_203], %select_n3A_202 {strides = array<i32>} : memref<20000xi32, #tpu.memory_space<vmem>>, vector<16xi32>,
        %add3A_205 = vector.broadcast %mul3A_183 : i32 to vector<16xi32>
        %add3A_206 = arith.addi %iota3A, %add3A_205 : vector<16xi32>
        %swap3A_207 = arith.index_cast %mul3A_183 : i32 to index
        %swap3A_208 = tpu.vector_load %arg7[%swap3A_207] {strides = array<i32>} : memref<20000xi32, #tpu.memory_space<vmem>>, vector<16xi32>,
        tpu.vector_store %arg7[%swap3A_207], %add3A_206 {strides = array<i32>} : memref<20000xi32, #tpu.memory_space<vmem>>, vector<16xi32>,
        %broadcast_in_dim3A_209 = arith.constant 15 : i32
        %broadcast_in_dim3A_210 = vector.broadcast %broadcast_in_dim3A_209 : i32 to vector<16xi32>
        %lt3A_211 = arith.constant 0 : i32
        %lt3A_212 = vector.broadcast %lt3A_211 : i32 to vector<16xi32>
        %lt3A_213 = arith.cmpi slt, %broadcast_in_dim3A_210, %lt3A_212 : vector<16xi32>
        %add3A_214 = arith.constant 16 : i32
        %add3A_215 = vector.broadcast %add3A_214 : i32 to vector<16xi32>
        %add3A_216 = arith.addi %broadcast_in_dim3A_210, %add3A_215 : vector<16xi32>
        %select_n3A_217 = arith.select %lt3A_213, %add3A_216, %broadcast_in_dim3A_210 : vector<16xi1>, vector<16xi32>
        %broadcast_in_dim3A_218 = vector.shape_cast %select_n3A_217 : vector<16xi32> to vector<16x1xi32>
        %gather3A_219 = vector.shape_cast %broadcast_in_dim3A_218 : vector<16x1xi32> to vector<16xi32>
        %gather3A_220 = tpu.dynamic_gather %masked_cumsum3A_73[%gather3A_219] in [0] : vector<16xi32>, vector<16xi32> -> vector<16xi32>
        %add3A_221 = arith.addi %add3A_177, %gather3A_220 : vector<16xi32>
        %mul3A_222 = arith.constant 5 : i32
        %mul3A_223 = arith.muli %scan3A_41, %mul3A_222 : i32
        %add3A_224 = arith.constant 3 : i32
        %add3A_225 = arith.addi %mul3A_223, %add3A_224 : i32
        %mul3A_226 = arith.constant 16 : i32
        %mul3A_227 = arith.muli %add3A_225, %mul3A_226 : i32
        %get3A_228 = arith.index_cast %mul3A_227 : i32 to index
        %get3A_229 = tpu.vector_load %arg5[%get3A_228] {strides = array<i32>} : memref<20000xi32, #tpu.memory_space<vmem>>, vector<16xi32>,
        %add3A_230 = vector.broadcast %mul3A_227 : i32 to vector<16xi32>
        %add3A_231 = arith.addi %iota3A, %add3A_230 : vector<16xi32>
        %and3A_232 = arith.constant 2047 : i32
        %and3A_233 = vector.broadcast %and3A_232 : i32 to vector<16xi32>
        %and3A_234 = arith.andi %add3A_231, %and3A_233 : vector<16xi32>
        %add3A_235 = arith.constant 40000 : i32
        %add3A_236 = vector.broadcast %add3A_235 : i32 to vector<16xi32>
        %add3A_237 = arith.addi %add3A_236, %and3A_234 : vector<16xi32>
        %gt3A_238 = arith.constant 0 : i32
        %gt3A_239 = vector.broadcast %gt3A_238 : i32 to vector<16xi32>
        %gt3A_240 = arith.cmpi sgt, %get3A_229, %gt3A_239 : vector<16xi32>
        %add3A_241 = arith.addi %masked_cumsum3A_84, %add3A_221 : vector<16xi32>
        %sub3A_242 = arith.constant 1 : i32
        %sub3A_243 = arith.subi %mul3A_11, %sub3A_242 : i32
        %add3A_244 = vector.broadcast %sub3A_243 : i32 to vector<16xi32>
        %add3A_245 = arith.addi %add3A_241, %add3A_244 : vector<16xi32>
        %select_n3A_246 = arith.select %gt3A_240, %add3A_245, %add3A_237 : vector<16xi1>, vector<16xi32>
        %swap3A_247 = arith.index_cast %mul3A_227 : i32 to index
        %swap3A_248 = tpu.vector_load %arg5[%swap3A_247] {strides = array<i32>} : memref<20000xi32, #tpu.memory_space<vmem>>, vector<16xi32>,
        tpu.vector_store %arg5[%swap3A_247], %select_n3A_246 {strides = array<i32>} : memref<20000xi32, #tpu.memory_space<vmem>>, vector<16xi32>,
        %add3A_249 = vector.broadcast %mul3A_227 : i32 to vector<16xi32>
        %add3A_250 = arith.addi %iota3A, %add3A_249 : vector<16xi32>
        %swap3A_251 = arith.index_cast %mul3A_227 : i32 to index
        %swap3A_252 = tpu.vector_load %arg7[%swap3A_251] {strides = array<i32>} : memref<20000xi32, #tpu.memory_space<vmem>>, vector<16xi32>,
        tpu.vector_store %arg7[%swap3A_251], %add3A_250 {strides = array<i32>} : memref<20000xi32, #tpu.memory_space<vmem>>, vector<16xi32>,
        %broadcast_in_dim3A_253 = arith.constant 15 : i32
        %broadcast_in_dim3A_254 = vector.broadcast %broadcast_in_dim3A_253 : i32 to vector<16xi32>
        %lt3A_255 = arith.constant 0 : i32
        %lt3A_256 = vector.broadcast %lt3A_255 : i32 to vector<16xi32>
        %lt3A_257 = arith.cmpi slt, %broadcast_in_dim3A_254, %lt3A_256 : vector<16xi32>
        %add3A_258 = arith.constant 16 : i32
        %add3A_259 = vector.broadcast %add3A_258 : i32 to vector<16xi32>
        %add3A_260 = arith.addi %broadcast_in_dim3A_254, %add3A_259 : vector<16xi32>
        %select_n3A_261 = arith.select %lt3A_257, %add3A_260, %broadcast_in_dim3A_254 : vector<16xi1>, vector<16xi32>
        %broadcast_in_dim3A_262 = vector.shape_cast %select_n3A_261 : vector<16xi32> to vector<16x1xi32>
        %gather3A_263 = vector.shape_cast %broadcast_in_dim3A_262 : vector<16x1xi32> to vector<16xi32>
        %gather3A_264 = tpu.dynamic_gather %masked_cumsum3A_84[%gather3A_263] in [0] : vector<16xi32>, vector<16xi32> -> vector<16xi32>
        %add3A_265 = arith.addi %add3A_221, %gather3A_264 : vector<16xi32>
        %mul3A_266 = arith.constant 5 : i32
        %mul3A_267 = arith.muli %scan3A_41, %mul3A_266 : i32
        %add3A_268 = arith.constant 4 : i32
        %add3A_269 = arith.addi %mul3A_267, %add3A_268 : i32
        %mul3A_270 = arith.constant 16 : i32
        %mul3A_271 = arith.muli %add3A_269, %mul3A_270 : i32
        %get3A_272 = arith.index_cast %mul3A_271 : i32 to index
        %get3A_273 = tpu.vector_load %arg5[%get3A_272] {strides = array<i32>} : memref<20000xi32, #tpu.memory_space<vmem>>, vector<16xi32>,
        %add3A_274 = vector.broadcast %mul3A_271 : i32 to vector<16xi32>
        %add3A_275 = arith.addi %iota3A, %add3A_274 : vector<16xi32>
        %and3A_276 = arith.constant 2047 : i32
        %and3A_277 = vector.broadcast %and3A_276 : i32 to vector<16xi32>
        %and3A_278 = arith.andi %add3A_275, %and3A_277 : vector<16xi32>
        %add3A_279 = arith.constant 40000 : i32
        %add3A_280 = vector.broadcast %add3A_279 : i32 to vector<16xi32>
        %add3A_281 = arith.addi %add3A_280, %and3A_278 : vector<16xi32>
        %gt3A_282 = arith.constant 0 : i32
        %gt3A_283 = vector.broadcast %gt3A_282 : i32 to vector<16xi32>
        %gt3A_284 = arith.cmpi sgt, %get3A_273, %gt3A_283 : vector<16xi32>
        %add3A_285 = arith.addi %masked_cumsum3A_95, %add3A_265 : vector<16xi32>
        %sub3A_286 = arith.constant 1 : i32
        %sub3A_287 = arith.subi %mul3A_11, %sub3A_286 : i32
        %add3A_288 = vector.broadcast %sub3A_287 : i32 to vector<16xi32>
        %add3A_289 = arith.addi %add3A_285, %add3A_288 : vector<16xi32>
        %select_n3A_290 = arith.select %gt3A_284, %add3A_289, %add3A_281 : vector<16xi1>, vector<16xi32>
        %swap3A_291 = arith.index_cast %mul3A_271 : i32 to index
        %swap3A_292 = tpu.vector_load %arg5[%swap3A_291] {strides = array<i32>} : memref<20000xi32, #tpu.memory_space<vmem>>, vector<16xi32>,
        tpu.vector_store %arg5[%swap3A_291], %select_n3A_290 {strides = array<i32>} : memref<20000xi32, #tpu.memory_space<vmem>>, vector<16xi32>,
        %add3A_293 = vector.broadcast %mul3A_271 : i32 to vector<16xi32>
        %add3A_294 = arith.addi %iota3A, %add3A_293 : vector<16xi32>
        %swap3A_295 = arith.index_cast %mul3A_271 : i32 to index
        %swap3A_296 = tpu.vector_load %arg7[%swap3A_295] {strides = array<i32>} : memref<20000xi32, #tpu.memory_space<vmem>>, vector<16xi32>,
        tpu.vector_store %arg7[%swap3A_295], %add3A_294 {strides = array<i32>} : memref<20000xi32, #tpu.memory_space<vmem>>, vector<16xi32>,
        %broadcast_in_dim3A_297 = arith.constant 15 : i32
        %broadcast_in_dim3A_298 = vector.broadcast %broadcast_in_dim3A_297 : i32 to vector<16xi32>
        %lt3A_299 = arith.constant 0 : i32
        %lt3A_300 = vector.broadcast %lt3A_299 : i32 to vector<16xi32>
        %lt3A_301 = arith.cmpi slt, %broadcast_in_dim3A_298, %lt3A_300 : vector<16xi32>
        %add3A_302 = arith.constant 16 : i32
        %add3A_303 = vector.broadcast %add3A_302 : i32 to vector<16xi32>
        %add3A_304 = arith.addi %broadcast_in_dim3A_298, %add3A_303 : vector<16xi32>
        %select_n3A_305 = arith.select %lt3A_301, %add3A_304, %broadcast_in_dim3A_298 : vector<16xi1>, vector<16xi32>
        %broadcast_in_dim3A_306 = vector.shape_cast %select_n3A_305 : vector<16xi32> to vector<16x1xi32>
        %gather3A_307 = vector.shape_cast %broadcast_in_dim3A_306 : vector<16x1xi32> to vector<16xi32>
        %gather3A_308 = tpu.dynamic_gather %masked_cumsum3A_95[%gather3A_307] in [0] : vector<16xi32>, vector<16xi32> -> vector<16xi32>
        %add3A_309 = arith.addi %add3A_265, %gather3A_308 : vector<16xi32>
        scf.yield %add3A_309 : vector<16xi32>
      }
      %scan3A_17 = arith.constant 250 : i32
      %parallel_loop3A = arith.constant 0 : i32
      %parallel_loop3A_18 = arith.constant 512 : i32
      %parallel_loop3A_19 = arith.constant 1 : i32
      scf.for %parallel_loop3A_41 = %parallel_loop3A to %parallel_loop3A_18 step %parallel_loop3A_19  : i32 {
        %parallel_loop3A_42 = arith.constant 0 : i32
        %parallel_loop3A_43 = vector.broadcast %parallel_loop3A_42 : i32 to vector<16xi32>
        %parallel_loop3A_44 = arith.constant 16 : i32
        %parallel_loop3A_45 = arith.muli %parallel_loop3A_41, %parallel_loop3A_44 : i32
        %parallel_loop3A_46 = arith.index_cast %parallel_loop3A_45 : i32 to index
        %parallel_loop3A_47 = tpu.vector_load %arg9[%parallel_loop3A_46] {strides = array<i32>} : memref<8192xi32, #tpu.memory_space<vmem>>, vector<16xi32>,
        tpu.vector_store %arg9[%parallel_loop3A_46], %parallel_loop3A_43 {strides = array<i32>} : memref<8192xi32, #tpu.memory_space<vmem>>, vector<16xi32>,
      } {sc.loop_unroll_factor = 8 : i64, sc.parallel_access}
      "tpu.trace_stop"() : () -> ()
      %dma_wait3A = arith.constant 0 : i32
      %dma_wait3A_20 = arith.constant 0 : i32
      %dma_wait3A_21 = tpu.memref_slice %arg3[%add3A, %dma_wait3A, %dma_wait3A_20] : memref<4x2x10000xi32, #tpu.memory_space<hbm>> -> memref<1x2x10000xi32, #tpu.memory_space<hbm>>
      %dma_wait3A_22 = tpu.memref_squeeze %dma_wait3A_21 : memref<1x2x10000xi32, #tpu.memory_space<hbm>> -> memref<2x10000xi32, #tpu.memory_space<hbm>>
      %dma_wait3A_23 = arith.constant 0 : i32
      %dma_wait3A_24 = arith.constant 0 : i32
      %dma_wait3A_25 = tpu.memref_slice %arg3[%add3A, %dma_wait3A_23, %dma_wait3A_24] : memref<4x2x10000xi32, #tpu.memory_space<hbm>> -> memref<1x2x10000xi32, #tpu.memory_space<hbm>>
      %dma_wait3A_26 = tpu.memref_squeeze %dma_wait3A_25 : memref<1x2x10000xi32, #tpu.memory_space<hbm>> -> memref<2x10000xi32, #tpu.memory_space<hbm>>
      tpu.wait_dma2 semaphore(%arg10 : memref<!tpu.dma_semaphore, #tpu.memory_space<semaphore_mem>>) src(%dma_wait3A_26 : memref<2x10000xi32, #tpu.memory_space<hbm>>) dst(%arg6 : memref<2x10000xi32, #tpu.memory_space<vmem>>)
      %eq3A = arith.constant 0 : i32
      %eq3A_27 = vector.broadcast %eq3A : i32 to vector<16xi32>
      %eq3A_28 = arith.cmpi eq, %iota3A, %eq3A_27 : vector<16xi32>
      "tpu.trace_start"() <{level = 10 : i32, message = "p2_chain"}> : () -> ()
      %scan3A_29 = arith.constant 0 : i32
      %scan3A_30 = arith.constant 0 : i32
      %scan3A_31 = arith.constant 625 : i32
      %scan3A_32 = arith.addi %scan3A_30, %scan3A_31 : i32
      %scan3A_33 = arith.constant 1 : i32
      %scan3A_34 = scf.for %scan3A_41 = %scan3A_30 to %scan3A_32 step %scan3A_33 iter_args(%scan3A_42 = %scan3A_29) -> (i32)  : i32 {
        %add3A_43 = arith.constant 1 : i32
        %add3A_44 = arith.addi %scan3A_41, %add3A_43 : i32
        %mul3A_45 = arith.constant 16 : i32
        %mul3A_46 = arith.muli %add3A_44, %mul3A_45 : i32
        %sub3A = arith.constant 10000 : i32
        %sub3A_47 = arith.subi %sub3A, %mul3A_46 : i32
        %get3A = arith.constant 0 : i32
        %get3A_48 = arith.index_cast %get3A : i32 to index
        %get3A_49 = arith.index_cast %sub3A_47 : i32 to index
        %get3A_50 = tpu.vector_load %arg6[%get3A_48, %get3A_49] {strides = array<i32>} : memref<2x10000xi32, #tpu.memory_space<vmem>>, vector<16xi32>,
        %rev3A = arith.constant 15 : i32
        %rev3A_51 = vector.broadcast %rev3A : i32 to vector<16xi32>
        %rev3A_52 = tpu.iota {dimensions = array<i32: 0>} : vector<16xi32>
        %rev3A_53 = arith.subi %rev3A_51, %rev3A_52 : vector<16xi32>
        %rev3A_54 = tpu.dynamic_gather %get3A_50[%rev3A_53] in [0] : vector<16xi32>, vector<16xi32> -> vector<16xi32>
        %get3A_55 = arith.constant 1 : i32
        %get3A_56 = arith.index_cast %get3A_55 : i32 to index
        %get3A_57 = arith.index_cast %sub3A_47 : i32 to index
        %get3A_58 = tpu.vector_load %arg6[%get3A_56, %get3A_57] {strides = array<i32>} : memref<2x10000xi32, #tpu.memory_space<vmem>>, vector<16xi32>,
        %rev3A_59 = arith.constant 15 : i32
        %rev3A_60 = vector.broadcast %rev3A_59 : i32 to vector<16xi32>
        %rev3A_61 = tpu.iota {dimensions = array<i32: 0>} : vector<16xi32>
        %rev3A_62 = arith.subi %rev3A_60, %rev3A_61 : vector<16xi32>
        %rev3A_63 = tpu.dynamic_gather %get3A_58[%rev3A_62] in [0] : vector<16xi32>, vector<16xi32> -> vector<16xi32>
        %add3A_64 = arith.constant 1 : i32
        %add3A_65 = arith.addi %scan3A_41, %add3A_64 : i32
        %mul3A_66 = arith.constant 16 : i32
        %mul3A_67 = arith.muli %add3A_65, %mul3A_66 : i32
        %and3A = arith.constant 8191 : i32
        %and3A_68 = vector.broadcast %and3A : i32 to vector<16xi32>
        %and3A_69 = arith.andi %rev3A_63, %and3A_68 : vector<16xi32>
        %add3A_70 = vector.broadcast %mul3A_67 : i32 to vector<16xi32>
        %add3A_71 = arith.addi %add3A_70, %iota3A : vector<16xi32>
        tpu.vector_store_idx %arg9[%and3A_69], %add3A_71 : memref<8192xi32, #tpu.memory_space<vmem>>[vector<16xi32>], vector<16xi32>,
        %gather3A = tpu.vector_load_idx %arg9[%and3A_69] : memref<8192xi32, #tpu.memory_space<vmem>>[vector<16xi32>], vector<16xi32>,
        %and3A_72 = arith.constant 8191 : i32
        %and3A_73 = vector.broadcast %and3A_72 : i32 to vector<16xi32>
        %and3A_74 = arith.andi %rev3A_54, %and3A_73 : vector<16xi32>
        %gather3A_75 = tpu.vector_load_idx %arg9[%and3A_74] : memref<8192xi32, #tpu.memory_space<vmem>>[vector<16xi32>], vector<16xi32>,
        %add3A_76 = vector.broadcast %mul3A_67 : i32 to vector<16xi32>
        %add3A_77 = arith.addi %add3A_76, %iota3A : vector<16xi32>
        %ne3A = arith.cmpi ne, %gather3A, %add3A_77 : vector<16xi32>
        %ge3A = vector.broadcast %mul3A_67 : i32 to vector<16xi32>
        %ge3A_78 = arith.cmpi sge, %gather3A_75, %ge3A : vector<16xi32>
        %or3A = arith.ori %ne3A, %ge3A_78 : vector<16xi1>
        %reduce_or3A = arith.constant 1.000000e+00 : f32
        %reduce_or3A_79 = arith.constant 0.000000e+00 : f32
        %reduce_or3A_80 = vector.broadcast %reduce_or3A : f32 to vector<16xf32>
        %reduce_or3A_81 = vector.broadcast %reduce_or3A_79 : f32 to vector<16xf32>
        %reduce_or3A_82 = arith.select %or3A, %reduce_or3A_80, %reduce_or3A_81 : vector<16xi1>, vector<16xf32>
        %reduce_or3A_83 = arith.constant true
        %reduce_or3A_84 = vector.broadcast %reduce_or3A_83 : i1 to vector<16xi1>
        %reduce_or3A_85 = tpu.scan <max>, %reduce_or3A_82 masked %reduce_or3A_84 : vector<16xf32>, vector<16xi1> -> vector<16xf32>
        %reduce_or3A_86 = vector.extract %reduce_or3A_85[15] : f32 from vector<16xf32>
        %reduce_or3A_87 = arith.constant 0.000000e+00 : f32
        %reduce_or3A_88 = arith.cmpf ogt, %reduce_or3A_86, %reduce_or3A_87 : f32
        %convert_element_type3A_89 = arith.extui %reduce_or3A_88 : i1 to i32
        %cond3A_90 = arith.constant 0 : i32
        %cond3A_91 = arith.cmpi ne, %convert_element_type3A_89, %cond3A_90 : i32
        scf.if %cond3A_91 {
          %broadcast_in_dim3A_93 = arith.constant 0 : i32
          %broadcast_in_dim3A_94 = vector.broadcast %broadcast_in_dim3A_93 : i32 to vector<16xi32>
          %lt3A_95 = arith.constant 0 : i32
          %lt3A_96 = vector.broadcast %lt3A_95 : i32 to vector<16xi32>
          %lt3A_97 = arith.cmpi slt, %broadcast_in_dim3A_94, %lt3A_96 : vector<16xi32>
          %add3A_98 = arith.constant 16 : i32
          %add3A_99 = vector.broadcast %add3A_98 : i32 to vector<16xi32>
          %add3A_100 = arith.addi %broadcast_in_dim3A_94, %add3A_99 : vector<16xi32>
          %select_n3A = arith.select %lt3A_97, %add3A_100, %broadcast_in_dim3A_94 : vector<16xi1>, vector<16xi32>
          %broadcast_in_dim3A_101 = vector.shape_cast %select_n3A : vector<16xi32> to vector<16x1xi32>
          %gather3A_102 = vector.shape_cast %broadcast_in_dim3A_101 : vector<16x1xi32> to vector<16xi32>
          %gather3A_103 = tpu.dynamic_gather %rev3A_54[%gather3A_102] in [0] : vector<16xi32>, vector<16xi32> -> vector<16xi32>
          %broadcast_in_dim3A_104 = arith.constant 0 : i32
          %broadcast_in_dim3A_105 = vector.broadcast %broadcast_in_dim3A_104 : i32 to vector<16xi32>
          %lt3A_106 = arith.constant 0 : i32
          %lt3A_107 = vector.broadcast %lt3A_106 : i32 to vector<16xi32>
          %lt3A_108 = arith.cmpi slt, %broadcast_in_dim3A_105, %lt3A_107 : vector<16xi32>
          %add3A_109 = arith.constant 16 : i32
          %add3A_110 = vector.broadcast %add3A_109 : i32 to vector<16xi32>
          %add3A_111 = arith.addi %broadcast_in_dim3A_105, %add3A_110 : vector<16xi32>
          %select_n3A_112 = arith.select %lt3A_108, %add3A_111, %broadcast_in_dim3A_105 : vector<16xi1>, vector<16xi32>
          %broadcast_in_dim3A_113 = vector.shape_cast %select_n3A_112 : vector<16xi32> to vector<16x1xi32>
          %gather3A_114 = vector.shape_cast %broadcast_in_dim3A_113 : vector<16x1xi32> to vector<16xi32>
          %gather3A_115 = tpu.dynamic_gather %rev3A_63[%gather3A_114] in [0] : vector<16xi32>, vector<16xi32> -> vector<16xi32>
          %gather3A_116 = tpu.vector_load_idx %arg7[%gather3A_103] : memref<20000xi32, #tpu.memory_space<vmem>>[vector<16xi32>], vector<16xi32>,
          tpu.vector_store_idx %arg7[%gather3A_115], %gather3A_116 masked %eq3A_28 : memref<20000xi32, #tpu.memory_space<vmem>>[vector<16xi32>], vector<16xi32>, vector<16xi1>
          %broadcast_in_dim3A_117 = arith.constant 1 : i32
          %broadcast_in_dim3A_118 = vector.broadcast %broadcast_in_dim3A_117 : i32 to vector<16xi32>
          %lt3A_119 = arith.constant 0 : i32
          %lt3A_120 = vector.broadcast %lt3A_119 : i32 to vector<16xi32>
          %lt3A_121 = arith.cmpi slt, %broadcast_in_dim3A_118, %lt3A_120 : vector<16xi32>
          %add3A_122 = arith.constant 16 : i32
          %add3A_123 = vector.broadcast %add3A_122 : i32 to vector<16xi32>
          %add3A_124 = arith.addi %broadcast_in_dim3A_118, %add3A_123 : vector<16xi32>
          %select_n3A_125 = arith.select %lt3A_121, %add3A_124, %broadcast_in_dim3A_118 : vector<16xi1>, vector<16xi32>
          %broadcast_in_dim3A_126 = vector.shape_cast %select_n3A_125 : vector<16xi32> to vector<16x1xi32>
          %gather3A_127 = vector.shape_cast %broadcast_in_dim3A_126 : vector<16x1xi32> to vector<16xi32>
          %gather3A_128 = tpu.dynamic_gather %rev3A_54[%gather3A_127] in [0] : vector<16xi32>, vector<16xi32> -> vector<16xi32>
          %broadcast_in_dim3A_129 = arith.constant 1 : i32
          %broadcast_in_dim3A_130 = vector.broadcast %broadcast_in_dim3A_129 : i32 to vector<16xi32>
          %lt3A_131 = arith.constant 0 : i32
          %lt3A_132 = vector.broadcast %lt3A_131 : i32 to vector<16xi32>
          %lt3A_133 = arith.cmpi slt, %broadcast_in_dim3A_130, %lt3A_132 : vector<16xi32>
          %add3A_134 = arith.constant 16 : i32
          %add3A_135 = vector.broadcast %add3A_134 : i32 to vector<16xi32>
          %add3A_136 = arith.addi %broadcast_in_dim3A_130, %add3A_135 : vector<16xi32>
          %select_n3A_137 = arith.select %lt3A_133, %add3A_136, %broadcast_in_dim3A_130 : vector<16xi1>, vector<16xi32>
          %broadcast_in_dim3A_138 = vector.shape_cast %select_n3A_137 : vector<16xi32> to vector<16x1xi32>
          %gather3A_139 = vector.shape_cast %broadcast_in_dim3A_138 : vector<16x1xi32> to vector<16xi32>
          %gather3A_140 = tpu.dynamic_gather %rev3A_63[%gather3A_139] in [0] : vector<16xi32>, vector<16xi32> -> vector<16xi32>
          %gather3A_141 = tpu.vector_load_idx %arg7[%gather3A_128] : memref<20000xi32, #tpu.memory_space<vmem>>[vector<16xi32>], vector<16xi32>,
          tpu.vector_store_idx %arg7[%gather3A_140], %gather3A_141 masked %eq3A_28 : memref<20000xi32, #tpu.memory_space<vmem>>[vector<16xi32>], vector<16xi32>, vector<16xi1>
          %broadcast_in_dim3A_142 = arith.constant 2 : i32
          %broadcast_in_dim3A_143 = vector.broadcast %broadcast_in_dim3A_142 : i32 to vector<16xi32>
          %lt3A_144 = arith.constant 0 : i32
          %lt3A_145 = vector.broadcast %lt3A_144 : i32 to vector<16xi32>
          %lt3A_146 = arith.cmpi slt, %broadcast_in_dim3A_143, %lt3A_145 : vector<16xi32>
          %add3A_147 = arith.constant 16 : i32
          %add3A_148 = vector.broadcast %add3A_147 : i32 to vector<16xi32>
          %add3A_149 = arith.addi %broadcast_in_dim3A_143, %add3A_148 : vector<16xi32>
          %select_n3A_150 = arith.select %lt3A_146, %add3A_149, %broadcast_in_dim3A_143 : vector<16xi1>, vector<16xi32>
          %broadcast_in_dim3A_151 = vector.shape_cast %select_n3A_150 : vector<16xi32> to vector<16x1xi32>
          %gather3A_152 = vector.shape_cast %broadcast_in_dim3A_151 : vector<16x1xi32> to vector<16xi32>
          %gather3A_153 = tpu.dynamic_gather %rev3A_54[%gather3A_152] in [0] : vector<16xi32>, vector<16xi32> -> vector<16xi32>
          %broadcast_in_dim3A_154 = arith.constant 2 : i32
          %broadcast_in_dim3A_155 = vector.broadcast %broadcast_in_dim3A_154 : i32 to vector<16xi32>
          %lt3A_156 = arith.constant 0 : i32
          %lt3A_157 = vector.broadcast %lt3A_156 : i32 to vector<16xi32>
          %lt3A_158 = arith.cmpi slt, %broadcast_in_dim3A_155, %lt3A_157 : vector<16xi32>
          %add3A_159 = arith.constant 16 : i32
          %add3A_160 = vector.broadcast %add3A_159 : i32 to vector<16xi32>
          %add3A_161 = arith.addi %broadcast_in_dim3A_155, %add3A_160 : vector<16xi32>
          %select_n3A_162 = arith.select %lt3A_158, %add3A_161, %broadcast_in_dim3A_155 : vector<16xi1>, vector<16xi32>
          %broadcast_in_dim3A_163 = vector.shape_cast %select_n3A_162 : vector<16xi32> to vector<16x1xi32>
          %gather3A_164 = vector.shape_cast %broadcast_in_dim3A_163 : vector<16x1xi32> to vector<16xi32>
          %gather3A_165 = tpu.dynamic_gather %rev3A_63[%gather3A_164] in [0] : vector<16xi32>, vector<16xi32> -> vector<16xi32>
          %gather3A_166 = tpu.vector_load_idx %arg7[%gather3A_153] : memref<20000xi32, #tpu.memory_space<vmem>>[vector<16xi32>], vector<16xi32>,
          tpu.vector_store_idx %arg7[%gather3A_165], %gather3A_166 masked %eq3A_28 : memref<20000xi32, #tpu.memory_space<vmem>>[vector<16xi32>], vector<16xi32>, vector<16xi1>
          %broadcast_in_dim3A_167 = arith.constant 3 : i32
          %broadcast_in_dim3A_168 = vector.broadcast %broadcast_in_dim3A_167 : i32 to vector<16xi32>
          %lt3A_169 = arith.constant 0 : i32
          %lt3A_170 = vector.broadcast %lt3A_169 : i32 to vector<16xi32>
          %lt3A_171 = arith.cmpi slt, %broadcast_in_dim3A_168, %lt3A_170 : vector<16xi32>
          %add3A_172 = arith.constant 16 : i32
          %add3A_173 = vector.broadcast %add3A_172 : i32 to vector<16xi32>
          %add3A_174 = arith.addi %broadcast_in_dim3A_168, %add3A_173 : vector<16xi32>
          %select_n3A_175 = arith.select %lt3A_171, %add3A_174, %broadcast_in_dim3A_168 : vector<16xi1>, vector<16xi32>
          %broadcast_in_dim3A_176 = vector.shape_cast %select_n3A_175 : vector<16xi32> to vector<16x1xi32>
          %gather3A_177 = vector.shape_cast %broadcast_in_dim3A_176 : vector<16x1xi32> to vector<16xi32>
          %gather3A_178 = tpu.dynamic_gather %rev3A_54[%gather3A_177] in [0] : vector<16xi32>, vector<16xi32> -> vector<16xi32>
          %broadcast_in_dim3A_179 = arith.constant 3 : i32
          %broadcast_in_dim3A_180 = vector.broadcast %broadcast_in_dim3A_179 : i32 to vector<16xi32>
          %lt3A_181 = arith.constant 0 : i32
          %lt3A_182 = vector.broadcast %lt3A_181 : i32 to vector<16xi32>
          %lt3A_183 = arith.cmpi slt, %broadcast_in_dim3A_180, %lt3A_182 : vector<16xi32>
          %add3A_184 = arith.constant 16 : i32
          %add3A_185 = vector.broadcast %add3A_184 : i32 to vector<16xi32>
          %add3A_186 = arith.addi %broadcast_in_dim3A_180, %add3A_185 : vector<16xi32>
          %select_n3A_187 = arith.select %lt3A_183, %add3A_186, %broadcast_in_dim3A_180 : vector<16xi1>, vector<16xi32>
          %broadcast_in_dim3A_188 = vector.shape_cast %select_n3A_187 : vector<16xi32> to vector<16x1xi32>
          %gather3A_189 = vector.shape_cast %broadcast_in_dim3A_188 : vector<16x1xi32> to vector<16xi32>
          %gather3A_190 = tpu.dynamic_gather %rev3A_63[%gather3A_189] in [0] : vector<16xi32>, vector<16xi32> -> vector<16xi32>
          %gather3A_191 = tpu.vector_load_idx %arg7[%gather3A_178] : memref<20000xi32, #tpu.memory_space<vmem>>[vector<16xi32>], vector<16xi32>,
          tpu.vector_store_idx %arg7[%gather3A_190], %gather3A_191 masked %eq3A_28 : memref<20000xi32, #tpu.memory_space<vmem>>[vector<16xi32>], vector<16xi32>, vector<16xi1>
          %broadcast_in_dim3A_192 = arith.constant 4 : i32
          %broadcast_in_dim3A_193 = vector.broadcast %broadcast_in_dim3A_192 : i32 to vector<16xi32>
          %lt3A_194 = arith.constant 0 : i32
          %lt3A_195 = vector.broadcast %lt3A_194 : i32 to vector<16xi32>
          %lt3A_196 = arith.cmpi slt, %broadcast_in_dim3A_193, %lt3A_195 : vector<16xi32>
          %add3A_197 = arith.constant 16 : i32
          %add3A_198 = vector.broadcast %add3A_197 : i32 to vector<16xi32>
          %add3A_199 = arith.addi %broadcast_in_dim3A_193, %add3A_198 : vector<16xi32>
          %select_n3A_200 = arith.select %lt3A_196, %add3A_199, %broadcast_in_dim3A_193 : vector<16xi1>, vector<16xi32>
          %broadcast_in_dim3A_201 = vector.shape_cast %select_n3A_200 : vector<16xi32> to vector<16x1xi32>
          %gather3A_202 = vector.shape_cast %broadcast_in_dim3A_201 : vector<16x1xi32> to vector<16xi32>
          %gather3A_203 = tpu.dynamic_gather %rev3A_54[%gather3A_202] in [0] : vector<16xi32>, vector<16xi32> -> vector<16xi32>
          %broadcast_in_dim3A_204 = arith.constant 4 : i32
          %broadcast_in_dim3A_205 = vector.broadcast %broadcast_in_dim3A_204 : i32 to vector<16xi32>
          %lt3A_206 = arith.constant 0 : i32
          %lt3A_207 = vector.broadcast %lt3A_206 : i32 to vector<16xi32>
          %lt3A_208 = arith.cmpi slt, %broadcast_in_dim3A_205, %lt3A_207 : vector<16xi32>
          %add3A_209 = arith.constant 16 : i32
          %add3A_210 = vector.broadcast %add3A_209 : i32 to vector<16xi32>
          %add3A_211 = arith.addi %broadcast_in_dim3A_205, %add3A_210 : vector<16xi32>
          %select_n3A_212 = arith.select %lt3A_208, %add3A_211, %broadcast_in_dim3A_205 : vector<16xi1>, vector<16xi32>
          %broadcast_in_dim3A_213 = vector.shape_cast %select_n3A_212 : vector<16xi32> to vector<16x1xi32>
          %gather3A_214 = vector.shape_cast %broadcast_in_dim3A_213 : vector<16x1xi32> to vector<16xi32>
          %gather3A_215 = tpu.dynamic_gather %rev3A_63[%gather3A_214] in [0] : vector<16xi32>, vector<16xi32> -> vector<16xi32>
          %gather3A_216 = tpu.vector_load_idx %arg7[%gather3A_203] : memref<20000xi32, #tpu.memory_space<vmem>>[vector<16xi32>], vector<16xi32>,
          tpu.vector_store_idx %arg7[%gather3A_215], %gather3A_216 masked %eq3A_28 : memref<20000xi32, #tpu.memory_space<vmem>>[vector<16xi32>], vector<16xi32>, vector<16xi1>
          %broadcast_in_dim3A_217 = arith.constant 5 : i32
          %broadcast_in_dim3A_218 = vector.broadcast %broadcast_in_dim3A_217 : i32 to vector<16xi32>
          %lt3A_219 = arith.constant 0 : i32
          %lt3A_220 = vector.broadcast %lt3A_219 : i32 to vector<16xi32>
          %lt3A_221 = arith.cmpi slt, %broadcast_in_dim3A_218, %lt3A_220 : vector<16xi32>
          %add3A_222 = arith.constant 16 : i32
          %add3A_223 = vector.broadcast %add3A_222 : i32 to vector<16xi32>
          %add3A_224 = arith.addi %broadcast_in_dim3A_218, %add3A_223 : vector<16xi32>
          %select_n3A_225 = arith.select %lt3A_221, %add3A_224, %broadcast_in_dim3A_218 : vector<16xi1>, vector<16xi32>
          %broadcast_in_dim3A_226 = vector.shape_cast %select_n3A_225 : vector<16xi32> to vector<16x1xi32>
          %gather3A_227 = vector.shape_cast %broadcast_in_dim3A_226 : vector<16x1xi32> to vector<16xi32>
          %gather3A_228 = tpu.dynamic_gather %rev3A_54[%gather3A_227] in [0] : vector<16xi32>, vector<16xi32> -> vector<16xi32>
          %broadcast_in_dim3A_229 = arith.constant 5 : i32
          %broadcast_in_dim3A_230 = vector.broadcast %broadcast_in_dim3A_229 : i32 to vector<16xi32>
          %lt3A_231 = arith.constant 0 : i32
          %lt3A_232 = vector.broadcast %lt3A_231 : i32 to vector<16xi32>
          %lt3A_233 = arith.cmpi slt, %broadcast_in_dim3A_230, %lt3A_232 : vector<16xi32>
          %add3A_234 = arith.constant 16 : i32
          %add3A_235 = vector.broadcast %add3A_234 : i32 to vector<16xi32>
          %add3A_236 = arith.addi %broadcast_in_dim3A_230, %add3A_235 : vector<16xi32>
          %select_n3A_237 = arith.select %lt3A_233, %add3A_236, %broadcast_in_dim3A_230 : vector<16xi1>, vector<16xi32>
          %broadcast_in_dim3A_238 = vector.shape_cast %select_n3A_237 : vector<16xi32> to vector<16x1xi32>
          %gather3A_239 = vector.shape_cast %broadcast_in_dim3A_238 : vector<16x1xi32> to vector<16xi32>
          %gather3A_240 = tpu.dynamic_gather %rev3A_63[%gather3A_239] in [0] : vector<16xi32>, vector<16xi32> -> vector<16xi32>
          %gather3A_241 = tpu.vector_load_idx %arg7[%gather3A_228] : memref<20000xi32, #tpu.memory_space<vmem>>[vector<16xi32>], vector<16xi32>,
          tpu.vector_store_idx %arg7[%gather3A_240], %gather3A_241 masked %eq3A_28 : memref<20000xi32, #tpu.memory_space<vmem>>[vector<16xi32>], vector<16xi32>, vector<16xi1>
          %broadcast_in_dim3A_242 = arith.constant 6 : i32
          %broadcast_in_dim3A_243 = vector.broadcast %broadcast_in_dim3A_242 : i32 to vector<16xi32>
          %lt3A_244 = arith.constant 0 : i32
          %lt3A_245 = vector.broadcast %lt3A_244 : i32 to vector<16xi32>
          %lt3A_246 = arith.cmpi slt, %broadcast_in_dim3A_243, %lt3A_245 : vector<16xi32>
          %add3A_247 = arith.constant 16 : i32
          %add3A_248 = vector.broadcast %add3A_247 : i32 to vector<16xi32>
          %add3A_249 = arith.addi %broadcast_in_dim3A_243, %add3A_248 : vector<16xi32>
          %select_n3A_250 = arith.select %lt3A_246, %add3A_249, %broadcast_in_dim3A_243 : vector<16xi1>, vector<16xi32>
          %broadcast_in_dim3A_251 = vector.shape_cast %select_n3A_250 : vector<16xi32> to vector<16x1xi32>
          %gather3A_252 = vector.shape_cast %broadcast_in_dim3A_251 : vector<16x1xi32> to vector<16xi32>
          %gather3A_253 = tpu.dynamic_gather %rev3A_54[%gather3A_252] in [0] : vector<16xi32>, vector<16xi32> -> vector<16xi32>
          %broadcast_in_dim3A_254 = arith.constant 6 : i32
          %broadcast_in_dim3A_255 = vector.broadcast %broadcast_in_dim3A_254 : i32 to vector<16xi32>
          %lt3A_256 = arith.constant 0 : i32
          %lt3A_257 = vector.broadcast %lt3A_256 : i32 to vector<16xi32>
          %lt3A_258 = arith.cmpi slt, %broadcast_in_dim3A_255, %lt3A_257 : vector<16xi32>
          %add3A_259 = arith.constant 16 : i32
          %add3A_260 = vector.broadcast %add3A_259 : i32 to vector<16xi32>
          %add3A_261 = arith.addi %broadcast_in_dim3A_255, %add3A_260 : vector<16xi32>
          %select_n3A_262 = arith.select %lt3A_258, %add3A_261, %broadcast_in_dim3A_255 : vector<16xi1>, vector<16xi32>
          %broadcast_in_dim3A_263 = vector.shape_cast %select_n3A_262 : vector<16xi32> to vector<16x1xi32>
          %gather3A_264 = vector.shape_cast %broadcast_in_dim3A_263 : vector<16x1xi32> to vector<16xi32>
          %gather3A_265 = tpu.dynamic_gather %rev3A_63[%gather3A_264] in [0] : vector<16xi32>, vector<16xi32> -> vector<16xi32>
          %gather3A_266 = tpu.vector_load_idx %arg7[%gather3A_253] : memref<20000xi32, #tpu.memory_space<vmem>>[vector<16xi32>], vector<16xi32>,
          tpu.vector_store_idx %arg7[%gather3A_265], %gather3A_266 masked %eq3A_28 : memref<20000xi32, #tpu.memory_space<vmem>>[vector<16xi32>], vector<16xi32>, vector<16xi1>
          %broadcast_in_dim3A_267 = arith.constant 7 : i32
          %broadcast_in_dim3A_268 = vector.broadcast %broadcast_in_dim3A_267 : i32 to vector<16xi32>
          %lt3A_269 = arith.constant 0 : i32
          %lt3A_270 = vector.broadcast %lt3A_269 : i32 to vector<16xi32>
          %lt3A_271 = arith.cmpi slt, %broadcast_in_dim3A_268, %lt3A_270 : vector<16xi32>
          %add3A_272 = arith.constant 16 : i32
          %add3A_273 = vector.broadcast %add3A_272 : i32 to vector<16xi32>
          %add3A_274 = arith.addi %broadcast_in_dim3A_268, %add3A_273 : vector<16xi32>
          %select_n3A_275 = arith.select %lt3A_271, %add3A_274, %broadcast_in_dim3A_268 : vector<16xi1>, vector<16xi32>
          %broadcast_in_dim3A_276 = vector.shape_cast %select_n3A_275 : vector<16xi32> to vector<16x1xi32>
          %gather3A_277 = vector.shape_cast %broadcast_in_dim3A_276 : vector<16x1xi32> to vector<16xi32>
          %gather3A_278 = tpu.dynamic_gather %rev3A_54[%gather3A_277] in [0] : vector<16xi32>, vector<16xi32> -> vector<16xi32>
          %broadcast_in_dim3A_279 = arith.constant 7 : i32
          %broadcast_in_dim3A_280 = vector.broadcast %broadcast_in_dim3A_279 : i32 to vector<16xi32>
          %lt3A_281 = arith.constant 0 : i32
          %lt3A_282 = vector.broadcast %lt3A_281 : i32 to vector<16xi32>
          %lt3A_283 = arith.cmpi slt, %broadcast_in_dim3A_280, %lt3A_282 : vector<16xi32>
          %add3A_284 = arith.constant 16 : i32
          %add3A_285 = vector.broadcast %add3A_284 : i32 to vector<16xi32>
          %add3A_286 = arith.addi %broadcast_in_dim3A_280, %add3A_285 : vector<16xi32>
          %select_n3A_287 = arith.select %lt3A_283, %add3A_286, %broadcast_in_dim3A_280 : vector<16xi1>, vector<16xi32>
          %broadcast_in_dim3A_288 = vector.shape_cast %select_n3A_287 : vector<16xi32> to vector<16x1xi32>
          %gather3A_289 = vector.shape_cast %broadcast_in_dim3A_288 : vector<16x1xi32> to vector<16xi32>
          %gather3A_290 = tpu.dynamic_gather %rev3A_63[%gather3A_289] in [0] : vector<16xi32>, vector<16xi32> -> vector<16xi32>
          %gather3A_291 = tpu.vector_load_idx %arg7[%gather3A_278] : memref<20000xi32, #tpu.memory_space<vmem>>[vector<16xi32>], vector<16xi32>,
          tpu.vector_store_idx %arg7[%gather3A_290], %gather3A_291 masked %eq3A_28 : memref<20000xi32, #tpu.memory_space<vmem>>[vector<16xi32>], vector<16xi32>, vector<16xi1>
          %broadcast_in_dim3A_292 = arith.constant 8 : i32
          %broadcast_in_dim3A_293 = vector.broadcast %broadcast_in_dim3A_292 : i32 to vector<16xi32>
          %lt3A_294 = arith.constant 0 : i32
          %lt3A_295 = vector.broadcast %lt3A_294 : i32 to vector<16xi32>
          %lt3A_296 = arith.cmpi slt, %broadcast_in_dim3A_293, %lt3A_295 : vector<16xi32>
          %add3A_297 = arith.constant 16 : i32
          %add3A_298 = vector.broadcast %add3A_297 : i32 to vector<16xi32>
          %add3A_299 = arith.addi %broadcast_in_dim3A_293, %add3A_298 : vector<16xi32>
          %select_n3A_300 = arith.select %lt3A_296, %add3A_299, %broadcast_in_dim3A_293 : vector<16xi1>, vector<16xi32>
          %broadcast_in_dim3A_301 = vector.shape_cast %select_n3A_300 : vector<16xi32> to vector<16x1xi32>
          %gather3A_302 = vector.shape_cast %broadcast_in_dim3A_301 : vector<16x1xi32> to vector<16xi32>
          %gather3A_303 = tpu.dynamic_gather %rev3A_54[%gather3A_302] in [0] : vector<16xi32>, vector<16xi32> -> vector<16xi32>
          %broadcast_in_dim3A_304 = arith.constant 8 : i32
          %broadcast_in_dim3A_305 = vector.broadcast %broadcast_in_dim3A_304 : i32 to vector<16xi32>
          %lt3A_306 = arith.constant 0 : i32
          %lt3A_307 = vector.broadcast %lt3A_306 : i32 to vector<16xi32>
          %lt3A_308 = arith.cmpi slt, %broadcast_in_dim3A_305, %lt3A_307 : vector<16xi32>
          %add3A_309 = arith.constant 16 : i32
          %add3A_310 = vector.broadcast %add3A_309 : i32 to vector<16xi32>
          %add3A_311 = arith.addi %broadcast_in_dim3A_305, %add3A_310 : vector<16xi32>
          %select_n3A_312 = arith.select %lt3A_308, %add3A_311, %broadcast_in_dim3A_305 : vector<16xi1>, vector<16xi32>
          %broadcast_in_dim3A_313 = vector.shape_cast %select_n3A_312 : vector<16xi32> to vector<16x1xi32>
          %gather3A_314 = vector.shape_cast %broadcast_in_dim3A_313 : vector<16x1xi32> to vector<16xi32>
          %gather3A_315 = tpu.dynamic_gather %rev3A_63[%gather3A_314] in [0] : vector<16xi32>, vector<16xi32> -> vector<16xi32>
          %gather3A_316 = tpu.vector_load_idx %arg7[%gather3A_303] : memref<20000xi32, #tpu.memory_space<vmem>>[vector<16xi32>], vector<16xi32>,
          tpu.vector_store_idx %arg7[%gather3A_315], %gather3A_316 masked %eq3A_28 : memref<20000xi32, #tpu.memory_space<vmem>>[vector<16xi32>], vector<16xi32>, vector<16xi1>
          %broadcast_in_dim3A_317 = arith.constant 9 : i32
          %broadcast_in_dim3A_318 = vector.broadcast %broadcast_in_dim3A_317 : i32 to vector<16xi32>
          %lt3A_319 = arith.constant 0 : i32
          %lt3A_320 = vector.broadcast %lt3A_319 : i32 to vector<16xi32>
          %lt3A_321 = arith.cmpi slt, %broadcast_in_dim3A_318, %lt3A_320 : vector<16xi32>
          %add3A_322 = arith.constant 16 : i32
          %add3A_323 = vector.broadcast %add3A_322 : i32 to vector<16xi32>
          %add3A_324 = arith.addi %broadcast_in_dim3A_318, %add3A_323 : vector<16xi32>
          %select_n3A_325 = arith.select %lt3A_321, %add3A_324, %broadcast_in_dim3A_318 : vector<16xi1>, vector<16xi32>
          %broadcast_in_dim3A_326 = vector.shape_cast %select_n3A_325 : vector<16xi32> to vector<16x1xi32>
          %gather3A_327 = vector.shape_cast %broadcast_in_dim3A_326 : vector<16x1xi32> to vector<16xi32>
          %gather3A_328 = tpu.dynamic_gather %rev3A_54[%gather3A_327] in [0] : vector<16xi32>, vector<16xi32> -> vector<16xi32>
          %broadcast_in_dim3A_329 = arith.constant 9 : i32
          %broadcast_in_dim3A_330 = vector.broadcast %broadcast_in_dim3A_329 : i32 to vector<16xi32>
          %lt3A_331 = arith.constant 0 : i32
          %lt3A_332 = vector.broadcast %lt3A_331 : i32 to vector<16xi32>
          %lt3A_333 = arith.cmpi slt, %broadcast_in_dim3A_330, %lt3A_332 : vector<16xi32>
          %add3A_334 = arith.constant 16 : i32
          %add3A_335 = vector.broadcast %add3A_334 : i32 to vector<16xi32>
          %add3A_336 = arith.addi %broadcast_in_dim3A_330, %add3A_335 : vector<16xi32>
          %select_n3A_337 = arith.select %lt3A_333, %add3A_336, %broadcast_in_dim3A_330 : vector<16xi1>, vector<16xi32>
          %broadcast_in_dim3A_338 = vector.shape_cast %select_n3A_337 : vector<16xi32> to vector<16x1xi32>
          %gather3A_339 = vector.shape_cast %broadcast_in_dim3A_338 : vector<16x1xi32> to vector<16xi32>
          %gather3A_340 = tpu.dynamic_gather %rev3A_63[%gather3A_339] in [0] : vector<16xi32>, vector<16xi32> -> vector<16xi32>
          %gather3A_341 = tpu.vector_load_idx %arg7[%gather3A_328] : memref<20000xi32, #tpu.memory_space<vmem>>[vector<16xi32>], vector<16xi32>,
          tpu.vector_store_idx %arg7[%gather3A_340], %gather3A_341 masked %eq3A_28 : memref<20000xi32, #tpu.memory_space<vmem>>[vector<16xi32>], vector<16xi32>, vector<16xi1>
          %broadcast_in_dim3A_342 = arith.constant 10 : i32
          %broadcast_in_dim3A_343 = vector.broadcast %broadcast_in_dim3A_342 : i32 to vector<16xi32>
          %lt3A_344 = arith.constant 0 : i32
          %lt3A_345 = vector.broadcast %lt3A_344 : i32 to vector<16xi32>
          %lt3A_346 = arith.cmpi slt, %broadcast_in_dim3A_343, %lt3A_345 : vector<16xi32>
          %add3A_347 = arith.constant 16 : i32
          %add3A_348 = vector.broadcast %add3A_347 : i32 to vector<16xi32>
          %add3A_349 = arith.addi %broadcast_in_dim3A_343, %add3A_348 : vector<16xi32>
          %select_n3A_350 = arith.select %lt3A_346, %add3A_349, %broadcast_in_dim3A_343 : vector<16xi1>, vector<16xi32>
          %broadcast_in_dim3A_351 = vector.shape_cast %select_n3A_350 : vector<16xi32> to vector<16x1xi32>
          %gather3A_352 = vector.shape_cast %broadcast_in_dim3A_351 : vector<16x1xi32> to vector<16xi32>
          %gather3A_353 = tpu.dynamic_gather %rev3A_54[%gather3A_352] in [0] : vector<16xi32>, vector<16xi32> -> vector<16xi32>
          %broadcast_in_dim3A_354 = arith.constant 10 : i32
          %broadcast_in_dim3A_355 = vector.broadcast %broadcast_in_dim3A_354 : i32 to vector<16xi32>
          %lt3A_356 = arith.constant 0 : i32
          %lt3A_357 = vector.broadcast %lt3A_356 : i32 to vector<16xi32>
          %lt3A_358 = arith.cmpi slt, %broadcast_in_dim3A_355, %lt3A_357 : vector<16xi32>
          %add3A_359 = arith.constant 16 : i32
          %add3A_360 = vector.broadcast %add3A_359 : i32 to vector<16xi32>
          %add3A_361 = arith.addi %broadcast_in_dim3A_355, %add3A_360 : vector<16xi32>
          %select_n3A_362 = arith.select %lt3A_358, %add3A_361, %broadcast_in_dim3A_355 : vector<16xi1>, vector<16xi32>
          %broadcast_in_dim3A_363 = vector.shape_cast %select_n3A_362 : vector<16xi32> to vector<16x1xi32>
          %gather3A_364 = vector.shape_cast %broadcast_in_dim3A_363 : vector<16x1xi32> to vector<16xi32>
          %gather3A_365 = tpu.dynamic_gather %rev3A_63[%gather3A_364] in [0] : vector<16xi32>, vector<16xi32> -> vector<16xi32>
          %gather3A_366 = tpu.vector_load_idx %arg7[%gather3A_353] : memref<20000xi32, #tpu.memory_space<vmem>>[vector<16xi32>], vector<16xi32>,
          tpu.vector_store_idx %arg7[%gather3A_365], %gather3A_366 masked %eq3A_28 : memref<20000xi32, #tpu.memory_space<vmem>>[vector<16xi32>], vector<16xi32>, vector<16xi1>
          %broadcast_in_dim3A_367 = arith.constant 11 : i32
          %broadcast_in_dim3A_368 = vector.broadcast %broadcast_in_dim3A_367 : i32 to vector<16xi32>
          %lt3A_369 = arith.constant 0 : i32
          %lt3A_370 = vector.broadcast %lt3A_369 : i32 to vector<16xi32>
          %lt3A_371 = arith.cmpi slt, %broadcast_in_dim3A_368, %lt3A_370 : vector<16xi32>
          %add3A_372 = arith.constant 16 : i32
          %add3A_373 = vector.broadcast %add3A_372 : i32 to vector<16xi32>
          %add3A_374 = arith.addi %broadcast_in_dim3A_368, %add3A_373 : vector<16xi32>
          %select_n3A_375 = arith.select %lt3A_371, %add3A_374, %broadcast_in_dim3A_368 : vector<16xi1>, vector<16xi32>
          %broadcast_in_dim3A_376 = vector.shape_cast %select_n3A_375 : vector<16xi32> to vector<16x1xi32>
          %gather3A_377 = vector.shape_cast %broadcast_in_dim3A_376 : vector<16x1xi32> to vector<16xi32>
          %gather3A_378 = tpu.dynamic_gather %rev3A_54[%gather3A_377] in [0] : vector<16xi32>, vector<16xi32> -> vector<16xi32>
          %broadcast_in_dim3A_379 = arith.constant 11 : i32
          %broadcast_in_dim3A_380 = vector.broadcast %broadcast_in_dim3A_379 : i32 to vector<16xi32>
          %lt3A_381 = arith.constant 0 : i32
          %lt3A_382 = vector.broadcast %lt3A_381 : i32 to vector<16xi32>
          %lt3A_383 = arith.cmpi slt, %broadcast_in_dim3A_380, %lt3A_382 : vector<16xi32>
          %add3A_384 = arith.constant 16 : i32
          %add3A_385 = vector.broadcast %add3A_384 : i32 to vector<16xi32>
          %add3A_386 = arith.addi %broadcast_in_dim3A_380, %add3A_385 : vector<16xi32>
          %select_n3A_387 = arith.select %lt3A_383, %add3A_386, %broadcast_in_dim3A_380 : vector<16xi1>, vector<16xi32>
          %broadcast_in_dim3A_388 = vector.shape_cast %select_n3A_387 : vector<16xi32> to vector<16x1xi32>
          %gather3A_389 = vector.shape_cast %broadcast_in_dim3A_388 : vector<16x1xi32> to vector<16xi32>
          %gather3A_390 = tpu.dynamic_gather %rev3A_63[%gather3A_389] in [0] : vector<16xi32>, vector<16xi32> -> vector<16xi32>
          %gather3A_391 = tpu.vector_load_idx %arg7[%gather3A_378] : memref<20000xi32, #tpu.memory_space<vmem>>[vector<16xi32>], vector<16xi32>,
          tpu.vector_store_idx %arg7[%gather3A_390], %gather3A_391 masked %eq3A_28 : memref<20000xi32, #tpu.memory_space<vmem>>[vector<16xi32>], vector<16xi32>, vector<16xi1>
          %broadcast_in_dim3A_392 = arith.constant 12 : i32
          %broadcast_in_dim3A_393 = vector.broadcast %broadcast_in_dim3A_392 : i32 to vector<16xi32>
          %lt3A_394 = arith.constant 0 : i32
          %lt3A_395 = vector.broadcast %lt3A_394 : i32 to vector<16xi32>
          %lt3A_396 = arith.cmpi slt, %broadcast_in_dim3A_393, %lt3A_395 : vector<16xi32>
          %add3A_397 = arith.constant 16 : i32
          %add3A_398 = vector.broadcast %add3A_397 : i32 to vector<16xi32>
          %add3A_399 = arith.addi %broadcast_in_dim3A_393, %add3A_398 : vector<16xi32>
          %select_n3A_400 = arith.select %lt3A_396, %add3A_399, %broadcast_in_dim3A_393 : vector<16xi1>, vector<16xi32>
          %broadcast_in_dim3A_401 = vector.shape_cast %select_n3A_400 : vector<16xi32> to vector<16x1xi32>
          %gather3A_402 = vector.shape_cast %broadcast_in_dim3A_401 : vector<16x1xi32> to vector<16xi32>
          %gather3A_403 = tpu.dynamic_gather %rev3A_54[%gather3A_402] in [0] : vector<16xi32>, vector<16xi32> -> vector<16xi32>
          %broadcast_in_dim3A_404 = arith.constant 12 : i32
          %broadcast_in_dim3A_405 = vector.broadcast %broadcast_in_dim3A_404 : i32 to vector<16xi32>
          %lt3A_406 = arith.constant 0 : i32
          %lt3A_407 = vector.broadcast %lt3A_406 : i32 to vector<16xi32>
          %lt3A_408 = arith.cmpi slt, %broadcast_in_dim3A_405, %lt3A_407 : vector<16xi32>
          %add3A_409 = arith.constant 16 : i32
          %add3A_410 = vector.broadcast %add3A_409 : i32 to vector<16xi32>
          %add3A_411 = arith.addi %broadcast_in_dim3A_405, %add3A_410 : vector<16xi32>
          %select_n3A_412 = arith.select %lt3A_408, %add3A_411, %broadcast_in_dim3A_405 : vector<16xi1>, vector<16xi32>
          %broadcast_in_dim3A_413 = vector.shape_cast %select_n3A_412 : vector<16xi32> to vector<16x1xi32>
          %gather3A_414 = vector.shape_cast %broadcast_in_dim3A_413 : vector<16x1xi32> to vector<16xi32>
          %gather3A_415 = tpu.dynamic_gather %rev3A_63[%gather3A_414] in [0] : vector<16xi32>, vector<16xi32> -> vector<16xi32>
          %gather3A_416 = tpu.vector_load_idx %arg7[%gather3A_403] : memref<20000xi32, #tpu.memory_space<vmem>>[vector<16xi32>], vector<16xi32>,
          tpu.vector_store_idx %arg7[%gather3A_415], %gather3A_416 masked %eq3A_28 : memref<20000xi32, #tpu.memory_space<vmem>>[vector<16xi32>], vector<16xi32>, vector<16xi1>
          %broadcast_in_dim3A_417 = arith.constant 13 : i32
          %broadcast_in_dim3A_418 = vector.broadcast %broadcast_in_dim3A_417 : i32 to vector<16xi32>
          %lt3A_419 = arith.constant 0 : i32
          %lt3A_420 = vector.broadcast %lt3A_419 : i32 to vector<16xi32>
          %lt3A_421 = arith.cmpi slt, %broadcast_in_dim3A_418, %lt3A_420 : vector<16xi32>
          %add3A_422 = arith.constant 16 : i32
          %add3A_423 = vector.broadcast %add3A_422 : i32 to vector<16xi32>
          %add3A_424 = arith.addi %broadcast_in_dim3A_418, %add3A_423 : vector<16xi32>
          %select_n3A_425 = arith.select %lt3A_421, %add3A_424, %broadcast_in_dim3A_418 : vector<16xi1>, vector<16xi32>
          %broadcast_in_dim3A_426 = vector.shape_cast %select_n3A_425 : vector<16xi32> to vector<16x1xi32>
          %gather3A_427 = vector.shape_cast %broadcast_in_dim3A_426 : vector<16x1xi32> to vector<16xi32>
          %gather3A_428 = tpu.dynamic_gather %rev3A_54[%gather3A_427] in [0] : vector<16xi32>, vector<16xi32> -> vector<16xi32>
          %broadcast_in_dim3A_429 = arith.constant 13 : i32
          %broadcast_in_dim3A_430 = vector.broadcast %broadcast_in_dim3A_429 : i32 to vector<16xi32>
          %lt3A_431 = arith.constant 0 : i32
          %lt3A_432 = vector.broadcast %lt3A_431 : i32 to vector<16xi32>
          %lt3A_433 = arith.cmpi slt, %broadcast_in_dim3A_430, %lt3A_432 : vector<16xi32>
          %add3A_434 = arith.constant 16 : i32
          %add3A_435 = vector.broadcast %add3A_434 : i32 to vector<16xi32>
          %add3A_436 = arith.addi %broadcast_in_dim3A_430, %add3A_435 : vector<16xi32>
          %select_n3A_437 = arith.select %lt3A_433, %add3A_436, %broadcast_in_dim3A_430 : vector<16xi1>, vector<16xi32>
          %broadcast_in_dim3A_438 = vector.shape_cast %select_n3A_437 : vector<16xi32> to vector<16x1xi32>
          %gather3A_439 = vector.shape_cast %broadcast_in_dim3A_438 : vector<16x1xi32> to vector<16xi32>
          %gather3A_440 = tpu.dynamic_gather %rev3A_63[%gather3A_439] in [0] : vector<16xi32>, vector<16xi32> -> vector<16xi32>
          %gather3A_441 = tpu.vector_load_idx %arg7[%gather3A_428] : memref<20000xi32, #tpu.memory_space<vmem>>[vector<16xi32>], vector<16xi32>,
          tpu.vector_store_idx %arg7[%gather3A_440], %gather3A_441 masked %eq3A_28 : memref<20000xi32, #tpu.memory_space<vmem>>[vector<16xi32>], vector<16xi32>, vector<16xi1>
          %broadcast_in_dim3A_442 = arith.constant 14 : i32
          %broadcast_in_dim3A_443 = vector.broadcast %broadcast_in_dim3A_442 : i32 to vector<16xi32>
          %lt3A_444 = arith.constant 0 : i32
          %lt3A_445 = vector.broadcast %lt3A_444 : i32 to vector<16xi32>
          %lt3A_446 = arith.cmpi slt, %broadcast_in_dim3A_443, %lt3A_445 : vector<16xi32>
          %add3A_447 = arith.constant 16 : i32
          %add3A_448 = vector.broadcast %add3A_447 : i32 to vector<16xi32>
          %add3A_449 = arith.addi %broadcast_in_dim3A_443, %add3A_448 : vector<16xi32>
          %select_n3A_450 = arith.select %lt3A_446, %add3A_449, %broadcast_in_dim3A_443 : vector<16xi1>, vector<16xi32>
          %broadcast_in_dim3A_451 = vector.shape_cast %select_n3A_450 : vector<16xi32> to vector<16x1xi32>
          %gather3A_452 = vector.shape_cast %broadcast_in_dim3A_451 : vector<16x1xi32> to vector<16xi32>
          %gather3A_453 = tpu.dynamic_gather %rev3A_54[%gather3A_452] in [0] : vector<16xi32>, vector<16xi32> -> vector<16xi32>
          %broadcast_in_dim3A_454 = arith.constant 14 : i32
          %broadcast_in_dim3A_455 = vector.broadcast %broadcast_in_dim3A_454 : i32 to vector<16xi32>
          %lt3A_456 = arith.constant 0 : i32
          %lt3A_457 = vector.broadcast %lt3A_456 : i32 to vector<16xi32>
          %lt3A_458 = arith.cmpi slt, %broadcast_in_dim3A_455, %lt3A_457 : vector<16xi32>
          %add3A_459 = arith.constant 16 : i32
          %add3A_460 = vector.broadcast %add3A_459 : i32 to vector<16xi32>
          %add3A_461 = arith.addi %broadcast_in_dim3A_455, %add3A_460 : vector<16xi32>
          %select_n3A_462 = arith.select %lt3A_458, %add3A_461, %broadcast_in_dim3A_455 : vector<16xi1>, vector<16xi32>
          %broadcast_in_dim3A_463 = vector.shape_cast %select_n3A_462 : vector<16xi32> to vector<16x1xi32>
          %gather3A_464 = vector.shape_cast %broadcast_in_dim3A_463 : vector<16x1xi32> to vector<16xi32>
          %gather3A_465 = tpu.dynamic_gather %rev3A_63[%gather3A_464] in [0] : vector<16xi32>, vector<16xi32> -> vector<16xi32>
          %gather3A_466 = tpu.vector_load_idx %arg7[%gather3A_453] : memref<20000xi32, #tpu.memory_space<vmem>>[vector<16xi32>], vector<16xi32>,
          tpu.vector_store_idx %arg7[%gather3A_465], %gather3A_466 masked %eq3A_28 : memref<20000xi32, #tpu.memory_space<vmem>>[vector<16xi32>], vector<16xi32>, vector<16xi1>
          %broadcast_in_dim3A_467 = arith.constant 15 : i32
          %broadcast_in_dim3A_468 = vector.broadcast %broadcast_in_dim3A_467 : i32 to vector<16xi32>
          %lt3A_469 = arith.constant 0 : i32
          %lt3A_470 = vector.broadcast %lt3A_469 : i32 to vector<16xi32>
          %lt3A_471 = arith.cmpi slt, %broadcast_in_dim3A_468, %lt3A_470 : vector<16xi32>
          %add3A_472 = arith.constant 16 : i32
          %add3A_473 = vector.broadcast %add3A_472 : i32 to vector<16xi32>
          %add3A_474 = arith.addi %broadcast_in_dim3A_468, %add3A_473 : vector<16xi32>
          %select_n3A_475 = arith.select %lt3A_471, %add3A_474, %broadcast_in_dim3A_468 : vector<16xi1>, vector<16xi32>
          %broadcast_in_dim3A_476 = vector.shape_cast %select_n3A_475 : vector<16xi32> to vector<16x1xi32>
          %gather3A_477 = vector.shape_cast %broadcast_in_dim3A_476 : vector<16x1xi32> to vector<16xi32>
          %gather3A_478 = tpu.dynamic_gather %rev3A_54[%gather3A_477] in [0] : vector<16xi32>, vector<16xi32> -> vector<16xi32>
          %broadcast_in_dim3A_479 = arith.constant 15 : i32
          %broadcast_in_dim3A_480 = vector.broadcast %broadcast_in_dim3A_479 : i32 to vector<16xi32>
          %lt3A_481 = arith.constant 0 : i32
          %lt3A_482 = vector.broadcast %lt3A_481 : i32 to vector<16xi32>
          %lt3A_483 = arith.cmpi slt, %broadcast_in_dim3A_480, %lt3A_482 : vector<16xi32>
          %add3A_484 = arith.constant 16 : i32
          %add3A_485 = vector.broadcast %add3A_484 : i32 to vector<16xi32>
          %add3A_486 = arith.addi %broadcast_in_dim3A_480, %add3A_485 : vector<16xi32>
          %select_n3A_487 = arith.select %lt3A_483, %add3A_486, %broadcast_in_dim3A_480 : vector<16xi1>, vector<16xi32>
          %broadcast_in_dim3A_488 = vector.shape_cast %select_n3A_487 : vector<16xi32> to vector<16x1xi32>
          %gather3A_489 = vector.shape_cast %broadcast_in_dim3A_488 : vector<16x1xi32> to vector<16xi32>
          %gather3A_490 = tpu.dynamic_gather %rev3A_63[%gather3A_489] in [0] : vector<16xi32>, vector<16xi32> -> vector<16xi32>
          %gather3A_491 = tpu.vector_load_idx %arg7[%gather3A_478] : memref<20000xi32, #tpu.memory_space<vmem>>[vector<16xi32>], vector<16xi32>,
          tpu.vector_store_idx %arg7[%gather3A_490], %gather3A_491 masked %eq3A_28 : memref<20000xi32, #tpu.memory_space<vmem>>[vector<16xi32>], vector<16xi32>, vector<16xi1>
        } else {
          %gather3A_93 = tpu.vector_load_idx %arg7[%rev3A_54] : memref<20000xi32, #tpu.memory_space<vmem>>[vector<16xi32>], vector<16xi32>,
          tpu.vector_store_idx %arg7[%rev3A_63], %gather3A_93 : memref<20000xi32, #tpu.memory_space<vmem>>[vector<16xi32>], vector<16xi32>,
        }
        %scan3A_92 = arith.constant 0 : i32
        scf.yield %scan3A_92 : i32
      }
      %scan3A_35 = arith.constant 625 : i32
      %parallel_loop3A_36 = arith.constant 0 : i32
      %parallel_loop3A_37 = arith.constant 1250 : i32
      %parallel_loop3A_38 = arith.constant 1 : i32
      "tpu.trace_stop"() : () -> ()
      "tpu.trace_start"() <{level = 10 : i32, message = "p3_compose"}> : () -> ()
      scf.for %parallel_loop3A_41 = %parallel_loop3A_36 to %parallel_loop3A_37 step %parallel_loop3A_38  : i32 {
        %parallel_loop3A_42 = arith.constant 16 : i32
        %parallel_loop3A_43 = arith.muli %parallel_loop3A_41, %parallel_loop3A_42 : i32
        %parallel_loop3A_44 = arith.index_cast %parallel_loop3A_43 : i32 to index
        %parallel_loop3A_45 = tpu.vector_load %arg7[%parallel_loop3A_44] {strides = array<i32>} : memref<20000xi32, #tpu.memory_space<vmem>>, vector<16xi32>,
        %parallel_loop3A_46 = tpu.vector_load_idx %arg5[%parallel_loop3A_45] : memref<20000xi32, #tpu.memory_space<vmem>>[vector<16xi32>], vector<16xi32>,
        %parallel_loop3A_47 = arith.constant 16 : i32
        %parallel_loop3A_48 = arith.muli %parallel_loop3A_41, %parallel_loop3A_47 : i32
        %parallel_loop3A_49 = arith.index_cast %parallel_loop3A_48 : i32 to index
        %parallel_loop3A_50 = tpu.vector_load %arg8[%parallel_loop3A_49] {strides = array<i32>} : memref<20000xi32, #tpu.memory_space<vmem>>, vector<16xi32>,
        tpu.vector_store %arg8[%parallel_loop3A_49], %parallel_loop3A_46 {strides = array<i32>} : memref<20000xi32, #tpu.memory_space<vmem>>, vector<16xi32>,
      } {sc.loop_unroll_factor = 5 : i64, sc.parallel_access}
      "tpu.trace_stop"() : () -> ()
      %mul3A_39 = arith.constant 20000 : i32
      %mul3A_40 = arith.muli %add3A, %mul3A_39 : i32
      "tpu.region"() ({
        %run_scoped3A = tpu.sem_alloc : memref<!tpu.dma_semaphore, #tpu.memory_space<semaphore_mem>>
        %dma_start3A_41 = tpu.memref_slice %arg4[%mul3A_40] : memref<81920xi32, #tpu.memory_space<hbm>> -> memref<20000xi32, #tpu.memory_space<hbm>>
        %dma_start3A_42 = tpu.memref_slice %arg4[%mul3A_40] : memref<81920xi32, #tpu.memory_space<hbm>> -> memref<20000xi32, #tpu.memory_space<hbm>>
        tpu.enqueue_dma source(%arg8 : memref<20000xi32, #tpu.memory_space<vmem>>) target(%dma_start3A_42 : memref<20000xi32, #tpu.memory_space<hbm>>) target_semaphore(%run_scoped3A : memref<!tpu.dma_semaphore, #tpu.memory_space<semaphore_mem>>)
        %dma_wait3A_43 = tpu.memref_slice %arg4[%mul3A_40] : memref<81920xi32, #tpu.memory_space<hbm>> -> memref<20000xi32, #tpu.memory_space<hbm>>
        %dma_wait3A_44 = tpu.memref_slice %arg4[%mul3A_40] : memref<81920xi32, #tpu.memory_space<hbm>> -> memref<20000xi32, #tpu.memory_space<hbm>>
        tpu.wait_dma2 semaphore(%run_scoped3A : memref<!tpu.dma_semaphore, #tpu.memory_space<semaphore_mem>>) src(%arg8 : memref<20000xi32, #tpu.memory_space<vmem>>) dst(%dma_wait3A_44 : memref<20000xi32, #tpu.memory_space<hbm>>)
        tpu.yield
      }) : () -> ()
    } else {
    }
    return
  }
}

#map = affine_map<(d0, d1) -> (0, 0)>
#map1 = affine_map<(d0, d1) -> (0)>
module attributes {stable_mosaic.version = 14 : i64} {
  func.func @gather(%arg0: i32, %arg1: i32, %arg2: memref<42048x256xf32, #tpu.memory_space<hbm>>, %arg3: memref<81920xi32, #tpu.memory_space<hbm>>, %arg4: memref<80000x256xf32, #tpu.memory_space<hbm>>, %arg5: memref<2560xi32, #tpu.memory_space<vmem>>, %arg6: memref<128x256xf32, #tpu.memory_space<vmem>>, %arg7: memref<128x256xf32, #tpu.memory_space<vmem>>, %arg8: memref<128x256xf32, #tpu.memory_space<vmem>>, %arg9: memref<!tpu.dma_semaphore, #tpu.memory_space<semaphore_mem>>, %arg10: memref<!tpu.dma_semaphore, #tpu.memory_space<semaphore_mem>>, %arg11: memref<!tpu.dma_semaphore, #tpu.memory_space<semaphore_mem>>, %arg12: memref<!tpu.dma_semaphore, #tpu.memory_space<semaphore_mem>>, %arg13: memref<!tpu.dma_semaphore, #tpu.memory_space<semaphore_mem>>, %arg14: memref<!tpu.dma_semaphore, #tpu.memory_space<semaphore_mem>>) attributes {dimension_semantics = [#tpu.dimension_semantics<core_parallel>, #tpu.dimension_semantics<subcore_parallel>], iteration_bounds = array<i64: 2, 16>, scalar_prefetch = 0 : i64, scratch_operands = 10 : i64, tpu.core_type = #tpu.core_type<sc_vector_subcore>, window_params = [{transform_indices = #map}, {transform_indices = #map1}, {transform_indices = #map}]} {
    %mul3A = arith.constant 2 : i32
    %mul3A_0 = arith.muli %arg1, %mul3A : i32
    %add3A = arith.addi %mul3A_0, %arg0 : i32
    %lt3A = arith.constant 17 : i32
    %lt3A_1 = arith.cmpi slt, %add3A, %lt3A : i32
    %mul3A_2 = arith.constant 20 : i32
    %mul3A_3 = arith.muli %add3A, %mul3A_2 : i32
    %sub3A = arith.constant 17 : i32
    %sub3A_4 = arith.subi %add3A, %sub3A : i32
    %mul3A_5 = arith.constant 19 : i32
    %mul3A_6 = arith.muli %sub3A_4, %mul3A_5 : i32
    %add3A_7 = arith.constant 340 : i32
    %add3A_8 = arith.addi %add3A_7, %mul3A_6 : i32
    %select_n3A = arith.select %lt3A_1, %mul3A_3, %add3A_8 : i32
    %lt3A_9 = arith.constant 17 : i32
    %lt3A_10 = arith.cmpi slt, %add3A, %lt3A_9 : i32
    %jit3A = arith.constant 20 : i32
    %jit3A_11 = arith.constant 19 : i32
    %select_n3A_12 = arith.select %lt3A_10, %jit3A, %jit3A_11 : i32
    %mul3A_13 = arith.constant 128 : i32
    %mul3A_14 = arith.muli %select_n3A, %mul3A_13 : i32
    "tpu.region"() ({
      %run_scoped3A = tpu.sem_alloc : memref<!tpu.dma_semaphore, #tpu.memory_space<semaphore_mem>>
      %dma_start3A = tpu.memref_slice %arg3[%mul3A_14] : memref<81920xi32, #tpu.memory_space<hbm>> -> memref<2560xi32, #tpu.memory_space<hbm>>
      %dma_start3A_312 = tpu.memref_slice %arg3[%mul3A_14] : memref<81920xi32, #tpu.memory_space<hbm>> -> memref<2560xi32, #tpu.memory_space<hbm>>
      tpu.enqueue_dma source(%dma_start3A_312 : memref<2560xi32, #tpu.memory_space<hbm>>) target(%arg5 : memref<2560xi32, #tpu.memory_space<vmem>>) target_semaphore(%run_scoped3A : memref<!tpu.dma_semaphore, #tpu.memory_space<semaphore_mem>>)
      %dma_wait3A = tpu.memref_slice %arg3[%mul3A_14] : memref<81920xi32, #tpu.memory_space<hbm>> -> memref<2560xi32, #tpu.memory_space<hbm>>
      %dma_wait3A_313 = tpu.memref_slice %arg3[%mul3A_14] : memref<81920xi32, #tpu.memory_space<hbm>> -> memref<2560xi32, #tpu.memory_space<hbm>>
      tpu.wait_dma2 semaphore(%run_scoped3A : memref<!tpu.dma_semaphore, #tpu.memory_space<semaphore_mem>>) src(%dma_wait3A_313 : memref<2560xi32, #tpu.memory_space<hbm>>) dst(%arg5 : memref<2560xi32, #tpu.memory_space<vmem>>)
      tpu.yield
    }) : () -> ()
    %gt3A = arith.constant 0 : i32
    %gt3A_15 = arith.cmpi sgt, %select_n3A_12, %gt3A : i32
    %convert_element_type3A = arith.extui %gt3A_15 : i1 to i32
    %cond3A = arith.constant 0 : i32
    %cond3A_16 = arith.cmpi ne, %convert_element_type3A, %cond3A : i32
    scf.if %cond3A_16 {
      %dma_start3A = arith.constant 0 : i32
      %dma_start3A_312 = tpu.memref_slice %arg5[%dma_start3A] : memref<2560xi32, #tpu.memory_space<vmem>> -> memref<128xi32, #tpu.memory_space<vmem>>
      %dma_start3A_313 = arith.constant 0 : i32
      %dma_start3A_314 = arith.constant 0 : i32
      %dma_start3A_315 = tpu.memref_slice %arg2[%dma_start3A_313, %dma_start3A_314] : memref<42048x256xf32, #tpu.memory_space<hbm>> -> memref<42048x256xf32, #tpu.memory_space<hbm>>
      tpu.enqueue_indirect_dma source(%dma_start3A_315 : memref<42048x256xf32, #tpu.memory_space<hbm>>) target(%arg6 : memref<128x256xf32, #tpu.memory_space<vmem>>) offsets(%dma_start3A_312 : memref<128xi32, #tpu.memory_space<vmem>>) semaphore(%arg9 : memref<!tpu.dma_semaphore, #tpu.memory_space<semaphore_mem>>)
    } else {
    }
    %gt3A_17 = arith.constant 1 : i32
    %gt3A_18 = arith.cmpi sgt, %select_n3A_12, %gt3A_17 : i32
    %convert_element_type3A_19 = arith.extui %gt3A_18 : i1 to i32
    %cond3A_20 = arith.constant 0 : i32
    %cond3A_21 = arith.cmpi ne, %convert_element_type3A_19, %cond3A_20 : i32
    scf.if %cond3A_21 {
      %dma_start3A = arith.constant 128 : i32
      %dma_start3A_312 = tpu.memref_slice %arg5[%dma_start3A] : memref<2560xi32, #tpu.memory_space<vmem>> -> memref<128xi32, #tpu.memory_space<vmem>>
      %dma_start3A_313 = arith.constant 0 : i32
      %dma_start3A_314 = arith.constant 0 : i32
      %dma_start3A_315 = tpu.memref_slice %arg2[%dma_start3A_313, %dma_start3A_314] : memref<42048x256xf32, #tpu.memory_space<hbm>> -> memref<42048x256xf32, #tpu.memory_space<hbm>>
      tpu.enqueue_indirect_dma source(%dma_start3A_315 : memref<42048x256xf32, #tpu.memory_space<hbm>>) target(%arg7 : memref<128x256xf32, #tpu.memory_space<vmem>>) offsets(%dma_start3A_312 : memref<128xi32, #tpu.memory_space<vmem>>) semaphore(%arg10 : memref<!tpu.dma_semaphore, #tpu.memory_space<semaphore_mem>>)
    } else {
    }
    %gt3A_22 = arith.constant 0 : i32
    %gt3A_23 = arith.cmpi sgt, %select_n3A_12, %gt3A_22 : i32
    %convert_element_type3A_24 = arith.extui %gt3A_23 : i1 to i32
    %cond3A_25 = arith.constant 0 : i32
    %cond3A_26 = arith.cmpi ne, %convert_element_type3A_24, %cond3A_25 : i32
    scf.if %cond3A_26 {
      %dma_wait3A = arith.constant 0 : i32
      %dma_wait3A_312 = tpu.memref_slice %arg5[%dma_wait3A] : memref<2560xi32, #tpu.memory_space<vmem>> -> memref<128xi32, #tpu.memory_space<vmem>>
      %dma_wait3A_313 = arith.constant 0 : i32
      %dma_wait3A_314 = arith.constant 0 : i32
      %dma_wait3A_315 = tpu.memref_slice %arg2[%dma_wait3A_313, %dma_wait3A_314] : memref<42048x256xf32, #tpu.memory_space<hbm>> -> memref<42048x256xf32, #tpu.memory_space<hbm>>
      tpu.wait_indirect_dma semaphore(%arg9 : memref<!tpu.dma_semaphore, #tpu.memory_space<semaphore_mem>>) src(%dma_wait3A_315 : memref<42048x256xf32, #tpu.memory_space<hbm>>) dst(%arg6 : memref<128x256xf32, #tpu.memory_space<vmem>>)
      %add3A_316 = arith.constant 0 : i32
      %add3A_317 = arith.addi %select_n3A, %add3A_316 : i32
      %mul3A_318 = arith.constant 128 : i32
      %mul3A_319 = arith.muli %add3A_317, %mul3A_318 : i32
      %dma_start3A = arith.constant 0 : i32
      %dma_start3A_320 = tpu.memref_slice %arg4[%mul3A_319, %dma_start3A] : memref<80000x256xf32, #tpu.memory_space<hbm>> -> memref<128x256xf32, #tpu.memory_space<hbm>>
      %dma_start3A_321 = arith.constant 0 : i32
      %dma_start3A_322 = tpu.memref_slice %arg4[%mul3A_319, %dma_start3A_321] : memref<80000x256xf32, #tpu.memory_space<hbm>> -> memref<128x256xf32, #tpu.memory_space<hbm>>
      tpu.enqueue_dma source(%arg6 : memref<128x256xf32, #tpu.memory_space<vmem>>) target(%dma_start3A_322 : memref<128x256xf32, #tpu.memory_space<hbm>>) target_semaphore(%arg12 : memref<!tpu.dma_semaphore, #tpu.memory_space<semaphore_mem>>)
    } else {
    }
    %gt3A_27 = arith.constant 2 : i32
    %gt3A_28 = arith.cmpi sgt, %select_n3A_12, %gt3A_27 : i32
    %convert_element_type3A_29 = arith.extui %gt3A_28 : i1 to i32
    %cond3A_30 = arith.constant 0 : i32
    %cond3A_31 = arith.cmpi ne, %convert_element_type3A_29, %cond3A_30 : i32
    scf.if %cond3A_31 {
      %dma_start3A = arith.constant 256 : i32
      %dma_start3A_312 = tpu.memref_slice %arg5[%dma_start3A] : memref<2560xi32, #tpu.memory_space<vmem>> -> memref<128xi32, #tpu.memory_space<vmem>>
      %dma_start3A_313 = arith.constant 0 : i32
      %dma_start3A_314 = arith.constant 0 : i32
      %dma_start3A_315 = tpu.memref_slice %arg2[%dma_start3A_313, %dma_start3A_314] : memref<42048x256xf32, #tpu.memory_space<hbm>> -> memref<42048x256xf32, #tpu.memory_space<hbm>>
      tpu.enqueue_indirect_dma source(%dma_start3A_315 : memref<42048x256xf32, #tpu.memory_space<hbm>>) target(%arg8 : memref<128x256xf32, #tpu.memory_space<vmem>>) offsets(%dma_start3A_312 : memref<128xi32, #tpu.memory_space<vmem>>) semaphore(%arg11 : memref<!tpu.dma_semaphore, #tpu.memory_space<semaphore_mem>>)
    } else {
    }
    %gt3A_32 = arith.constant 1 : i32
    %gt3A_33 = arith.cmpi sgt, %select_n3A_12, %gt3A_32 : i32
    %convert_element_type3A_34 = arith.extui %gt3A_33 : i1 to i32
    %cond3A_35 = arith.constant 0 : i32
    %cond3A_36 = arith.cmpi ne, %convert_element_type3A_34, %cond3A_35 : i32
    scf.if %cond3A_36 {
      %dma_wait3A = arith.constant 128 : i32
      %dma_wait3A_312 = tpu.memref_slice %arg5[%dma_wait3A] : memref<2560xi32, #tpu.memory_space<vmem>> -> memref<128xi32, #tpu.memory_space<vmem>>
      %dma_wait3A_313 = arith.constant 0 : i32
      %dma_wait3A_314 = arith.constant 0 : i32
      %dma_wait3A_315 = tpu.memref_slice %arg2[%dma_wait3A_313, %dma_wait3A_314] : memref<42048x256xf32, #tpu.memory_space<hbm>> -> memref<42048x256xf32, #tpu.memory_space<hbm>>
      tpu.wait_indirect_dma semaphore(%arg10 : memref<!tpu.dma_semaphore, #tpu.memory_space<semaphore_mem>>) src(%dma_wait3A_315 : memref<42048x256xf32, #tpu.memory_space<hbm>>) dst(%arg7 : memref<128x256xf32, #tpu.memory_space<vmem>>)
      %add3A_316 = arith.constant 1 : i32
      %add3A_317 = arith.addi %select_n3A, %add3A_316 : i32
      %mul3A_318 = arith.constant 128 : i32
      %mul3A_319 = arith.muli %add3A_317, %mul3A_318 : i32
      %dma_start3A = arith.constant 0 : i32
      %dma_start3A_320 = tpu.memref_slice %arg4[%mul3A_319, %dma_start3A] : memref<80000x256xf32, #tpu.memory_space<hbm>> -> memref<128x256xf32, #tpu.memory_space<hbm>>
      %dma_start3A_321 = arith.constant 0 : i32
      %dma_start3A_322 = tpu.memref_slice %arg4[%mul3A_319, %dma_start3A_321] : memref<80000x256xf32, #tpu.memory_space<hbm>> -> memref<128x256xf32, #tpu.memory_space<hbm>>
      tpu.enqueue_dma source(%arg7 : memref<128x256xf32, #tpu.memory_space<vmem>>) target(%dma_start3A_322 : memref<128x256xf32, #tpu.memory_space<hbm>>) target_semaphore(%arg13 : memref<!tpu.dma_semaphore, #tpu.memory_space<semaphore_mem>>)
    } else {
    }
    %gt3A_37 = arith.constant 0 : i32
    %gt3A_38 = arith.cmpi sgt, %select_n3A_12, %gt3A_37 : i32
    %convert_element_type3A_39 = arith.extui %gt3A_38 : i1 to i32
    %cond3A_40 = arith.constant 0 : i32
    %cond3A_41 = arith.cmpi ne, %convert_element_type3A_39, %cond3A_40 : i32
    scf.if %cond3A_41 {
      %add3A_312 = arith.constant 0 : i32
      %add3A_313 = arith.addi %select_n3A, %add3A_312 : i32
      %mul3A_314 = arith.constant 128 : i32
      %mul3A_315 = arith.muli %add3A_313, %mul3A_314 : i32
      %dma_wait3A = arith.constant 0 : i32
      %dma_wait3A_316 = tpu.memref_slice %arg4[%mul3A_315, %dma_wait3A] : memref<80000x256xf32, #tpu.memory_space<hbm>> -> memref<128x256xf32, #tpu.memory_space<hbm>>
      %dma_wait3A_317 = arith.constant 0 : i32
      %dma_wait3A_318 = tpu.memref_slice %arg4[%mul3A_315, %dma_wait3A_317] : memref<80000x256xf32, #tpu.memory_space<hbm>> -> memref<128x256xf32, #tpu.memory_space<hbm>>
      tpu.wait_dma2 semaphore(%arg12 : memref<!tpu.dma_semaphore, #tpu.memory_space<semaphore_mem>>) src(%arg6 : memref<128x256xf32, #tpu.memory_space<vmem>>) dst(%dma_wait3A_318 : memref<128x256xf32, #tpu.memory_space<hbm>>)
    } else {
    }
    %gt3A_42 = arith.constant 3 : i32
    %gt3A_43 = arith.cmpi sgt, %select_n3A_12, %gt3A_42 : i32
    %convert_element_type3A_44 = arith.extui %gt3A_43 : i1 to i32
    %cond3A_45 = arith.constant 0 : i32
    %cond3A_46 = arith.cmpi ne, %convert_element_type3A_44, %cond3A_45 : i32
    scf.if %cond3A_46 {
      %dma_start3A = arith.constant 384 : i32
      %dma_start3A_312 = tpu.memref_slice %arg5[%dma_start3A] : memref<2560xi32, #tpu.memory_space<vmem>> -> memref<128xi32, #tpu.memory_space<vmem>>
      %dma_start3A_313 = arith.constant 0 : i32
      %dma_start3A_314 = arith.constant 0 : i32
      %dma_start3A_315 = tpu.memref_slice %arg2[%dma_start3A_313, %dma_start3A_314] : memref<42048x256xf32, #tpu.memory_space<hbm>> -> memref<42048x256xf32, #tpu.memory_space<hbm>>
      tpu.enqueue_indirect_dma source(%dma_start3A_315 : memref<42048x256xf32, #tpu.memory_space<hbm>>) target(%arg6 : memref<128x256xf32, #tpu.memory_space<vmem>>) offsets(%dma_start3A_312 : memref<128xi32, #tpu.memory_space<vmem>>) semaphore(%arg9 : memref<!tpu.dma_semaphore, #tpu.memory_space<semaphore_mem>>)
    } else {
    }
    %gt3A_47 = arith.constant 2 : i32
    %gt3A_48 = arith.cmpi sgt, %select_n3A_12, %gt3A_47 : i32
    %convert_element_type3A_49 = arith.extui %gt3A_48 : i1 to i32
    %cond3A_50 = arith.constant 0 : i32
    %cond3A_51 = arith.cmpi ne, %convert_element_type3A_49, %cond3A_50 : i32
    scf.if %cond3A_51 {
      %dma_wait3A = arith.constant 256 : i32
      %dma_wait3A_312 = tpu.memref_slice %arg5[%dma_wait3A] : memref<2560xi32, #tpu.memory_space<vmem>> -> memref<128xi32, #tpu.memory_space<vmem>>
      %dma_wait3A_313 = arith.constant 0 : i32
      %dma_wait3A_314 = arith.constant 0 : i32
      %dma_wait3A_315 = tpu.memref_slice %arg2[%dma_wait3A_313, %dma_wait3A_314] : memref<42048x256xf32, #tpu.memory_space<hbm>> -> memref<42048x256xf32, #tpu.memory_space<hbm>>
      tpu.wait_indirect_dma semaphore(%arg11 : memref<!tpu.dma_semaphore, #tpu.memory_space<semaphore_mem>>) src(%dma_wait3A_315 : memref<42048x256xf32, #tpu.memory_space<hbm>>) dst(%arg8 : memref<128x256xf32, #tpu.memory_space<vmem>>)
      %add3A_316 = arith.constant 2 : i32
      %add3A_317 = arith.addi %select_n3A, %add3A_316 : i32
      %mul3A_318 = arith.constant 128 : i32
      %mul3A_319 = arith.muli %add3A_317, %mul3A_318 : i32
      %dma_start3A = arith.constant 0 : i32
      %dma_start3A_320 = tpu.memref_slice %arg4[%mul3A_319, %dma_start3A] : memref<80000x256xf32, #tpu.memory_space<hbm>> -> memref<128x256xf32, #tpu.memory_space<hbm>>
      %dma_start3A_321 = arith.constant 0 : i32
      %dma_start3A_322 = tpu.memref_slice %arg4[%mul3A_319, %dma_start3A_321] : memref<80000x256xf32, #tpu.memory_space<hbm>> -> memref<128x256xf32, #tpu.memory_space<hbm>>
      tpu.enqueue_dma source(%arg8 : memref<128x256xf32, #tpu.memory_space<vmem>>) target(%dma_start3A_322 : memref<128x256xf32, #tpu.memory_space<hbm>>) target_semaphore(%arg14 : memref<!tpu.dma_semaphore, #tpu.memory_space<semaphore_mem>>)
    } else {
    }
    %gt3A_52 = arith.constant 1 : i32
    %gt3A_53 = arith.cmpi sgt, %select_n3A_12, %gt3A_52 : i32
    %convert_element_type3A_54 = arith.extui %gt3A_53 : i1 to i32
    %cond3A_55 = arith.constant 0 : i32
    %cond3A_56 = arith.cmpi ne, %convert_element_type3A_54, %cond3A_55 : i32
    scf.if %cond3A_56 {
      %add3A_312 = arith.constant 1 : i32
      %add3A_313 = arith.addi %select_n3A, %add3A_312 : i32
      %mul3A_314 = arith.constant 128 : i32
      %mul3A_315 = arith.muli %add3A_313, %mul3A_314 : i32
      %dma_wait3A = arith.constant 0 : i32
      %dma_wait3A_316 = tpu.memref_slice %arg4[%mul3A_315, %dma_wait3A] : memref<80000x256xf32, #tpu.memory_space<hbm>> -> memref<128x256xf32, #tpu.memory_space<hbm>>
      %dma_wait3A_317 = arith.constant 0 : i32
      %dma_wait3A_318 = tpu.memref_slice %arg4[%mul3A_315, %dma_wait3A_317] : memref<80000x256xf32, #tpu.memory_space<hbm>> -> memref<128x256xf32, #tpu.memory_space<hbm>>
      tpu.wait_dma2 semaphore(%arg13 : memref<!tpu.dma_semaphore, #tpu.memory_space<semaphore_mem>>) src(%arg7 : memref<128x256xf32, #tpu.memory_space<vmem>>) dst(%dma_wait3A_318 : memref<128x256xf32, #tpu.memory_space<hbm>>)
    } else {
    }
    %gt3A_57 = arith.constant 4 : i32
    %gt3A_58 = arith.cmpi sgt, %select_n3A_12, %gt3A_57 : i32
    %convert_element_type3A_59 = arith.extui %gt3A_58 : i1 to i32
    %cond3A_60 = arith.constant 0 : i32
    %cond3A_61 = arith.cmpi ne, %convert_element_type3A_59, %cond3A_60 : i32
    scf.if %cond3A_61 {
      %dma_start3A = arith.constant 512 : i32
      %dma_start3A_312 = tpu.memref_slice %arg5[%dma_start3A] : memref<2560xi32, #tpu.memory_space<vmem>> -> memref<128xi32, #tpu.memory_space<vmem>>
      %dma_start3A_313 = arith.constant 0 : i32
      %dma_start3A_314 = arith.constant 0 : i32
      %dma_start3A_315 = tpu.memref_slice %arg2[%dma_start3A_313, %dma_start3A_314] : memref<42048x256xf32, #tpu.memory_space<hbm>> -> memref<42048x256xf32, #tpu.memory_space<hbm>>
      tpu.enqueue_indirect_dma source(%dma_start3A_315 : memref<42048x256xf32, #tpu.memory_space<hbm>>) target(%arg7 : memref<128x256xf32, #tpu.memory_space<vmem>>) offsets(%dma_start3A_312 : memref<128xi32, #tpu.memory_space<vmem>>) semaphore(%arg10 : memref<!tpu.dma_semaphore, #tpu.memory_space<semaphore_mem>>)
    } else {
    }
    %gt3A_62 = arith.constant 3 : i32
    %gt3A_63 = arith.cmpi sgt, %select_n3A_12, %gt3A_62 : i32
    %convert_element_type3A_64 = arith.extui %gt3A_63 : i1 to i32
    %cond3A_65 = arith.constant 0 : i32
    %cond3A_66 = arith.cmpi ne, %convert_element_type3A_64, %cond3A_65 : i32
    scf.if %cond3A_66 {
      %dma_wait3A = arith.constant 384 : i32
      %dma_wait3A_312 = tpu.memref_slice %arg5[%dma_wait3A] : memref<2560xi32, #tpu.memory_space<vmem>> -> memref<128xi32, #tpu.memory_space<vmem>>
      %dma_wait3A_313 = arith.constant 0 : i32
      %dma_wait3A_314 = arith.constant 0 : i32
      %dma_wait3A_315 = tpu.memref_slice %arg2[%dma_wait3A_313, %dma_wait3A_314] : memref<42048x256xf32, #tpu.memory_space<hbm>> -> memref<42048x256xf32, #tpu.memory_space<hbm>>
      tpu.wait_indirect_dma semaphore(%arg9 : memref<!tpu.dma_semaphore, #tpu.memory_space<semaphore_mem>>) src(%dma_wait3A_315 : memref<42048x256xf32, #tpu.memory_space<hbm>>) dst(%arg6 : memref<128x256xf32, #tpu.memory_space<vmem>>)
      %add3A_316 = arith.constant 3 : i32
      %add3A_317 = arith.addi %select_n3A, %add3A_316 : i32
      %mul3A_318 = arith.constant 128 : i32
      %mul3A_319 = arith.muli %add3A_317, %mul3A_318 : i32
      %dma_start3A = arith.constant 0 : i32
      %dma_start3A_320 = tpu.memref_slice %arg4[%mul3A_319, %dma_start3A] : memref<80000x256xf32, #tpu.memory_space<hbm>> -> memref<128x256xf32, #tpu.memory_space<hbm>>
      %dma_start3A_321 = arith.constant 0 : i32
      %dma_start3A_322 = tpu.memref_slice %arg4[%mul3A_319, %dma_start3A_321] : memref<80000x256xf32, #tpu.memory_space<hbm>> -> memref<128x256xf32, #tpu.memory_space<hbm>>
      tpu.enqueue_dma source(%arg6 : memref<128x256xf32, #tpu.memory_space<vmem>>) target(%dma_start3A_322 : memref<128x256xf32, #tpu.memory_space<hbm>>) target_semaphore(%arg12 : memref<!tpu.dma_semaphore, #tpu.memory_space<semaphore_mem>>)
    } else {
    }
    %gt3A_67 = arith.constant 2 : i32
    %gt3A_68 = arith.cmpi sgt, %select_n3A_12, %gt3A_67 : i32
    %convert_element_type3A_69 = arith.extui %gt3A_68 : i1 to i32
    %cond3A_70 = arith.constant 0 : i32
    %cond3A_71 = arith.cmpi ne, %convert_element_type3A_69, %cond3A_70 : i32
    scf.if %cond3A_71 {
      %add3A_312 = arith.constant 2 : i32
      %add3A_313 = arith.addi %select_n3A, %add3A_312 : i32
      %mul3A_314 = arith.constant 128 : i32
      %mul3A_315 = arith.muli %add3A_313, %mul3A_314 : i32
      %dma_wait3A = arith.constant 0 : i32
      %dma_wait3A_316 = tpu.memref_slice %arg4[%mul3A_315, %dma_wait3A] : memref<80000x256xf32, #tpu.memory_space<hbm>> -> memref<128x256xf32, #tpu.memory_space<hbm>>
      %dma_wait3A_317 = arith.constant 0 : i32
      %dma_wait3A_318 = tpu.memref_slice %arg4[%mul3A_315, %dma_wait3A_317] : memref<80000x256xf32, #tpu.memory_space<hbm>> -> memref<128x256xf32, #tpu.memory_space<hbm>>
      tpu.wait_dma2 semaphore(%arg14 : memref<!tpu.dma_semaphore, #tpu.memory_space<semaphore_mem>>) src(%arg8 : memref<128x256xf32, #tpu.memory_space<vmem>>) dst(%dma_wait3A_318 : memref<128x256xf32, #tpu.memory_space<hbm>>)
    } else {
    }
    %gt3A_72 = arith.constant 5 : i32
    %gt3A_73 = arith.cmpi sgt, %select_n3A_12, %gt3A_72 : i32
    %convert_element_type3A_74 = arith.extui %gt3A_73 : i1 to i32
    %cond3A_75 = arith.constant 0 : i32
    %cond3A_76 = arith.cmpi ne, %convert_element_type3A_74, %cond3A_75 : i32
    scf.if %cond3A_76 {
      %dma_start3A = arith.constant 640 : i32
      %dma_start3A_312 = tpu.memref_slice %arg5[%dma_start3A] : memref<2560xi32, #tpu.memory_space<vmem>> -> memref<128xi32, #tpu.memory_space<vmem>>
      %dma_start3A_313 = arith.constant 0 : i32
      %dma_start3A_314 = arith.constant 0 : i32
      %dma_start3A_315 = tpu.memref_slice %arg2[%dma_start3A_313, %dma_start3A_314] : memref<42048x256xf32, #tpu.memory_space<hbm>> -> memref<42048x256xf32, #tpu.memory_space<hbm>>
      tpu.enqueue_indirect_dma source(%dma_start3A_315 : memref<42048x256xf32, #tpu.memory_space<hbm>>) target(%arg8 : memref<128x256xf32, #tpu.memory_space<vmem>>) offsets(%dma_start3A_312 : memref<128xi32, #tpu.memory_space<vmem>>) semaphore(%arg11 : memref<!tpu.dma_semaphore, #tpu.memory_space<semaphore_mem>>)
    } else {
    }
    %gt3A_77 = arith.constant 4 : i32
    %gt3A_78 = arith.cmpi sgt, %select_n3A_12, %gt3A_77 : i32
    %convert_element_type3A_79 = arith.extui %gt3A_78 : i1 to i32
    %cond3A_80 = arith.constant 0 : i32
    %cond3A_81 = arith.cmpi ne, %convert_element_type3A_79, %cond3A_80 : i32
    scf.if %cond3A_81 {
      %dma_wait3A = arith.constant 512 : i32
      %dma_wait3A_312 = tpu.memref_slice %arg5[%dma_wait3A] : memref<2560xi32, #tpu.memory_space<vmem>> -> memref<128xi32, #tpu.memory_space<vmem>>
      %dma_wait3A_313 = arith.constant 0 : i32
      %dma_wait3A_314 = arith.constant 0 : i32
      %dma_wait3A_315 = tpu.memref_slice %arg2[%dma_wait3A_313, %dma_wait3A_314] : memref<42048x256xf32, #tpu.memory_space<hbm>> -> memref<42048x256xf32, #tpu.memory_space<hbm>>
      tpu.wait_indirect_dma semaphore(%arg10 : memref<!tpu.dma_semaphore, #tpu.memory_space<semaphore_mem>>) src(%dma_wait3A_315 : memref<42048x256xf32, #tpu.memory_space<hbm>>) dst(%arg7 : memref<128x256xf32, #tpu.memory_space<vmem>>)
      %add3A_316 = arith.constant 4 : i32
      %add3A_317 = arith.addi %select_n3A, %add3A_316 : i32
      %mul3A_318 = arith.constant 128 : i32
      %mul3A_319 = arith.muli %add3A_317, %mul3A_318 : i32
      %dma_start3A = arith.constant 0 : i32
      %dma_start3A_320 = tpu.memref_slice %arg4[%mul3A_319, %dma_start3A] : memref<80000x256xf32, #tpu.memory_space<hbm>> -> memref<128x256xf32, #tpu.memory_space<hbm>>
      %dma_start3A_321 = arith.constant 0 : i32
      %dma_start3A_322 = tpu.memref_slice %arg4[%mul3A_319, %dma_start3A_321] : memref<80000x256xf32, #tpu.memory_space<hbm>> -> memref<128x256xf32, #tpu.memory_space<hbm>>
      tpu.enqueue_dma source(%arg7 : memref<128x256xf32, #tpu.memory_space<vmem>>) target(%dma_start3A_322 : memref<128x256xf32, #tpu.memory_space<hbm>>) target_semaphore(%arg13 : memref<!tpu.dma_semaphore, #tpu.memory_space<semaphore_mem>>)
    } else {
    }
    %gt3A_82 = arith.constant 3 : i32
    %gt3A_83 = arith.cmpi sgt, %select_n3A_12, %gt3A_82 : i32
    %convert_element_type3A_84 = arith.extui %gt3A_83 : i1 to i32
    %cond3A_85 = arith.constant 0 : i32
    %cond3A_86 = arith.cmpi ne, %convert_element_type3A_84, %cond3A_85 : i32
    scf.if %cond3A_86 {
      %add3A_312 = arith.constant 3 : i32
      %add3A_313 = arith.addi %select_n3A, %add3A_312 : i32
      %mul3A_314 = arith.constant 128 : i32
      %mul3A_315 = arith.muli %add3A_313, %mul3A_314 : i32
      %dma_wait3A = arith.constant 0 : i32
      %dma_wait3A_316 = tpu.memref_slice %arg4[%mul3A_315, %dma_wait3A] : memref<80000x256xf32, #tpu.memory_space<hbm>> -> memref<128x256xf32, #tpu.memory_space<hbm>>
      %dma_wait3A_317 = arith.constant 0 : i32
      %dma_wait3A_318 = tpu.memref_slice %arg4[%mul3A_315, %dma_wait3A_317] : memref<80000x256xf32, #tpu.memory_space<hbm>> -> memref<128x256xf32, #tpu.memory_space<hbm>>
      tpu.wait_dma2 semaphore(%arg12 : memref<!tpu.dma_semaphore, #tpu.memory_space<semaphore_mem>>) src(%arg6 : memref<128x256xf32, #tpu.memory_space<vmem>>) dst(%dma_wait3A_318 : memref<128x256xf32, #tpu.memory_space<hbm>>)
    } else {
    }
    %gt3A_87 = arith.constant 6 : i32
    %gt3A_88 = arith.cmpi sgt, %select_n3A_12, %gt3A_87 : i32
    %convert_element_type3A_89 = arith.extui %gt3A_88 : i1 to i32
    %cond3A_90 = arith.constant 0 : i32
    %cond3A_91 = arith.cmpi ne, %convert_element_type3A_89, %cond3A_90 : i32
    scf.if %cond3A_91 {
      %dma_start3A = arith.constant 768 : i32
      %dma_start3A_312 = tpu.memref_slice %arg5[%dma_start3A] : memref<2560xi32, #tpu.memory_space<vmem>> -> memref<128xi32, #tpu.memory_space<vmem>>
      %dma_start3A_313 = arith.constant 0 : i32
      %dma_start3A_314 = arith.constant 0 : i32
      %dma_start3A_315 = tpu.memref_slice %arg2[%dma_start3A_313, %dma_start3A_314] : memref<42048x256xf32, #tpu.memory_space<hbm>> -> memref<42048x256xf32, #tpu.memory_space<hbm>>
      tpu.enqueue_indirect_dma source(%dma_start3A_315 : memref<42048x256xf32, #tpu.memory_space<hbm>>) target(%arg6 : memref<128x256xf32, #tpu.memory_space<vmem>>) offsets(%dma_start3A_312 : memref<128xi32, #tpu.memory_space<vmem>>) semaphore(%arg9 : memref<!tpu.dma_semaphore, #tpu.memory_space<semaphore_mem>>)
    } else {
    }
    %gt3A_92 = arith.constant 5 : i32
    %gt3A_93 = arith.cmpi sgt, %select_n3A_12, %gt3A_92 : i32
    %convert_element_type3A_94 = arith.extui %gt3A_93 : i1 to i32
    %cond3A_95 = arith.constant 0 : i32
    %cond3A_96 = arith.cmpi ne, %convert_element_type3A_94, %cond3A_95 : i32
    scf.if %cond3A_96 {
      %dma_wait3A = arith.constant 640 : i32
      %dma_wait3A_312 = tpu.memref_slice %arg5[%dma_wait3A] : memref<2560xi32, #tpu.memory_space<vmem>> -> memref<128xi32, #tpu.memory_space<vmem>>
      %dma_wait3A_313 = arith.constant 0 : i32
      %dma_wait3A_314 = arith.constant 0 : i32
      %dma_wait3A_315 = tpu.memref_slice %arg2[%dma_wait3A_313, %dma_wait3A_314] : memref<42048x256xf32, #tpu.memory_space<hbm>> -> memref<42048x256xf32, #tpu.memory_space<hbm>>
      tpu.wait_indirect_dma semaphore(%arg11 : memref<!tpu.dma_semaphore, #tpu.memory_space<semaphore_mem>>) src(%dma_wait3A_315 : memref<42048x256xf32, #tpu.memory_space<hbm>>) dst(%arg8 : memref<128x256xf32, #tpu.memory_space<vmem>>)
      %add3A_316 = arith.constant 5 : i32
      %add3A_317 = arith.addi %select_n3A, %add3A_316 : i32
      %mul3A_318 = arith.constant 128 : i32
      %mul3A_319 = arith.muli %add3A_317, %mul3A_318 : i32
      %dma_start3A = arith.constant 0 : i32
      %dma_start3A_320 = tpu.memref_slice %arg4[%mul3A_319, %dma_start3A] : memref<80000x256xf32, #tpu.memory_space<hbm>> -> memref<128x256xf32, #tpu.memory_space<hbm>>
      %dma_start3A_321 = arith.constant 0 : i32
      %dma_start3A_322 = tpu.memref_slice %arg4[%mul3A_319, %dma_start3A_321] : memref<80000x256xf32, #tpu.memory_space<hbm>> -> memref<128x256xf32, #tpu.memory_space<hbm>>
      tpu.enqueue_dma source(%arg8 : memref<128x256xf32, #tpu.memory_space<vmem>>) target(%dma_start3A_322 : memref<128x256xf32, #tpu.memory_space<hbm>>) target_semaphore(%arg14 : memref<!tpu.dma_semaphore, #tpu.memory_space<semaphore_mem>>)
    } else {
    }
    %gt3A_97 = arith.constant 4 : i32
    %gt3A_98 = arith.cmpi sgt, %select_n3A_12, %gt3A_97 : i32
    %convert_element_type3A_99 = arith.extui %gt3A_98 : i1 to i32
    %cond3A_100 = arith.constant 0 : i32
    %cond3A_101 = arith.cmpi ne, %convert_element_type3A_99, %cond3A_100 : i32
    scf.if %cond3A_101 {
      %add3A_312 = arith.constant 4 : i32
      %add3A_313 = arith.addi %select_n3A, %add3A_312 : i32
      %mul3A_314 = arith.constant 128 : i32
      %mul3A_315 = arith.muli %add3A_313, %mul3A_314 : i32
      %dma_wait3A = arith.constant 0 : i32
      %dma_wait3A_316 = tpu.memref_slice %arg4[%mul3A_315, %dma_wait3A] : memref<80000x256xf32, #tpu.memory_space<hbm>> -> memref<128x256xf32, #tpu.memory_space<hbm>>
      %dma_wait3A_317 = arith.constant 0 : i32
      %dma_wait3A_318 = tpu.memref_slice %arg4[%mul3A_315, %dma_wait3A_317] : memref<80000x256xf32, #tpu.memory_space<hbm>> -> memref<128x256xf32, #tpu.memory_space<hbm>>
      tpu.wait_dma2 semaphore(%arg13 : memref<!tpu.dma_semaphore, #tpu.memory_space<semaphore_mem>>) src(%arg7 : memref<128x256xf32, #tpu.memory_space<vmem>>) dst(%dma_wait3A_318 : memref<128x256xf32, #tpu.memory_space<hbm>>)
    } else {
    }
    %gt3A_102 = arith.constant 7 : i32
    %gt3A_103 = arith.cmpi sgt, %select_n3A_12, %gt3A_102 : i32
    %convert_element_type3A_104 = arith.extui %gt3A_103 : i1 to i32
    %cond3A_105 = arith.constant 0 : i32
    %cond3A_106 = arith.cmpi ne, %convert_element_type3A_104, %cond3A_105 : i32
    scf.if %cond3A_106 {
      %dma_start3A = arith.constant 896 : i32
      %dma_start3A_312 = tpu.memref_slice %arg5[%dma_start3A] : memref<2560xi32, #tpu.memory_space<vmem>> -> memref<128xi32, #tpu.memory_space<vmem>>
      %dma_start3A_313 = arith.constant 0 : i32
      %dma_start3A_314 = arith.constant 0 : i32
      %dma_start3A_315 = tpu.memref_slice %arg2[%dma_start3A_313, %dma_start3A_314] : memref<42048x256xf32, #tpu.memory_space<hbm>> -> memref<42048x256xf32, #tpu.memory_space<hbm>>
      tpu.enqueue_indirect_dma source(%dma_start3A_315 : memref<42048x256xf32, #tpu.memory_space<hbm>>) target(%arg7 : memref<128x256xf32, #tpu.memory_space<vmem>>) offsets(%dma_start3A_312 : memref<128xi32, #tpu.memory_space<vmem>>) semaphore(%arg10 : memref<!tpu.dma_semaphore, #tpu.memory_space<semaphore_mem>>)
    } else {
    }
    %gt3A_107 = arith.constant 6 : i32
    %gt3A_108 = arith.cmpi sgt, %select_n3A_12, %gt3A_107 : i32
    %convert_element_type3A_109 = arith.extui %gt3A_108 : i1 to i32
    %cond3A_110 = arith.constant 0 : i32
    %cond3A_111 = arith.cmpi ne, %convert_element_type3A_109, %cond3A_110 : i32
    scf.if %cond3A_111 {
      %dma_wait3A = arith.constant 768 : i32
      %dma_wait3A_312 = tpu.memref_slice %arg5[%dma_wait3A] : memref<2560xi32, #tpu.memory_space<vmem>> -> memref<128xi32, #tpu.memory_space<vmem>>
      %dma_wait3A_313 = arith.constant 0 : i32
      %dma_wait3A_314 = arith.constant 0 : i32
      %dma_wait3A_315 = tpu.memref_slice %arg2[%dma_wait3A_313, %dma_wait3A_314] : memref<42048x256xf32, #tpu.memory_space<hbm>> -> memref<42048x256xf32, #tpu.memory_space<hbm>>
      tpu.wait_indirect_dma semaphore(%arg9 : memref<!tpu.dma_semaphore, #tpu.memory_space<semaphore_mem>>) src(%dma_wait3A_315 : memref<42048x256xf32, #tpu.memory_space<hbm>>) dst(%arg6 : memref<128x256xf32, #tpu.memory_space<vmem>>)
      %add3A_316 = arith.constant 6 : i32
      %add3A_317 = arith.addi %select_n3A, %add3A_316 : i32
      %mul3A_318 = arith.constant 128 : i32
      %mul3A_319 = arith.muli %add3A_317, %mul3A_318 : i32
      %dma_start3A = arith.constant 0 : i32
      %dma_start3A_320 = tpu.memref_slice %arg4[%mul3A_319, %dma_start3A] : memref<80000x256xf32, #tpu.memory_space<hbm>> -> memref<128x256xf32, #tpu.memory_space<hbm>>
      %dma_start3A_321 = arith.constant 0 : i32
      %dma_start3A_322 = tpu.memref_slice %arg4[%mul3A_319, %dma_start3A_321] : memref<80000x256xf32, #tpu.memory_space<hbm>> -> memref<128x256xf32, #tpu.memory_space<hbm>>
      tpu.enqueue_dma source(%arg6 : memref<128x256xf32, #tpu.memory_space<vmem>>) target(%dma_start3A_322 : memref<128x256xf32, #tpu.memory_space<hbm>>) target_semaphore(%arg12 : memref<!tpu.dma_semaphore, #tpu.memory_space<semaphore_mem>>)
    } else {
    }
    %gt3A_112 = arith.constant 5 : i32
    %gt3A_113 = arith.cmpi sgt, %select_n3A_12, %gt3A_112 : i32
    %convert_element_type3A_114 = arith.extui %gt3A_113 : i1 to i32
    %cond3A_115 = arith.constant 0 : i32
    %cond3A_116 = arith.cmpi ne, %convert_element_type3A_114, %cond3A_115 : i32
    scf.if %cond3A_116 {
      %add3A_312 = arith.constant 5 : i32
      %add3A_313 = arith.addi %select_n3A, %add3A_312 : i32
      %mul3A_314 = arith.constant 128 : i32
      %mul3A_315 = arith.muli %add3A_313, %mul3A_314 : i32
      %dma_wait3A = arith.constant 0 : i32
      %dma_wait3A_316 = tpu.memref_slice %arg4[%mul3A_315, %dma_wait3A] : memref<80000x256xf32, #tpu.memory_space<hbm>> -> memref<128x256xf32, #tpu.memory_space<hbm>>
      %dma_wait3A_317 = arith.constant 0 : i32
      %dma_wait3A_318 = tpu.memref_slice %arg4[%mul3A_315, %dma_wait3A_317] : memref<80000x256xf32, #tpu.memory_space<hbm>> -> memref<128x256xf32, #tpu.memory_space<hbm>>
      tpu.wait_dma2 semaphore(%arg14 : memref<!tpu.dma_semaphore, #tpu.memory_space<semaphore_mem>>) src(%arg8 : memref<128x256xf32, #tpu.memory_space<vmem>>) dst(%dma_wait3A_318 : memref<128x256xf32, #tpu.memory_space<hbm>>)
    } else {
    }
    %gt3A_117 = arith.constant 8 : i32
    %gt3A_118 = arith.cmpi sgt, %select_n3A_12, %gt3A_117 : i32
    %convert_element_type3A_119 = arith.extui %gt3A_118 : i1 to i32
    %cond3A_120 = arith.constant 0 : i32
    %cond3A_121 = arith.cmpi ne, %convert_element_type3A_119, %cond3A_120 : i32
    scf.if %cond3A_121 {
      %dma_start3A = arith.constant 1024 : i32
      %dma_start3A_312 = tpu.memref_slice %arg5[%dma_start3A] : memref<2560xi32, #tpu.memory_space<vmem>> -> memref<128xi32, #tpu.memory_space<vmem>>
      %dma_start3A_313 = arith.constant 0 : i32
      %dma_start3A_314 = arith.constant 0 : i32
      %dma_start3A_315 = tpu.memref_slice %arg2[%dma_start3A_313, %dma_start3A_314] : memref<42048x256xf32, #tpu.memory_space<hbm>> -> memref<42048x256xf32, #tpu.memory_space<hbm>>
      tpu.enqueue_indirect_dma source(%dma_start3A_315 : memref<42048x256xf32, #tpu.memory_space<hbm>>) target(%arg8 : memref<128x256xf32, #tpu.memory_space<vmem>>) offsets(%dma_start3A_312 : memref<128xi32, #tpu.memory_space<vmem>>) semaphore(%arg11 : memref<!tpu.dma_semaphore, #tpu.memory_space<semaphore_mem>>)
    } else {
    }
    %gt3A_122 = arith.constant 7 : i32
    %gt3A_123 = arith.cmpi sgt, %select_n3A_12, %gt3A_122 : i32
    %convert_element_type3A_124 = arith.extui %gt3A_123 : i1 to i32
    %cond3A_125 = arith.constant 0 : i32
    %cond3A_126 = arith.cmpi ne, %convert_element_type3A_124, %cond3A_125 : i32
    scf.if %cond3A_126 {
      %dma_wait3A = arith.constant 896 : i32
      %dma_wait3A_312 = tpu.memref_slice %arg5[%dma_wait3A] : memref<2560xi32, #tpu.memory_space<vmem>> -> memref<128xi32, #tpu.memory_space<vmem>>
      %dma_wait3A_313 = arith.constant 0 : i32
      %dma_wait3A_314 = arith.constant 0 : i32
      %dma_wait3A_315 = tpu.memref_slice %arg2[%dma_wait3A_313, %dma_wait3A_314] : memref<42048x256xf32, #tpu.memory_space<hbm>> -> memref<42048x256xf32, #tpu.memory_space<hbm>>
      tpu.wait_indirect_dma semaphore(%arg10 : memref<!tpu.dma_semaphore, #tpu.memory_space<semaphore_mem>>) src(%dma_wait3A_315 : memref<42048x256xf32, #tpu.memory_space<hbm>>) dst(%arg7 : memref<128x256xf32, #tpu.memory_space<vmem>>)
      %add3A_316 = arith.constant 7 : i32
      %add3A_317 = arith.addi %select_n3A, %add3A_316 : i32
      %mul3A_318 = arith.constant 128 : i32
      %mul3A_319 = arith.muli %add3A_317, %mul3A_318 : i32
      %dma_start3A = arith.constant 0 : i32
      %dma_start3A_320 = tpu.memref_slice %arg4[%mul3A_319, %dma_start3A] : memref<80000x256xf32, #tpu.memory_space<hbm>> -> memref<128x256xf32, #tpu.memory_space<hbm>>
      %dma_start3A_321 = arith.constant 0 : i32
      %dma_start3A_322 = tpu.memref_slice %arg4[%mul3A_319, %dma_start3A_321] : memref<80000x256xf32, #tpu.memory_space<hbm>> -> memref<128x256xf32, #tpu.memory_space<hbm>>
      tpu.enqueue_dma source(%arg7 : memref<128x256xf32, #tpu.memory_space<vmem>>) target(%dma_start3A_322 : memref<128x256xf32, #tpu.memory_space<hbm>>) target_semaphore(%arg13 : memref<!tpu.dma_semaphore, #tpu.memory_space<semaphore_mem>>)
    } else {
    }
    %gt3A_127 = arith.constant 6 : i32
    %gt3A_128 = arith.cmpi sgt, %select_n3A_12, %gt3A_127 : i32
    %convert_element_type3A_129 = arith.extui %gt3A_128 : i1 to i32
    %cond3A_130 = arith.constant 0 : i32
    %cond3A_131 = arith.cmpi ne, %convert_element_type3A_129, %cond3A_130 : i32
    scf.if %cond3A_131 {
      %add3A_312 = arith.constant 6 : i32
      %add3A_313 = arith.addi %select_n3A, %add3A_312 : i32
      %mul3A_314 = arith.constant 128 : i32
      %mul3A_315 = arith.muli %add3A_313, %mul3A_314 : i32
      %dma_wait3A = arith.constant 0 : i32
      %dma_wait3A_316 = tpu.memref_slice %arg4[%mul3A_315, %dma_wait3A] : memref<80000x256xf32, #tpu.memory_space<hbm>> -> memref<128x256xf32, #tpu.memory_space<hbm>>
      %dma_wait3A_317 = arith.constant 0 : i32
      %dma_wait3A_318 = tpu.memref_slice %arg4[%mul3A_315, %dma_wait3A_317] : memref<80000x256xf32, #tpu.memory_space<hbm>> -> memref<128x256xf32, #tpu.memory_space<hbm>>
      tpu.wait_dma2 semaphore(%arg12 : memref<!tpu.dma_semaphore, #tpu.memory_space<semaphore_mem>>) src(%arg6 : memref<128x256xf32, #tpu.memory_space<vmem>>) dst(%dma_wait3A_318 : memref<128x256xf32, #tpu.memory_space<hbm>>)
    } else {
    }
    %gt3A_132 = arith.constant 9 : i32
    %gt3A_133 = arith.cmpi sgt, %select_n3A_12, %gt3A_132 : i32
    %convert_element_type3A_134 = arith.extui %gt3A_133 : i1 to i32
    %cond3A_135 = arith.constant 0 : i32
    %cond3A_136 = arith.cmpi ne, %convert_element_type3A_134, %cond3A_135 : i32
    scf.if %cond3A_136 {
      %dma_start3A = arith.constant 1152 : i32
      %dma_start3A_312 = tpu.memref_slice %arg5[%dma_start3A] : memref<2560xi32, #tpu.memory_space<vmem>> -> memref<128xi32, #tpu.memory_space<vmem>>
      %dma_start3A_313 = arith.constant 0 : i32
      %dma_start3A_314 = arith.constant 0 : i32
      %dma_start3A_315 = tpu.memref_slice %arg2[%dma_start3A_313, %dma_start3A_314] : memref<42048x256xf32, #tpu.memory_space<hbm>> -> memref<42048x256xf32, #tpu.memory_space<hbm>>
      tpu.enqueue_indirect_dma source(%dma_start3A_315 : memref<42048x256xf32, #tpu.memory_space<hbm>>) target(%arg6 : memref<128x256xf32, #tpu.memory_space<vmem>>) offsets(%dma_start3A_312 : memref<128xi32, #tpu.memory_space<vmem>>) semaphore(%arg9 : memref<!tpu.dma_semaphore, #tpu.memory_space<semaphore_mem>>)
    } else {
    }
    %gt3A_137 = arith.constant 8 : i32
    %gt3A_138 = arith.cmpi sgt, %select_n3A_12, %gt3A_137 : i32
    %convert_element_type3A_139 = arith.extui %gt3A_138 : i1 to i32
    %cond3A_140 = arith.constant 0 : i32
    %cond3A_141 = arith.cmpi ne, %convert_element_type3A_139, %cond3A_140 : i32
    scf.if %cond3A_141 {
      %dma_wait3A = arith.constant 1024 : i32
      %dma_wait3A_312 = tpu.memref_slice %arg5[%dma_wait3A] : memref<2560xi32, #tpu.memory_space<vmem>> -> memref<128xi32, #tpu.memory_space<vmem>>
      %dma_wait3A_313 = arith.constant 0 : i32
      %dma_wait3A_314 = arith.constant 0 : i32
      %dma_wait3A_315 = tpu.memref_slice %arg2[%dma_wait3A_313, %dma_wait3A_314] : memref<42048x256xf32, #tpu.memory_space<hbm>> -> memref<42048x256xf32, #tpu.memory_space<hbm>>
      tpu.wait_indirect_dma semaphore(%arg11 : memref<!tpu.dma_semaphore, #tpu.memory_space<semaphore_mem>>) src(%dma_wait3A_315 : memref<42048x256xf32, #tpu.memory_space<hbm>>) dst(%arg8 : memref<128x256xf32, #tpu.memory_space<vmem>>)
      %add3A_316 = arith.constant 8 : i32
      %add3A_317 = arith.addi %select_n3A, %add3A_316 : i32
      %mul3A_318 = arith.constant 128 : i32
      %mul3A_319 = arith.muli %add3A_317, %mul3A_318 : i32
      %dma_start3A = arith.constant 0 : i32
      %dma_start3A_320 = tpu.memref_slice %arg4[%mul3A_319, %dma_start3A] : memref<80000x256xf32, #tpu.memory_space<hbm>> -> memref<128x256xf32, #tpu.memory_space<hbm>>
      %dma_start3A_321 = arith.constant 0 : i32
      %dma_start3A_322 = tpu.memref_slice %arg4[%mul3A_319, %dma_start3A_321] : memref<80000x256xf32, #tpu.memory_space<hbm>> -> memref<128x256xf32, #tpu.memory_space<hbm>>
      tpu.enqueue_dma source(%arg8 : memref<128x256xf32, #tpu.memory_space<vmem>>) target(%dma_start3A_322 : memref<128x256xf32, #tpu.memory_space<hbm>>) target_semaphore(%arg14 : memref<!tpu.dma_semaphore, #tpu.memory_space<semaphore_mem>>)
    } else {
    }
    %gt3A_142 = arith.constant 7 : i32
    %gt3A_143 = arith.cmpi sgt, %select_n3A_12, %gt3A_142 : i32
    %convert_element_type3A_144 = arith.extui %gt3A_143 : i1 to i32
    %cond3A_145 = arith.constant 0 : i32
    %cond3A_146 = arith.cmpi ne, %convert_element_type3A_144, %cond3A_145 : i32
    scf.if %cond3A_146 {
      %add3A_312 = arith.constant 7 : i32
      %add3A_313 = arith.addi %select_n3A, %add3A_312 : i32
      %mul3A_314 = arith.constant 128 : i32
      %mul3A_315 = arith.muli %add3A_313, %mul3A_314 : i32
      %dma_wait3A = arith.constant 0 : i32
      %dma_wait3A_316 = tpu.memref_slice %arg4[%mul3A_315, %dma_wait3A] : memref<80000x256xf32, #tpu.memory_space<hbm>> -> memref<128x256xf32, #tpu.memory_space<hbm>>
      %dma_wait3A_317 = arith.constant 0 : i32
      %dma_wait3A_318 = tpu.memref_slice %arg4[%mul3A_315, %dma_wait3A_317] : memref<80000x256xf32, #tpu.memory_space<hbm>> -> memref<128x256xf32, #tpu.memory_space<hbm>>
      tpu.wait_dma2 semaphore(%arg13 : memref<!tpu.dma_semaphore, #tpu.memory_space<semaphore_mem>>) src(%arg7 : memref<128x256xf32, #tpu.memory_space<vmem>>) dst(%dma_wait3A_318 : memref<128x256xf32, #tpu.memory_space<hbm>>)
    } else {
    }
    %gt3A_147 = arith.constant 10 : i32
    %gt3A_148 = arith.cmpi sgt, %select_n3A_12, %gt3A_147 : i32
    %convert_element_type3A_149 = arith.extui %gt3A_148 : i1 to i32
    %cond3A_150 = arith.constant 0 : i32
    %cond3A_151 = arith.cmpi ne, %convert_element_type3A_149, %cond3A_150 : i32
    scf.if %cond3A_151 {
      %dma_start3A = arith.constant 1280 : i32
      %dma_start3A_312 = tpu.memref_slice %arg5[%dma_start3A] : memref<2560xi32, #tpu.memory_space<vmem>> -> memref<128xi32, #tpu.memory_space<vmem>>
      %dma_start3A_313 = arith.constant 0 : i32
      %dma_start3A_314 = arith.constant 0 : i32
      %dma_start3A_315 = tpu.memref_slice %arg2[%dma_start3A_313, %dma_start3A_314] : memref<42048x256xf32, #tpu.memory_space<hbm>> -> memref<42048x256xf32, #tpu.memory_space<hbm>>
      tpu.enqueue_indirect_dma source(%dma_start3A_315 : memref<42048x256xf32, #tpu.memory_space<hbm>>) target(%arg7 : memref<128x256xf32, #tpu.memory_space<vmem>>) offsets(%dma_start3A_312 : memref<128xi32, #tpu.memory_space<vmem>>) semaphore(%arg10 : memref<!tpu.dma_semaphore, #tpu.memory_space<semaphore_mem>>)
    } else {
    }
    %gt3A_152 = arith.constant 9 : i32
    %gt3A_153 = arith.cmpi sgt, %select_n3A_12, %gt3A_152 : i32
    %convert_element_type3A_154 = arith.extui %gt3A_153 : i1 to i32
    %cond3A_155 = arith.constant 0 : i32
    %cond3A_156 = arith.cmpi ne, %convert_element_type3A_154, %cond3A_155 : i32
    scf.if %cond3A_156 {
      %dma_wait3A = arith.constant 1152 : i32
      %dma_wait3A_312 = tpu.memref_slice %arg5[%dma_wait3A] : memref<2560xi32, #tpu.memory_space<vmem>> -> memref<128xi32, #tpu.memory_space<vmem>>
      %dma_wait3A_313 = arith.constant 0 : i32
      %dma_wait3A_314 = arith.constant 0 : i32
      %dma_wait3A_315 = tpu.memref_slice %arg2[%dma_wait3A_313, %dma_wait3A_314] : memref<42048x256xf32, #tpu.memory_space<hbm>> -> memref<42048x256xf32, #tpu.memory_space<hbm>>
      tpu.wait_indirect_dma semaphore(%arg9 : memref<!tpu.dma_semaphore, #tpu.memory_space<semaphore_mem>>) src(%dma_wait3A_315 : memref<42048x256xf32, #tpu.memory_space<hbm>>) dst(%arg6 : memref<128x256xf32, #tpu.memory_space<vmem>>)
      %add3A_316 = arith.constant 9 : i32
      %add3A_317 = arith.addi %select_n3A, %add3A_316 : i32
      %mul3A_318 = arith.constant 128 : i32
      %mul3A_319 = arith.muli %add3A_317, %mul3A_318 : i32
      %dma_start3A = arith.constant 0 : i32
      %dma_start3A_320 = tpu.memref_slice %arg4[%mul3A_319, %dma_start3A] : memref<80000x256xf32, #tpu.memory_space<hbm>> -> memref<128x256xf32, #tpu.memory_space<hbm>>
      %dma_start3A_321 = arith.constant 0 : i32
      %dma_start3A_322 = tpu.memref_slice %arg4[%mul3A_319, %dma_start3A_321] : memref<80000x256xf32, #tpu.memory_space<hbm>> -> memref<128x256xf32, #tpu.memory_space<hbm>>
      tpu.enqueue_dma source(%arg6 : memref<128x256xf32, #tpu.memory_space<vmem>>) target(%dma_start3A_322 : memref<128x256xf32, #tpu.memory_space<hbm>>) target_semaphore(%arg12 : memref<!tpu.dma_semaphore, #tpu.memory_space<semaphore_mem>>)
    } else {
    }
    %gt3A_157 = arith.constant 8 : i32
    %gt3A_158 = arith.cmpi sgt, %select_n3A_12, %gt3A_157 : i32
    %convert_element_type3A_159 = arith.extui %gt3A_158 : i1 to i32
    %cond3A_160 = arith.constant 0 : i32
    %cond3A_161 = arith.cmpi ne, %convert_element_type3A_159, %cond3A_160 : i32
    scf.if %cond3A_161 {
      %add3A_312 = arith.constant 8 : i32
      %add3A_313 = arith.addi %select_n3A, %add3A_312 : i32
      %mul3A_314 = arith.constant 128 : i32
      %mul3A_315 = arith.muli %add3A_313, %mul3A_314 : i32
      %dma_wait3A = arith.constant 0 : i32
      %dma_wait3A_316 = tpu.memref_slice %arg4[%mul3A_315, %dma_wait3A] : memref<80000x256xf32, #tpu.memory_space<hbm>> -> memref<128x256xf32, #tpu.memory_space<hbm>>
      %dma_wait3A_317 = arith.constant 0 : i32
      %dma_wait3A_318 = tpu.memref_slice %arg4[%mul3A_315, %dma_wait3A_317] : memref<80000x256xf32, #tpu.memory_space<hbm>> -> memref<128x256xf32, #tpu.memory_space<hbm>>
      tpu.wait_dma2 semaphore(%arg14 : memref<!tpu.dma_semaphore, #tpu.memory_space<semaphore_mem>>) src(%arg8 : memref<128x256xf32, #tpu.memory_space<vmem>>) dst(%dma_wait3A_318 : memref<128x256xf32, #tpu.memory_space<hbm>>)
    } else {
    }
    %gt3A_162 = arith.constant 11 : i32
    %gt3A_163 = arith.cmpi sgt, %select_n3A_12, %gt3A_162 : i32
    %convert_element_type3A_164 = arith.extui %gt3A_163 : i1 to i32
    %cond3A_165 = arith.constant 0 : i32
    %cond3A_166 = arith.cmpi ne, %convert_element_type3A_164, %cond3A_165 : i32
    scf.if %cond3A_166 {
      %dma_start3A = arith.constant 1408 : i32
      %dma_start3A_312 = tpu.memref_slice %arg5[%dma_start3A] : memref<2560xi32, #tpu.memory_space<vmem>> -> memref<128xi32, #tpu.memory_space<vmem>>
      %dma_start3A_313 = arith.constant 0 : i32
      %dma_start3A_314 = arith.constant 0 : i32
      %dma_start3A_315 = tpu.memref_slice %arg2[%dma_start3A_313, %dma_start3A_314] : memref<42048x256xf32, #tpu.memory_space<hbm>> -> memref<42048x256xf32, #tpu.memory_space<hbm>>
      tpu.enqueue_indirect_dma source(%dma_start3A_315 : memref<42048x256xf32, #tpu.memory_space<hbm>>) target(%arg8 : memref<128x256xf32, #tpu.memory_space<vmem>>) offsets(%dma_start3A_312 : memref<128xi32, #tpu.memory_space<vmem>>) semaphore(%arg11 : memref<!tpu.dma_semaphore, #tpu.memory_space<semaphore_mem>>)
    } else {
    }
    %gt3A_167 = arith.constant 10 : i32
    %gt3A_168 = arith.cmpi sgt, %select_n3A_12, %gt3A_167 : i32
    %convert_element_type3A_169 = arith.extui %gt3A_168 : i1 to i32
    %cond3A_170 = arith.constant 0 : i32
    %cond3A_171 = arith.cmpi ne, %convert_element_type3A_169, %cond3A_170 : i32
    scf.if %cond3A_171 {
      %dma_wait3A = arith.constant 1280 : i32
      %dma_wait3A_312 = tpu.memref_slice %arg5[%dma_wait3A] : memref<2560xi32, #tpu.memory_space<vmem>> -> memref<128xi32, #tpu.memory_space<vmem>>
      %dma_wait3A_313 = arith.constant 0 : i32
      %dma_wait3A_314 = arith.constant 0 : i32
      %dma_wait3A_315 = tpu.memref_slice %arg2[%dma_wait3A_313, %dma_wait3A_314] : memref<42048x256xf32, #tpu.memory_space<hbm>> -> memref<42048x256xf32, #tpu.memory_space<hbm>>
      tpu.wait_indirect_dma semaphore(%arg10 : memref<!tpu.dma_semaphore, #tpu.memory_space<semaphore_mem>>) src(%dma_wait3A_315 : memref<42048x256xf32, #tpu.memory_space<hbm>>) dst(%arg7 : memref<128x256xf32, #tpu.memory_space<vmem>>)
      %add3A_316 = arith.constant 10 : i32
      %add3A_317 = arith.addi %select_n3A, %add3A_316 : i32
      %mul3A_318 = arith.constant 128 : i32
      %mul3A_319 = arith.muli %add3A_317, %mul3A_318 : i32
      %dma_start3A = arith.constant 0 : i32
      %dma_start3A_320 = tpu.memref_slice %arg4[%mul3A_319, %dma_start3A] : memref<80000x256xf32, #tpu.memory_space<hbm>> -> memref<128x256xf32, #tpu.memory_space<hbm>>
      %dma_start3A_321 = arith.constant 0 : i32
      %dma_start3A_322 = tpu.memref_slice %arg4[%mul3A_319, %dma_start3A_321] : memref<80000x256xf32, #tpu.memory_space<hbm>> -> memref<128x256xf32, #tpu.memory_space<hbm>>
      tpu.enqueue_dma source(%arg7 : memref<128x256xf32, #tpu.memory_space<vmem>>) target(%dma_start3A_322 : memref<128x256xf32, #tpu.memory_space<hbm>>) target_semaphore(%arg13 : memref<!tpu.dma_semaphore, #tpu.memory_space<semaphore_mem>>)
    } else {
    }
    %gt3A_172 = arith.constant 9 : i32
    %gt3A_173 = arith.cmpi sgt, %select_n3A_12, %gt3A_172 : i32
    %convert_element_type3A_174 = arith.extui %gt3A_173 : i1 to i32
    %cond3A_175 = arith.constant 0 : i32
    %cond3A_176 = arith.cmpi ne, %convert_element_type3A_174, %cond3A_175 : i32
    scf.if %cond3A_176 {
      %add3A_312 = arith.constant 9 : i32
      %add3A_313 = arith.addi %select_n3A, %add3A_312 : i32
      %mul3A_314 = arith.constant 128 : i32
      %mul3A_315 = arith.muli %add3A_313, %mul3A_314 : i32
      %dma_wait3A = arith.constant 0 : i32
      %dma_wait3A_316 = tpu.memref_slice %arg4[%mul3A_315, %dma_wait3A] : memref<80000x256xf32, #tpu.memory_space<hbm>> -> memref<128x256xf32, #tpu.memory_space<hbm>>
      %dma_wait3A_317 = arith.constant 0 : i32
      %dma_wait3A_318 = tpu.memref_slice %arg4[%mul3A_315, %dma_wait3A_317] : memref<80000x256xf32, #tpu.memory_space<hbm>> -> memref<128x256xf32, #tpu.memory_space<hbm>>
      tpu.wait_dma2 semaphore(%arg12 : memref<!tpu.dma_semaphore, #tpu.memory_space<semaphore_mem>>) src(%arg6 : memref<128x256xf32, #tpu.memory_space<vmem>>) dst(%dma_wait3A_318 : memref<128x256xf32, #tpu.memory_space<hbm>>)
    } else {
    }
    %gt3A_177 = arith.constant 12 : i32
    %gt3A_178 = arith.cmpi sgt, %select_n3A_12, %gt3A_177 : i32
    %convert_element_type3A_179 = arith.extui %gt3A_178 : i1 to i32
    %cond3A_180 = arith.constant 0 : i32
    %cond3A_181 = arith.cmpi ne, %convert_element_type3A_179, %cond3A_180 : i32
    scf.if %cond3A_181 {
      %dma_start3A = arith.constant 1536 : i32
      %dma_start3A_312 = tpu.memref_slice %arg5[%dma_start3A] : memref<2560xi32, #tpu.memory_space<vmem>> -> memref<128xi32, #tpu.memory_space<vmem>>
      %dma_start3A_313 = arith.constant 0 : i32
      %dma_start3A_314 = arith.constant 0 : i32
      %dma_start3A_315 = tpu.memref_slice %arg2[%dma_start3A_313, %dma_start3A_314] : memref<42048x256xf32, #tpu.memory_space<hbm>> -> memref<42048x256xf32, #tpu.memory_space<hbm>>
      tpu.enqueue_indirect_dma source(%dma_start3A_315 : memref<42048x256xf32, #tpu.memory_space<hbm>>) target(%arg6 : memref<128x256xf32, #tpu.memory_space<vmem>>) offsets(%dma_start3A_312 : memref<128xi32, #tpu.memory_space<vmem>>) semaphore(%arg9 : memref<!tpu.dma_semaphore, #tpu.memory_space<semaphore_mem>>)
    } else {
    }
    %gt3A_182 = arith.constant 11 : i32
    %gt3A_183 = arith.cmpi sgt, %select_n3A_12, %gt3A_182 : i32
    %convert_element_type3A_184 = arith.extui %gt3A_183 : i1 to i32
    %cond3A_185 = arith.constant 0 : i32
    %cond3A_186 = arith.cmpi ne, %convert_element_type3A_184, %cond3A_185 : i32
    scf.if %cond3A_186 {
      %dma_wait3A = arith.constant 1408 : i32
      %dma_wait3A_312 = tpu.memref_slice %arg5[%dma_wait3A] : memref<2560xi32, #tpu.memory_space<vmem>> -> memref<128xi32, #tpu.memory_space<vmem>>
      %dma_wait3A_313 = arith.constant 0 : i32
      %dma_wait3A_314 = arith.constant 0 : i32
      %dma_wait3A_315 = tpu.memref_slice %arg2[%dma_wait3A_313, %dma_wait3A_314] : memref<42048x256xf32, #tpu.memory_space<hbm>> -> memref<42048x256xf32, #tpu.memory_space<hbm>>
      tpu.wait_indirect_dma semaphore(%arg11 : memref<!tpu.dma_semaphore, #tpu.memory_space<semaphore_mem>>) src(%dma_wait3A_315 : memref<42048x256xf32, #tpu.memory_space<hbm>>) dst(%arg8 : memref<128x256xf32, #tpu.memory_space<vmem>>)
      %add3A_316 = arith.constant 11 : i32
      %add3A_317 = arith.addi %select_n3A, %add3A_316 : i32
      %mul3A_318 = arith.constant 128 : i32
      %mul3A_319 = arith.muli %add3A_317, %mul3A_318 : i32
      %dma_start3A = arith.constant 0 : i32
      %dma_start3A_320 = tpu.memref_slice %arg4[%mul3A_319, %dma_start3A] : memref<80000x256xf32, #tpu.memory_space<hbm>> -> memref<128x256xf32, #tpu.memory_space<hbm>>
      %dma_start3A_321 = arith.constant 0 : i32
      %dma_start3A_322 = tpu.memref_slice %arg4[%mul3A_319, %dma_start3A_321] : memref<80000x256xf32, #tpu.memory_space<hbm>> -> memref<128x256xf32, #tpu.memory_space<hbm>>
      tpu.enqueue_dma source(%arg8 : memref<128x256xf32, #tpu.memory_space<vmem>>) target(%dma_start3A_322 : memref<128x256xf32, #tpu.memory_space<hbm>>) target_semaphore(%arg14 : memref<!tpu.dma_semaphore, #tpu.memory_space<semaphore_mem>>)
    } else {
    }
    %gt3A_187 = arith.constant 10 : i32
    %gt3A_188 = arith.cmpi sgt, %select_n3A_12, %gt3A_187 : i32
    %convert_element_type3A_189 = arith.extui %gt3A_188 : i1 to i32
    %cond3A_190 = arith.constant 0 : i32
    %cond3A_191 = arith.cmpi ne, %convert_element_type3A_189, %cond3A_190 : i32
    scf.if %cond3A_191 {
      %add3A_312 = arith.constant 10 : i32
      %add3A_313 = arith.addi %select_n3A, %add3A_312 : i32
      %mul3A_314 = arith.constant 128 : i32
      %mul3A_315 = arith.muli %add3A_313, %mul3A_314 : i32
      %dma_wait3A = arith.constant 0 : i32
      %dma_wait3A_316 = tpu.memref_slice %arg4[%mul3A_315, %dma_wait3A] : memref<80000x256xf32, #tpu.memory_space<hbm>> -> memref<128x256xf32, #tpu.memory_space<hbm>>
      %dma_wait3A_317 = arith.constant 0 : i32
      %dma_wait3A_318 = tpu.memref_slice %arg4[%mul3A_315, %dma_wait3A_317] : memref<80000x256xf32, #tpu.memory_space<hbm>> -> memref<128x256xf32, #tpu.memory_space<hbm>>
      tpu.wait_dma2 semaphore(%arg13 : memref<!tpu.dma_semaphore, #tpu.memory_space<semaphore_mem>>) src(%arg7 : memref<128x256xf32, #tpu.memory_space<vmem>>) dst(%dma_wait3A_318 : memref<128x256xf32, #tpu.memory_space<hbm>>)
    } else {
    }
    %gt3A_192 = arith.constant 13 : i32
    %gt3A_193 = arith.cmpi sgt, %select_n3A_12, %gt3A_192 : i32
    %convert_element_type3A_194 = arith.extui %gt3A_193 : i1 to i32
    %cond3A_195 = arith.constant 0 : i32
    %cond3A_196 = arith.cmpi ne, %convert_element_type3A_194, %cond3A_195 : i32
    scf.if %cond3A_196 {
      %dma_start3A = arith.constant 1664 : i32
      %dma_start3A_312 = tpu.memref_slice %arg5[%dma_start3A] : memref<2560xi32, #tpu.memory_space<vmem>> -> memref<128xi32, #tpu.memory_space<vmem>>
      %dma_start3A_313 = arith.constant 0 : i32
      %dma_start3A_314 = arith.constant 0 : i32
      %dma_start3A_315 = tpu.memref_slice %arg2[%dma_start3A_313, %dma_start3A_314] : memref<42048x256xf32, #tpu.memory_space<hbm>> -> memref<42048x256xf32, #tpu.memory_space<hbm>>
      tpu.enqueue_indirect_dma source(%dma_start3A_315 : memref<42048x256xf32, #tpu.memory_space<hbm>>) target(%arg7 : memref<128x256xf32, #tpu.memory_space<vmem>>) offsets(%dma_start3A_312 : memref<128xi32, #tpu.memory_space<vmem>>) semaphore(%arg10 : memref<!tpu.dma_semaphore, #tpu.memory_space<semaphore_mem>>)
    } else {
    }
    %gt3A_197 = arith.constant 12 : i32
    %gt3A_198 = arith.cmpi sgt, %select_n3A_12, %gt3A_197 : i32
    %convert_element_type3A_199 = arith.extui %gt3A_198 : i1 to i32
    %cond3A_200 = arith.constant 0 : i32
    %cond3A_201 = arith.cmpi ne, %convert_element_type3A_199, %cond3A_200 : i32
    scf.if %cond3A_201 {
      %dma_wait3A = arith.constant 1536 : i32
      %dma_wait3A_312 = tpu.memref_slice %arg5[%dma_wait3A] : memref<2560xi32, #tpu.memory_space<vmem>> -> memref<128xi32, #tpu.memory_space<vmem>>
      %dma_wait3A_313 = arith.constant 0 : i32
      %dma_wait3A_314 = arith.constant 0 : i32
      %dma_wait3A_315 = tpu.memref_slice %arg2[%dma_wait3A_313, %dma_wait3A_314] : memref<42048x256xf32, #tpu.memory_space<hbm>> -> memref<42048x256xf32, #tpu.memory_space<hbm>>
      tpu.wait_indirect_dma semaphore(%arg9 : memref<!tpu.dma_semaphore, #tpu.memory_space<semaphore_mem>>) src(%dma_wait3A_315 : memref<42048x256xf32, #tpu.memory_space<hbm>>) dst(%arg6 : memref<128x256xf32, #tpu.memory_space<vmem>>)
      %add3A_316 = arith.constant 12 : i32
      %add3A_317 = arith.addi %select_n3A, %add3A_316 : i32
      %mul3A_318 = arith.constant 128 : i32
      %mul3A_319 = arith.muli %add3A_317, %mul3A_318 : i32
      %dma_start3A = arith.constant 0 : i32
      %dma_start3A_320 = tpu.memref_slice %arg4[%mul3A_319, %dma_start3A] : memref<80000x256xf32, #tpu.memory_space<hbm>> -> memref<128x256xf32, #tpu.memory_space<hbm>>
      %dma_start3A_321 = arith.constant 0 : i32
      %dma_start3A_322 = tpu.memref_slice %arg4[%mul3A_319, %dma_start3A_321] : memref<80000x256xf32, #tpu.memory_space<hbm>> -> memref<128x256xf32, #tpu.memory_space<hbm>>
      tpu.enqueue_dma source(%arg6 : memref<128x256xf32, #tpu.memory_space<vmem>>) target(%dma_start3A_322 : memref<128x256xf32, #tpu.memory_space<hbm>>) target_semaphore(%arg12 : memref<!tpu.dma_semaphore, #tpu.memory_space<semaphore_mem>>)
    } else {
    }
    %gt3A_202 = arith.constant 11 : i32
    %gt3A_203 = arith.cmpi sgt, %select_n3A_12, %gt3A_202 : i32
    %convert_element_type3A_204 = arith.extui %gt3A_203 : i1 to i32
    %cond3A_205 = arith.constant 0 : i32
    %cond3A_206 = arith.cmpi ne, %convert_element_type3A_204, %cond3A_205 : i32
    scf.if %cond3A_206 {
      %add3A_312 = arith.constant 11 : i32
      %add3A_313 = arith.addi %select_n3A, %add3A_312 : i32
      %mul3A_314 = arith.constant 128 : i32
      %mul3A_315 = arith.muli %add3A_313, %mul3A_314 : i32
      %dma_wait3A = arith.constant 0 : i32
      %dma_wait3A_316 = tpu.memref_slice %arg4[%mul3A_315, %dma_wait3A] : memref<80000x256xf32, #tpu.memory_space<hbm>> -> memref<128x256xf32, #tpu.memory_space<hbm>>
      %dma_wait3A_317 = arith.constant 0 : i32
      %dma_wait3A_318 = tpu.memref_slice %arg4[%mul3A_315, %dma_wait3A_317] : memref<80000x256xf32, #tpu.memory_space<hbm>> -> memref<128x256xf32, #tpu.memory_space<hbm>>
      tpu.wait_dma2 semaphore(%arg14 : memref<!tpu.dma_semaphore, #tpu.memory_space<semaphore_mem>>) src(%arg8 : memref<128x256xf32, #tpu.memory_space<vmem>>) dst(%dma_wait3A_318 : memref<128x256xf32, #tpu.memory_space<hbm>>)
    } else {
    }
    %gt3A_207 = arith.constant 14 : i32
    %gt3A_208 = arith.cmpi sgt, %select_n3A_12, %gt3A_207 : i32
    %convert_element_type3A_209 = arith.extui %gt3A_208 : i1 to i32
    %cond3A_210 = arith.constant 0 : i32
    %cond3A_211 = arith.cmpi ne, %convert_element_type3A_209, %cond3A_210 : i32
    scf.if %cond3A_211 {
      %dma_start3A = arith.constant 1792 : i32
      %dma_start3A_312 = tpu.memref_slice %arg5[%dma_start3A] : memref<2560xi32, #tpu.memory_space<vmem>> -> memref<128xi32, #tpu.memory_space<vmem>>
      %dma_start3A_313 = arith.constant 0 : i32
      %dma_start3A_314 = arith.constant 0 : i32
      %dma_start3A_315 = tpu.memref_slice %arg2[%dma_start3A_313, %dma_start3A_314] : memref<42048x256xf32, #tpu.memory_space<hbm>> -> memref<42048x256xf32, #tpu.memory_space<hbm>>
      tpu.enqueue_indirect_dma source(%dma_start3A_315 : memref<42048x256xf32, #tpu.memory_space<hbm>>) target(%arg8 : memref<128x256xf32, #tpu.memory_space<vmem>>) offsets(%dma_start3A_312 : memref<128xi32, #tpu.memory_space<vmem>>) semaphore(%arg11 : memref<!tpu.dma_semaphore, #tpu.memory_space<semaphore_mem>>)
    } else {
    }
    %gt3A_212 = arith.constant 13 : i32
    %gt3A_213 = arith.cmpi sgt, %select_n3A_12, %gt3A_212 : i32
    %convert_element_type3A_214 = arith.extui %gt3A_213 : i1 to i32
    %cond3A_215 = arith.constant 0 : i32
    %cond3A_216 = arith.cmpi ne, %convert_element_type3A_214, %cond3A_215 : i32
    scf.if %cond3A_216 {
      %dma_wait3A = arith.constant 1664 : i32
      %dma_wait3A_312 = tpu.memref_slice %arg5[%dma_wait3A] : memref<2560xi32, #tpu.memory_space<vmem>> -> memref<128xi32, #tpu.memory_space<vmem>>
      %dma_wait3A_313 = arith.constant 0 : i32
      %dma_wait3A_314 = arith.constant 0 : i32
      %dma_wait3A_315 = tpu.memref_slice %arg2[%dma_wait3A_313, %dma_wait3A_314] : memref<42048x256xf32, #tpu.memory_space<hbm>> -> memref<42048x256xf32, #tpu.memory_space<hbm>>
      tpu.wait_indirect_dma semaphore(%arg10 : memref<!tpu.dma_semaphore, #tpu.memory_space<semaphore_mem>>) src(%dma_wait3A_315 : memref<42048x256xf32, #tpu.memory_space<hbm>>) dst(%arg7 : memref<128x256xf32, #tpu.memory_space<vmem>>)
      %add3A_316 = arith.constant 13 : i32
      %add3A_317 = arith.addi %select_n3A, %add3A_316 : i32
      %mul3A_318 = arith.constant 128 : i32
      %mul3A_319 = arith.muli %add3A_317, %mul3A_318 : i32
      %dma_start3A = arith.constant 0 : i32
      %dma_start3A_320 = tpu.memref_slice %arg4[%mul3A_319, %dma_start3A] : memref<80000x256xf32, #tpu.memory_space<hbm>> -> memref<128x256xf32, #tpu.memory_space<hbm>>
      %dma_start3A_321 = arith.constant 0 : i32
      %dma_start3A_322 = tpu.memref_slice %arg4[%mul3A_319, %dma_start3A_321] : memref<80000x256xf32, #tpu.memory_space<hbm>> -> memref<128x256xf32, #tpu.memory_space<hbm>>
      tpu.enqueue_dma source(%arg7 : memref<128x256xf32, #tpu.memory_space<vmem>>) target(%dma_start3A_322 : memref<128x256xf32, #tpu.memory_space<hbm>>) target_semaphore(%arg13 : memref<!tpu.dma_semaphore, #tpu.memory_space<semaphore_mem>>)
    } else {
    }
    %gt3A_217 = arith.constant 12 : i32
    %gt3A_218 = arith.cmpi sgt, %select_n3A_12, %gt3A_217 : i32
    %convert_element_type3A_219 = arith.extui %gt3A_218 : i1 to i32
    %cond3A_220 = arith.constant 0 : i32
    %cond3A_221 = arith.cmpi ne, %convert_element_type3A_219, %cond3A_220 : i32
    scf.if %cond3A_221 {
      %add3A_312 = arith.constant 12 : i32
      %add3A_313 = arith.addi %select_n3A, %add3A_312 : i32
      %mul3A_314 = arith.constant 128 : i32
      %mul3A_315 = arith.muli %add3A_313, %mul3A_314 : i32
      %dma_wait3A = arith.constant 0 : i32
      %dma_wait3A_316 = tpu.memref_slice %arg4[%mul3A_315, %dma_wait3A] : memref<80000x256xf32, #tpu.memory_space<hbm>> -> memref<128x256xf32, #tpu.memory_space<hbm>>
      %dma_wait3A_317 = arith.constant 0 : i32
      %dma_wait3A_318 = tpu.memref_slice %arg4[%mul3A_315, %dma_wait3A_317] : memref<80000x256xf32, #tpu.memory_space<hbm>> -> memref<128x256xf32, #tpu.memory_space<hbm>>
      tpu.wait_dma2 semaphore(%arg12 : memref<!tpu.dma_semaphore, #tpu.memory_space<semaphore_mem>>) src(%arg6 : memref<128x256xf32, #tpu.memory_space<vmem>>) dst(%dma_wait3A_318 : memref<128x256xf32, #tpu.memory_space<hbm>>)
    } else {
    }
    %gt3A_222 = arith.constant 15 : i32
    %gt3A_223 = arith.cmpi sgt, %select_n3A_12, %gt3A_222 : i32
    %convert_element_type3A_224 = arith.extui %gt3A_223 : i1 to i32
    %cond3A_225 = arith.constant 0 : i32
    %cond3A_226 = arith.cmpi ne, %convert_element_type3A_224, %cond3A_225 : i32
    scf.if %cond3A_226 {
      %dma_start3A = arith.constant 1920 : i32
      %dma_start3A_312 = tpu.memref_slice %arg5[%dma_start3A] : memref<2560xi32, #tpu.memory_space<vmem>> -> memref<128xi32, #tpu.memory_space<vmem>>
      %dma_start3A_313 = arith.constant 0 : i32
      %dma_start3A_314 = arith.constant 0 : i32
      %dma_start3A_315 = tpu.memref_slice %arg2[%dma_start3A_313, %dma_start3A_314] : memref<42048x256xf32, #tpu.memory_space<hbm>> -> memref<42048x256xf32, #tpu.memory_space<hbm>>
      tpu.enqueue_indirect_dma source(%dma_start3A_315 : memref<42048x256xf32, #tpu.memory_space<hbm>>) target(%arg6 : memref<128x256xf32, #tpu.memory_space<vmem>>) offsets(%dma_start3A_312 : memref<128xi32, #tpu.memory_space<vmem>>) semaphore(%arg9 : memref<!tpu.dma_semaphore, #tpu.memory_space<semaphore_mem>>)
    } else {
    }
    %gt3A_227 = arith.constant 14 : i32
    %gt3A_228 = arith.cmpi sgt, %select_n3A_12, %gt3A_227 : i32
    %convert_element_type3A_229 = arith.extui %gt3A_228 : i1 to i32
    %cond3A_230 = arith.constant 0 : i32
    %cond3A_231 = arith.cmpi ne, %convert_element_type3A_229, %cond3A_230 : i32
    scf.if %cond3A_231 {
      %dma_wait3A = arith.constant 1792 : i32
      %dma_wait3A_312 = tpu.memref_slice %arg5[%dma_wait3A] : memref<2560xi32, #tpu.memory_space<vmem>> -> memref<128xi32, #tpu.memory_space<vmem>>
      %dma_wait3A_313 = arith.constant 0 : i32
      %dma_wait3A_314 = arith.constant 0 : i32
      %dma_wait3A_315 = tpu.memref_slice %arg2[%dma_wait3A_313, %dma_wait3A_314] : memref<42048x256xf32, #tpu.memory_space<hbm>> -> memref<42048x256xf32, #tpu.memory_space<hbm>>
      tpu.wait_indirect_dma semaphore(%arg11 : memref<!tpu.dma_semaphore, #tpu.memory_space<semaphore_mem>>) src(%dma_wait3A_315 : memref<42048x256xf32, #tpu.memory_space<hbm>>) dst(%arg8 : memref<128x256xf32, #tpu.memory_space<vmem>>)
      %add3A_316 = arith.constant 14 : i32
      %add3A_317 = arith.addi %select_n3A, %add3A_316 : i32
      %mul3A_318 = arith.constant 128 : i32
      %mul3A_319 = arith.muli %add3A_317, %mul3A_318 : i32
      %dma_start3A = arith.constant 0 : i32
      %dma_start3A_320 = tpu.memref_slice %arg4[%mul3A_319, %dma_start3A] : memref<80000x256xf32, #tpu.memory_space<hbm>> -> memref<128x256xf32, #tpu.memory_space<hbm>>
      %dma_start3A_321 = arith.constant 0 : i32
      %dma_start3A_322 = tpu.memref_slice %arg4[%mul3A_319, %dma_start3A_321] : memref<80000x256xf32, #tpu.memory_space<hbm>> -> memref<128x256xf32, #tpu.memory_space<hbm>>
      tpu.enqueue_dma source(%arg8 : memref<128x256xf32, #tpu.memory_space<vmem>>) target(%dma_start3A_322 : memref<128x256xf32, #tpu.memory_space<hbm>>) target_semaphore(%arg14 : memref<!tpu.dma_semaphore, #tpu.memory_space<semaphore_mem>>)
    } else {
    }
    %gt3A_232 = arith.constant 13 : i32
    %gt3A_233 = arith.cmpi sgt, %select_n3A_12, %gt3A_232 : i32
    %convert_element_type3A_234 = arith.extui %gt3A_233 : i1 to i32
    %cond3A_235 = arith.constant 0 : i32
    %cond3A_236 = arith.cmpi ne, %convert_element_type3A_234, %cond3A_235 : i32
    scf.if %cond3A_236 {
      %add3A_312 = arith.constant 13 : i32
      %add3A_313 = arith.addi %select_n3A, %add3A_312 : i32
      %mul3A_314 = arith.constant 128 : i32
      %mul3A_315 = arith.muli %add3A_313, %mul3A_314 : i32
      %dma_wait3A = arith.constant 0 : i32
      %dma_wait3A_316 = tpu.memref_slice %arg4[%mul3A_315, %dma_wait3A] : memref<80000x256xf32, #tpu.memory_space<hbm>> -> memref<128x256xf32, #tpu.memory_space<hbm>>
      %dma_wait3A_317 = arith.constant 0 : i32
      %dma_wait3A_318 = tpu.memref_slice %arg4[%mul3A_315, %dma_wait3A_317] : memref<80000x256xf32, #tpu.memory_space<hbm>> -> memref<128x256xf32, #tpu.memory_space<hbm>>
      tpu.wait_dma2 semaphore(%arg13 : memref<!tpu.dma_semaphore, #tpu.memory_space<semaphore_mem>>) src(%arg7 : memref<128x256xf32, #tpu.memory_space<vmem>>) dst(%dma_wait3A_318 : memref<128x256xf32, #tpu.memory_space<hbm>>)
    } else {
    }
    %gt3A_237 = arith.constant 16 : i32
    %gt3A_238 = arith.cmpi sgt, %select_n3A_12, %gt3A_237 : i32
    %convert_element_type3A_239 = arith.extui %gt3A_238 : i1 to i32
    %cond3A_240 = arith.constant 0 : i32
    %cond3A_241 = arith.cmpi ne, %convert_element_type3A_239, %cond3A_240 : i32
    scf.if %cond3A_241 {
      %dma_start3A = arith.constant 2048 : i32
      %dma_start3A_312 = tpu.memref_slice %arg5[%dma_start3A] : memref<2560xi32, #tpu.memory_space<vmem>> -> memref<128xi32, #tpu.memory_space<vmem>>
      %dma_start3A_313 = arith.constant 0 : i32
      %dma_start3A_314 = arith.constant 0 : i32
      %dma_start3A_315 = tpu.memref_slice %arg2[%dma_start3A_313, %dma_start3A_314] : memref<42048x256xf32, #tpu.memory_space<hbm>> -> memref<42048x256xf32, #tpu.memory_space<hbm>>
      tpu.enqueue_indirect_dma source(%dma_start3A_315 : memref<42048x256xf32, #tpu.memory_space<hbm>>) target(%arg7 : memref<128x256xf32, #tpu.memory_space<vmem>>) offsets(%dma_start3A_312 : memref<128xi32, #tpu.memory_space<vmem>>) semaphore(%arg10 : memref<!tpu.dma_semaphore, #tpu.memory_space<semaphore_mem>>)
    } else {
    }
    %gt3A_242 = arith.constant 15 : i32
    %gt3A_243 = arith.cmpi sgt, %select_n3A_12, %gt3A_242 : i32
    %convert_element_type3A_244 = arith.extui %gt3A_243 : i1 to i32
    %cond3A_245 = arith.constant 0 : i32
    %cond3A_246 = arith.cmpi ne, %convert_element_type3A_244, %cond3A_245 : i32
    scf.if %cond3A_246 {
      %dma_wait3A = arith.constant 1920 : i32
      %dma_wait3A_312 = tpu.memref_slice %arg5[%dma_wait3A] : memref<2560xi32, #tpu.memory_space<vmem>> -> memref<128xi32, #tpu.memory_space<vmem>>
      %dma_wait3A_313 = arith.constant 0 : i32
      %dma_wait3A_314 = arith.constant 0 : i32
      %dma_wait3A_315 = tpu.memref_slice %arg2[%dma_wait3A_313, %dma_wait3A_314] : memref<42048x256xf32, #tpu.memory_space<hbm>> -> memref<42048x256xf32, #tpu.memory_space<hbm>>
      tpu.wait_indirect_dma semaphore(%arg9 : memref<!tpu.dma_semaphore, #tpu.memory_space<semaphore_mem>>) src(%dma_wait3A_315 : memref<42048x256xf32, #tpu.memory_space<hbm>>) dst(%arg6 : memref<128x256xf32, #tpu.memory_space<vmem>>)
      %add3A_316 = arith.constant 15 : i32
      %add3A_317 = arith.addi %select_n3A, %add3A_316 : i32
      %mul3A_318 = arith.constant 128 : i32
      %mul3A_319 = arith.muli %add3A_317, %mul3A_318 : i32
      %dma_start3A = arith.constant 0 : i32
      %dma_start3A_320 = tpu.memref_slice %arg4[%mul3A_319, %dma_start3A] : memref<80000x256xf32, #tpu.memory_space<hbm>> -> memref<128x256xf32, #tpu.memory_space<hbm>>
      %dma_start3A_321 = arith.constant 0 : i32
      %dma_start3A_322 = tpu.memref_slice %arg4[%mul3A_319, %dma_start3A_321] : memref<80000x256xf32, #tpu.memory_space<hbm>> -> memref<128x256xf32, #tpu.memory_space<hbm>>
      tpu.enqueue_dma source(%arg6 : memref<128x256xf32, #tpu.memory_space<vmem>>) target(%dma_start3A_322 : memref<128x256xf32, #tpu.memory_space<hbm>>) target_semaphore(%arg12 : memref<!tpu.dma_semaphore, #tpu.memory_space<semaphore_mem>>)
    } else {
    }
    %gt3A_247 = arith.constant 14 : i32
    %gt3A_248 = arith.cmpi sgt, %select_n3A_12, %gt3A_247 : i32
    %convert_element_type3A_249 = arith.extui %gt3A_248 : i1 to i32
    %cond3A_250 = arith.constant 0 : i32
    %cond3A_251 = arith.cmpi ne, %convert_element_type3A_249, %cond3A_250 : i32
    scf.if %cond3A_251 {
      %add3A_312 = arith.constant 14 : i32
      %add3A_313 = arith.addi %select_n3A, %add3A_312 : i32
      %mul3A_314 = arith.constant 128 : i32
      %mul3A_315 = arith.muli %add3A_313, %mul3A_314 : i32
      %dma_wait3A = arith.constant 0 : i32
      %dma_wait3A_316 = tpu.memref_slice %arg4[%mul3A_315, %dma_wait3A] : memref<80000x256xf32, #tpu.memory_space<hbm>> -> memref<128x256xf32, #tpu.memory_space<hbm>>
      %dma_wait3A_317 = arith.constant 0 : i32
      %dma_wait3A_318 = tpu.memref_slice %arg4[%mul3A_315, %dma_wait3A_317] : memref<80000x256xf32, #tpu.memory_space<hbm>> -> memref<128x256xf32, #tpu.memory_space<hbm>>
      tpu.wait_dma2 semaphore(%arg14 : memref<!tpu.dma_semaphore, #tpu.memory_space<semaphore_mem>>) src(%arg8 : memref<128x256xf32, #tpu.memory_space<vmem>>) dst(%dma_wait3A_318 : memref<128x256xf32, #tpu.memory_space<hbm>>)
    } else {
    }
    %gt3A_252 = arith.constant 17 : i32
    %gt3A_253 = arith.cmpi sgt, %select_n3A_12, %gt3A_252 : i32
    %convert_element_type3A_254 = arith.extui %gt3A_253 : i1 to i32
    %cond3A_255 = arith.constant 0 : i32
    %cond3A_256 = arith.cmpi ne, %convert_element_type3A_254, %cond3A_255 : i32
    scf.if %cond3A_256 {
      %dma_start3A = arith.constant 2176 : i32
      %dma_start3A_312 = tpu.memref_slice %arg5[%dma_start3A] : memref<2560xi32, #tpu.memory_space<vmem>> -> memref<128xi32, #tpu.memory_space<vmem>>
      %dma_start3A_313 = arith.constant 0 : i32
      %dma_start3A_314 = arith.constant 0 : i32
      %dma_start3A_315 = tpu.memref_slice %arg2[%dma_start3A_313, %dma_start3A_314] : memref<42048x256xf32, #tpu.memory_space<hbm>> -> memref<42048x256xf32, #tpu.memory_space<hbm>>
      tpu.enqueue_indirect_dma source(%dma_start3A_315 : memref<42048x256xf32, #tpu.memory_space<hbm>>) target(%arg8 : memref<128x256xf32, #tpu.memory_space<vmem>>) offsets(%dma_start3A_312 : memref<128xi32, #tpu.memory_space<vmem>>) semaphore(%arg11 : memref<!tpu.dma_semaphore, #tpu.memory_space<semaphore_mem>>)
    } else {
    }
    %gt3A_257 = arith.constant 16 : i32
    %gt3A_258 = arith.cmpi sgt, %select_n3A_12, %gt3A_257 : i32
    %convert_element_type3A_259 = arith.extui %gt3A_258 : i1 to i32
    %cond3A_260 = arith.constant 0 : i32
    %cond3A_261 = arith.cmpi ne, %convert_element_type3A_259, %cond3A_260 : i32
    scf.if %cond3A_261 {
      %dma_wait3A = arith.constant 2048 : i32
      %dma_wait3A_312 = tpu.memref_slice %arg5[%dma_wait3A] : memref<2560xi32, #tpu.memory_space<vmem>> -> memref<128xi32, #tpu.memory_space<vmem>>
      %dma_wait3A_313 = arith.constant 0 : i32
      %dma_wait3A_314 = arith.constant 0 : i32
      %dma_wait3A_315 = tpu.memref_slice %arg2[%dma_wait3A_313, %dma_wait3A_314] : memref<42048x256xf32, #tpu.memory_space<hbm>> -> memref<42048x256xf32, #tpu.memory_space<hbm>>
      tpu.wait_indirect_dma semaphore(%arg10 : memref<!tpu.dma_semaphore, #tpu.memory_space<semaphore_mem>>) src(%dma_wait3A_315 : memref<42048x256xf32, #tpu.memory_space<hbm>>) dst(%arg7 : memref<128x256xf32, #tpu.memory_space<vmem>>)
      %add3A_316 = arith.constant 16 : i32
      %add3A_317 = arith.addi %select_n3A, %add3A_316 : i32
      %mul3A_318 = arith.constant 128 : i32
      %mul3A_319 = arith.muli %add3A_317, %mul3A_318 : i32
      %dma_start3A = arith.constant 0 : i32
      %dma_start3A_320 = tpu.memref_slice %arg4[%mul3A_319, %dma_start3A] : memref<80000x256xf32, #tpu.memory_space<hbm>> -> memref<128x256xf32, #tpu.memory_space<hbm>>
      %dma_start3A_321 = arith.constant 0 : i32
      %dma_start3A_322 = tpu.memref_slice %arg4[%mul3A_319, %dma_start3A_321] : memref<80000x256xf32, #tpu.memory_space<hbm>> -> memref<128x256xf32, #tpu.memory_space<hbm>>
      tpu.enqueue_dma source(%arg7 : memref<128x256xf32, #tpu.memory_space<vmem>>) target(%dma_start3A_322 : memref<128x256xf32, #tpu.memory_space<hbm>>) target_semaphore(%arg13 : memref<!tpu.dma_semaphore, #tpu.memory_space<semaphore_mem>>)
    } else {
    }
    %gt3A_262 = arith.constant 15 : i32
    %gt3A_263 = arith.cmpi sgt, %select_n3A_12, %gt3A_262 : i32
    %convert_element_type3A_264 = arith.extui %gt3A_263 : i1 to i32
    %cond3A_265 = arith.constant 0 : i32
    %cond3A_266 = arith.cmpi ne, %convert_element_type3A_264, %cond3A_265 : i32
    scf.if %cond3A_266 {
      %add3A_312 = arith.constant 15 : i32
      %add3A_313 = arith.addi %select_n3A, %add3A_312 : i32
      %mul3A_314 = arith.constant 128 : i32
      %mul3A_315 = arith.muli %add3A_313, %mul3A_314 : i32
      %dma_wait3A = arith.constant 0 : i32
      %dma_wait3A_316 = tpu.memref_slice %arg4[%mul3A_315, %dma_wait3A] : memref<80000x256xf32, #tpu.memory_space<hbm>> -> memref<128x256xf32, #tpu.memory_space<hbm>>
      %dma_wait3A_317 = arith.constant 0 : i32
      %dma_wait3A_318 = tpu.memref_slice %arg4[%mul3A_315, %dma_wait3A_317] : memref<80000x256xf32, #tpu.memory_space<hbm>> -> memref<128x256xf32, #tpu.memory_space<hbm>>
      tpu.wait_dma2 semaphore(%arg12 : memref<!tpu.dma_semaphore, #tpu.memory_space<semaphore_mem>>) src(%arg6 : memref<128x256xf32, #tpu.memory_space<vmem>>) dst(%dma_wait3A_318 : memref<128x256xf32, #tpu.memory_space<hbm>>)
    } else {
    }
    %gt3A_267 = arith.constant 18 : i32
    %gt3A_268 = arith.cmpi sgt, %select_n3A_12, %gt3A_267 : i32
    %convert_element_type3A_269 = arith.extui %gt3A_268 : i1 to i32
    %cond3A_270 = arith.constant 0 : i32
    %cond3A_271 = arith.cmpi ne, %convert_element_type3A_269, %cond3A_270 : i32
    scf.if %cond3A_271 {
      %dma_start3A = arith.constant 2304 : i32
      %dma_start3A_312 = tpu.memref_slice %arg5[%dma_start3A] : memref<2560xi32, #tpu.memory_space<vmem>> -> memref<128xi32, #tpu.memory_space<vmem>>
      %dma_start3A_313 = arith.constant 0 : i32
      %dma_start3A_314 = arith.constant 0 : i32
      %dma_start3A_315 = tpu.memref_slice %arg2[%dma_start3A_313, %dma_start3A_314] : memref<42048x256xf32, #tpu.memory_space<hbm>> -> memref<42048x256xf32, #tpu.memory_space<hbm>>
      tpu.enqueue_indirect_dma source(%dma_start3A_315 : memref<42048x256xf32, #tpu.memory_space<hbm>>) target(%arg6 : memref<128x256xf32, #tpu.memory_space<vmem>>) offsets(%dma_start3A_312 : memref<128xi32, #tpu.memory_space<vmem>>) semaphore(%arg9 : memref<!tpu.dma_semaphore, #tpu.memory_space<semaphore_mem>>)
    } else {
    }
    %gt3A_272 = arith.constant 17 : i32
    %gt3A_273 = arith.cmpi sgt, %select_n3A_12, %gt3A_272 : i32
    %convert_element_type3A_274 = arith.extui %gt3A_273 : i1 to i32
    %cond3A_275 = arith.constant 0 : i32
    %cond3A_276 = arith.cmpi ne, %convert_element_type3A_274, %cond3A_275 : i32
    scf.if %cond3A_276 {
      %dma_wait3A = arith.constant 2176 : i32
      %dma_wait3A_312 = tpu.memref_slice %arg5[%dma_wait3A] : memref<2560xi32, #tpu.memory_space<vmem>> -> memref<128xi32, #tpu.memory_space<vmem>>
      %dma_wait3A_313 = arith.constant 0 : i32
      %dma_wait3A_314 = arith.constant 0 : i32
      %dma_wait3A_315 = tpu.memref_slice %arg2[%dma_wait3A_313, %dma_wait3A_314] : memref<42048x256xf32, #tpu.memory_space<hbm>> -> memref<42048x256xf32, #tpu.memory_space<hbm>>
      tpu.wait_indirect_dma semaphore(%arg11 : memref<!tpu.dma_semaphore, #tpu.memory_space<semaphore_mem>>) src(%dma_wait3A_315 : memref<42048x256xf32, #tpu.memory_space<hbm>>) dst(%arg8 : memref<128x256xf32, #tpu.memory_space<vmem>>)
      %add3A_316 = arith.constant 17 : i32
      %add3A_317 = arith.addi %select_n3A, %add3A_316 : i32
      %mul3A_318 = arith.constant 128 : i32
      %mul3A_319 = arith.muli %add3A_317, %mul3A_318 : i32
      %dma_start3A = arith.constant 0 : i32
      %dma_start3A_320 = tpu.memref_slice %arg4[%mul3A_319, %dma_start3A] : memref<80000x256xf32, #tpu.memory_space<hbm>> -> memref<128x256xf32, #tpu.memory_space<hbm>>
      %dma_start3A_321 = arith.constant 0 : i32
      %dma_start3A_322 = tpu.memref_slice %arg4[%mul3A_319, %dma_start3A_321] : memref<80000x256xf32, #tpu.memory_space<hbm>> -> memref<128x256xf32, #tpu.memory_space<hbm>>
      tpu.enqueue_dma source(%arg8 : memref<128x256xf32, #tpu.memory_space<vmem>>) target(%dma_start3A_322 : memref<128x256xf32, #tpu.memory_space<hbm>>) target_semaphore(%arg14 : memref<!tpu.dma_semaphore, #tpu.memory_space<semaphore_mem>>)
    } else {
    }
    %gt3A_277 = arith.constant 16 : i32
    %gt3A_278 = arith.cmpi sgt, %select_n3A_12, %gt3A_277 : i32
    %convert_element_type3A_279 = arith.extui %gt3A_278 : i1 to i32
    %cond3A_280 = arith.constant 0 : i32
    %cond3A_281 = arith.cmpi ne, %convert_element_type3A_279, %cond3A_280 : i32
    scf.if %cond3A_281 {
      %add3A_312 = arith.constant 16 : i32
      %add3A_313 = arith.addi %select_n3A, %add3A_312 : i32
      %mul3A_314 = arith.constant 128 : i32
      %mul3A_315 = arith.muli %add3A_313, %mul3A_314 : i32
      %dma_wait3A = arith.constant 0 : i32
      %dma_wait3A_316 = tpu.memref_slice %arg4[%mul3A_315, %dma_wait3A] : memref<80000x256xf32, #tpu.memory_space<hbm>> -> memref<128x256xf32, #tpu.memory_space<hbm>>
      %dma_wait3A_317 = arith.constant 0 : i32
      %dma_wait3A_318 = tpu.memref_slice %arg4[%mul3A_315, %dma_wait3A_317] : memref<80000x256xf32, #tpu.memory_space<hbm>> -> memref<128x256xf32, #tpu.memory_space<hbm>>
      tpu.wait_dma2 semaphore(%arg13 : memref<!tpu.dma_semaphore, #tpu.memory_space<semaphore_mem>>) src(%arg7 : memref<128x256xf32, #tpu.memory_space<vmem>>) dst(%dma_wait3A_318 : memref<128x256xf32, #tpu.memory_space<hbm>>)
    } else {
    }
    %gt3A_282 = arith.constant 19 : i32
    %gt3A_283 = arith.cmpi sgt, %select_n3A_12, %gt3A_282 : i32
    %convert_element_type3A_284 = arith.extui %gt3A_283 : i1 to i32
    %cond3A_285 = arith.constant 0 : i32
    %cond3A_286 = arith.cmpi ne, %convert_element_type3A_284, %cond3A_285 : i32
    scf.if %cond3A_286 {
      %dma_start3A = arith.constant 2432 : i32
      %dma_start3A_312 = tpu.memref_slice %arg5[%dma_start3A] : memref<2560xi32, #tpu.memory_space<vmem>> -> memref<128xi32, #tpu.memory_space<vmem>>
      %dma_start3A_313 = arith.constant 0 : i32
      %dma_start3A_314 = arith.constant 0 : i32
      %dma_start3A_315 = tpu.memref_slice %arg2[%dma_start3A_313, %dma_start3A_314] : memref<42048x256xf32, #tpu.memory_space<hbm>> -> memref<42048x256xf32, #tpu.memory_space<hbm>>
      tpu.enqueue_indirect_dma source(%dma_start3A_315 : memref<42048x256xf32, #tpu.memory_space<hbm>>) target(%arg7 : memref<128x256xf32, #tpu.memory_space<vmem>>) offsets(%dma_start3A_312 : memref<128xi32, #tpu.memory_space<vmem>>) semaphore(%arg10 : memref<!tpu.dma_semaphore, #tpu.memory_space<semaphore_mem>>)
    } else {
    }
    %gt3A_287 = arith.constant 18 : i32
    %gt3A_288 = arith.cmpi sgt, %select_n3A_12, %gt3A_287 : i32
    %convert_element_type3A_289 = arith.extui %gt3A_288 : i1 to i32
    %cond3A_290 = arith.constant 0 : i32
    %cond3A_291 = arith.cmpi ne, %convert_element_type3A_289, %cond3A_290 : i32
    scf.if %cond3A_291 {
      %dma_wait3A = arith.constant 2304 : i32
      %dma_wait3A_312 = tpu.memref_slice %arg5[%dma_wait3A] : memref<2560xi32, #tpu.memory_space<vmem>> -> memref<128xi32, #tpu.memory_space<vmem>>
      %dma_wait3A_313 = arith.constant 0 : i32
      %dma_wait3A_314 = arith.constant 0 : i32
      %dma_wait3A_315 = tpu.memref_slice %arg2[%dma_wait3A_313, %dma_wait3A_314] : memref<42048x256xf32, #tpu.memory_space<hbm>> -> memref<42048x256xf32, #tpu.memory_space<hbm>>
      tpu.wait_indirect_dma semaphore(%arg9 : memref<!tpu.dma_semaphore, #tpu.memory_space<semaphore_mem>>) src(%dma_wait3A_315 : memref<42048x256xf32, #tpu.memory_space<hbm>>) dst(%arg6 : memref<128x256xf32, #tpu.memory_space<vmem>>)
      %add3A_316 = arith.constant 18 : i32
      %add3A_317 = arith.addi %select_n3A, %add3A_316 : i32
      %mul3A_318 = arith.constant 128 : i32
      %mul3A_319 = arith.muli %add3A_317, %mul3A_318 : i32
      %dma_start3A = arith.constant 0 : i32
      %dma_start3A_320 = tpu.memref_slice %arg4[%mul3A_319, %dma_start3A] : memref<80000x256xf32, #tpu.memory_space<hbm>> -> memref<128x256xf32, #tpu.memory_space<hbm>>
      %dma_start3A_321 = arith.constant 0 : i32
      %dma_start3A_322 = tpu.memref_slice %arg4[%mul3A_319, %dma_start3A_321] : memref<80000x256xf32, #tpu.memory_space<hbm>> -> memref<128x256xf32, #tpu.memory_space<hbm>>
      tpu.enqueue_dma source(%arg6 : memref<128x256xf32, #tpu.memory_space<vmem>>) target(%dma_start3A_322 : memref<128x256xf32, #tpu.memory_space<hbm>>) target_semaphore(%arg12 : memref<!tpu.dma_semaphore, #tpu.memory_space<semaphore_mem>>)
    } else {
    }
    %gt3A_292 = arith.constant 17 : i32
    %gt3A_293 = arith.cmpi sgt, %select_n3A_12, %gt3A_292 : i32
    %convert_element_type3A_294 = arith.extui %gt3A_293 : i1 to i32
    %cond3A_295 = arith.constant 0 : i32
    %cond3A_296 = arith.cmpi ne, %convert_element_type3A_294, %cond3A_295 : i32
    scf.if %cond3A_296 {
      %add3A_312 = arith.constant 17 : i32
      %add3A_313 = arith.addi %select_n3A, %add3A_312 : i32
      %mul3A_314 = arith.constant 128 : i32
      %mul3A_315 = arith.muli %add3A_313, %mul3A_314 : i32
      %dma_wait3A = arith.constant 0 : i32
      %dma_wait3A_316 = tpu.memref_slice %arg4[%mul3A_315, %dma_wait3A] : memref<80000x256xf32, #tpu.memory_space<hbm>> -> memref<128x256xf32, #tpu.memory_space<hbm>>
      %dma_wait3A_317 = arith.constant 0 : i32
      %dma_wait3A_318 = tpu.memref_slice %arg4[%mul3A_315, %dma_wait3A_317] : memref<80000x256xf32, #tpu.memory_space<hbm>> -> memref<128x256xf32, #tpu.memory_space<hbm>>
      tpu.wait_dma2 semaphore(%arg14 : memref<!tpu.dma_semaphore, #tpu.memory_space<semaphore_mem>>) src(%arg8 : memref<128x256xf32, #tpu.memory_space<vmem>>) dst(%dma_wait3A_318 : memref<128x256xf32, #tpu.memory_space<hbm>>)
    } else {
    }
    %gt3A_297 = arith.constant 19 : i32
    %gt3A_298 = arith.cmpi sgt, %select_n3A_12, %gt3A_297 : i32
    %convert_element_type3A_299 = arith.extui %gt3A_298 : i1 to i32
    %cond3A_300 = arith.constant 0 : i32
    %cond3A_301 = arith.cmpi ne, %convert_element_type3A_299, %cond3A_300 : i32
    scf.if %cond3A_301 {
      %dma_wait3A = arith.constant 2432 : i32
      %dma_wait3A_312 = tpu.memref_slice %arg5[%dma_wait3A] : memref<2560xi32, #tpu.memory_space<vmem>> -> memref<128xi32, #tpu.memory_space<vmem>>
      %dma_wait3A_313 = arith.constant 0 : i32
      %dma_wait3A_314 = arith.constant 0 : i32
      %dma_wait3A_315 = tpu.memref_slice %arg2[%dma_wait3A_313, %dma_wait3A_314] : memref<42048x256xf32, #tpu.memory_space<hbm>> -> memref<42048x256xf32, #tpu.memory_space<hbm>>
      tpu.wait_indirect_dma semaphore(%arg10 : memref<!tpu.dma_semaphore, #tpu.memory_space<semaphore_mem>>) src(%dma_wait3A_315 : memref<42048x256xf32, #tpu.memory_space<hbm>>) dst(%arg7 : memref<128x256xf32, #tpu.memory_space<vmem>>)
      %add3A_316 = arith.constant 19 : i32
      %add3A_317 = arith.addi %select_n3A, %add3A_316 : i32
      %mul3A_318 = arith.constant 128 : i32
      %mul3A_319 = arith.muli %add3A_317, %mul3A_318 : i32
      %dma_start3A = arith.constant 0 : i32
      %dma_start3A_320 = tpu.memref_slice %arg4[%mul3A_319, %dma_start3A] : memref<80000x256xf32, #tpu.memory_space<hbm>> -> memref<128x256xf32, #tpu.memory_space<hbm>>
      %dma_start3A_321 = arith.constant 0 : i32
      %dma_start3A_322 = tpu.memref_slice %arg4[%mul3A_319, %dma_start3A_321] : memref<80000x256xf32, #tpu.memory_space<hbm>> -> memref<128x256xf32, #tpu.memory_space<hbm>>
      tpu.enqueue_dma source(%arg7 : memref<128x256xf32, #tpu.memory_space<vmem>>) target(%dma_start3A_322 : memref<128x256xf32, #tpu.memory_space<hbm>>) target_semaphore(%arg13 : memref<!tpu.dma_semaphore, #tpu.memory_space<semaphore_mem>>)
    } else {
    }
    %gt3A_302 = arith.constant 18 : i32
    %gt3A_303 = arith.cmpi sgt, %select_n3A_12, %gt3A_302 : i32
    %convert_element_type3A_304 = arith.extui %gt3A_303 : i1 to i32
    %cond3A_305 = arith.constant 0 : i32
    %cond3A_306 = arith.cmpi ne, %convert_element_type3A_304, %cond3A_305 : i32
    scf.if %cond3A_306 {
      %add3A_312 = arith.constant 18 : i32
      %add3A_313 = arith.addi %select_n3A, %add3A_312 : i32
      %mul3A_314 = arith.constant 128 : i32
      %mul3A_315 = arith.muli %add3A_313, %mul3A_314 : i32
      %dma_wait3A = arith.constant 0 : i32
      %dma_wait3A_316 = tpu.memref_slice %arg4[%mul3A_315, %dma_wait3A] : memref<80000x256xf32, #tpu.memory_space<hbm>> -> memref<128x256xf32, #tpu.memory_space<hbm>>
      %dma_wait3A_317 = arith.constant 0 : i32
      %dma_wait3A_318 = tpu.memref_slice %arg4[%mul3A_315, %dma_wait3A_317] : memref<80000x256xf32, #tpu.memory_space<hbm>> -> memref<128x256xf32, #tpu.memory_space<hbm>>
      tpu.wait_dma2 semaphore(%arg12 : memref<!tpu.dma_semaphore, #tpu.memory_space<semaphore_mem>>) src(%arg6 : memref<128x256xf32, #tpu.memory_space<vmem>>) dst(%dma_wait3A_318 : memref<128x256xf32, #tpu.memory_space<hbm>>)
    } else {
    }
    %gt3A_307 = arith.constant 19 : i32
    %gt3A_308 = arith.cmpi sgt, %select_n3A_12, %gt3A_307 : i32
    %convert_element_type3A_309 = arith.extui %gt3A_308 : i1 to i32
    %cond3A_310 = arith.constant 0 : i32
    %cond3A_311 = arith.cmpi ne, %convert_element_type3A_309, %cond3A_310 : i32
    scf.if %cond3A_311 {
      %add3A_312 = arith.constant 19 : i32
      %add3A_313 = arith.addi %select_n3A, %add3A_312 : i32
      %mul3A_314 = arith.constant 128 : i32
      %mul3A_315 = arith.muli %add3A_313, %mul3A_314 : i32
      %dma_wait3A = arith.constant 0 : i32
      %dma_wait3A_316 = tpu.memref_slice %arg4[%mul3A_315, %dma_wait3A] : memref<80000x256xf32, #tpu.memory_space<hbm>> -> memref<128x256xf32, #tpu.memory_space<hbm>>
      %dma_wait3A_317 = arith.constant 0 : i32
      %dma_wait3A_318 = tpu.memref_slice %arg4[%mul3A_315, %dma_wait3A_317] : memref<80000x256xf32, #tpu.memory_space<hbm>> -> memref<128x256xf32, #tpu.memory_space<hbm>>
      tpu.wait_dma2 semaphore(%arg13 : memref<!tpu.dma_semaphore, #tpu.memory_space<semaphore_mem>>) src(%arg7 : memref<128x256xf32, #tpu.memory_space<vmem>>) dst(%dma_wait3A_318 : memref<128x256xf32, #tpu.memory_space<hbm>>)
    } else {
    }
    return
  }
}

</mosaic_0001>

<sc_bundles>
// kernel: kernel.4.cloned.1.call-start
scs
__scs_entry_jumppad:
0x0: {  	(pc) =	sbr.rel $0x88, $3  }
0x1: {  	(tag) =	ssettag $0x0;
	lr =	simm.s32 $0x1  }
0x2: {  	[smem:$0x3F9E] =	sst lr;
	_ =	strace $0xD0000000  }
0x3: {  	_ = 	snop  }
0x4: {  	_ = 	snop  }
0x5: {  	_ = 	snop  }
0x6: {  	_ = 	snop  }
0x7: {  	_ = 	snop  }
__scs_overlays_trampoline_lowered:
0x8: {  	[smem:$0x3FAD] =	sst s0  }
0x9: {  	[smem:$0x3FAE] =	sst s1  }
0xa: {  	[smem:$0x3FAF] =	sst s2  }
0xb: {  	[smem:$0x3FB0] =	sst s3  }
0xc: {  	[smem:$0x3FB1] =	sst s4  }
0xd: {  	[smem:$0x3FB2] =	sst s5  }
0xe: {  	[smem:$0x3FB3] =	sst s6  }
0xf: {  	[smem:$0x3FB4] =	sst s7  }
0x10: {  	[smem:$0x3FB5] =	sst s8  }
0x11: {  	[smem:$0x3FB6] =	sst s9;
	s0 =	simm.s32 @!p0 $0x0  }
0x12: {  	s1 =	sld [smem:$0x3F9C];
	s0 =	simm.s32 @p0 $0x1  }
0x13: {  	[smem:$0x3FB7] =	sst s0;
	s0 =	simm.s32 @!p1 $0x0  }
0x14: {  	s2 =	sld [smem:$0x3F9B];
	s0 =	simm.s32 @p1 $0x1  }
0x15: {  	[smem:$0x3FB8] =	sst s0;
	s0 =	simm.s32 @!p2 $0x0  }
0x16: {  	s3 =	sld [smem:$0x3FDB];
	s0 =	simm.s32 @p2 $0x1  }
0x17: {  	s4 =	simm.s32 $0x1BF5;
	[smem:$0x3FBA] =	sst s0  }
0x18: {  	s0 =	sld [smem:$0x3F9D];
	_ =	swait.ge [sflag:s4], $0x0  }
0x19: {  	s7 =	sld [smem:$0x3F9E]  }
0x1a: {  	s8 =	sadd.s32 $0xFFFFE003, lr  }
0x1b: {  	s9 =	sadd.s32 $0xFFFFFEF7, lr;
	s5 =	simm.s32 $0xFFFFFFFF;
	p2 =	slt.u32 s8, $0xFFFFF086  }
0x1c: {  	p1 =	slt.u32 s9, $0xF7A;
	s5 =	simm.s32 @!p2 $0x0  }
0x1d: {  	s5 =	simm.s32 @p1 $0x1;
	p0 =	seq.s32 s7, s2  }
0x1e: {  	s7 =	smul.u32 @!p0 $0xF7A, s2;
	p2 =	seq.s32 @!p0 s5, $0x0  }
0x1f: {  	s9 =	smul.u32 $0xF7A, s1;
	s8 =	simm.s32 @!p0 $0x1BF5;
	p2 =	por !p2, p0  }
0x20: {  	[sflag:s8] =	ssyncset.s32 @!p0 $0xFFFFF086;
	s6 =	sadd.s32 @!p0 s3, s7;
	s7 =	simm.s32 @!p0 $0x108  }
0x21: {  	s3 =	sadd.s32 s3, s9;
	s6 =	sadd.s32 @!p0 $0x88, s6;
	s7 =	simm.s32 @p2 $0x1082  }
0x22: {  	[simem:s7], [sflag:s8] =	dma.local @!p0 [hbm:s6], $0xF7A  }
0x23: {  	s9 =	sor.u32 $0xD0000000, s2;
	s6 =	simm.s32 $0x108;
	_ =	swait.ge @!p0 [sflag:s8], $0x0  }
0x24: {  	s3 =	sadd.s32 $0x88, s3;
	s6 =	simm.s32 @!p1 $0x1082;
	[sflag:s4] =	ssyncset.s32 $0xFFFFF086  }
0x25: {  	[simem:s6], [sflag:s4] =	dma.local [hbm:s3], $0xF7A  }
0x26: {  	[smem:$0x3F9E] =	sst s1;
	(tag) =	ssettag s2;
	_ =	strace s9  }
0x27: {  	s1 =	sld [smem:$0x3FAE]  }
0x28: {  	s2 =	sld [smem:$0x3FAF]  }
0x29: {  	s4 =	sld [smem:$0x3FB1]  }
0x2a: {  	p0 =	seq.s32 s5, $0x0;
	s5 =	sld [smem:$0x3FB2]  }
0x2b: {  	s6 =	sld [smem:$0x3FB3]  }
0x2c: {  	s7 =	sld [smem:$0x3FB4]  }
0x2d: {  	s3 =	simm.s32 $0x108;
	s8 =	sld [smem:$0x3FB5]  }
0x2e: {  	s3 =	simm.s32 @!p0 $0x1082;
	s9 =	sld [smem:$0x3FB6]  }
0x2f: {  	lr =	sadd.s32 s0, s3;
	s0 =	sld [smem:$0x3FAD]  }
0x30: {  	s3 =	sld [smem:$0x3FB0]  }
0x31: {  	[smem:$0x3FB9] =	sst s10  }
0x32: {  	s10 =	sld [smem:$0x3FB7];
	_ =	sdelay $0x3  }
0x33: {  	p0 =	seq.s32 s10, $0x1;
	s10 =	sld [smem:$0x3FB9];
	_ =	sdelay $0x3  }
0x34: {  	[smem:$0x3FB9] =	sst s10  }
0x35: {  	s10 =	sld [smem:$0x3FB8];
	_ =	sdelay $0x3  }
0x36: {  	p1 =	seq.s32 s10, $0x1;
	s10 =	sld [smem:$0x3FB9];
	_ =	sdelay $0x3  }
0x37: {  	[smem:$0x3FB9] =	sst s10  }
0x38: {  	s10 =	sld [smem:$0x3FBA]  }
0x39: {  	_ = 	snop;
	(pc) =	sbr.ind lr, $3  }
0x3a: {  	_ = 	snop  }
0x3b: {  	_ = 	snop  }
0x3c: {  	p2 =	seq.s32 s10, $0x1;
	s10 =	sld [smem:$0x3FB9]  }
0x3d: {  	_ =	shalt  }
0x3e: {  	_ =	shalt  }
0x3f: {  	_ =	shalt  }
0x40: {  	_ =	shalt  }
0x41: {  	_ =	shalt  }
0x42: {  	_ =	shalt  }
0x43: {  	_ =	shalt  }
0x44: {  	_ =	shalt  }
0x45: {  	_ =	shalt  }
0x46: {  	_ =	shalt  }
0x47: {  	_ =	shalt  }
0x48: {  	_ =	shalt  }
0x49: {  	_ =	shalt  }
0x4a: {  	_ =	shalt  }
0x4b: {  	_ =	shalt  }
0x4c: {  	_ =	shalt  }
0x4d: {  	_ =	shalt  }
0x4e: {  	_ =	shalt  }
0x4f: {  	_ =	shalt  }
0x50: {  	_ =	shalt  }
0x51: {  	_ =	shalt  }
0x52: {  	_ =	shalt  }
0x53: {  	_ =	shalt  }
0x54: {  	_ =	shalt  }
0x55: {  	_ =	shalt  }
0x56: {  	_ =	shalt  }
0x57: {  	_ =	shalt  }
0x58: {  	_ =	shalt  }
0x59: {  	_ =	shalt  }
0x5a: {  	_ =	shalt  }
0x5b: {  	_ =	shalt  }
0x5c: {  	_ =	shalt  }
0x5d: {  	_ =	shalt  }
0x5e: {  	_ =	shalt  }
0x5f: {  	_ =	shalt  }
0x60: {  	_ =	shalt  }
0x61: {  	_ =	shalt  }
0x62: {  	_ =	shalt  }
0x63: {  	_ =	shalt  }
0x64: {  	_ =	shalt  }
0x65: {  	_ =	shalt  }
0x66: {  	_ =	shalt  }
0x67: {  	_ =	shalt  }
0x68: {  	_ =	shalt  }
0x69: {  	_ =	shalt  }
0x6a: {  	_ =	shalt  }
0x6b: {  	_ =	shalt  }
0x6c: {  	_ =	shalt  }
0x6d: {  	_ =	shalt  }
0x6e: {  	_ =	shalt  }
0x6f: {  	_ =	shalt  }
0x70: {  	_ =	shalt  }
0x71: {  	_ =	shalt  }
0x72: {  	_ =	shalt  }
0x73: {  	_ =	shalt  }
0x74: {  	_ =	shalt  }
0x75: {  	_ =	shalt  }
0x76: {  	_ =	shalt  }
0x77: {  	_ =	shalt  }
0x78: {  	_ =	shalt  }
0x79: {  	_ =	shalt  }
0x7a: {  	_ =	shalt  }
0x7b: {  	_ =	shalt  }
0x7c: {  	_ =	shalt  }
0x7d: {  	_ =	shalt  }
0x7e: {  	_ =	shalt  }
0x7f: {  	_ =	shalt  }
0x80: {  	_ =	shalt  }
0x81: {  	_ =	shalt  }
0x82: {  	_ =	shalt  }
0x83: {  	_ =	shalt  }
0x84: {  	_ =	shalt  }
0x85: {  	_ =	shalt  }
0x86: {  	_ =	shalt  }
0x87: {  	_ =	shalt  }
.Lfunc_end0:
.L_simem_size_0:
called_computation_lowered:
.L_overlay_start_0:
0x88: {  	s2 =	sld [smem:$0x3FD9]  }
0x89: {  	s3 =	sld [smem:$0x3FFE];
	_ =	sdelay $0x1  }
0x8a: {  	s1 =	srdreg.scid  }
0x8b: {  	s0 =	sand.u32 $0x1, s1  }
0x8c: {  	s17 =	sshll.u32 s0, $0xA;
	s2 =	sadd.s32 s3, s2  }
0x8d: {  	s2 =	sadd.s32 s2, s17  }
0x8e: {  	[smem:$0x3FC5] =	sst s2  }
0x8f: {  	_ = 	snop  }
0x90: {  	s2 =	sld [smem:$0x3FC7]  }
0x91: {  	s18 =	sld [smem:$0x3FD0];
	(tm) =	ssettm $0x1  }
0x92: {  	s4 =	sld [smem:$0x3FFB];
	_ =	sdelay $0x3  }
0x93: {  	_ =	strace s4  }
0x94: {  	s4 =	sld [smem:$0x3FFC];
	_ =	sdelay $0x3  }
0x95: {  	_ =	strace s4  }
0x96: {  	s4 =	sld [smem:$0x3FFD];
	_ =	sdelay $0x3  }
0x97: {  	_ =	strace s4  }
0x98: {  	_ =	strace $0x8FFFFFFF  }
0x99: {  	s19 =	sld [smem:$0x3FDB];
	_ =	sdelay $0x1  }
0x9a: {  	s5 =	simm.s32 $_scs_section_size  }
0x9b: {  	s6 =	simm.s32 $_size__tile_overlayer_lowered;
	s7 =	simm.s32 $_tile_overlayer_lowered  }
0x9c: {  	s22 =	simm.s32 $0x1BFF;
	s21 =	sshll.u32 s7, $0x1;
	s4 =	sadd.s32 s5, s19  }
0x9d: {  	s8 =	simm.s32 $0x0;
	s20 =	sshll.u32 s6, $0x1;
	s6 =	sadd.s32 s21, s4  }
0x9e: {  	[timem:s8], [sflag:s22] =	dma.local [hbm:s6], s20  }
0x9f: {  	_ =	swait.ge [sflag:s22], s20  }
0xa0: {  	s5 =	ssub.s32 $0x0, s20;
	[sflag:s22] =	ssyncset.done $0x0  }
0xa1: {  	[sflag:s22] =	ssyncadd.s32 s5;
	_ =	sdelay $0x1  }
0xa2: {  	s23 =	simm.s32 $0x1B8B  }
0xa3: {  	_ =	swait.ge [sflag:s23], $0x1  }
0xa4: {  	[sflag:s23] =	ssyncset.done $0x0  }
0xa5: {  	s25 =	simm.s32 $0x1B8E;
	s24 =	sld [smem:$0x3FFE];
	[sflag:s23] =	ssyncadd.s32 $0xFFFFFFFF  }
0xa6: {  	s26 =	simm.s32 $execute0_lowered;
	[smem:$0x3FD2] =	sst s25  }
0xa7: {  	s6 =	sshll.u32 s26, $0x1;
	_ =	strace $0x80000046;
	[dreg:$0x1] =	wrdreg $0xFFFFFFFF  }
0xa8: {  	s28 =	simm.s32 $_size_execute0_lowered;
	s4 =	sadd.s32 s4, s6;
	[dreg:$0x0] =	wrdreg $0x0  }
0xa9: {  	s6 =	sshll.u32 s28, $0x1;
	[dreg:$0x2] =	wrdreg s4  }
0xaa: {  	[dreg:$0x3] =	wrdreg s6  }
0xab: {  	[dreg:$0x4] =	wrdreg $0xC0  }
0xac: {  	_ =	task [dreg:s8], $0x5FFFF  }
0xad: {  	[dreg:$0x1] =	wrdreg $0xFFFFFFFF  }
0xae: {  	[dreg:$0x0] =	wrdreg $0x60  }
0xaf: {  	[dreg:$0x2] =	wrdreg s18  }
0xb0: {  	[dreg:$0x3] =	wrdreg s2  }
0xb1: {  	[dreg:$0x4] =	wrdreg s24  }
0xb2: {  	[dreg:$0x5] =	wrdreg $0x9  }
0xb3: {  	_ =	task.clear_ibuf [dreg:s8], $0x6FFFF;
	_ =	strace $0x90000046  }
0xb4: {  	s29 =	simm.s32 $0x9;
	_ =	strace $0x8000004B  }
0xb5: {  	_ =	swait.ge [sflag:s29], $0x1  }
0xb6: {  	[sflag:s29] =	ssyncadd.s32 $0xFFFFFFFF  }
0xb7: {  	_ =	strace $0x9000004B  }
0xb8: {  	_ =	sfence  }
0xb9: {  	s30 =	sld [smem:$0x0];
	_ =	sdelay $0x2  }
0xba: {  	s31 =	sshll.u32 s1, $0xD;
	s1 =	sshrl.u32 s1, $0x2  }
0xbb: {  	s3 =	sand.u32 $0x4000, s31;
	s1 =	sadd.s32 s1, s30  }
0xbc: {  	s0 =	sor.u32 s3, s0;
	s1 =	sshll.u32 s1, $0x11  }
0xbd: {  	s0 =	sor.u32 s1, s0  }
0xbe: {  	s0 =	sadd.s32 $0x8F2B, s0  }
0xbf: {  	[sflag:s0] =	ssyncadd.remote.s32 $0x1  }
0xc0: {  	_ =	sfence.sel $0xFFFF  }
0xc1: {  	[dreg:$0x0] =	wrdreg $0xFFFFFFFF;
	(pc) =	sbr.abs _section_cstart, $3  }
0xc2: {  	[dreg:$0x1] =	wrdreg $0xFFFFFFFF  }
0xc3: {  	_ =	task.clear_ibuf [dreg:s8], $0x2FFFF;
	_ =	strace $0x9FFFFFFF  }
0xc4: {  	(tm) =	ssettm $0x7FFFFFFF  }
0xc5: {  	_ =	shalt  }
tec
execute0_lowered:
.L_overlay_start_1:
0x0: {  	(tag) =	ssettag $0x1  }
0x1: {  	s1 =	stileid.u32  }
0x2: {  	p0 =	sgt.u32 s1, $0x1  }
.Ltmp0:
0x3: {  	s4 =	rddreg [dreg:$0x0];
	(pc) =	sbr.rel @p0 .LBB2_14-.Ltmp0, $4  }
0x4: {  	s5 =	rddreg [dreg:$0x1]  }
0x5: {  	s3 =	rddreg [dreg:$0x2];
	s2 =	simm.s32 $0x0  }
0x6: {  	[smem:$0x7FF] =	sst s2  }
0x7: {  	s0 =	rddreg [dreg:$0x3];
	_ =	strace $0x80000047  }
0x8: {  	s6 =	srdreg.scid;
	s7 =	sshll.u32 s1, $0x1  }
0x9: {  	s10 =	simm.s32 $0x2;
	s11 =	simm.s32 $0x1;
	s6 =	sand.u32 $0x1, s6  }
0xa: {  	v0 =	vlaneseq.u32;
	v2 =	vimm.s32 $0xF;
	v3 =	vimm.s32 $0x0;
	s12 =	simm.s32 $0x13A80;
	s13 =	simm.s32 $0x9D80;
	s7 =	sor.u32 s6, s7  }
0xb: {  	v5 =	vimm.f32 $0.0e+00;
	v6 =	vimm.s32 $0x1;
	v7 =	vimm.s32 $0x2;
	s14 =	simm.s32 $0xEC00;
	s6 =	ssub.s32 $0x2, s6;
	s8 =	smul.u32 $0x2710, s7  }
0xc: {  	v8 =	vimm.s32 $0x3;
	v9 =	vimm.s32 $0x4;
	v10 =	vimm.s32 $0x5;
	s15 =	simm.s32 $0x0;
	s9 =	smul.u32 $0x9C4, s7;
	s30 =	sshrl.u32 s6, $0x1  }
0xd: {  	v11 =	vimm.s32 $0x6;
	v12 =	vimm.s32 $0x7;
	v13 =	vimm.s32 $0x8;
	s31 =	smul.u32 $0x9E0, s7;
	s7 =	sshll.u32 s7, $0x4;
	s6 =	ssub.s32 s6, s30  }
0xe: {  	v14 =	vimm.s32 $0x9;
	v15 =	vimm.s32 $0xA;
	v4 =	vmul.u32 $0xFFFFFFFF, v0;
	s4 =	sadd.s32 s4, s7;
	s7 =	simm.s32 $0x4E80;
	s8 =	sadd.s32 $0xFFFFFFFF, s8  }
0xf: {  	v16 =	vimm.s32 $0xB;
	v17 =	vimm.s32 $0xC;
	v18 =	vimm.s32 $0xD;
	s3 =	sadd.s32 s9, s3;
	s5 =	sadd.s32 s5, s31;
	s6 =	smax.u32 s6, $0x1  }
0x10: {  	v19 =	vimm.s32 $0xE;
	v4 =	vadd.s32 $0xF, v4;
	s9 =	simm.s32 $0x200;
	v1 =	vmov s8;
	s3 =	sadd.s32 $0x800, s3;
	s8 =	simm.s32 $0x80  }
.LBB2_2:
0x11: {  	[tilespmem:s7], [sflag:$0x1] =	stream.linear.gather [hbm4b:s5+s2], $0x4F00, $0x38;
	[tilespmem:$0x15A80] =	vst v63  }
0x12: {  	_ = 	snop  }
0x13: {  	[tilespmem:s2], [sflag:$0x2] =	stream.strided.gather [hbm4b:s4+s8], $0x4E80, s9, s8, $0x38;
	[tilespmem:$0x15A80] =	vst v63  }
0x14: {  	_ =	swait.ge [sflag:s10], $0x4E80  }
0x15: {  	[sflag:s10] =	ssyncset.done $0x0  }
0x16: {  	[sflag:s10] =	ssyncadd.s32 $0xFFFFB180  }
0x17: {  	s16 =	simm.s32 $0x20;
	_ =	strace $0x80000048  }
0x18: {  	v20 =	vld [tilespmem:s16+$0xFFFFFFE0];
	_ =	sdelay $0x4  }
0x19: {  	(xrf0) =	vadd.scan.msk.s32 $0xffff, v20;
	_ =	sdelay $0x2  }
0x1a: {  	v21 =	vld [tilespmem:s16+$0xFFFFFFF0]  }
0x1b: {  	s17 =	simm.s32 $0x0  }
0x1c: {  	v22 =	vor.u32 s17, v0  }
0x1d: {  	v24 =	vadd.s32 v1, v3;
	v23 =	vand.u32 $0x7FF, v22;
	v25, _, _ =	vpop (xrf0)  }
0x1e: {  	vm0 =	vgt.s32 v20, $0x0;
	v20 =	vadd.s32 $0x9C40, v23;
	v24 =	vadd.s32 v25, v24  }
0x1f: {  	v52 =	vld [tilespmem:s16+$0x20];
	(xrf0) =	vadd.scan.msk.s32 $0xffff, v21;
	v20 =	vsel vm0, v24, v20  }
0x20: {  	s17 =	simm.s32 $0x9DA0;
	v23 =	vld [tilespmem:s16+$0x10];
	[tilespmem:s16+$0xFFFFFFE0] =	vst v20  }
0x21: {  	v21 =	vld [tilespmem:s16+$0x0];
	[tilespmem:s17+$0xFFFFFFE0] =	vst v22  }
0x22: {  	v20 =	vld [tilespmem:s16+$0xFFFFFFF0];
	_ =	sdelay $0x1  }
0x23: {  	s18 =	simm.s32 $0x10;
	v22 =	vperm.xlane v25, v2  }
0x24: {  	v53 =	vor.u32 s18, v0;
	v26, _, _ =	vpop (xrf0)  }
0x25: {  	v54 =	vand.u32 $0x7FF, v53;
	(xrf0) =	vadd.scan.msk.s32 $0xffff, v52;
	v27 =	vadd.s32 v1, v26;
	v22 =	vadd.s32 v3, v22  }
0x26: {  	(xrf0) =	vadd.scan.msk.s32 $0xffff, v23;
	v23 =	vadd.s32 $0x9C40, v54;
	v55 =	vadd.s32 v22, v27;
	vm12 =	vgt.s32 v20, $0x0  }
0x27: {  	(xrf0) =	vadd.scan.msk.s32 $0xffff, v21;
	v20 =	vsel vm12, v55, v23  }
0x28: {  	[tilespmem:s16+$0xFFFFFFF0] =	vst v20  }
0x29: {  	[tilespmem:s17+$0xFFFFFFF0] =	vst v53  }
0x2a: {  	v20 =	vld [tilespmem:s16+$0x0]  }
0x2b: {  	v23, _, _ =	vpop (xrf0)  }
0x2c: {  	s29 =	simm.s32 $0x20;
	v21 =	vperm.xlane v26, v2;
	v56, _, _ =	vpop (xrf0)  }
0x2d: {  	v58 =	vor.u32 s29, v0;
	v57, _, _ =	vpop (xrf0)  }
0x2e: {  	v21 =	vadd.s32 v22, v21;
	v22 =	vand.u32 $0x7FF, v58;
	v59 =	vadd.s32 v1, v57  }
0x2f: {  	v22 =	vadd.s32 $0x9C40, v22;
	v27 =	vadd.s32 v21, v59;
	vm13 =	vgt.s32 v20, $0x0  }
0x30: {  	v20 =	vsel vm13, v27, v22  }
0x31: {  	[tilespmem:s16+$0x0] =	vst v20  }
0x32: {  	[tilespmem:s17+$0x0] =	vst v58  }
0x33: {  	v20 =	vld [tilespmem:s16+$0x10];
	_ =	sdelay $0x1  }
0x34: {  	s30 =	simm.s32 $0x30;
	v22 =	vperm.xlane v57, v2  }
0x35: {  	v60 =	vor.u32 s30, v0  }
0x36: {  	v61 =	vadd.s32 v1, v56;
	v22 =	vadd.s32 v21, v22;
	v21 =	vand.u32 $0x7FF, v60  }
0x37: {  	v26 =	vadd.s32 v22, v61;
	v21 =	vadd.s32 $0x9C40, v21;
	vm14 =	vgt.s32 v20, $0x0  }
0x38: {  	v20 =	vsel vm14, v26, v21  }
0x39: {  	[tilespmem:s16+$0x10] =	vst v20  }
0x3a: {  	[tilespmem:s17+$0x10] =	vst v60  }
0x3b: {  	v20 =	vld [tilespmem:s16+$0x20];
	_ =	sdelay $0x1  }
0x3c: {  	s31 =	simm.s32 $0x40;
	v24 =	vperm.xlane v56, v2  }
0x3d: {  	v62 =	vperm.xlane v23, v2;
	v21 =	vor.u32 s31, v0  }
0x3e: {  	v23 =	vadd.s32 v1, v23;
	v22 =	vadd.s32 v22, v24;
	v63 =	vand.u32 $0x7FF, v21  }
0x3f: {  	v23 =	vadd.s32 v22, v23;
	v24 =	vadd.s32 $0x9C40, v63;
	vm15 =	vgt.s32 v20, $0x0  }
0x40: {  	s19 =	simm.s32 $0x9DA0;
	s18 =	simm.s32 $0x90;
	v20 =	vadd.s32 v22, v62;
	v22 =	vsel vm15, v23, v24  }
.LBB2_3:
0x41: {  	p0 =	sne.s32 s18, $0x4E10;
	[tilespmem:s16+$0x20] =	vst v22;
	s17 =	sadd.s32 $0x50, s17;
	s16 =	sadd.s32 $0x50, s16  }
0x42: {  	s20 =	smov.u32 s18;
	s18 =	sadd.s32 $0x50, s18;
	[tilespmem:s19+$0x20] =	vst v21;
	s19 =	smov.u32 s17  }
0x43: {  	v21 =	vld [tilespmem:s16+$0xFFFFFFE0];
	_ =	sdelay $0x4  }
0x44: {  	(xrf0) =	vadd.scan.msk.s32 $0xffff, v21;
	_ =	sdelay $0x1  }
0x45: {  	v22 =	vld [tilespmem:s16+$0xFFFFFFF0]  }
0x46: {  	s21 =	sadd.s32 $0xFFFFFFC0, s20  }
0x47: {  	v23 =	vor.u32 s21, v0  }
0x48: {  	v24 =	vand.u32 $0x7FF, v23;
	vm0 =	vgt.s32 v21, $0x0;
	v21 =	vadd.s32 v1, v20  }
0x49: {  	v24 =	vadd.s32 $0x9C40, v24;
	v25 =	vld [tilespmem:s16+$0x20];
	v26, _, _ =	vpop (xrf0)  }
0x4a: {  	v27 =	vld [tilespmem:s16+$0x10];
	v21 =	vadd.s32 v26, v21;
	v26 =	vperm.xlane v26, v2;
	(xrf0) =	vadd.scan.msk.s32 $0xffff, v22  }
0x4b: {  	v22 =	vld [tilespmem:s16+$0x0];
	v21 =	vsel vm0, v21, v24  }
0x4c: {  	[tilespmem:s16+$0xFFFFFFE0] =	vst v21  }
0x4d: {  	[tilespmem:s17+$0xFFFFFFE0] =	vst v23  }
0x4e: {  	v21 =	vld [tilespmem:s16+$0xFFFFFFF0];
	(xrf0) =	vadd.scan.msk.s32 $0xffff, v25  }
0x4f: {  	s21 =	sadd.s32 $0xFFFFFFD0, s20;
	(xrf0) =	vadd.scan.msk.s32 $0xffff, v27  }
0x50: {  	v20 =	vadd.s32 v20, v26;
	v23 =	vor.u32 s21, v0;
	v24, _, _ =	vpop (xrf0);
	(xrf0) =	vadd.scan.msk.s32 $0xffff, v22  }
0x51: {  	v22 =	vand.u32 $0x7FF, v23;
	v25 =	vadd.s32 v1, v24;
	v24 =	vperm.xlane v24, v2  }
0x52: {  	v26 =	vadd.s32 $0x9C40, v22;
	v25 =	vadd.s32 v20, v25  }
0x53: {  	vm0 =	vgt.s32 v21, $0x0;
	v20 =	vadd.s32 v20, v24  }
0x54: {  	v25 =	vsel vm0, v25, v26;
	v22, _, _ =	vpop (xrf0)  }
0x55: {  	[tilespmem:s16+$0xFFFFFFF0] =	vst v25;
	v21, _, _ =	vpop (xrf0)  }
0x56: {  	[tilespmem:s17+$0xFFFFFFF0] =	vst v23;
	v23 =	vperm.xlane v21, v2;
	v24, _, _ =	vpop (xrf0)  }
0x57: {  	v25 =	vld [tilespmem:s16+$0x0]  }
0x58: {  	s21 =	sadd.s32 $0xFFFFFFE0, s20  }
0x59: {  	v26 =	vor.u32 s21, v0  }
0x5a: {  	v27 =	vand.u32 $0x7FF, v26;
	v28 =	vadd.s32 v1, v24  }
0x5b: {  	v27 =	vadd.s32 $0x9C40, v27;
	v28 =	vadd.s32 v20, v28  }
0x5c: {  	vm0 =	vgt.s32 v25, $0x0  }
0x5d: {  	v25 =	vsel vm0, v28, v27  }
0x5e: {  	[tilespmem:s16+$0x0] =	vst v25  }
0x5f: {  	[tilespmem:s17+$0x0] =	vst v26  }
0x60: {  	v25 =	vld [tilespmem:s16+$0x10]  }
0x61: {  	s21 =	sadd.s32 $0xFFFFFFF0, s20;
	v24 =	vperm.xlane v24, v2  }
0x62: {  	v27 =	vperm.xlane v22, v2;
	v26 =	vor.u32 s21, v0  }
0x63: {  	v21 =	vadd.s32 v1, v21;
	v20 =	vadd.s32 v20, v24;
	v24 =	vand.u32 $0x7FF, v26  }
0x64: {  	v21 =	vadd.s32 v20, v21;
	v23 =	vadd.s32 v20, v23  }
0x65: {  	v20 =	vadd.s32 v23, v27;
	v24 =	vadd.s32 $0x9C40, v24;
	vm0 =	vgt.s32 v25, $0x0  }
0x66: {  	v21 =	vsel vm0, v21, v24  }
0x67: {  	[tilespmem:s16+$0x10] =	vst v21  }
0x68: {  	[tilespmem:s17+$0x10] =	vst v26  }
0x69: {  	v24 =	vld [tilespmem:s16+$0x20];
	_ =	sdelay $0x1  }
.Ltmp1:
0x6a: {  	v21 =	vor.u32 s20, v0;
	(pc) =	sbr.rel @p0 .LBB2_3-.Ltmp1, $4  }
0x6b: {  	v22 =	vadd.s32 v1, v22;
	v25 =	vand.u32 $0x7FF, v21  }
0x6c: {  	v22 =	vadd.s32 v23, v22;
	v25 =	vadd.s32 $0x9C40, v25  }
0x6d: {  	vm0 =	vgt.s32 v24, $0x0  }
0x6e: {  	v22 =	vsel vm0, v22, v25  }
0x6f: {  	[tilespmem:s16+$0x20] =	vst v22  }
0x70: {  	s16 =	simm.s32 $0x13AC0;
	[tilespmem:s19+$0x20] =	vst v21  }
0x71: {  	[tilespmem:s16+$0xFFFFFFC0] =	vst v3  }
0x72: {  	[tilespmem:s16+$0x30] =	vst v3  }
0x73: {  	[tilespmem:s16+$0x20] =	vst v3  }
0x74: {  	[tilespmem:s16+$0x10] =	vst v3  }
0x75: {  	[tilespmem:s16+$0x0] =	vst v3  }
0x76: {  	[tilespmem:s16+$0xFFFFFFF0] =	vst v3  }
0x77: {  	s17 =	simm.s32 $0x0;
	[tilespmem:s16+$0xFFFFFFE0] =	vst v3  }
.LBB2_5:
0x78: {  	s17 =	sadd.s32 $0x8, s17;
	[tilespmem:s16+$0xFFFFFFD0] =	vst v3;
	s16 =	sadd.s32 $0x80, s16  }
0x79: {  	[tilespmem:s16+$0xFFFFFFC0] =	vst v3;
	p0 =	slt.u32 s17, $0x1F8  }
0x7a: {  	[tilespmem:s16+$0x30] =	vst v3  }
.Ltmp2:
0x7b: {  	[tilespmem:s16+$0x20] =	vst v3;
	(pc) =	sbr.rel @p0 .LBB2_5-.Ltmp2, $4  }
0x7c: {  	[tilespmem:s16+$0x10] =	vst v3  }
0x7d: {  	[tilespmem:s16+$0x0] =	vst v3  }
0x7e: {  	[tilespmem:s16+$0xFFFFFFF0] =	vst v3  }
0x7f: {  	[tilespmem:s16+$0xFFFFFFE0] =	vst v3  }
0x80: {  	[tilespmem:s16+$0xFFFFFFD0] =	vst v3  }
.Ltmp3:
0x81: {  	_ =	strace $0x90000048;
	(pc) =	sbr.rel .LBB2_7-.Ltmp3, $4  }
0x82: {  	_ =	swait.ge [sflag:s11], $0x4F00  }
0x83: {  	[sflag:s11] =	ssyncset.done $0x0  }
0x84: {  	s16 =	simm.s32 $0x10;
	[sflag:s11] =	ssyncadd.s32 $0xFFFFB100  }
0x85: {  	s17 =	simm.s32 $0x4E00;
	s18 =	simm.s32 $0x2700;
	_ =	strace $0x80000049  }
.LBB2_9:
0x86: {  	_ =	sdelay $0x3  }
0x87: {  	v21 =	vld.idx.msk [tilespmem:v21+s13+$0x0], $0xffff;
	_ =	sdelay $0x4  }
0x88: {  	[tilespmem:v20+s13+$0x0] =	vst.idx.msk $0xffff, v21  }
.LBB2_10:
0x89: {  	s16 =	sadd.s32 $0x10, s16  }
0x8a: {  	p0 =	sne.s32 s16, $0x2720  }
.Ltmp4:
0x8b: {  	_ = 	snop;
	(pc) =	sbr.rel @!p0 .LBB2_11-.Ltmp4, $2  }
0x8c: {  	_ =	sdelay $0x2  }
0x8d: {  	s17 =	sadd.s32 $0xFFFFFFE0, s17;
	s18 =	sadd.s32 $0xFFFFFFF0, s18  }
.LBB2_7:
0x8e: {  	s19 =	sand.u32 $0x70, s18;
	s20 =	sand.u32 $0x7F00, s17  }
0x8f: {  	s19 =	sor.u32 s19, s20  }
0x90: {  	v20 =	vld [tilespmem:s19+$0x4F00];
	_ =	sdelay $0x1  }
0x91: {  	v21 =	vld [tilespmem:s19+$0x4E80];
	_ =	sdelay $0x2  }
0x92: {  	v20 =	vperm.xlane v20, v4;
	_ =	sdelay $0x1  }
0x93: {  	v21 =	vperm.xlane v21, v4;
	v22 =	vand.u32 $0x1FFF, v20;
	_ =	sdelay $0x1  }
0x94: {  	v23 =	vand.u32 $0x1FFF, v21;
	_ =	sdelay $0x1  }
0x95: {  	v24 =	vor.u32 s16, v0  }
0x96: {  	[tilespmem:v22+s12+$0x0] =	vst.idx.msk $0xffff, v24  }
0x97: {  	v22 =	vld.idx.msk [tilespmem:v22+s12+$0x0], $0xffff  }
0x98: {  	v23 =	vld.idx.msk [tilespmem:v23+s12+$0x0], $0xffff;
	_ =	sdelay $0x4  }
0x99: {  	vm0 =	vne.s32 v22, v24;
	vm1 =	vge.s32 v23, s16  }
0x9a: {  	vm0 =	vmor vm0, vm1  }
0x9b: {  	v22 =	vsel vm0, $0x3F800000, v5  }
0x9c: {  	(xrf0) =	vmax.scan.msk.f32 $0xffff, v22;
	_ =	sdelay $0x5  }
0x9d: {  	v22, _, _ =	vpop (xrf0)  }
0x9e: {  	(v2sf) =	vpush v22, $0xF;
	_ =	sdelay $0xe  }
0x9f: {  	s31 =	spop (v2sf)  }
0xa0: {  	p0 =	sgt.f32 s31, $0.0e+00  }
.Ltmp5:
0xa1: {  	_ = 	snop;
	(pc) =	sbr.rel @!p0 .LBB2_9-.Ltmp5, $1  }
0xa2: {  	_ =	sdelay $0x3  }
0xa3: {  	v22 =	vperm.xlane v21, v3;
	_ =	sdelay $0x4  }
0xa4: {  	v23 =	vperm.xlane v20, v3  }
0xa5: {  	v24 =	vperm.xlane v21, v6;
	v22 =	vld.idx.msk [tilespmem:v22+s13+$0x0], $0xffff;
	_ =	sdelay $0x4  }
0xa6: {  	v36 =	vperm.xlane v20, v6;
	[tilespmem:v23+s13+$0x0] =	vst.idx.msk $0x1, v22  }
0xa7: {  	v37 =	vperm.xlane v21, v7;
	v23 =	vld.idx.msk [tilespmem:v24+s13+$0x0], $0xffff;
	_ =	sdelay $0x4  }
0xa8: {  	v38 =	vperm.xlane v20, v7;
	[tilespmem:v36+s13+$0x0] =	vst.idx.msk $0x1, v23  }
0xa9: {  	v39 =	vperm.xlane v21, v8;
	v23 =	vld.idx.msk [tilespmem:v37+s13+$0x0], $0xffff;
	_ =	sdelay $0x4  }
0xaa: {  	v40 =	vperm.xlane v20, v8;
	[tilespmem:v38+s13+$0x0] =	vst.idx.msk $0x1, v23  }
0xab: {  	v41 =	vperm.xlane v21, v9;
	v23 =	vld.idx.msk [tilespmem:v39+s13+$0x0], $0xffff;
	_ =	sdelay $0x4  }
0xac: {  	v42 =	vperm.xlane v20, v9;
	[tilespmem:v40+s13+$0x0] =	vst.idx.msk $0x1, v23  }
0xad: {  	v43 =	vperm.xlane v21, v10;
	v23 =	vld.idx.msk [tilespmem:v41+s13+$0x0], $0xffff;
	_ =	sdelay $0x4  }
0xae: {  	v44 =	vperm.xlane v20, v10;
	[tilespmem:v42+s13+$0x0] =	vst.idx.msk $0x1, v23  }
0xaf: {  	v45 =	vperm.xlane v21, v11;
	v23 =	vld.idx.msk [tilespmem:v43+s13+$0x0], $0xffff;
	_ =	sdelay $0x4  }
0xb0: {  	v46 =	vperm.xlane v20, v11;
	[tilespmem:v44+s13+$0x0] =	vst.idx.msk $0x1, v23  }
0xb1: {  	v47 =	vperm.xlane v21, v12;
	v23 =	vld.idx.msk [tilespmem:v45+s13+$0x0], $0xffff;
	_ =	sdelay $0x4  }
0xb2: {  	v48 =	vperm.xlane v20, v12;
	[tilespmem:v46+s13+$0x0] =	vst.idx.msk $0x1, v23  }
0xb3: {  	v49 =	vperm.xlane v21, v13;
	v23 =	vld.idx.msk [tilespmem:v47+s13+$0x0], $0xffff;
	_ =	sdelay $0x4  }
0xb4: {  	v50 =	vperm.xlane v20, v13;
	[tilespmem:v48+s13+$0x0] =	vst.idx.msk $0x1, v23  }
0xb5: {  	v51 =	vperm.xlane v21, v14;
	v23 =	vld.idx.msk [tilespmem:v49+s13+$0x0], $0xffff;
	_ =	sdelay $0x4  }
0xb6: {  	v52 =	vperm.xlane v20, v14;
	[tilespmem:v50+s13+$0x0] =	vst.idx.msk $0x1, v23  }
0xb7: {  	v53 =	vperm.xlane v21, v15;
	v23 =	vld.idx.msk [tilespmem:v51+s13+$0x0], $0xffff;
	_ =	sdelay $0x4  }
0xb8: {  	v54 =	vperm.xlane v20, v15;
	[tilespmem:v52+s13+$0x0] =	vst.idx.msk $0x1, v23  }
0xb9: {  	v55 =	vperm.xlane v21, v16;
	v23 =	vld.idx.msk [tilespmem:v53+s13+$0x0], $0xffff;
	_ =	sdelay $0x4  }
0xba: {  	v56 =	vperm.xlane v20, v16;
	[tilespmem:v54+s13+$0x0] =	vst.idx.msk $0x1, v23  }
0xbb: {  	v57 =	vperm.xlane v21, v17;
	v23 =	vld.idx.msk [tilespmem:v55+s13+$0x0], $0xffff;
	_ =	sdelay $0x4  }
0xbc: {  	v58 =	vperm.xlane v20, v17;
	[tilespmem:v56+s13+$0x0] =	vst.idx.msk $0x1, v23  }
0xbd: {  	v59 =	vperm.xlane v21, v18;
	v23 =	vld.idx.msk [tilespmem:v57+s13+$0x0], $0xffff;
	_ =	sdelay $0x4  }
0xbe: {  	v60 =	vperm.xlane v20, v18;
	[tilespmem:v58+s13+$0x0] =	vst.idx.msk $0x1, v23  }
0xbf: {  	v61 =	vperm.xlane v21, v19;
	v23 =	vld.idx.msk [tilespmem:v59+s13+$0x0], $0xffff;
	_ =	sdelay $0x4  }
0xc0: {  	v62 =	vperm.xlane v20, v19;
	[tilespmem:v60+s13+$0x0] =	vst.idx.msk $0x1, v23  }
0xc1: {  	v63 =	vperm.xlane v21, v2;
	v23 =	vld.idx.msk [tilespmem:v61+s13+$0x0], $0xffff;
	_ =	sdelay $0x4  }
0xc2: {  	v20 =	vperm.xlane v20, v2;
	[tilespmem:v62+s13+$0x0] =	vst.idx.msk $0x1, v23  }
0xc3: {  	v21 =	vld.idx.msk [tilespmem:v63+s13+$0x0], $0xffff  }
.Ltmp6:
0xc4: {  	_ = 	snop;
	(pc) =	sbr.rel .LBB2_10-.Ltmp6, $2  }
0xc5: {  	_ =	sdelay $0x2  }
0xc6: {  	[tilespmem:v20+s13+$0x0] =	vst.idx.msk $0x1, v21  }
.LBB2_11:
0xc7: {  	_ =	strace $0x90000049  }
0xc8: {  	s16 =	simm.s32 $0x9DA0;
	_ =	strace $0x8000004A  }
0xc9: {  	v20 =	vld [tilespmem:s16+$0x20]  }
0xca: {  	v21 =	vld [tilespmem:s16+$0xFFFFFFF0]  }
0xcb: {  	v22 =	vld [tilespmem:s16+$0x0]  }
0xcc: {  	v23 =	vld [tilespmem:s16+$0x10]  }
0xcd: {  	s31 =	simm.s32 $0x9DF0;
	v24 =	vld [tilespmem:s16+$0xFFFFFFE0]  }
0xce: {  	v30 =	vld [tilespmem:s31+$0x20]  }
0xcf: {  	v31 =	vld [tilespmem:s31+$0xFFFFFFF0]  }
0xd0: {  	v25 =	vld [tilespmem:s31+$0xFFFFFFE0]  }
0xd1: {  	v28 =	vld.idx.msk [tilespmem:v20+s2+$0x0], $0xffff  }
0xd2: {  	v29 =	vld.idx.msk [tilespmem:v21+s2+$0x0], $0xffff  }
0xd3: {  	v21 =	vld [tilespmem:s31+$0x0]  }
0xd4: {  	v20 =	vld [tilespmem:s31+$0x10]  }
0xd5: {  	v27 =	vld.idx.msk [tilespmem:v24+s2+$0x0], $0xffff  }
0xd6: {  	v26 =	vld.idx.msk [tilespmem:v22+s2+$0x0], $0xffff  }
0xd7: {  	s16 =	simm.s32 $0xEC20;
	v23 =	vld.idx.msk [tilespmem:v23+s2+$0x0], $0xffff  }
0xd8: {  	v22 =	vld.idx.msk [tilespmem:v30+s2+$0x0], $0xffff;
	[tilespmem:s16+$0x20] =	vst v28  }
0xd9: {  	s17 =	simm.s32 $0x5;
	s18 =	simm.s32 $0x9E40;
	v24 =	vld.idx.msk [tilespmem:v31+s2+$0x0], $0xffff;
	[tilespmem:s16+$0xFFFFFFF0] =	vst v29  }
.LBB2_12:
0xda: {  	v28 =	vld [tilespmem:s18+$0x20];
	s17 =	sadd.s32 $0x5, s17  }
0xdb: {  	v29 =	vld [tilespmem:s18+$0xFFFFFFF0];
	p0 =	slt.u32 s17, $0x4DD;
	[tilespmem:s16+$0xFFFFFFE0] =	vst v27  }
0xdc: {  	v30 =	vld [tilespmem:s18+$0x0];
	[tilespmem:s16+$0x0] =	vst v26  }
0xdd: {  	v31 =	vld [tilespmem:s18+$0x10];
	[tilespmem:s16+$0x10] =	vst v23;
	s16 =	sadd.s32 $0x50, s16  }
0xde: {  	v32 =	vld [tilespmem:s18+$0xFFFFFFE0];
	[tilespmem:s16+$0x20] =	vst v22  }
.Ltmp7:
0xdf: {  	v27 =	vld.idx.msk [tilespmem:v25+s2+$0x0], $0xffff;
	[tilespmem:s16+$0xFFFFFFF0] =	vst v24;
	(pc) =	sbr.rel @p0 .LBB2_12-.Ltmp7, $4  }
0xe0: {  	v26 =	vld.idx.msk [tilespmem:v21+s2+$0x0], $0xffff  }
0xe1: {  	v23 =	vld.idx.msk [tilespmem:v20+s2+$0x0], $0xffff;
	v21 =	vmov v30  }
0xe2: {  	v22 =	vld.idx.msk [tilespmem:v28+s2+$0x0], $0xffff;
	v20 =	vmov v31  }
0xe3: {  	s18 =	sadd.s32 $0x50, s18;
	v24 =	vld.idx.msk [tilespmem:v29+s2+$0x0], $0xffff;
	v25 =	vmov v32  }
0xe4: {  	_ =	sdelay $0x3  }
0xe5: {  	[tilespmem:s16+$0xFFFFFFE0] =	vst v27;
	v25 =	vld.idx.msk [tilespmem:v25+s2+$0x0], $0xffff  }
0xe6: {  	v21 =	vld.idx.msk [tilespmem:v21+s2+$0x0], $0xffff;
	[tilespmem:s16+$0x0] =	vst v26  }
0xe7: {  	s31 =	sadd.s32 $0x50, s16;
	v20 =	vld.idx.msk [tilespmem:v20+s2+$0x0], $0xffff;
	[tilespmem:s16+$0x10] =	vst v23  }
0xe8: {  	[tilespmem:s31+$0x20] =	vst v22  }
0xe9: {  	[tilespmem:s31+$0xFFFFFFF0] =	vst v24  }
0xea: {  	[tilespmem:s31+$0xFFFFFFE0] =	vst v25  }
0xeb: {  	s15 =	sadd.s32 $0x1, s15;
	[tilespmem:s31+$0x0] =	vst v21  }
0xec: {  	p0 =	sne.s32 s15, s6;
	[tilespmem:s31+$0x10] =	vst v20  }
.Ltmp8:
0xed: {  	_ =	strace $0x9000004A;
	(pc) =	sbr.rel @p0 .LBB2_2-.Ltmp8, $4  }
0xee: {  	[hbm4b:s3+s2] =	stream.linear.scatter [tilespmem:s14], [sflag:$0x2], $0x4E20, $0x38;
	[tilespmem:$0x15A80] =	vst v63  }
0xef: {  	_ =	swait.ge [sflag:s10], $0x4E20  }
0xf0: {  	[sflag:s10] =	ssyncset.done $0x0  }
0xf1: {  	[sflag:s10] =	ssyncadd.s32 $0xFFFFB1E0  }
.LBB2_14:
0xf2: {  	_ =	sfence.sel $0x180000  }
0xf3: {  	[bflag:$0x0] =	sbarrier.arrive $0xFFFF  }
0xf4: {  	p0 =	sne.s32 s1, $0x0;
	_ =	strace $0x90000047  }
0xf5: {  	s0 =	sadd.s32 @!p0 $0x100000, s0;
	[bflag:$0x2] =	sbarrier.arrive $0xFFFF  }
0xf6: {  	[sflag:s0] =	ssyncadd.tile.s32 @!p0 $0x1;
	_ =	shalt  }
.Lfunc_end2:
_tile_overlayer_lowered:
.L_overlay_start_2:
0xf7: {  	(tag) =	ssettag $0x2  }
0xf8: {  	s0 =	rddreg [dreg:$0x0];
	s2 =	stileid.u32  }
0xf9: {  	s1 =	rddreg [dreg:$0x1];
	p0 =	sne.s32 s2, $0x0  }
0xfa: {  	s3 =	rddreg [dreg:$0x2];
	[bflag:$0x3] =	sbarrier.arrive $0xFFFF;
	s2 =	simm.s32 @!p0 $0x1C02  }
0xfb: {  	[timem:s3], [sflag:s2] =	dma.local @!p0 [hbm:s0], s1  }
0xfc: {  	s0 =	simm.s32 @!p0 $0x2  }
0xfd: {  	_ =	swait.ge @!p0 [sflag:s0], s1  }
0xfe: {  	s1 =	ssub.s32 @!p0 $0x0, s1;
	[sflag:s0] =	ssyncset.done @!p0 $0x0  }
0xff: {  	[sflag:s0] =	ssyncadd.s32 @!p0 s1  }
0x100: {  	[bflag:$0x3] =	sbarrier.arrive $0xFFFF  }
0x101: {  	_ =	shalt  }

// kernel: kernel.7.cloned.1.call-start
scs
__scs_entry_jumppad:
0x0: {  	(pc) =	sbr.rel $0x88, $3  }
0x1: {  	(tag) =	ssettag $0x0;
	lr =	simm.s32 $0x1  }
0x2: {  	[smem:$0x3F9E] =	sst lr;
	_ =	strace $0xD0000000  }
0x3: {  	_ = 	snop  }
0x4: {  	_ = 	snop  }
0x5: {  	_ = 	snop  }
0x6: {  	_ = 	snop  }
0x7: {  	_ = 	snop  }
__scs_overlays_trampoline_lowered:
0x8: {  	[smem:$0x3FAD] =	sst s0  }
0x9: {  	[smem:$0x3FAE] =	sst s1  }
0xa: {  	[smem:$0x3FAF] =	sst s2  }
0xb: {  	[smem:$0x3FB0] =	sst s3  }
0xc: {  	[smem:$0x3FB1] =	sst s4  }
0xd: {  	[smem:$0x3FB2] =	sst s5  }
0xe: {  	[smem:$0x3FB3] =	sst s6  }
0xf: {  	[smem:$0x3FB4] =	sst s7  }
0x10: {  	[smem:$0x3FB5] =	sst s8  }
0x11: {  	[smem:$0x3FB6] =	sst s9;
	s0 =	simm.s32 @!p0 $0x0  }
0x12: {  	s1 =	sld [smem:$0x3F9C];
	s0 =	simm.s32 @p0 $0x1  }
0x13: {  	[smem:$0x3FB7] =	sst s0;
	s0 =	simm.s32 @!p1 $0x0  }
0x14: {  	s2 =	sld [smem:$0x3F9B];
	s0 =	simm.s32 @p1 $0x1  }
0x15: {  	[smem:$0x3FB8] =	sst s0;
	s0 =	simm.s32 @!p2 $0x0  }
0x16: {  	s3 =	sld [smem:$0x3FDB];
	s0 =	simm.s32 @p2 $0x1  }
0x17: {  	s4 =	simm.s32 $0x1BF5;
	[smem:$0x3FBA] =	sst s0  }
0x18: {  	s0 =	sld [smem:$0x3F9D];
	_ =	swait.ge [sflag:s4], $0x0  }
0x19: {  	s7 =	sld [smem:$0x3F9E]  }
0x1a: {  	s8 =	sadd.s32 $0xFFFFE003, lr  }
0x1b: {  	s9 =	sadd.s32 $0xFFFFFEF7, lr;
	s5 =	simm.s32 $0xFFFFFFFF;
	p2 =	slt.u32 s8, $0xFFFFF086  }
0x1c: {  	p1 =	slt.u32 s9, $0xF7A;
	s5 =	simm.s32 @!p2 $0x0  }
0x1d: {  	s5 =	simm.s32 @p1 $0x1;
	p0 =	seq.s32 s7, s2  }
0x1e: {  	s7 =	smul.u32 @!p0 $0xF7A, s2;
	p2 =	seq.s32 @!p0 s5, $0x0  }
0x1f: {  	s9 =	smul.u32 $0xF7A, s1;
	s8 =	simm.s32 @!p0 $0x1BF5;
	p2 =	por !p2, p0  }
0x20: {  	[sflag:s8] =	ssyncset.s32 @!p0 $0xFFFFF086;
	s6 =	sadd.s32 @!p0 s3, s7;
	s7 =	simm.s32 @!p0 $0x108  }
0x21: {  	s3 =	sadd.s32 s3, s9;
	s6 =	sadd.s32 @!p0 $0x88, s6;
	s7 =	simm.s32 @p2 $0x1082  }
0x22: {  	[simem:s7], [sflag:s8] =	dma.local @!p0 [hbm:s6], $0xF7A  }
0x23: {  	s9 =	sor.u32 $0xD0000000, s2;
	s6 =	simm.s32 $0x108;
	_ =	swait.ge @!p0 [sflag:s8], $0x0  }
0x24: {  	s3 =	sadd.s32 $0x88, s3;
	s6 =	simm.s32 @!p1 $0x1082;
	[sflag:s4] =	ssyncset.s32 $0xFFFFF086  }
0x25: {  	[simem:s6], [sflag:s4] =	dma.local [hbm:s3], $0xF7A  }
0x26: {  	[smem:$0x3F9E] =	sst s1;
	(tag) =	ssettag s2;
	_ =	strace s9  }
0x27: {  	s1 =	sld [smem:$0x3FAE]  }
0x28: {  	s2 =	sld [smem:$0x3FAF]  }
0x29: {  	s4 =	sld [smem:$0x3FB1]  }
0x2a: {  	p0 =	seq.s32 s5, $0x0;
	s5 =	sld [smem:$0x3FB2]  }
0x2b: {  	s6 =	sld [smem:$0x3FB3]  }
0x2c: {  	s7 =	sld [smem:$0x3FB4]  }
0x2d: {  	s3 =	simm.s32 $0x108;
	s8 =	sld [smem:$0x3FB5]  }
0x2e: {  	s3 =	simm.s32 @!p0 $0x1082;
	s9 =	sld [smem:$0x3FB6]  }
0x2f: {  	lr =	sadd.s32 s0, s3;
	s0 =	sld [smem:$0x3FAD]  }
0x30: {  	s3 =	sld [smem:$0x3FB0]  }
0x31: {  	[smem:$0x3FB9] =	sst s10  }
0x32: {  	s10 =	sld [smem:$0x3FB7];
	_ =	sdelay $0x3  }
0x33: {  	p0 =	seq.s32 s10, $0x1;
	s10 =	sld [smem:$0x3FB9];
	_ =	sdelay $0x3  }
0x34: {  	[smem:$0x3FB9] =	sst s10  }
0x35: {  	s10 =	sld [smem:$0x3FB8];
	_ =	sdelay $0x3  }
0x36: {  	p1 =	seq.s32 s10, $0x1;
	s10 =	sld [smem:$0x3FB9];
	_ =	sdelay $0x3  }
0x37: {  	[smem:$0x3FB9] =	sst s10  }
0x38: {  	s10 =	sld [smem:$0x3FBA]  }
0x39: {  	_ = 	snop;
	(pc) =	sbr.ind lr, $3  }
0x3a: {  	_ = 	snop  }
0x3b: {  	_ = 	snop  }
0x3c: {  	p2 =	seq.s32 s10, $0x1;
	s10 =	sld [smem:$0x3FB9]  }
0x3d: {  	_ =	shalt  }
0x3e: {  	_ =	shalt  }
0x3f: {  	_ =	shalt  }
0x40: {  	_ =	shalt  }
0x41: {  	_ =	shalt  }
0x42: {  	_ =	shalt  }
0x43: {  	_ =	shalt  }
0x44: {  	_ =	shalt  }
0x45: {  	_ =	shalt  }
0x46: {  	_ =	shalt  }
0x47: {  	_ =	shalt  }
0x48: {  	_ =	shalt  }
0x49: {  	_ =	shalt  }
0x4a: {  	_ =	shalt  }
0x4b: {  	_ =	shalt  }
0x4c: {  	_ =	shalt  }
0x4d: {  	_ =	shalt  }
0x4e: {  	_ =	shalt  }
0x4f: {  	_ =	shalt  }
0x50: {  	_ =	shalt  }
0x51: {  	_ =	shalt  }
0x52: {  	_ =	shalt  }
0x53: {  	_ =	shalt  }
0x54: {  	_ =	shalt  }
0x55: {  	_ =	shalt  }
0x56: {  	_ =	shalt  }
0x57: {  	_ =	shalt  }
0x58: {  	_ =	shalt  }
0x59: {  	_ =	shalt  }
0x5a: {  	_ =	shalt  }
0x5b: {  	_ =	shalt  }
0x5c: {  	_ =	shalt  }
0x5d: {  	_ =	shalt  }
0x5e: {  	_ =	shalt  }
0x5f: {  	_ =	shalt  }
0x60: {  	_ =	shalt  }
0x61: {  	_ =	shalt  }
0x62: {  	_ =	shalt  }
0x63: {  	_ =	shalt  }
0x64: {  	_ =	shalt  }
0x65: {  	_ =	shalt  }
0x66: {  	_ =	shalt  }
0x67: {  	_ =	shalt  }
0x68: {  	_ =	shalt  }
0x69: {  	_ =	shalt  }
0x6a: {  	_ =	shalt  }
0x6b: {  	_ =	shalt  }
0x6c: {  	_ =	shalt  }
0x6d: {  	_ =	shalt  }
0x6e: {  	_ =	shalt  }
0x6f: {  	_ =	shalt  }
0x70: {  	_ =	shalt  }
0x71: {  	_ =	shalt  }
0x72: {  	_ =	shalt  }
0x73: {  	_ =	shalt  }
0x74: {  	_ =	shalt  }
0x75: {  	_ =	shalt  }
0x76: {  	_ =	shalt  }
0x77: {  	_ =	shalt  }
0x78: {  	_ =	shalt  }
0x79: {  	_ =	shalt  }
0x7a: {  	_ =	shalt  }
0x7b: {  	_ =	shalt  }
0x7c: {  	_ =	shalt  }
0x7d: {  	_ =	shalt  }
0x7e: {  	_ =	shalt  }
0x7f: {  	_ =	shalt  }
0x80: {  	_ =	shalt  }
0x81: {  	_ =	shalt  }
0x82: {  	_ =	shalt  }
0x83: {  	_ =	shalt  }
0x84: {  	_ =	shalt  }
0x85: {  	_ =	shalt  }
0x86: {  	_ =	shalt  }
0x87: {  	_ =	shalt  }
.Lfunc_end0:
.L_simem_size_0:
called_computation.1_lowered:
.L_overlay_start_0:
0x88: {  	s2 =	sld [smem:$0x3FD9]  }
0x89: {  	s3 =	sld [smem:$0x3FFE];
	_ =	sdelay $0x1  }
0x8a: {  	s1 =	srdreg.scid  }
0x8b: {  	s0 =	sand.u32 $0x1, s1  }
0x8c: {  	s17 =	sshll.u32 s0, $0xA;
	s2 =	sadd.s32 s3, s2  }
0x8d: {  	s2 =	sadd.s32 s2, s17  }
0x8e: {  	[smem:$0x3FC5] =	sst s2  }
0x8f: {  	_ = 	snop  }
0x90: {  	s2 =	sld [smem:$0x3FD0];
	(tm) =	ssettm $0x1  }
0x91: {  	s18 =	sld [smem:$0x3FFB];
	_ =	sdelay $0x3  }
0x92: {  	_ =	strace s18  }
0x93: {  	s3 =	sld [smem:$0x3FFC];
	_ =	sdelay $0x3  }
0x94: {  	_ =	strace s3  }
0x95: {  	s3 =	sld [smem:$0x3FFD];
	_ =	sdelay $0x3  }
0x96: {  	_ =	strace s3  }
0x97: {  	_ =	strace $0x8FFFFFFF  }
0x98: {  	s19 =	sld [smem:$0x3FDB];
	_ =	sdelay $0x1  }
0x99: {  	s4 =	simm.s32 $_scs_section_size  }
0x9a: {  	s5 =	simm.s32 $_size__tile_overlayer_lowered;
	s6 =	simm.s32 $_tile_overlayer_lowered  }
0x9b: {  	s22 =	simm.s32 $0x1BFF;
	s21 =	sshll.u32 s6, $0x1;
	s3 =	sadd.s32 s4, s19  }
0x9c: {  	s7 =	simm.s32 $0x0;
	s20 =	sshll.u32 s5, $0x1;
	s5 =	sadd.s32 s21, s3  }
0x9d: {  	[timem:s7], [sflag:s22] =	dma.local [hbm:s5], s20  }
0x9e: {  	_ =	swait.ge [sflag:s22], s20  }
0x9f: {  	s4 =	ssub.s32 $0x0, s20;
	[sflag:s22] =	ssyncset.done $0x0  }
0xa0: {  	[sflag:s22] =	ssyncadd.s32 s4;
	_ =	sdelay $0x1  }
0xa1: {  	s23 =	simm.s32 $0x1B8B  }
0xa2: {  	_ =	swait.ge [sflag:s23], $0x1  }
0xa3: {  	[sflag:s23] =	ssyncset.done $0x0  }
0xa4: {  	s25 =	simm.s32 $0x1B8E;
	s24 =	sld [smem:$0x3FFE];
	[sflag:s23] =	ssyncadd.s32 $0xFFFFFFFF  }
0xa5: {  	s26 =	simm.s32 $execute0_lowered;
	[smem:$0x3FD2] =	sst s25  }
0xa6: {  	s5 =	sshll.u32 s26, $0x1;
	_ =	strace $0x8000004C;
	[dreg:$0x1] =	wrdreg $0xFFFFFFFF  }
0xa7: {  	s28 =	simm.s32 $_size_execute0_lowered;
	s3 =	sadd.s32 s3, s5;
	[dreg:$0x0] =	wrdreg $0x0  }
0xa8: {  	s5 =	sshll.u32 s28, $0x1;
	[dreg:$0x2] =	wrdreg s3  }
0xa9: {  	[dreg:$0x3] =	wrdreg s5  }
0xaa: {  	[dreg:$0x4] =	wrdreg $0xC0  }
0xab: {  	_ =	task [dreg:s7], $0x5FFFF  }
0xac: {  	[dreg:$0x1] =	wrdreg $0xFFFFFFFF  }
0xad: {  	[dreg:$0x0] =	wrdreg $0x60  }
0xae: {  	[dreg:$0x2] =	wrdreg s24  }
0xaf: {  	[dreg:$0x3] =	wrdreg s2  }
0xb0: {  	[dreg:$0x4] =	wrdreg $0x9  }
0xb1: {  	_ =	task.clear_ibuf [dreg:s7], $0x5FFFF;
	_ =	strace $0x9000004C  }
0xb2: {  	s29 =	simm.s32 $0x9;
	_ =	strace $0x8000004E  }
0xb3: {  	_ =	swait.ge [sflag:s29], $0x1  }
0xb4: {  	[sflag:s29] =	ssyncadd.s32 $0xFFFFFFFF  }
0xb5: {  	_ =	strace $0x9000004E  }
0xb6: {  	_ =	sfence  }
0xb7: {  	s30 =	sld [smem:$0x0];
	_ =	sdelay $0x2  }
0xb8: {  	s31 =	sshll.u32 s1, $0xD;
	s1 =	sshrl.u32 s1, $0x2  }
0xb9: {  	s3 =	sand.u32 $0x4000, s31;
	s1 =	sadd.s32 s1, s30  }
0xba: {  	s0 =	sor.u32 s3, s0;
	s1 =	sshll.u32 s1, $0x11  }
0xbb: {  	s0 =	sor.u32 s1, s0  }
0xbc: {  	s0 =	sadd.s32 $0x8F2B, s0  }
0xbd: {  	[sflag:s0] =	ssyncadd.remote.s32 $0x1  }
0xbe: {  	_ =	sfence.sel $0xFFFF  }
0xbf: {  	[dreg:$0x0] =	wrdreg $0xFFFFFFFF;
	(pc) =	sbr.abs _section_cstart, $3  }
0xc0: {  	[dreg:$0x1] =	wrdreg $0xFFFFFFFF  }
0xc1: {  	_ =	task.clear_ibuf [dreg:s7], $0x2FFFF;
	_ =	strace $0x9FFFFFFF  }
0xc2: {  	(tm) =	ssettm $0x7FFFFFFF  }
0xc3: {  	_ =	shalt  }
tec
execute0_lowered:
.L_overlay_start_1:
0x0: {  	(tag) =	ssettag $0x1  }
0x1: {  	s0 =	srdreg.scid;
	s1 =	stileid.u32  }
0x2: {  	s0 =	sand.u32 $0x1, s0;
	s1 =	sshll.u32 s1, $0x1  }
0x3: {  	s1 =	sor.u32 s0, s1  }
0x4: {  	s3 =	smul.u32 $0x13, s1  }
0x5: {  	s6 =	smul.u32 $0x14, s1  }
0x6: {  	s4 =	rddreg [dreg:$0x0];
	p0 =	slt.u32 s1, $0x11;
	s7 =	sadd.s32 $0x11, s3  }
0x7: {  	s5 =	rddreg [dreg:$0x1];
	s7 =	smov.u32 @p0 s6  }
0x8: {  	s2 =	simm.s32 $0x0;
	s6 =	sshll.u32 s7, $0x4;
	s7 =	sshll.u32 s7, $0xC  }
0x9: {  	[smem:$0x7FF] =	sst s2;
	s6 =	sand.u32 $0x1FFFFFF0, s6;
	s7 =	sand.u32 $0x1FFFF000, s7  }
0xa: {  	s3 =	sadd.s32 $0x3000, s4;
	s4 =	sadd.s32 s6, s4;
	s5 =	sadd.s32 s5, s7  }
0xb: {  	_ =	strace $0x8000004D;
	s4 =	sadd.s32 $0x800, s4;
	[dreg:$0x3] =	wrdreg s5  }
0xc: {  	s11 =	sadd.s32 $0x1000, s5;
	[dreg:$0x4] =	wrdreg s4  }
0xd: {  	s12 =	sadd.s32 $0x2000, s5;
	[dreg:$0x5] =	wrdreg s11  }
0xe: {  	s13 =	sadd.s32 $0x3000, s5;
	[dreg:$0x6] =	wrdreg s12  }
0xf: {  	s14 =	sadd.s32 $0x4000, s5;
	[dreg:$0x7] =	wrdreg s13  }
0x10: {  	s15 =	sadd.s32 $0x5000, s5;
	[dreg:$0x8] =	wrdreg s14  }
0x11: {  	s16 =	sadd.s32 $0x6000, s5;
	[dreg:$0x9] =	wrdreg s15  }
0x12: {  	s17 =	sadd.s32 $0x7000, s5;
	[dreg:$0xa] =	wrdreg s16  }
0x13: {  	s18 =	sadd.s32 $0x8000, s5;
	[dreg:$0xb] =	wrdreg s17  }
0x14: {  	s19 =	sadd.s32 $0x9000, s5;
	[dreg:$0xc] =	wrdreg s18  }
0x15: {  	s20 =	sadd.s32 $0xA000, s5;
	[dreg:$0xd] =	wrdreg s19  }
0x16: {  	s21 =	sadd.s32 $0xB000, s5;
	[dreg:$0xe] =	wrdreg s20  }
0x17: {  	s22 =	sadd.s32 $0xC000, s5;
	[dreg:$0xf] =	wrdreg s21  }
0x18: {  	s23 =	sadd.s32 $0xD000, s5;
	[dreg:$0x10] =	wrdreg s22  }
0x19: {  	s31 =	simm.s32 $0x8A00;
	s24 =	sadd.s32 $0xE000, s5;
	[dreg:$0x11] =	wrdreg s23  }
0x1a: {  	s0 =	ssub.s32 $0x2, s0;
	s25 =	sadd.s32 $0xF000, s5;
	[dreg:$0x12] =	wrdreg s24  }
0x1b: {  	s10 =	sshrl.u32 s0, $0x1;
	s26 =	sadd.s32 $0x10000, s5;
	[dreg:$0x13] =	wrdreg s25  }
0x1c: {  	s0 =	ssub.s32 s0, s10;
	s28 =	sadd.s32 $0x11000, s5;
	[dreg:$0x14] =	wrdreg s26  }
.Ltmp0:
0x1d: {  	s29 =	sadd.s32 $0x12000, s5;
	[dreg:$0x15] =	wrdreg s28;
	(pc) =	sbr.rel .LBB2_1-.Ltmp0, $4  }
0x1e: {  	s0 =	smax.u32 s0, $0x1;
	s30 =	sadd.s32 $0x13000, s5;
	[dreg:$0x16] =	wrdreg s29  }
0x1f: {  	v2 =	vlaneseq.u32;
	p0 =	sgt.u32 s1, $0x10;
	[dreg:$0x17] =	wrdreg s30;
	s11 =	simm.s32 $0xA00  }
0x20: {  	vm0 =	vmmov $0xffff;
	v1 =	vshrl.u32 v2, $0x3;
	s16 =	simm.s32 $0x9200;
	s19 =	simm.s32 $0x1;
	s21 =	simm.s32 $0x2  }
0x21: {  	v0 =	vand.u32 $0x7, v2;
	v2 =	vor.u32 $0x8, v2;
	v1 =	vmul.u32 $0x8, v1;
	s14 =	simm.s32 $0x6;
	s23 =	simm.s32 $0x4;
	s26 =	simm.s32 $0x3  }
.LBB2_3:
0x22: {  	_ =	swait.ge [sflag:s19], $0x8000  }
0x23: {  	[sflag:s19] =	ssyncset.done $0x0  }
0x24: {  	s15 =	rddreg [dreg:$0x16];
	[sflag:s19] =	ssyncadd.s32 $0xFFFF8000  }
0x25: {  	[hbm4b:s15+s2] =	stream.linear.scatter [tilespmem:s11], [sflag:$0x4], $0x8000, $0x38;
	[tilespmem:$0x18A00] =	vst v63  }
0x26: {  	s16 =	simm.s32 $0x6;
	s0 =	rddreg [dreg:$0x18];
	s15 =	simm.s32 $0x4  }
.LBB2_4:
0x27: {  	s0 =	sadd.s32 $0xFFFFFFFF, s0  }
0x28: {  	_ =	swait.ge [sflag:s16], $0x8000;
	p1 =	sne.s32 s0, $0x0  }
.Ltmp1:
0x29: {  	[sflag:s16] =	ssyncset.done $0x0;
	(pc) =	sbr.rel @!p1 .LBB2_5-.Ltmp1, $4  }
0x2a: {  	[sflag:s16] =	ssyncadd.s32 $0xFFFF8000  }
0x2b: {  	_ =	swait.ge [sflag:s15], $0x8000  }
0x2c: {  	[sflag:s15] =	ssyncset.done $0x0  }
0x2d: {  	s16 =	simm.s32 $0x9200;
	[sflag:s15] =	ssyncadd.s32 $0xFFFF8000  }
.LBB2_1:
0x2e: {  	[dreg:$0x18] =	wrdreg s0  }
0x2f: {  	s15 =	rddreg [dreg:$0x4];
	s28 =	simm.s32 $0x7  }
0x30: {  	[tilespmem:s2], [sflag:$0x7] =	stream.linear.gather [hbm4b:s15+s2], $0xA00, $0x38;
	[tilespmem:$0x18A00] =	vst v63  }
0x31: {  	_ =	swait.ge [sflag:s28], $0xA00  }
0x32: {  	[sflag:s28] =	ssyncset.done $0x0  }
0x33: {  	[sflag:s28] =	ssyncadd.s32 $0xFFFFF600  }
0x34: {  	v3 =	vld [tilespmem:$0x0];
	_ =	sdelay $0x4  }
0x35: {  	v4 =	vshll.u32 v3, $0x1  }
0x36: {  	v3 =	vand.u32 $0x7, v3;
	v4 =	vand.u32 $0xFFFFFFF0, v4  }
0x37: {  	v3 =	vor.u32 v3, v4  }
0x38: {  	v4 =	vperm.xlane v3, v0;
	_ =	sdelay $0x1  }
0x39: {  	v3 =	vperm.xlane v3, v2;
	v4 =	vadd.s32 v1, v4;
	_ =	sdelay $0x1  }
0x3a: {  	v3 =	vadd.s32 v1, v3;
	_ =	sdelay $0x2  }
0x3b: {  	[tilespmem:s11], [sflag:$0x1] =	stream.indirect_vreg.gather [hbm4b:s3+s2], $0x80, v4, vm0, $0xb8;
	[tilespmem:$0x18A00] =	vst v63  }
0x3c: {  	s29 =	simm.s32 $0x1200  }
0x3d: {  	[tilespmem:s29], [sflag:$0x1] =	stream.indirect_vreg.gather [hbm4b:s3+s2], $0x80, v3, vm0, $0xb8;
	[tilespmem:$0x18A00] =	vst v63  }
0x3e: {  	v3 =	vld [tilespmem:$0x10];
	_ =	sdelay $0x4  }
0x3f: {  	v25 =	vshll.u32 v3, $0x1  }
0x40: {  	v3 =	vand.u32 $0x7, v3;
	v4 =	vand.u32 $0xFFFFFFF0, v25  }
0x41: {  	v3 =	vor.u32 v3, v4  }
0x42: {  	v4 =	vperm.xlane v3, v0;
	_ =	sdelay $0x1  }
0x43: {  	v3 =	vperm.xlane v3, v2;
	v4 =	vadd.s32 v1, v4;
	_ =	sdelay $0x1  }
0x44: {  	v3 =	vadd.s32 v1, v3;
	_ =	sdelay $0x1  }
0x45: {  	s30 =	simm.s32 $0x1A00  }
0x46: {  	[tilespmem:s30], [sflag:$0x1] =	stream.indirect_vreg.gather [hbm4b:s3+s2], $0x80, v4, vm0, $0xb8;
	[tilespmem:$0x18A00] =	vst v63  }
0x47: {  	s4 =	simm.s32 $0x2200  }
0x48: {  	[tilespmem:s4], [sflag:$0x1] =	stream.indirect_vreg.gather [hbm4b:s3+s2], $0x80, v3, vm0, $0xb8;
	[tilespmem:$0x18A00] =	vst v63  }
0x49: {  	v3 =	vld [tilespmem:$0x20];
	_ =	sdelay $0x4  }
0x4a: {  	v26 =	vshll.u32 v3, $0x1  }
0x4b: {  	v3 =	vand.u32 $0x7, v3;
	v4 =	vand.u32 $0xFFFFFFF0, v26  }
0x4c: {  	v3 =	vor.u32 v3, v4  }
0x4d: {  	v4 =	vperm.xlane v3, v0;
	_ =	sdelay $0x1  }
0x4e: {  	v3 =	vperm.xlane v3, v2;
	v4 =	vadd.s32 v1, v4;
	_ =	sdelay $0x1  }
0x4f: {  	v3 =	vadd.s32 v1, v3;
	_ =	sdelay $0x1  }
0x50: {  	s5 =	simm.s32 $0x2A00  }
0x51: {  	[tilespmem:s5], [sflag:$0x1] =	stream.indirect_vreg.gather [hbm4b:s3+s2], $0x80, v4, vm0, $0xb8;
	[tilespmem:$0x18A00] =	vst v63  }
0x52: {  	s6 =	simm.s32 $0x3200  }
0x53: {  	[tilespmem:s6], [sflag:$0x1] =	stream.indirect_vreg.gather [hbm4b:s3+s2], $0x80, v3, vm0, $0xb8;
	[tilespmem:$0x18A00] =	vst v63  }
0x54: {  	v3 =	vld [tilespmem:$0x30];
	_ =	sdelay $0x4  }
0x55: {  	v27 =	vshll.u32 v3, $0x1  }
0x56: {  	v3 =	vand.u32 $0x7, v3;
	v4 =	vand.u32 $0xFFFFFFF0, v27  }
0x57: {  	v3 =	vor.u32 v3, v4  }
0x58: {  	v4 =	vperm.xlane v3, v0;
	_ =	sdelay $0x1  }
0x59: {  	v3 =	vperm.xlane v3, v2;
	v4 =	vadd.s32 v1, v4;
	_ =	sdelay $0x1  }
0x5a: {  	v3 =	vadd.s32 v1, v3;
	_ =	sdelay $0x1  }
0x5b: {  	s7 =	simm.s32 $0x3A00  }
0x5c: {  	[tilespmem:s7], [sflag:$0x1] =	stream.indirect_vreg.gather [hbm4b:s3+s2], $0x80, v4, vm0, $0xb8;
	[tilespmem:$0x18A00] =	vst v63  }
0x5d: {  	s8 =	simm.s32 $0x4200  }
0x5e: {  	[tilespmem:s8], [sflag:$0x1] =	stream.indirect_vreg.gather [hbm4b:s3+s2], $0x80, v3, vm0, $0xb8;
	[tilespmem:$0x18A00] =	vst v63  }
0x5f: {  	v3 =	vld [tilespmem:$0x40];
	_ =	sdelay $0x4  }
0x60: {  	v28 =	vshll.u32 v3, $0x1  }
0x61: {  	v3 =	vand.u32 $0x7, v3;
	v4 =	vand.u32 $0xFFFFFFF0, v28  }
0x62: {  	v3 =	vor.u32 v3, v4  }
0x63: {  	v4 =	vperm.xlane v3, v0;
	_ =	sdelay $0x1  }
0x64: {  	v3 =	vperm.xlane v3, v2;
	v4 =	vadd.s32 v1, v4;
	_ =	sdelay $0x1  }
0x65: {  	v3 =	vadd.s32 v1, v3;
	_ =	sdelay $0x1  }
0x66: {  	s9 =	simm.s32 $0x4A00  }
0x67: {  	[tilespmem:s9], [sflag:$0x1] =	stream.indirect_vreg.gather [hbm4b:s3+s2], $0x80, v4, vm0, $0xb8;
	[tilespmem:$0x18A00] =	vst v63  }
0x68: {  	s10 =	simm.s32 $0x5200  }
0x69: {  	[tilespmem:s10], [sflag:$0x1] =	stream.indirect_vreg.gather [hbm4b:s3+s2], $0x80, v3, vm0, $0xb8;
	[tilespmem:$0x18A00] =	vst v63  }
0x6a: {  	v3 =	vld [tilespmem:$0x50];
	_ =	sdelay $0x4  }
0x6b: {  	v29 =	vshll.u32 v3, $0x1  }
0x6c: {  	v3 =	vand.u32 $0x7, v3;
	v4 =	vand.u32 $0xFFFFFFF0, v29  }
0x6d: {  	v3 =	vor.u32 v3, v4  }
0x6e: {  	v4 =	vperm.xlane v3, v0;
	_ =	sdelay $0x1  }
0x6f: {  	v3 =	vperm.xlane v3, v2;
	v4 =	vadd.s32 v1, v4;
	_ =	sdelay $0x1  }
0x70: {  	v3 =	vadd.s32 v1, v3;
	_ =	sdelay $0x1  }
0x71: {  	s12 =	simm.s32 $0x5A00  }
0x72: {  	[tilespmem:s12], [sflag:$0x1] =	stream.indirect_vreg.gather [hbm4b:s3+s2], $0x80, v4, vm0, $0xb8;
	[tilespmem:$0x18A00] =	vst v63  }
0x73: {  	s13 =	simm.s32 $0x6200  }
0x74: {  	[tilespmem:s13], [sflag:$0x1] =	stream.indirect_vreg.gather [hbm4b:s3+s2], $0x80, v3, vm0, $0xb8;
	[tilespmem:$0x18A00] =	vst v63  }
0x75: {  	v3 =	vld [tilespmem:$0x60];
	_ =	sdelay $0x4  }
0x76: {  	v30 =	vshll.u32 v3, $0x1  }
0x77: {  	v3 =	vand.u32 $0x7, v3;
	v4 =	vand.u32 $0xFFFFFFF0, v30  }
0x78: {  	v3 =	vor.u32 v3, v4  }
0x79: {  	v4 =	vperm.xlane v3, v0;
	_ =	sdelay $0x1  }
0x7a: {  	v3 =	vperm.xlane v3, v2;
	v4 =	vadd.s32 v1, v4;
	_ =	sdelay $0x1  }
0x7b: {  	v3 =	vadd.s32 v1, v3;
	_ =	sdelay $0x1  }
0x7c: {  	s15 =	simm.s32 $0x6A00  }
0x7d: {  	[tilespmem:s15], [sflag:$0x1] =	stream.indirect_vreg.gather [hbm4b:s3+s2], $0x80, v4, vm0, $0xb8;
	[tilespmem:$0x18A00] =	vst v63  }
0x7e: {  	s17 =	simm.s32 $0x7200  }
0x7f: {  	[tilespmem:s17], [sflag:$0x1] =	stream.indirect_vreg.gather [hbm4b:s3+s2], $0x80, v3, vm0, $0xb8;
	[tilespmem:$0x18A00] =	vst v63  }
0x80: {  	v3 =	vld [tilespmem:$0x70];
	_ =	sdelay $0x4  }
0x81: {  	v31 =	vshll.u32 v3, $0x1  }
0x82: {  	v3 =	vand.u32 $0x7, v3;
	v4 =	vand.u32 $0xFFFFFFF0, v31  }
0x83: {  	v3 =	vor.u32 v3, v4  }
0x84: {  	v4 =	vperm.xlane v3, v0;
	_ =	sdelay $0x1  }
0x85: {  	v3 =	vperm.xlane v3, v2;
	v4 =	vadd.s32 v1, v4;
	_ =	sdelay $0x1  }
0x86: {  	v3 =	vadd.s32 v1, v3;
	_ =	sdelay $0x1  }
0x87: {  	s22 =	simm.s32 $0x7A00  }
0x88: {  	[tilespmem:s22], [sflag:$0x1] =	stream.indirect_vreg.gather [hbm4b:s3+s2], $0x80, v4, vm0, $0xb8;
	[tilespmem:$0x18A00] =	vst v63  }
0x89: {  	s25 =	simm.s32 $0x8200  }
0x8a: {  	[tilespmem:s25], [sflag:$0x1] =	stream.indirect_vreg.gather [hbm4b:s3+s2], $0x80, v3, vm0, $0xb8;
	[tilespmem:$0x18A00] =	vst v63  }
0x8b: {  	v3 =	vld [tilespmem:$0x80];
	_ =	sdelay $0x4  }
0x8c: {  	v32 =	vshll.u32 v3, $0x1  }
0x8d: {  	v3 =	vand.u32 $0x7, v3;
	v4 =	vand.u32 $0xFFFFFFF0, v32  }
0x8e: {  	v3 =	vor.u32 v3, v4  }
0x8f: {  	v4 =	vperm.xlane v3, v0;
	_ =	sdelay $0x1  }
0x90: {  	v3 =	vperm.xlane v3, v2;
	v4 =	vadd.s32 v1, v4;
	_ =	sdelay $0x1  }
0x91: {  	v3 =	vadd.s32 v1, v3;
	_ =	sdelay $0x2  }
0x92: {  	[tilespmem:s31], [sflag:$0x2] =	stream.indirect_vreg.gather [hbm4b:s3+s2], $0x80, v4, vm0, $0xb8;
	[tilespmem:$0x18A00] =	vst v63  }
0x93: {  	_ = 	snop  }
0x94: {  	[tilespmem:s16], [sflag:$0x2] =	stream.indirect_vreg.gather [hbm4b:s3+s2], $0x80, v3, vm0, $0xb8;
	[tilespmem:$0x18A00] =	vst v63  }
0x95: {  	v3 =	vld [tilespmem:$0x90];
	_ =	sdelay $0x4  }
0x96: {  	v33 =	vshll.u32 v3, $0x1  }
0x97: {  	v3 =	vand.u32 $0x7, v3;
	v4 =	vand.u32 $0xFFFFFFF0, v33  }
0x98: {  	v3 =	vor.u32 v3, v4  }
0x99: {  	v4 =	vperm.xlane v3, v0;
	_ =	sdelay $0x1  }
0x9a: {  	v3 =	vperm.xlane v3, v2;
	v4 =	vadd.s32 v1, v4;
	_ =	sdelay $0x1  }
0x9b: {  	v3 =	vadd.s32 v1, v3;
	_ =	sdelay $0x1  }
0x9c: {  	s28 =	simm.s32 $0x9A00  }
0x9d: {  	[tilespmem:s28], [sflag:$0x2] =	stream.indirect_vreg.gather [hbm4b:s3+s2], $0x80, v4, vm0, $0xb8;
	[tilespmem:$0x18A00] =	vst v63  }
0x9e: {  	s30 =	simm.s32 $0xA200  }
0x9f: {  	[tilespmem:s30], [sflag:$0x2] =	stream.indirect_vreg.gather [hbm4b:s3+s2], $0x80, v3, vm0, $0xb8;
	[tilespmem:$0x18A00] =	vst v63  }
0xa0: {  	v3 =	vld [tilespmem:$0xA0];
	_ =	sdelay $0x4  }
0xa1: {  	v34 =	vshll.u32 v3, $0x1  }
0xa2: {  	v3 =	vand.u32 $0x7, v3;
	v4 =	vand.u32 $0xFFFFFFF0, v34  }
0xa3: {  	v3 =	vor.u32 v3, v4  }
0xa4: {  	v4 =	vperm.xlane v3, v0;
	_ =	sdelay $0x1  }
0xa5: {  	v3 =	vperm.xlane v3, v2;
	v4 =	vadd.s32 v1, v4;
	_ =	sdelay $0x1  }
0xa6: {  	v3 =	vadd.s32 v1, v3;
	_ =	sdelay $0x1  }
0xa7: {  	s4 =	simm.s32 $0xAA00  }
0xa8: {  	[tilespmem:s4], [sflag:$0x2] =	stream.indirect_vreg.gather [hbm4b:s3+s2], $0x80, v4, vm0, $0xb8;
	[tilespmem:$0x18A00] =	vst v63  }
0xa9: {  	s6 =	simm.s32 $0xB200  }
0xaa: {  	[tilespmem:s6], [sflag:$0x2] =	stream.indirect_vreg.gather [hbm4b:s3+s2], $0x80, v3, vm0, $0xb8;
	[tilespmem:$0x18A00] =	vst v63  }
0xab: {  	v3 =	vld [tilespmem:$0xB0];
	_ =	sdelay $0x4  }
0xac: {  	v35 =	vshll.u32 v3, $0x1  }
0xad: {  	v3 =	vand.u32 $0x7, v3;
	v4 =	vand.u32 $0xFFFFFFF0, v35  }
0xae: {  	v3 =	vor.u32 v3, v4  }
0xaf: {  	v4 =	vperm.xlane v3, v0;
	_ =	sdelay $0x1  }
0xb0: {  	v3 =	vperm.xlane v3, v2;
	v4 =	vadd.s32 v1, v4;
	_ =	sdelay $0x1  }
0xb1: {  	v3 =	vadd.s32 v1, v3;
	_ =	sdelay $0x1  }
0xb2: {  	s7 =	simm.s32 $0xBA00  }
0xb3: {  	[tilespmem:s7], [sflag:$0x2] =	stream.indirect_vreg.gather [hbm4b:s3+s2], $0x80, v4, vm0, $0xb8;
	[tilespmem:$0x18A00] =	vst v63  }
0xb4: {  	s8 =	simm.s32 $0xC200  }
0xb5: {  	[tilespmem:s8], [sflag:$0x2] =	stream.indirect_vreg.gather [hbm4b:s3+s2], $0x80, v3, vm0, $0xb8;
	[tilespmem:$0x18A00] =	vst v63  }
0xb6: {  	v3 =	vld [tilespmem:$0xC0];
	_ =	sdelay $0x4  }
0xb7: {  	v36 =	vshll.u32 v3, $0x1  }
0xb8: {  	v3 =	vand.u32 $0x7, v3;
	v4 =	vand.u32 $0xFFFFFFF0, v36  }
0xb9: {  	v3 =	vor.u32 v3, v4  }
0xba: {  	v4 =	vperm.xlane v3, v0;
	_ =	sdelay $0x1  }
0xbb: {  	v3 =	vperm.xlane v3, v2;
	v4 =	vadd.s32 v1, v4;
	_ =	sdelay $0x1  }
0xbc: {  	v3 =	vadd.s32 v1, v3;
	_ =	sdelay $0x1  }
0xbd: {  	s9 =	simm.s32 $0xCA00  }
0xbe: {  	[tilespmem:s9], [sflag:$0x2] =	stream.indirect_vreg.gather [hbm4b:s3+s2], $0x80, v4, vm0, $0xb8;
	[tilespmem:$0x18A00] =	vst v63  }
0xbf: {  	s10 =	simm.s32 $0xD200  }
0xc0: {  	[tilespmem:s10], [sflag:$0x2] =	stream.indirect_vreg.gather [hbm4b:s3+s2], $0x80, v3, vm0, $0xb8;
	[tilespmem:$0x18A00] =	vst v63  }
0xc1: {  	v3 =	vld [tilespmem:$0xD0];
	_ =	sdelay $0x4  }
0xc2: {  	v37 =	vshll.u32 v3, $0x1  }
0xc3: {  	v3 =	vand.u32 $0x7, v3;
	v4 =	vand.u32 $0xFFFFFFF0, v37  }
0xc4: {  	v3 =	vor.u32 v3, v4  }
0xc5: {  	v4 =	vperm.xlane v3, v0;
	_ =	sdelay $0x1  }
0xc6: {  	v3 =	vperm.xlane v3, v2;
	v4 =	vadd.s32 v1, v4;
	_ =	sdelay $0x1  }
0xc7: {  	v3 =	vadd.s32 v1, v3;
	_ =	sdelay $0x1  }
0xc8: {  	s13 =	simm.s32 $0xDA00  }
0xc9: {  	[tilespmem:s13], [sflag:$0x2] =	stream.indirect_vreg.gather [hbm4b:s3+s2], $0x80, v4, vm0, $0xb8;
	[tilespmem:$0x18A00] =	vst v63  }
0xca: {  	s15 =	simm.s32 $0xE200  }
0xcb: {  	[tilespmem:s15], [sflag:$0x2] =	stream.indirect_vreg.gather [hbm4b:s3+s2], $0x80, v3, vm0, $0xb8;
	[tilespmem:$0x18A00] =	vst v63  }
0xcc: {  	v3 =	vld [tilespmem:$0xE0];
	_ =	sdelay $0x4  }
0xcd: {  	v38 =	vshll.u32 v3, $0x1  }
0xce: {  	v3 =	vand.u32 $0x7, v3;
	v4 =	vand.u32 $0xFFFFFFF0, v38  }
0xcf: {  	v3 =	vor.u32 v3, v4  }
0xd0: {  	v4 =	vperm.xlane v3, v0;
	_ =	sdelay $0x1  }
0xd1: {  	v3 =	vperm.xlane v3, v2;
	v4 =	vadd.s32 v1, v4;
	_ =	sdelay $0x1  }
0xd2: {  	v3 =	vadd.s32 v1, v3;
	_ =	sdelay $0x1  }
0xd3: {  	s17 =	simm.s32 $0xEA00  }
0xd4: {  	[tilespmem:s17], [sflag:$0x2] =	stream.indirect_vreg.gather [hbm4b:s3+s2], $0x80, v4, vm0, $0xb8;
	[tilespmem:$0x18A00] =	vst v63  }
0xd5: {  	s22 =	simm.s32 $0xF200  }
0xd6: {  	[tilespmem:s22], [sflag:$0x2] =	stream.indirect_vreg.gather [hbm4b:s3+s2], $0x80, v3, vm0, $0xb8;
	[tilespmem:$0x18A00] =	vst v63  }
0xd7: {  	v3 =	vld [tilespmem:$0xF0];
	_ =	sdelay $0x4  }
0xd8: {  	v39 =	vshll.u32 v3, $0x1  }
0xd9: {  	v3 =	vand.u32 $0x7, v3;
	v4 =	vand.u32 $0xFFFFFFF0, v39  }
0xda: {  	v3 =	vor.u32 v3, v4  }
0xdb: {  	v4 =	vperm.xlane v3, v0;
	_ =	sdelay $0x1  }
0xdc: {  	v3 =	vperm.xlane v3, v2;
	v4 =	vadd.s32 v1, v4;
	_ =	sdelay $0x1  }
0xdd: {  	v3 =	vadd.s32 v1, v3;
	_ =	sdelay $0x1  }
0xde: {  	s28 =	simm.s32 $0xFA00  }
0xdf: {  	[tilespmem:s28], [sflag:$0x2] =	stream.indirect_vreg.gather [hbm4b:s3+s2], $0x80, v4, vm0, $0xb8;
	[tilespmem:$0x18A00] =	vst v63  }
0xe0: {  	s30 =	simm.s32 $0x10200  }
0xe1: {  	[tilespmem:s30], [sflag:$0x2] =	stream.indirect_vreg.gather [hbm4b:s3+s2], $0x80, v3, vm0, $0xb8;
	[tilespmem:$0x18A00] =	vst v63  }
0xe2: {  	_ =	swait.ge [sflag:s19], $0x8000  }
0xe3: {  	[sflag:s19] =	ssyncset.done $0x0  }
0xe4: {  	s0 =	rddreg [dreg:$0x3];
	[sflag:s19] =	ssyncadd.s32 $0xFFFF8000  }
0xe5: {  	[hbm4b:s0+s2] =	stream.linear.scatter [tilespmem:s11], [sflag:$0x4], $0x8000, $0x38;
	[tilespmem:$0x18A00] =	vst v63  }
0xe6: {  	v3 =	vld [tilespmem:$0x100];
	_ =	sdelay $0x4  }
0xe7: {  	v40 =	vshll.u32 v3, $0x1  }
0xe8: {  	v3 =	vand.u32 $0x7, v3;
	v4 =	vand.u32 $0xFFFFFFF0, v40  }
0xe9: {  	v3 =	vor.u32 v3, v4  }
0xea: {  	v4 =	vperm.xlane v3, v0;
	_ =	sdelay $0x1  }
0xeb: {  	v3 =	vperm.xlane v3, v2;
	v4 =	vadd.s32 v1, v4;
	_ =	sdelay $0x1  }
0xec: {  	v3 =	vadd.s32 v1, v3;
	_ =	sdelay $0x1  }
0xed: {  	s13 =	simm.s32 $0x10A00  }
0xee: {  	[tilespmem:s13], [sflag:$0x3] =	stream.indirect_vreg.gather [hbm4b:s3+s2], $0x80, v4, vm0, $0xb8;
	[tilespmem:$0x18A00] =	vst v63  }
0xef: {  	s15 =	simm.s32 $0x11200  }
0xf0: {  	[tilespmem:s15], [sflag:$0x3] =	stream.indirect_vreg.gather [hbm4b:s3+s2], $0x80, v3, vm0, $0xb8;
	[tilespmem:$0x18A00] =	vst v63  }
0xf1: {  	v3 =	vld [tilespmem:$0x110];
	_ =	sdelay $0x4  }
0xf2: {  	v41 =	vshll.u32 v3, $0x1  }
0xf3: {  	v3 =	vand.u32 $0x7, v3;
	v4 =	vand.u32 $0xFFFFFFF0, v41  }
0xf4: {  	v3 =	vor.u32 v3, v4  }
0xf5: {  	v4 =	vperm.xlane v3, v0;
	_ =	sdelay $0x1  }
0xf6: {  	v3 =	vperm.xlane v3, v2;
	v4 =	vadd.s32 v1, v4;
	_ =	sdelay $0x1  }
0xf7: {  	v3 =	vadd.s32 v1, v3;
	_ =	sdelay $0x1  }
0xf8: {  	s28 =	simm.s32 $0x11A00  }
0xf9: {  	[tilespmem:s28], [sflag:$0x3] =	stream.indirect_vreg.gather [hbm4b:s3+s2], $0x80, v4, vm0, $0xb8;
	[tilespmem:$0x18A00] =	vst v63  }
0xfa: {  	s30 =	simm.s32 $0x12200  }
0xfb: {  	[tilespmem:s30], [sflag:$0x3] =	stream.indirect_vreg.gather [hbm4b:s3+s2], $0x80, v3, vm0, $0xb8;
	[tilespmem:$0x18A00] =	vst v63  }
0xfc: {  	v3 =	vld [tilespmem:$0x120];
	_ =	sdelay $0x4  }
0xfd: {  	v42 =	vshll.u32 v3, $0x1  }
0xfe: {  	v3 =	vand.u32 $0x7, v3;
	v4 =	vand.u32 $0xFFFFFFF0, v42  }
0xff: {  	v3 =	vor.u32 v3, v4  }
0x100: {  	v4 =	vperm.xlane v3, v0;
	_ =	sdelay $0x1  }
0x101: {  	v3 =	vperm.xlane v3, v2;
	v4 =	vadd.s32 v1, v4;
	_ =	sdelay $0x1  }
0x102: {  	v3 =	vadd.s32 v1, v3;
	_ =	sdelay $0x1  }
0x103: {  	s13 =	simm.s32 $0x12A00  }
0x104: {  	[tilespmem:s13], [sflag:$0x3] =	stream.indirect_vreg.gather [hbm4b:s3+s2], $0x80, v4, vm0, $0xb8;
	[tilespmem:$0x18A00] =	vst v63  }
0x105: {  	s15 =	simm.s32 $0x13200  }
0x106: {  	[tilespmem:s15], [sflag:$0x3] =	stream.indirect_vreg.gather [hbm4b:s3+s2], $0x80, v3, vm0, $0xb8;
	[tilespmem:$0x18A00] =	vst v63  }
0x107: {  	v3 =	vld [tilespmem:$0x130];
	_ =	sdelay $0x4  }
0x108: {  	v43 =	vshll.u32 v3, $0x1  }
0x109: {  	v3 =	vand.u32 $0x7, v3;
	v4 =	vand.u32 $0xFFFFFFF0, v43  }
0x10a: {  	v3 =	vor.u32 v3, v4  }
0x10b: {  	v4 =	vperm.xlane v3, v0;
	_ =	sdelay $0x1  }
0x10c: {  	v3 =	vperm.xlane v3, v2;
	v4 =	vadd.s32 v1, v4;
	_ =	sdelay $0x1  }
0x10d: {  	v3 =	vadd.s32 v1, v3;
	_ =	sdelay $0x1  }
0x10e: {  	s28 =	simm.s32 $0x13A00  }
0x10f: {  	[tilespmem:s28], [sflag:$0x3] =	stream.indirect_vreg.gather [hbm4b:s3+s2], $0x80, v4, vm0, $0xb8;
	[tilespmem:$0x18A00] =	vst v63  }
0x110: {  	s30 =	simm.s32 $0x14200  }
0x111: {  	[tilespmem:s30], [sflag:$0x3] =	stream.indirect_vreg.gather [hbm4b:s3+s2], $0x80, v3, vm0, $0xb8;
	[tilespmem:$0x18A00] =	vst v63  }
0x112: {  	v3 =	vld [tilespmem:$0x140];
	_ =	sdelay $0x4  }
0x113: {  	v44 =	vshll.u32 v3, $0x1  }
0x114: {  	v3 =	vand.u32 $0x7, v3;
	v4 =	vand.u32 $0xFFFFFFF0, v44  }
0x115: {  	v3 =	vor.u32 v3, v4  }
0x116: {  	v4 =	vperm.xlane v3, v0;
	_ =	sdelay $0x1  }
0x117: {  	v3 =	vperm.xlane v3, v2;
	v4 =	vadd.s32 v1, v4;
	_ =	sdelay $0x1  }
0x118: {  	v3 =	vadd.s32 v1, v3;
	_ =	sdelay $0x1  }
0x119: {  	s13 =	simm.s32 $0x14A00  }
0x11a: {  	[tilespmem:s13], [sflag:$0x3] =	stream.indirect_vreg.gather [hbm4b:s3+s2], $0x80, v4, vm0, $0xb8;
	[tilespmem:$0x18A00] =	vst v63  }
0x11b: {  	s15 =	simm.s32 $0x15200  }
0x11c: {  	[tilespmem:s15], [sflag:$0x3] =	stream.indirect_vreg.gather [hbm4b:s3+s2], $0x80, v3, vm0, $0xb8;
	[tilespmem:$0x18A00] =	vst v63  }
0x11d: {  	v3 =	vld [tilespmem:$0x150];
	_ =	sdelay $0x4  }
0x11e: {  	v45 =	vshll.u32 v3, $0x1  }
0x11f: {  	v3 =	vand.u32 $0x7, v3;
	v4 =	vand.u32 $0xFFFFFFF0, v45  }
0x120: {  	v3 =	vor.u32 v3, v4  }
0x121: {  	v4 =	vperm.xlane v3, v0;
	_ =	sdelay $0x1  }
0x122: {  	v3 =	vperm.xlane v3, v2;
	v4 =	vadd.s32 v1, v4;
	_ =	sdelay $0x1  }
0x123: {  	v3 =	vadd.s32 v1, v3;
	_ =	sdelay $0x1  }
0x124: {  	s28 =	simm.s32 $0x15A00  }
0x125: {  	[tilespmem:s28], [sflag:$0x3] =	stream.indirect_vreg.gather [hbm4b:s3+s2], $0x80, v4, vm0, $0xb8;
	[tilespmem:$0x18A00] =	vst v63  }
0x126: {  	s30 =	simm.s32 $0x16200  }
0x127: {  	[tilespmem:s30], [sflag:$0x3] =	stream.indirect_vreg.gather [hbm4b:s3+s2], $0x80, v3, vm0, $0xb8;
	[tilespmem:$0x18A00] =	vst v63  }
0x128: {  	v3 =	vld [tilespmem:$0x160];
	_ =	sdelay $0x4  }
0x129: {  	v46 =	vshll.u32 v3, $0x1  }
0x12a: {  	v3 =	vand.u32 $0x7, v3;
	v4 =	vand.u32 $0xFFFFFFF0, v46  }
0x12b: {  	v3 =	vor.u32 v3, v4  }
0x12c: {  	v4 =	vperm.xlane v3, v0;
	_ =	sdelay $0x1  }
0x12d: {  	v3 =	vperm.xlane v3, v2;
	v4 =	vadd.s32 v1, v4;
	_ =	sdelay $0x1  }
0x12e: {  	v3 =	vadd.s32 v1, v3;
	_ =	sdelay $0x1  }
0x12f: {  	s13 =	simm.s32 $0x16A00  }
0x130: {  	[tilespmem:s13], [sflag:$0x3] =	stream.indirect_vreg.gather [hbm4b:s3+s2], $0x80, v4, vm0, $0xb8;
	[tilespmem:$0x18A00] =	vst v63  }
0x131: {  	s15 =	simm.s32 $0x17200  }
0x132: {  	[tilespmem:s15], [sflag:$0x3] =	stream.indirect_vreg.gather [hbm4b:s3+s2], $0x80, v3, vm0, $0xb8;
	[tilespmem:$0x18A00] =	vst v63  }
0x133: {  	v3 =	vld [tilespmem:$0x170];
	_ =	sdelay $0x4  }
0x134: {  	v47 =	vshll.u32 v3, $0x1  }
0x135: {  	v3 =	vand.u32 $0x7, v3;
	v4 =	vand.u32 $0xFFFFFFF0, v47  }
0x136: {  	v3 =	vor.u32 v3, v4  }
0x137: {  	v4 =	vperm.xlane v3, v0;
	_ =	sdelay $0x1  }
0x138: {  	v3 =	vperm.xlane v3, v2;
	v4 =	vadd.s32 v1, v4;
	_ =	sdelay $0x1  }
0x139: {  	v3 =	vadd.s32 v1, v3;
	_ =	sdelay $0x1  }
0x13a: {  	s28 =	simm.s32 $0x17A00  }
0x13b: {  	[tilespmem:s28], [sflag:$0x3] =	stream.indirect_vreg.gather [hbm4b:s3+s2], $0x80, v4, vm0, $0xb8;
	[tilespmem:$0x18A00] =	vst v63  }
0x13c: {  	s30 =	simm.s32 $0x18200  }
0x13d: {  	[tilespmem:s30], [sflag:$0x3] =	stream.indirect_vreg.gather [hbm4b:s3+s2], $0x80, v3, vm0, $0xb8;
	[tilespmem:$0x18A00] =	vst v63  }
0x13e: {  	_ =	swait.ge [sflag:s21], $0x8000  }
0x13f: {  	[sflag:s21] =	ssyncset.done $0x0  }
0x140: {  	s13 =	rddreg [dreg:$0x5];
	[sflag:s21] =	ssyncadd.s32 $0xFFFF8000  }
0x141: {  	[hbm4b:s13+s2] =	stream.linear.scatter [tilespmem:s31], [sflag:$0x5], $0x8000, $0x38;
	[tilespmem:$0x18A00] =	vst v63  }
0x142: {  	_ =	swait.ge [sflag:s23], $0x8000  }
0x143: {  	[sflag:s23] =	ssyncset.done $0x0  }
0x144: {  	[sflag:s23] =	ssyncadd.s32 $0xFFFF8000  }
0x145: {  	v3 =	vld [tilespmem:$0x180];
	_ =	sdelay $0x4  }
0x146: {  	v48 =	vshll.u32 v3, $0x1  }
0x147: {  	v3 =	vand.u32 $0x7, v3;
	v4 =	vand.u32 $0xFFFFFFF0, v48  }
0x148: {  	v3 =	vor.u32 v3, v4  }
0x149: {  	v4 =	vperm.xlane v3, v0;
	_ =	sdelay $0x1  }
0x14a: {  	v3 =	vperm.xlane v3, v2;
	v4 =	vadd.s32 v1, v4;
	_ =	sdelay $0x1  }
0x14b: {  	v3 =	vadd.s32 v1, v3;
	_ =	sdelay $0x2  }
0x14c: {  	[tilespmem:s11], [sflag:$0x1] =	stream.indirect_vreg.gather [hbm4b:s3+s2], $0x80, v4, vm0, $0xb8;
	[tilespmem:$0x18A00] =	vst v63  }
0x14d: {  	s1 =	simm.s32 $0x1200  }
0x14e: {  	[tilespmem:s1], [sflag:$0x1] =	stream.indirect_vreg.gather [hbm4b:s3+s2], $0x80, v3, vm0, $0xb8;
	[tilespmem:$0x18A00] =	vst v63  }
0x14f: {  	v3 =	vld [tilespmem:$0x190];
	_ =	sdelay $0x4  }
0x150: {  	v49 =	vshll.u32 v3, $0x1  }
0x151: {  	v3 =	vand.u32 $0x7, v3;
	v4 =	vand.u32 $0xFFFFFFF0, v49  }
0x152: {  	v3 =	vor.u32 v3, v4  }
0x153: {  	v4 =	vperm.xlane v3, v0;
	_ =	sdelay $0x1  }
0x154: {  	v3 =	vperm.xlane v3, v2;
	v4 =	vadd.s32 v1, v4;
	_ =	sdelay $0x1  }
0x155: {  	v3 =	vadd.s32 v1, v3;
	_ =	sdelay $0x1  }
0x156: {  	s28 =	simm.s32 $0x1A00  }
0x157: {  	[tilespmem:s28], [sflag:$0x1] =	stream.indirect_vreg.gather [hbm4b:s3+s2], $0x80, v4, vm0, $0xb8;
	[tilespmem:$0x18A00] =	vst v63  }
0x158: {  	s18 =	simm.s32 $0x2200  }
0x159: {  	[tilespmem:s18], [sflag:$0x1] =	stream.indirect_vreg.gather [hbm4b:s3+s2], $0x80, v3, vm0, $0xb8;
	[tilespmem:$0x18A00] =	vst v63  }
0x15a: {  	v3 =	vld [tilespmem:$0x1A0];
	_ =	sdelay $0x4  }
0x15b: {  	v50 =	vshll.u32 v3, $0x1  }
0x15c: {  	v3 =	vand.u32 $0x7, v3;
	v4 =	vand.u32 $0xFFFFFFF0, v50  }
0x15d: {  	v3 =	vor.u32 v3, v4  }
0x15e: {  	v4 =	vperm.xlane v3, v0;
	_ =	sdelay $0x1  }
0x15f: {  	v3 =	vperm.xlane v3, v2;
	v4 =	vadd.s32 v1, v4;
	_ =	sdelay $0x1  }
0x160: {  	v3 =	vadd.s32 v1, v3;
	_ =	sdelay $0x1  }
0x161: {  	s30 =	simm.s32 $0x2A00  }
0x162: {  	[tilespmem:s30], [sflag:$0x1] =	stream.indirect_vreg.gather [hbm4b:s3+s2], $0x80, v4, vm0, $0xb8;
	[tilespmem:$0x18A00] =	vst v63  }
0x163: {  	s20 =	simm.s32 $0x3200  }
0x164: {  	[tilespmem:s20], [sflag:$0x1] =	stream.indirect_vreg.gather [hbm4b:s3+s2], $0x80, v3, vm0, $0xb8;
	[tilespmem:$0x18A00] =	vst v63  }
0x165: {  	v3 =	vld [tilespmem:$0x1B0];
	_ =	sdelay $0x4  }
0x166: {  	v51 =	vshll.u32 v3, $0x1  }
0x167: {  	v3 =	vand.u32 $0x7, v3;
	v4 =	vand.u32 $0xFFFFFFF0, v51  }
0x168: {  	v3 =	vor.u32 v3, v4  }
0x169: {  	v4 =	vperm.xlane v3, v0;
	_ =	sdelay $0x1  }
0x16a: {  	v3 =	vperm.xlane v3, v2;
	v4 =	vadd.s32 v1, v4;
	_ =	sdelay $0x1  }
0x16b: {  	v3 =	vadd.s32 v1, v3;
	_ =	sdelay $0x1  }
0x16c: {  	s20 =	simm.s32 $0x3A00  }
0x16d: {  	[tilespmem:s20], [sflag:$0x1] =	stream.indirect_vreg.gather [hbm4b:s3+s2], $0x80, v4, vm0, $0xb8;
	[tilespmem:$0x18A00] =	vst v63  }
0x16e: {  	s24 =	simm.s32 $0x4200  }
0x16f: {  	[tilespmem:s24], [sflag:$0x1] =	stream.indirect_vreg.gather [hbm4b:s3+s2], $0x80, v3, vm0, $0xb8;
	[tilespmem:$0x18A00] =	vst v63  }
0x170: {  	v3 =	vld [tilespmem:$0x1C0];
	_ =	sdelay $0x4  }
0x171: {  	v52 =	vshll.u32 v3, $0x1  }
0x172: {  	v3 =	vand.u32 $0x7, v3;
	v4 =	vand.u32 $0xFFFFFFF0, v52  }
0x173: {  	v3 =	vor.u32 v3, v4  }
0x174: {  	v4 =	vperm.xlane v3, v0;
	_ =	sdelay $0x1  }
0x175: {  	v3 =	vperm.xlane v3, v2;
	v4 =	vadd.s32 v1, v4;
	_ =	sdelay $0x1  }
0x176: {  	v3 =	vadd.s32 v1, v3;
	_ =	sdelay $0x1  }
0x177: {  	s30 =	simm.s32 $0x4A00  }
0x178: {  	[tilespmem:s30], [sflag:$0x1] =	stream.indirect_vreg.gather [hbm4b:s3+s2], $0x80, v4, vm0, $0xb8;
	[tilespmem:$0x18A00] =	vst v63  }
0x179: {  	s29 =	simm.s32 $0x5200  }
0x17a: {  	[tilespmem:s29], [sflag:$0x1] =	stream.indirect_vreg.gather [hbm4b:s3+s2], $0x80, v3, vm0, $0xb8;
	[tilespmem:$0x18A00] =	vst v63  }
0x17b: {  	v3 =	vld [tilespmem:$0x1D0];
	_ =	sdelay $0x4  }
0x17c: {  	v53 =	vshll.u32 v3, $0x1  }
0x17d: {  	v3 =	vand.u32 $0x7, v3;
	v4 =	vand.u32 $0xFFFFFFF0, v53  }
0x17e: {  	v3 =	vor.u32 v3, v4  }
0x17f: {  	v4 =	vperm.xlane v3, v0;
	_ =	sdelay $0x1  }
0x180: {  	v3 =	vperm.xlane v3, v2;
	v4 =	vadd.s32 v1, v4;
	_ =	sdelay $0x1  }
0x181: {  	v3 =	vadd.s32 v1, v3;
	_ =	sdelay $0x1  }
0x182: {  	s24 =	simm.s32 $0x5A00  }
0x183: {  	[tilespmem:s24], [sflag:$0x1] =	stream.indirect_vreg.gather [hbm4b:s3+s2], $0x80, v4, vm0, $0xb8;
	[tilespmem:$0x18A00] =	vst v63  }
0x184: {  	s31 =	simm.s32 $0x6200  }
0x185: {  	[tilespmem:s31], [sflag:$0x1] =	stream.indirect_vreg.gather [hbm4b:s3+s2], $0x80, v3, vm0, $0xb8;
	[tilespmem:$0x18A00] =	vst v63  }
0x186: {  	v3 =	vld [tilespmem:$0x1E0];
	_ =	sdelay $0x4  }
0x187: {  	v54 =	vshll.u32 v3, $0x1  }
0x188: {  	v3 =	vand.u32 $0x7, v3;
	v4 =	vand.u32 $0xFFFFFFF0, v54  }
0x189: {  	v3 =	vor.u32 v3, v4  }
0x18a: {  	v4 =	vperm.xlane v3, v0;
	_ =	sdelay $0x1  }
0x18b: {  	v3 =	vperm.xlane v3, v2;
	v4 =	vadd.s32 v1, v4;
	_ =	sdelay $0x1  }
0x18c: {  	v3 =	vadd.s32 v1, v3;
	_ =	sdelay $0x1  }
0x18d: {  	s29 =	simm.s32 $0x6A00  }
0x18e: {  	[tilespmem:s29], [sflag:$0x1] =	stream.indirect_vreg.gather [hbm4b:s3+s2], $0x80, v4, vm0, $0xb8;
	[tilespmem:$0x18A00] =	vst v63  }
0x18f: {  	s13 =	simm.s32 $0x7200  }
0x190: {  	[tilespmem:s13], [sflag:$0x1] =	stream.indirect_vreg.gather [hbm4b:s3+s2], $0x80, v3, vm0, $0xb8;
	[tilespmem:$0x18A00] =	vst v63  }
0x191: {  	v3 =	vld [tilespmem:$0x1F0];
	_ =	sdelay $0x4  }
0x192: {  	v55 =	vshll.u32 v3, $0x1  }
0x193: {  	v3 =	vand.u32 $0x7, v3;
	v4 =	vand.u32 $0xFFFFFFF0, v55  }
0x194: {  	v3 =	vor.u32 v3, v4  }
0x195: {  	v4 =	vperm.xlane v3, v0;
	_ =	sdelay $0x1  }
0x196: {  	v3 =	vperm.xlane v3, v2;
	v4 =	vadd.s32 v1, v4;
	_ =	sdelay $0x1  }
0x197: {  	v3 =	vadd.s32 v1, v3;
	_ =	sdelay $0x1  }
0x198: {  	s18 =	simm.s32 $0x7A00  }
0x199: {  	[tilespmem:s18], [sflag:$0x1] =	stream.indirect_vreg.gather [hbm4b:s3+s2], $0x80, v4, vm0, $0xb8;
	[tilespmem:$0x18A00] =	vst v63  }
0x19a: {  	s5 =	simm.s32 $0x8200  }
0x19b: {  	[tilespmem:s5], [sflag:$0x1] =	stream.indirect_vreg.gather [hbm4b:s3+s2], $0x80, v3, vm0, $0xb8;
	[tilespmem:$0x18A00] =	vst v63  }
0x19c: {  	_ =	swait.ge [sflag:s26], $0x8000  }
0x19d: {  	s0 =	simm.s32 $0x5;
	[sflag:s26] =	ssyncset.done $0x0  }
0x19e: {  	s5 =	simm.s32 $0x10A00;
	s1 =	rddreg [dreg:$0x6];
	[sflag:s26] =	ssyncadd.s32 $0xFFFF8000  }
0x19f: {  	[hbm4b:s1+s2] =	stream.linear.scatter [tilespmem:s5], [sflag:$0x6], $0x8000, $0x38;
	[tilespmem:$0x18A00] =	vst v63  }
0x1a0: {  	_ =	swait.ge [sflag:s0], $0x8000  }
0x1a1: {  	[sflag:s0] =	ssyncset.done $0x0  }
0x1a2: {  	[sflag:s0] =	ssyncadd.s32 $0xFFFF8000  }
0x1a3: {  	v3 =	vld [tilespmem:$0x200];
	_ =	sdelay $0x4  }
0x1a4: {  	v56 =	vshll.u32 v3, $0x1  }
0x1a5: {  	v3 =	vand.u32 $0x7, v3;
	v4 =	vand.u32 $0xFFFFFFF0, v56  }
0x1a6: {  	v3 =	vor.u32 v3, v4  }
0x1a7: {  	v4 =	vperm.xlane v3, v0;
	_ =	sdelay $0x1  }
0x1a8: {  	v3 =	vperm.xlane v3, v2;
	v4 =	vadd.s32 v1, v4;
	_ =	sdelay $0x1  }
0x1a9: {  	v3 =	vadd.s32 v1, v3;
	_ =	sdelay $0x1  }
0x1aa: {  	s28 =	simm.s32 $0x8A00  }
0x1ab: {  	[tilespmem:s28], [sflag:$0x2] =	stream.indirect_vreg.gather [hbm4b:s3+s2], $0x80, v4, vm0, $0xb8;
	[tilespmem:$0x18A00] =	vst v63  }
0x1ac: {  	_ = 	snop  }
0x1ad: {  	[tilespmem:s16], [sflag:$0x2] =	stream.indirect_vreg.gather [hbm4b:s3+s2], $0x80, v3, vm0, $0xb8;
	[tilespmem:$0x18A00] =	vst v63  }
0x1ae: {  	v3 =	vld [tilespmem:$0x210];
	_ =	sdelay $0x4  }
0x1af: {  	v57 =	vshll.u32 v3, $0x1  }
0x1b0: {  	v3 =	vand.u32 $0x7, v3;
	v4 =	vand.u32 $0xFFFFFFF0, v57  }
0x1b1: {  	v3 =	vor.u32 v3, v4  }
0x1b2: {  	v4 =	vperm.xlane v3, v0;
	_ =	sdelay $0x1  }
0x1b3: {  	v3 =	vperm.xlane v3, v2;
	v4 =	vadd.s32 v1, v4;
	_ =	sdelay $0x1  }
0x1b4: {  	v3 =	vadd.s32 v1, v3;
	_ =	sdelay $0x1  }
0x1b5: {  	s15 =	simm.s32 $0x9A00  }
0x1b6: {  	[tilespmem:s15], [sflag:$0x2] =	stream.indirect_vreg.gather [hbm4b:s3+s2], $0x80, v4, vm0, $0xb8;
	[tilespmem:$0x18A00] =	vst v63  }
0x1b7: {  	s25 =	simm.s32 $0xA200  }
0x1b8: {  	[tilespmem:s25], [sflag:$0x2] =	stream.indirect_vreg.gather [hbm4b:s3+s2], $0x80, v3, vm0, $0xb8;
	[tilespmem:$0x18A00] =	vst v63  }
0x1b9: {  	v3 =	vld [tilespmem:$0x220];
	_ =	sdelay $0x4  }
0x1ba: {  	v58 =	vshll.u32 v3, $0x1  }
0x1bb: {  	v3 =	vand.u32 $0x7, v3;
	v4 =	vand.u32 $0xFFFFFFF0, v58  }
0x1bc: {  	v3 =	vor.u32 v3, v4  }
0x1bd: {  	v4 =	vperm.xlane v3, v0;
	_ =	sdelay $0x1  }
0x1be: {  	v3 =	vperm.xlane v3, v2;
	v4 =	vadd.s32 v1, v4;
	_ =	sdelay $0x1  }
0x1bf: {  	v3 =	vadd.s32 v1, v3;
	_ =	sdelay $0x1  }
0x1c0: {  	s25 =	simm.s32 $0xAA00  }
0x1c1: {  	[tilespmem:s25], [sflag:$0x2] =	stream.indirect_vreg.gather [hbm4b:s3+s2], $0x80, v4, vm0, $0xb8;
	[tilespmem:$0x18A00] =	vst v63  }
0x1c2: {  	s4 =	simm.s32 $0xB200  }
0x1c3: {  	[tilespmem:s4], [sflag:$0x2] =	stream.indirect_vreg.gather [hbm4b:s3+s2], $0x80, v3, vm0, $0xb8;
	[tilespmem:$0x18A00] =	vst v63  }
0x1c4: {  	v3 =	vld [tilespmem:$0x230];
	_ =	sdelay $0x4  }
0x1c5: {  	v59 =	vshll.u32 v3, $0x1  }
0x1c6: {  	v3 =	vand.u32 $0x7, v3;
	v4 =	vand.u32 $0xFFFFFFF0, v59  }
0x1c7: {  	v3 =	vor.u32 v3, v4  }
0x1c8: {  	v4 =	vperm.xlane v3, v0;
	_ =	sdelay $0x1  }
0x1c9: {  	v3 =	vperm.xlane v3, v2;
	v4 =	vadd.s32 v1, v4;
	_ =	sdelay $0x1  }
0x1ca: {  	v3 =	vadd.s32 v1, v3;
	_ =	sdelay $0x1  }
0x1cb: {  	s12 =	simm.s32 $0xBA00  }
0x1cc: {  	[tilespmem:s12], [sflag:$0x2] =	stream.indirect_vreg.gather [hbm4b:s3+s2], $0x80, v4, vm0, $0xb8;
	[tilespmem:$0x18A00] =	vst v63  }
0x1cd: {  	s6 =	simm.s32 $0xC200  }
0x1ce: {  	[tilespmem:s6], [sflag:$0x2] =	stream.indirect_vreg.gather [hbm4b:s3+s2], $0x80, v3, vm0, $0xb8;
	[tilespmem:$0x18A00] =	vst v63  }
0x1cf: {  	v3 =	vld [tilespmem:$0x240];
	_ =	sdelay $0x4  }
0x1d0: {  	v60 =	vshll.u32 v3, $0x1  }
0x1d1: {  	v3 =	vand.u32 $0x7, v3;
	v4 =	vand.u32 $0xFFFFFFF0, v60  }
0x1d2: {  	v3 =	vor.u32 v3, v4  }
0x1d3: {  	v4 =	vperm.xlane v3, v0;
	_ =	sdelay $0x1  }
0x1d4: {  	v3 =	vperm.xlane v3, v2;
	v4 =	vadd.s32 v1, v4;
	_ =	sdelay $0x1  }
0x1d5: {  	v3 =	vadd.s32 v1, v3;
	_ =	sdelay $0x1  }
0x1d6: {  	s6 =	simm.s32 $0xCA00  }
0x1d7: {  	[tilespmem:s6], [sflag:$0x2] =	stream.indirect_vreg.gather [hbm4b:s3+s2], $0x80, v4, vm0, $0xb8;
	[tilespmem:$0x18A00] =	vst v63  }
0x1d8: {  	s7 =	simm.s32 $0xD200  }
0x1d9: {  	[tilespmem:s7], [sflag:$0x2] =	stream.indirect_vreg.gather [hbm4b:s3+s2], $0x80, v3, vm0, $0xb8;
	[tilespmem:$0x18A00] =	vst v63  }
0x1da: {  	v3 =	vld [tilespmem:$0x250];
	_ =	sdelay $0x4  }
0x1db: {  	v61 =	vshll.u32 v3, $0x1  }
0x1dc: {  	v3 =	vand.u32 $0x7, v3;
	v4 =	vand.u32 $0xFFFFFFF0, v61  }
0x1dd: {  	v3 =	vor.u32 v3, v4  }
0x1de: {  	v4 =	vperm.xlane v3, v0;
	_ =	sdelay $0x1  }
0x1df: {  	v3 =	vperm.xlane v3, v2;
	v4 =	vadd.s32 v1, v4;
	_ =	sdelay $0x1  }
0x1e0: {  	v3 =	vadd.s32 v1, v3;
	_ =	sdelay $0x1  }
0x1e1: {  	s7 =	simm.s32 $0xDA00  }
0x1e2: {  	[tilespmem:s7], [sflag:$0x2] =	stream.indirect_vreg.gather [hbm4b:s3+s2], $0x80, v4, vm0, $0xb8;
	[tilespmem:$0x18A00] =	vst v63  }
0x1e3: {  	s8 =	simm.s32 $0xE200  }
0x1e4: {  	[tilespmem:s8], [sflag:$0x2] =	stream.indirect_vreg.gather [hbm4b:s3+s2], $0x80, v3, vm0, $0xb8;
	[tilespmem:$0x18A00] =	vst v63  }
0x1e5: {  	v3 =	vld [tilespmem:$0x260];
	_ =	sdelay $0x4  }
0x1e6: {  	v62 =	vshll.u32 v3, $0x1  }
0x1e7: {  	v3 =	vand.u32 $0x7, v3;
	v4 =	vand.u32 $0xFFFFFFF0, v62  }
0x1e8: {  	v3 =	vor.u32 v3, v4  }
0x1e9: {  	v4 =	vperm.xlane v3, v0;
	_ =	sdelay $0x1  }
0x1ea: {  	v3 =	vperm.xlane v3, v2;
	v4 =	vadd.s32 v1, v4;
	_ =	sdelay $0x1  }
0x1eb: {  	v3 =	vadd.s32 v1, v3;
	_ =	sdelay $0x1  }
0x1ec: {  	s17 =	simm.s32 $0xEA00  }
0x1ed: {  	[tilespmem:s17], [sflag:$0x2] =	stream.indirect_vreg.gather [hbm4b:s3+s2], $0x80, v4, vm0, $0xb8;
	[tilespmem:$0x18A00] =	vst v63  }
0x1ee: {  	s9 =	simm.s32 $0xF200  }
0x1ef: {  	[tilespmem:s9], [sflag:$0x2] =	stream.indirect_vreg.gather [hbm4b:s3+s2], $0x80, v3, vm0, $0xb8;
	[tilespmem:$0x18A00] =	vst v63  }
0x1f0: {  	v3 =	vld [tilespmem:$0x270];
	_ =	sdelay $0x4  }
0x1f1: {  	v63 =	vshll.u32 v3, $0x1  }
0x1f2: {  	v3 =	vand.u32 $0x7, v3;
	v4 =	vand.u32 $0xFFFFFFF0, v63  }
0x1f3: {  	v3 =	vor.u32 v3, v4  }
0x1f4: {  	v4 =	vperm.xlane v3, v0;
	_ =	sdelay $0x1  }
0x1f5: {  	v3 =	vperm.xlane v3, v2;
	v4 =	vadd.s32 v1, v4;
	_ =	sdelay $0x1  }
0x1f6: {  	v3 =	vadd.s32 v1, v3;
	_ =	sdelay $0x1  }
0x1f7: {  	s22 =	simm.s32 $0xFA00  }
0x1f8: {  	[tilespmem:s22], [sflag:$0x2] =	stream.indirect_vreg.gather [hbm4b:s3+s2], $0x80, v4, vm0, $0xb8;
	[tilespmem:$0x18A00] =	vst v63  }
0x1f9: {  	s10 =	simm.s32 $0x10200  }
0x1fa: {  	[tilespmem:s10], [sflag:$0x2] =	stream.indirect_vreg.gather [hbm4b:s3+s2], $0x80, v3, vm0, $0xb8;
	[tilespmem:$0x18A00] =	vst v63  }
0x1fb: {  	_ =	swait.ge [sflag:s19], $0x8000  }
0x1fc: {  	[sflag:s19] =	ssyncset.done $0x0  }
0x1fd: {  	s9 =	rddreg [dreg:$0x7];
	[sflag:s19] =	ssyncadd.s32 $0xFFFF8000  }
0x1fe: {  	[hbm4b:s9+s2] =	stream.linear.scatter [tilespmem:s11], [sflag:$0x4], $0x8000, $0x38;
	[tilespmem:$0x18A00] =	vst v63  }
0x1ff: {  	_ =	swait.ge [sflag:s14], $0x8000  }
0x200: {  	[sflag:s14] =	ssyncset.done $0x0  }
0x201: {  	[sflag:s14] =	ssyncadd.s32 $0xFFFF8000  }
0x202: {  	v3 =	vld [tilespmem:$0x280];
	_ =	sdelay $0x4  }
0x203: {  	v8 =	vshll.u32 v3, $0x1  }
0x204: {  	v3 =	vand.u32 $0x7, v3;
	v4 =	vand.u32 $0xFFFFFFF0, v8  }
0x205: {  	v3 =	vor.u32 v3, v4  }
0x206: {  	v4 =	vperm.xlane v3, v0;
	_ =	sdelay $0x1  }
0x207: {  	v3 =	vperm.xlane v3, v2;
	v4 =	vadd.s32 v1, v4;
	_ =	sdelay $0x1  }
0x208: {  	v3 =	vadd.s32 v1, v3;
	_ =	sdelay $0x2  }
0x209: {  	[tilespmem:s5], [sflag:$0x3] =	stream.indirect_vreg.gather [hbm4b:s3+s2], $0x80, v4, vm0, $0xb8;
	[tilespmem:$0x18A00] =	vst v63  }
0x20a: {  	s10 =	simm.s32 $0x11200  }
0x20b: {  	[tilespmem:s10], [sflag:$0x3] =	stream.indirect_vreg.gather [hbm4b:s3+s2], $0x80, v3, vm0, $0xb8;
	[tilespmem:$0x18A00] =	vst v63  }
0x20c: {  	v3 =	vld [tilespmem:$0x290];
	_ =	sdelay $0x4  }
0x20d: {  	v9 =	vshll.u32 v3, $0x1  }
0x20e: {  	v3 =	vand.u32 $0x7, v3;
	v4 =	vand.u32 $0xFFFFFFF0, v9  }
0x20f: {  	v3 =	vor.u32 v3, v4  }
0x210: {  	v4 =	vperm.xlane v3, v0;
	_ =	sdelay $0x1  }
0x211: {  	v3 =	vperm.xlane v3, v2;
	v4 =	vadd.s32 v1, v4;
	_ =	sdelay $0x1  }
0x212: {  	v3 =	vadd.s32 v1, v3;
	_ =	sdelay $0x1  }
0x213: {  	s5 =	simm.s32 $0x11A00  }
0x214: {  	[tilespmem:s5], [sflag:$0x3] =	stream.indirect_vreg.gather [hbm4b:s3+s2], $0x80, v4, vm0, $0xb8;
	[tilespmem:$0x18A00] =	vst v63  }
0x215: {  	s11 =	simm.s32 $0x12200  }
0x216: {  	[tilespmem:s11], [sflag:$0x3] =	stream.indirect_vreg.gather [hbm4b:s3+s2], $0x80, v3, vm0, $0xb8;
	[tilespmem:$0x18A00] =	vst v63  }
0x217: {  	v3 =	vld [tilespmem:$0x2A0];
	_ =	sdelay $0x4  }
0x218: {  	v10 =	vshll.u32 v3, $0x1  }
0x219: {  	v3 =	vand.u32 $0x7, v3;
	v4 =	vand.u32 $0xFFFFFFF0, v10  }
0x21a: {  	v3 =	vor.u32 v3, v4  }
0x21b: {  	v4 =	vperm.xlane v3, v0;
	_ =	sdelay $0x1  }
0x21c: {  	v3 =	vperm.xlane v3, v2;
	v4 =	vadd.s32 v1, v4;
	_ =	sdelay $0x1  }
0x21d: {  	v3 =	vadd.s32 v1, v3;
	_ =	sdelay $0x1  }
0x21e: {  	s17 =	simm.s32 $0x12A00  }
0x21f: {  	[tilespmem:s17], [sflag:$0x3] =	stream.indirect_vreg.gather [hbm4b:s3+s2], $0x80, v4, vm0, $0xb8;
	[tilespmem:$0x18A00] =	vst v63  }
0x220: {  	s12 =	simm.s32 $0x13200  }
0x221: {  	[tilespmem:s12], [sflag:$0x3] =	stream.indirect_vreg.gather [hbm4b:s3+s2], $0x80, v3, vm0, $0xb8;
	[tilespmem:$0x18A00] =	vst v63  }
0x222: {  	v3 =	vld [tilespmem:$0x2B0];
	_ =	sdelay $0x4  }
0x223: {  	v11 =	vshll.u32 v3, $0x1  }
0x224: {  	v3 =	vand.u32 $0x7, v3;
	v4 =	vand.u32 $0xFFFFFFF0, v11  }
0x225: {  	v3 =	vor.u32 v3, v4  }
0x226: {  	v4 =	vperm.xlane v3, v0;
	_ =	sdelay $0x1  }
0x227: {  	v3 =	vperm.xlane v3, v2;
	v4 =	vadd.s32 v1, v4;
	_ =	sdelay $0x1  }
0x228: {  	v3 =	vadd.s32 v1, v3;
	_ =	sdelay $0x1  }
0x229: {  	s11 =	simm.s32 $0x13A00  }
0x22a: {  	[tilespmem:s11], [sflag:$0x3] =	stream.indirect_vreg.gather [hbm4b:s3+s2], $0x80, v4, vm0, $0xb8;
	[tilespmem:$0x18A00] =	vst v63  }
0x22b: {  	s14 =	simm.s32 $0x14200  }
0x22c: {  	[tilespmem:s14], [sflag:$0x3] =	stream.indirect_vreg.gather [hbm4b:s3+s2], $0x80, v3, vm0, $0xb8;
	[tilespmem:$0x18A00] =	vst v63  }
0x22d: {  	v3 =	vld [tilespmem:$0x2C0];
	_ =	sdelay $0x4  }
0x22e: {  	v12 =	vshll.u32 v3, $0x1  }
0x22f: {  	v3 =	vand.u32 $0x7, v3;
	v4 =	vand.u32 $0xFFFFFFF0, v12  }
0x230: {  	v3 =	vor.u32 v3, v4  }
0x231: {  	v4 =	vperm.xlane v3, v0;
	_ =	sdelay $0x1  }
0x232: {  	v3 =	vperm.xlane v3, v2;
	v4 =	vadd.s32 v1, v4;
	_ =	sdelay $0x1  }
0x233: {  	v3 =	vadd.s32 v1, v3;
	_ =	sdelay $0x1  }
0x234: {  	s12 =	simm.s32 $0x14A00  }
0x235: {  	[tilespmem:s12], [sflag:$0x3] =	stream.indirect_vreg.gather [hbm4b:s3+s2], $0x80, v4, vm0, $0xb8;
	[tilespmem:$0x18A00] =	vst v63  }
0x236: {  	s8 =	simm.s32 $0x15200  }
0x237: {  	[tilespmem:s8], [sflag:$0x3] =	stream.indirect_vreg.gather [hbm4b:s3+s2], $0x80, v3, vm0, $0xb8;
	[tilespmem:$0x18A00] =	vst v63  }
0x238: {  	v3 =	vld [tilespmem:$0x2D0];
	_ =	sdelay $0x4  }
0x239: {  	v13 =	vshll.u32 v3, $0x1  }
0x23a: {  	v3 =	vand.u32 $0x7, v3;
	v4 =	vand.u32 $0xFFFFFFF0, v13  }
0x23b: {  	v3 =	vor.u32 v3, v4  }
0x23c: {  	v4 =	vperm.xlane v3, v0;
	_ =	sdelay $0x1  }
0x23d: {  	v3 =	vperm.xlane v3, v2;
	v4 =	vadd.s32 v1, v4;
	_ =	sdelay $0x1  }
0x23e: {  	v3 =	vadd.s32 v1, v3;
	_ =	sdelay $0x1  }
0x23f: {  	s15 =	simm.s32 $0x15A00  }
0x240: {  	[tilespmem:s15], [sflag:$0x3] =	stream.indirect_vreg.gather [hbm4b:s3+s2], $0x80, v4, vm0, $0xb8;
	[tilespmem:$0x18A00] =	vst v63  }
0x241: {  	s9 =	simm.s32 $0x16200  }
0x242: {  	[tilespmem:s9], [sflag:$0x3] =	stream.indirect_vreg.gather [hbm4b:s3+s2], $0x80, v3, vm0, $0xb8;
	[tilespmem:$0x18A00] =	vst v63  }
0x243: {  	v3 =	vld [tilespmem:$0x2E0];
	_ =	sdelay $0x4  }
0x244: {  	v14 =	vshll.u32 v3, $0x1  }
0x245: {  	v3 =	vand.u32 $0x7, v3;
	v4 =	vand.u32 $0xFFFFFFF0, v14  }
0x246: {  	v3 =	vor.u32 v3, v4  }
0x247: {  	v4 =	vperm.xlane v3, v0;
	_ =	sdelay $0x1  }
0x248: {  	v3 =	vperm.xlane v3, v2;
	v4 =	vadd.s32 v1, v4;
	_ =	sdelay $0x1  }
0x249: {  	v3 =	vadd.s32 v1, v3;
	_ =	sdelay $0x1  }
0x24a: {  	s6 =	simm.s32 $0x16A00  }
0x24b: {  	[tilespmem:s6], [sflag:$0x3] =	stream.indirect_vreg.gather [hbm4b:s3+s2], $0x80, v4, vm0, $0xb8;
	[tilespmem:$0x18A00] =	vst v63  }
0x24c: {  	s10 =	simm.s32 $0x17200  }
0x24d: {  	[tilespmem:s10], [sflag:$0x3] =	stream.indirect_vreg.gather [hbm4b:s3+s2], $0x80, v3, vm0, $0xb8;
	[tilespmem:$0x18A00] =	vst v63  }
0x24e: {  	v3 =	vld [tilespmem:$0x2F0];
	_ =	sdelay $0x4  }
0x24f: {  	v15 =	vshll.u32 v3, $0x1  }
0x250: {  	v3 =	vand.u32 $0x7, v3;
	v4 =	vand.u32 $0xFFFFFFF0, v15  }
0x251: {  	v3 =	vor.u32 v3, v4  }
0x252: {  	v4 =	vperm.xlane v3, v0;
	_ =	sdelay $0x1  }
0x253: {  	v3 =	vperm.xlane v3, v2;
	v4 =	vadd.s32 v1, v4;
	_ =	sdelay $0x1  }
0x254: {  	v3 =	vadd.s32 v1, v3;
	_ =	sdelay $0x1  }
0x255: {  	s22 =	simm.s32 $0x17A00  }
0x256: {  	[tilespmem:s22], [sflag:$0x3] =	stream.indirect_vreg.gather [hbm4b:s3+s2], $0x80, v4, vm0, $0xb8;
	[tilespmem:$0x18A00] =	vst v63  }
0x257: {  	s14 =	simm.s32 $0x18200  }
0x258: {  	[tilespmem:s14], [sflag:$0x3] =	stream.indirect_vreg.gather [hbm4b:s3+s2], $0x80, v3, vm0, $0xb8;
	[tilespmem:$0x18A00] =	vst v63  }
0x259: {  	_ =	swait.ge [sflag:s21], $0x8000  }
0x25a: {  	[sflag:s21] =	ssyncset.done $0x0  }
0x25b: {  	s7 =	rddreg [dreg:$0x8];
	[sflag:s21] =	ssyncadd.s32 $0xFFFF8000  }
0x25c: {  	[hbm4b:s7+s2] =	stream.linear.scatter [tilespmem:s28], [sflag:$0x5], $0x8000, $0x38;
	[tilespmem:$0x18A00] =	vst v63  }
0x25d: {  	_ =	swait.ge [sflag:s23], $0x8000  }
0x25e: {  	[sflag:s23] =	ssyncset.done $0x0  }
0x25f: {  	[sflag:s23] =	ssyncadd.s32 $0xFFFF8000  }
0x260: {  	v3 =	vld [tilespmem:$0x300];
	_ =	sdelay $0x4  }
0x261: {  	v16 =	vshll.u32 v3, $0x1  }
0x262: {  	v3 =	vand.u32 $0x7, v3;
	v4 =	vand.u32 $0xFFFFFFF0, v16  }
0x263: {  	v3 =	vor.u32 v3, v4  }
0x264: {  	v4 =	vperm.xlane v3, v0;
	_ =	sdelay $0x1  }
0x265: {  	v3 =	vperm.xlane v3, v2;
	v4 =	vadd.s32 v1, v4;
	_ =	sdelay $0x1  }
0x266: {  	v3 =	vadd.s32 v1, v3;
	_ =	sdelay $0x1  }
0x267: {  	s25 =	simm.s32 $0xA00  }
0x268: {  	[tilespmem:s25], [sflag:$0x1] =	stream.indirect_vreg.gather [hbm4b:s3+s2], $0x80, v4, vm0, $0xb8;
	[tilespmem:$0x18A00] =	vst v63  }
0x269: {  	s28 =	simm.s32 $0x1200  }
0x26a: {  	[tilespmem:s28], [sflag:$0x1] =	stream.indirect_vreg.gather [hbm4b:s3+s2], $0x80, v3, vm0, $0xb8;
	[tilespmem:$0x18A00] =	vst v63  }
0x26b: {  	v3 =	vld [tilespmem:$0x310];
	_ =	sdelay $0x4  }
0x26c: {  	v17 =	vshll.u32 v3, $0x1  }
0x26d: {  	v3 =	vand.u32 $0x7, v3;
	v4 =	vand.u32 $0xFFFFFFF0, v17  }
0x26e: {  	v3 =	vor.u32 v3, v4  }
0x26f: {  	v4 =	vperm.xlane v3, v0;
	_ =	sdelay $0x1  }
0x270: {  	v3 =	vperm.xlane v3, v2;
	v4 =	vadd.s32 v1, v4;
	_ =	sdelay $0x1  }
0x271: {  	v3 =	vadd.s32 v1, v3;
	_ =	sdelay $0x1  }
0x272: {  	s15 =	simm.s32 $0x1A00  }
0x273: {  	[tilespmem:s15], [sflag:$0x1] =	stream.indirect_vreg.gather [hbm4b:s3+s2], $0x80, v4, vm0, $0xb8;
	[tilespmem:$0x18A00] =	vst v63  }
0x274: {  	s28 =	simm.s32 $0x2200  }
0x275: {  	[tilespmem:s28], [sflag:$0x1] =	stream.indirect_vreg.gather [hbm4b:s3+s2], $0x80, v3, vm0, $0xb8;
	[tilespmem:$0x18A00] =	vst v63  }
0x276: {  	v3 =	vld [tilespmem:$0x320];
	_ =	sdelay $0x4  }
0x277: {  	v18 =	vshll.u32 v3, $0x1  }
0x278: {  	v3 =	vand.u32 $0x7, v3;
	v4 =	vand.u32 $0xFFFFFFF0, v18  }
0x279: {  	v3 =	vor.u32 v3, v4  }
0x27a: {  	v4 =	vperm.xlane v3, v0;
	_ =	sdelay $0x1  }
0x27b: {  	v3 =	vperm.xlane v3, v2;
	v4 =	vadd.s32 v1, v4;
	_ =	sdelay $0x1  }
0x27c: {  	v3 =	vadd.s32 v1, v3;
	_ =	sdelay $0x1  }
0x27d: {  	s15 =	simm.s32 $0x2A00  }
0x27e: {  	[tilespmem:s15], [sflag:$0x1] =	stream.indirect_vreg.gather [hbm4b:s3+s2], $0x80, v4, vm0, $0xb8;
	[tilespmem:$0x18A00] =	vst v63  }
0x27f: {  	s28 =	simm.s32 $0x3200  }
0x280: {  	[tilespmem:s28], [sflag:$0x1] =	stream.indirect_vreg.gather [hbm4b:s3+s2], $0x80, v3, vm0, $0xb8;
	[tilespmem:$0x18A00] =	vst v63  }
0x281: {  	v3 =	vld [tilespmem:$0x330];
	_ =	sdelay $0x4  }
0x282: {  	v19 =	vshll.u32 v3, $0x1  }
0x283: {  	v3 =	vand.u32 $0x7, v3;
	v4 =	vand.u32 $0xFFFFFFF0, v19  }
0x284: {  	v3 =	vor.u32 v3, v4  }
0x285: {  	v4 =	vperm.xlane v3, v0;
	_ =	sdelay $0x1  }
0x286: {  	v3 =	vperm.xlane v3, v2;
	v4 =	vadd.s32 v1, v4;
	_ =	sdelay $0x1  }
0x287: {  	v3 =	vadd.s32 v1, v3;
	_ =	sdelay $0x2  }
0x288: {  	[tilespmem:s20], [sflag:$0x1] =	stream.indirect_vreg.gather [hbm4b:s3+s2], $0x80, v4, vm0, $0xb8;
	[tilespmem:$0x18A00] =	vst v63  }
0x289: {  	s15 =	simm.s32 $0x4200  }
0x28a: {  	[tilespmem:s15], [sflag:$0x1] =	stream.indirect_vreg.gather [hbm4b:s3+s2], $0x80, v3, vm0, $0xb8;
	[tilespmem:$0x18A00] =	vst v63  }
0x28b: {  	v3 =	vld [tilespmem:$0x340];
	_ =	sdelay $0x4  }
0x28c: {  	v20 =	vshll.u32 v3, $0x1  }
0x28d: {  	v3 =	vand.u32 $0x7, v3;
	v4 =	vand.u32 $0xFFFFFFF0, v20  }
0x28e: {  	v3 =	vor.u32 v3, v4  }
0x28f: {  	v4 =	vperm.xlane v3, v0;
	_ =	sdelay $0x1  }
0x290: {  	v3 =	vperm.xlane v3, v2;
	v4 =	vadd.s32 v1, v4;
	_ =	sdelay $0x1  }
0x291: {  	v3 =	vadd.s32 v1, v3;
	_ =	sdelay $0x2  }
0x292: {  	[tilespmem:s30], [sflag:$0x1] =	stream.indirect_vreg.gather [hbm4b:s3+s2], $0x80, v4, vm0, $0xb8;
	[tilespmem:$0x18A00] =	vst v63  }
0x293: {  	s20 =	simm.s32 $0x5200  }
0x294: {  	[tilespmem:s20], [sflag:$0x1] =	stream.indirect_vreg.gather [hbm4b:s3+s2], $0x80, v3, vm0, $0xb8;
	[tilespmem:$0x18A00] =	vst v63  }
0x295: {  	v3 =	vld [tilespmem:$0x350];
	_ =	sdelay $0x4  }
0x296: {  	v21 =	vshll.u32 v3, $0x1  }
0x297: {  	v3 =	vand.u32 $0x7, v3;
	v4 =	vand.u32 $0xFFFFFFF0, v21  }
0x298: {  	v3 =	vor.u32 v3, v4  }
0x299: {  	v4 =	vperm.xlane v3, v0;
	_ =	sdelay $0x1  }
0x29a: {  	v3 =	vperm.xlane v3, v2;
	v4 =	vadd.s32 v1, v4;
	_ =	sdelay $0x1  }
0x29b: {  	v3 =	vadd.s32 v1, v3;
	_ =	sdelay $0x2  }
0x29c: {  	[tilespmem:s24], [sflag:$0x1] =	stream.indirect_vreg.gather [hbm4b:s3+s2], $0x80, v4, vm0, $0xb8;
	[tilespmem:$0x18A00] =	vst v63  }
0x29d: {  	_ = 	snop  }
0x29e: {  	[tilespmem:s31], [sflag:$0x1] =	stream.indirect_vreg.gather [hbm4b:s3+s2], $0x80, v3, vm0, $0xb8;
	[tilespmem:$0x18A00] =	vst v63  }
0x29f: {  	v3 =	vld [tilespmem:$0x360];
	_ =	sdelay $0x4  }
0x2a0: {  	v22 =	vshll.u32 v3, $0x1  }
0x2a1: {  	v3 =	vand.u32 $0x7, v3;
	v4 =	vand.u32 $0xFFFFFFF0, v22  }
0x2a2: {  	v3 =	vor.u32 v3, v4  }
0x2a3: {  	v4 =	vperm.xlane v3, v0;
	_ =	sdelay $0x1  }
0x2a4: {  	v3 =	vperm.xlane v3, v2;
	v4 =	vadd.s32 v1, v4;
	_ =	sdelay $0x1  }
0x2a5: {  	v3 =	vadd.s32 v1, v3;
	_ =	sdelay $0x2  }
0x2a6: {  	[tilespmem:s29], [sflag:$0x1] =	stream.indirect_vreg.gather [hbm4b:s3+s2], $0x80, v4, vm0, $0xb8;
	[tilespmem:$0x18A00] =	vst v63  }
0x2a7: {  	_ = 	snop  }
0x2a8: {  	[tilespmem:s13], [sflag:$0x1] =	stream.indirect_vreg.gather [hbm4b:s3+s2], $0x80, v3, vm0, $0xb8;
	[tilespmem:$0x18A00] =	vst v63  }
0x2a9: {  	v3 =	vld [tilespmem:$0x370];
	_ =	sdelay $0x4  }
0x2aa: {  	v23 =	vshll.u32 v3, $0x1  }
0x2ab: {  	v3 =	vand.u32 $0x7, v3;
	v4 =	vand.u32 $0xFFFFFFF0, v23  }
0x2ac: {  	v3 =	vor.u32 v3, v4  }
0x2ad: {  	v4 =	vperm.xlane v3, v0;
	_ =	sdelay $0x1  }
0x2ae: {  	v3 =	vperm.xlane v3, v2;
	v4 =	vadd.s32 v1, v4;
	_ =	sdelay $0x1  }
0x2af: {  	v3 =	vadd.s32 v1, v3;
	_ =	sdelay $0x2  }
0x2b0: {  	[tilespmem:s18], [sflag:$0x1] =	stream.indirect_vreg.gather [hbm4b:s3+s2], $0x80, v4, vm0, $0xb8;
	[tilespmem:$0x18A00] =	vst v63  }
0x2b1: {  	s28 =	simm.s32 $0x8200  }
0x2b2: {  	[tilespmem:s28], [sflag:$0x1] =	stream.indirect_vreg.gather [hbm4b:s3+s2], $0x80, v3, vm0, $0xb8;
	[tilespmem:$0x18A00] =	vst v63  }
0x2b3: {  	_ =	swait.ge [sflag:s26], $0x8000  }
0x2b4: {  	[sflag:s26] =	ssyncset.done $0x0  }
0x2b5: {  	s1 =	simm.s32 $0x10A00;
	s29 =	rddreg [dreg:$0x9];
	[sflag:s26] =	ssyncadd.s32 $0xFFFF8000  }
0x2b6: {  	[hbm4b:s29+s2] =	stream.linear.scatter [tilespmem:s1], [sflag:$0x6], $0x8000, $0x38;
	[tilespmem:$0x18A00] =	vst v63  }
0x2b7: {  	_ =	swait.ge [sflag:s0], $0x8000  }
0x2b8: {  	[sflag:s0] =	ssyncset.done $0x0  }
0x2b9: {  	[sflag:s0] =	ssyncadd.s32 $0xFFFF8000  }
0x2ba: {  	v3 =	vld [tilespmem:$0x380];
	_ =	sdelay $0x4  }
0x2bb: {  	v24 =	vshll.u32 v3, $0x1  }
0x2bc: {  	v3 =	vand.u32 $0x7, v3;
	v4 =	vand.u32 $0xFFFFFFF0, v24  }
0x2bd: {  	v3 =	vor.u32 v3, v4  }
0x2be: {  	v4 =	vperm.xlane v3, v0;
	_ =	sdelay $0x1  }
0x2bf: {  	v3 =	vperm.xlane v3, v2;
	v4 =	vadd.s32 v1, v4;
	_ =	sdelay $0x1  }
0x2c0: {  	v3 =	vadd.s32 v1, v3;
	_ =	sdelay $0x1  }
0x2c1: {  	s31 =	simm.s32 $0x8A00  }
0x2c2: {  	[tilespmem:s31], [sflag:$0x2] =	stream.indirect_vreg.gather [hbm4b:s3+s2], $0x80, v4, vm0, $0xb8;
	[tilespmem:$0x18A00] =	vst v63  }
0x2c3: {  	_ = 	snop  }
0x2c4: {  	[tilespmem:s16], [sflag:$0x2] =	stream.indirect_vreg.gather [hbm4b:s3+s2], $0x80, v3, vm0, $0xb8;
	[tilespmem:$0x18A00] =	vst v63  }
0x2c5: {  	v3 =	vld [tilespmem:$0x390];
	_ =	sdelay $0x4  }
0x2c6: {  	v25 =	vshll.u32 v3, $0x1  }
0x2c7: {  	v3 =	vand.u32 $0x7, v3;
	v4 =	vand.u32 $0xFFFFFFF0, v25  }
0x2c8: {  	v3 =	vor.u32 v3, v4  }
0x2c9: {  	v4 =	vperm.xlane v3, v0;
	_ =	sdelay $0x1  }
0x2ca: {  	v3 =	vperm.xlane v3, v2;
	v4 =	vadd.s32 v1, v4;
	_ =	sdelay $0x1  }
0x2cb: {  	v3 =	vadd.s32 v1, v3;
	_ =	sdelay $0x1  }
0x2cc: {  	s30 =	simm.s32 $0x9A00  }
0x2cd: {  	[tilespmem:s30], [sflag:$0x2] =	stream.indirect_vreg.gather [hbm4b:s3+s2], $0x80, v4, vm0, $0xb8;
	[tilespmem:$0x18A00] =	vst v63  }
0x2ce: {  	s20 =	simm.s32 $0xA200  }
0x2cf: {  	[tilespmem:s20], [sflag:$0x2] =	stream.indirect_vreg.gather [hbm4b:s3+s2], $0x80, v3, vm0, $0xb8;
	[tilespmem:$0x18A00] =	vst v63  }
0x2d0: {  	v3 =	vld [tilespmem:$0x3A0];
	_ =	sdelay $0x4  }
0x2d1: {  	v26 =	vshll.u32 v3, $0x1  }
0x2d2: {  	v3 =	vand.u32 $0x7, v3;
	v4 =	vand.u32 $0xFFFFFFF0, v26  }
0x2d3: {  	v3 =	vor.u32 v3, v4  }
0x2d4: {  	v4 =	vperm.xlane v3, v0;
	_ =	sdelay $0x1  }
0x2d5: {  	v3 =	vperm.xlane v3, v2;
	v4 =	vadd.s32 v1, v4;
	_ =	sdelay $0x1  }
0x2d6: {  	v3 =	vadd.s32 v1, v3;
	_ =	sdelay $0x1  }
0x2d7: {  	s13 =	simm.s32 $0xAA00  }
0x2d8: {  	[tilespmem:s13], [sflag:$0x2] =	stream.indirect_vreg.gather [hbm4b:s3+s2], $0x80, v4, vm0, $0xb8;
	[tilespmem:$0x18A00] =	vst v63  }
0x2d9: {  	s28 =	simm.s32 $0xB200  }
0x2da: {  	[tilespmem:s28], [sflag:$0x2] =	stream.indirect_vreg.gather [hbm4b:s3+s2], $0x80, v3, vm0, $0xb8;
	[tilespmem:$0x18A00] =	vst v63  }
0x2db: {  	v3 =	vld [tilespmem:$0x3B0];
	_ =	sdelay $0x4  }
0x2dc: {  	v27 =	vshll.u32 v3, $0x1  }
0x2dd: {  	v3 =	vand.u32 $0x7, v3;
	v4 =	vand.u32 $0xFFFFFFF0, v27  }
0x2de: {  	v3 =	vor.u32 v3, v4  }
0x2df: {  	v4 =	vperm.xlane v3, v0;
	_ =	sdelay $0x1  }
0x2e0: {  	v3 =	vperm.xlane v3, v2;
	v4 =	vadd.s32 v1, v4;
	_ =	sdelay $0x1  }
0x2e1: {  	v3 =	vadd.s32 v1, v3;
	_ =	sdelay $0x1  }
0x2e2: {  	s4 =	simm.s32 $0xBA00  }
0x2e3: {  	[tilespmem:s4], [sflag:$0x2] =	stream.indirect_vreg.gather [hbm4b:s3+s2], $0x80, v4, vm0, $0xb8;
	[tilespmem:$0x18A00] =	vst v63  }
0x2e4: {  	s30 =	simm.s32 $0xC200  }
0x2e5: {  	[tilespmem:s30], [sflag:$0x2] =	stream.indirect_vreg.gather [hbm4b:s3+s2], $0x80, v3, vm0, $0xb8;
	[tilespmem:$0x18A00] =	vst v63  }
0x2e6: {  	v3 =	vld [tilespmem:$0x3C0];
	_ =	sdelay $0x4  }
0x2e7: {  	v28 =	vshll.u32 v3, $0x1  }
0x2e8: {  	v3 =	vand.u32 $0x7, v3;
	v4 =	vand.u32 $0xFFFFFFF0, v28  }
0x2e9: {  	v3 =	vor.u32 v3, v4  }
0x2ea: {  	v4 =	vperm.xlane v3, v0;
	_ =	sdelay $0x1  }
0x2eb: {  	v3 =	vperm.xlane v3, v2;
	v4 =	vadd.s32 v1, v4;
	_ =	sdelay $0x1  }
0x2ec: {  	v3 =	vadd.s32 v1, v3;
	_ =	sdelay $0x1  }
0x2ed: {  	s15 =	simm.s32 $0xCA00  }
0x2ee: {  	[tilespmem:s15], [sflag:$0x2] =	stream.indirect_vreg.gather [hbm4b:s3+s2], $0x80, v4, vm0, $0xb8;
	[tilespmem:$0x18A00] =	vst v63  }
0x2ef: {  	s18 =	simm.s32 $0xD200  }
0x2f0: {  	[tilespmem:s18], [sflag:$0x2] =	stream.indirect_vreg.gather [hbm4b:s3+s2], $0x80, v3, vm0, $0xb8;
	[tilespmem:$0x18A00] =	vst v63  }
0x2f1: {  	v3 =	vld [tilespmem:$0x3D0];
	_ =	sdelay $0x4  }
0x2f2: {  	v29 =	vshll.u32 v3, $0x1  }
0x2f3: {  	v3 =	vand.u32 $0x7, v3;
	v4 =	vand.u32 $0xFFFFFFF0, v29  }
0x2f4: {  	v3 =	vor.u32 v3, v4  }
0x2f5: {  	v4 =	vperm.xlane v3, v0;
	_ =	sdelay $0x1  }
0x2f6: {  	v3 =	vperm.xlane v3, v2;
	v4 =	vadd.s32 v1, v4;
	_ =	sdelay $0x1  }
0x2f7: {  	v3 =	vadd.s32 v1, v3;
	_ =	sdelay $0x1  }
0x2f8: {  	s24 =	simm.s32 $0xDA00  }
0x2f9: {  	[tilespmem:s24], [sflag:$0x2] =	stream.indirect_vreg.gather [hbm4b:s3+s2], $0x80, v4, vm0, $0xb8;
	[tilespmem:$0x18A00] =	vst v63  }
0x2fa: {  	s29 =	simm.s32 $0xE200  }
0x2fb: {  	[tilespmem:s29], [sflag:$0x2] =	stream.indirect_vreg.gather [hbm4b:s3+s2], $0x80, v3, vm0, $0xb8;
	[tilespmem:$0x18A00] =	vst v63  }
0x2fc: {  	v3 =	vld [tilespmem:$0x3E0];
	_ =	sdelay $0x4  }
0x2fd: {  	v30 =	vshll.u32 v3, $0x1  }
0x2fe: {  	v3 =	vand.u32 $0x7, v3;
	v4 =	vand.u32 $0xFFFFFFF0, v30  }
0x2ff: {  	v3 =	vor.u32 v3, v4  }
0x300: {  	v4 =	vperm.xlane v3, v0;
	_ =	sdelay $0x1  }
0x301: {  	v3 =	vperm.xlane v3, v2;
	v4 =	vadd.s32 v1, v4;
	_ =	sdelay $0x1  }
0x302: {  	v3 =	vadd.s32 v1, v3;
	_ =	sdelay $0x1  }
0x303: {  	s7 =	simm.s32 $0xEA00  }
0x304: {  	[tilespmem:s7], [sflag:$0x2] =	stream.indirect_vreg.gather [hbm4b:s3+s2], $0x80, v4, vm0, $0xb8;
	[tilespmem:$0x18A00] =	vst v63  }
0x305: {  	s13 =	simm.s32 $0xF200  }
0x306: {  	[tilespmem:s13], [sflag:$0x2] =	stream.indirect_vreg.gather [hbm4b:s3+s2], $0x80, v3, vm0, $0xb8;
	[tilespmem:$0x18A00] =	vst v63  }
0x307: {  	v3 =	vld [tilespmem:$0x3F0];
	_ =	sdelay $0x4  }
0x308: {  	v31 =	vshll.u32 v3, $0x1  }
0x309: {  	v3 =	vand.u32 $0x7, v3;
	v4 =	vand.u32 $0xFFFFFFF0, v31  }
0x30a: {  	v3 =	vor.u32 v3, v4  }
0x30b: {  	v4 =	vperm.xlane v3, v0;
	_ =	sdelay $0x1  }
0x30c: {  	v3 =	vperm.xlane v3, v2;
	v4 =	vadd.s32 v1, v4;
	_ =	sdelay $0x1  }
0x30d: {  	v3 =	vadd.s32 v1, v3;
	_ =	sdelay $0x1  }
0x30e: {  	s15 =	simm.s32 $0xFA00  }
0x30f: {  	[tilespmem:s15], [sflag:$0x2] =	stream.indirect_vreg.gather [hbm4b:s3+s2], $0x80, v4, vm0, $0xb8;
	[tilespmem:$0x18A00] =	vst v63  }
0x310: {  	s18 =	simm.s32 $0x10200  }
0x311: {  	[tilespmem:s18], [sflag:$0x2] =	stream.indirect_vreg.gather [hbm4b:s3+s2], $0x80, v3, vm0, $0xb8;
	[tilespmem:$0x18A00] =	vst v63  }
0x312: {  	_ =	swait.ge [sflag:s19], $0x8000  }
0x313: {  	[sflag:s19] =	ssyncset.done $0x0  }
0x314: {  	s22 =	simm.s32 $0x6;
	s24 =	rddreg [dreg:$0xa];
	[sflag:s19] =	ssyncadd.s32 $0xFFFF8000  }
0x315: {  	[hbm4b:s24+s2] =	stream.linear.scatter [tilespmem:s25], [sflag:$0x4], $0x8000, $0x38;
	[tilespmem:$0x18A00] =	vst v63  }
0x316: {  	_ =	swait.ge [sflag:s22], $0x8000  }
0x317: {  	[sflag:s22] =	ssyncset.done $0x0  }
0x318: {  	[sflag:s22] =	ssyncadd.s32 $0xFFFF8000  }
0x319: {  	v3 =	vld [tilespmem:$0x400];
	_ =	sdelay $0x4  }
0x31a: {  	v32 =	vshll.u32 v3, $0x1  }
0x31b: {  	v3 =	vand.u32 $0x7, v3;
	v4 =	vand.u32 $0xFFFFFFF0, v32  }
0x31c: {  	v3 =	vor.u32 v3, v4  }
0x31d: {  	v4 =	vperm.xlane v3, v0;
	_ =	sdelay $0x1  }
0x31e: {  	v3 =	vperm.xlane v3, v2;
	v4 =	vadd.s32 v1, v4;
	_ =	sdelay $0x1  }
0x31f: {  	v3 =	vadd.s32 v1, v3;
	_ =	sdelay $0x1  }
0x320: {  	s1 =	simm.s32 $0x10A00  }
0x321: {  	[tilespmem:s1], [sflag:$0x3] =	stream.indirect_vreg.gather [hbm4b:s3+s2], $0x80, v4, vm0, $0xb8;
	[tilespmem:$0x18A00] =	vst v63  }
0x322: {  	s18 =	simm.s32 $0x11200  }
0x323: {  	[tilespmem:s18], [sflag:$0x3] =	stream.indirect_vreg.gather [hbm4b:s3+s2], $0x80, v3, vm0, $0xb8;
	[tilespmem:$0x18A00] =	vst v63  }
0x324: {  	v3 =	vld [tilespmem:$0x410];
	_ =	sdelay $0x4  }
0x325: {  	v33 =	vshll.u32 v3, $0x1  }
0x326: {  	v3 =	vand.u32 $0x7, v3;
	v4 =	vand.u32 $0xFFFFFFF0, v33  }
0x327: {  	v3 =	vor.u32 v3, v4  }
0x328: {  	v4 =	vperm.xlane v3, v0;
	_ =	sdelay $0x1  }
0x329: {  	v3 =	vperm.xlane v3, v2;
	v4 =	vadd.s32 v1, v4;
	_ =	sdelay $0x1  }
0x32a: {  	v3 =	vadd.s32 v1, v3;
	_ =	sdelay $0x2  }
0x32b: {  	[tilespmem:s5], [sflag:$0x3] =	stream.indirect_vreg.gather [hbm4b:s3+s2], $0x80, v4, vm0, $0xb8;
	[tilespmem:$0x18A00] =	vst v63  }
0x32c: {  	s7 =	simm.s32 $0x12200  }
0x32d: {  	[tilespmem:s7], [sflag:$0x3] =	stream.indirect_vreg.gather [hbm4b:s3+s2], $0x80, v3, vm0, $0xb8;
	[tilespmem:$0x18A00] =	vst v63  }
0x32e: {  	v3 =	vld [tilespmem:$0x420];
	_ =	sdelay $0x4  }
0x32f: {  	v34 =	vshll.u32 v3, $0x1  }
0x330: {  	v3 =	vand.u32 $0x7, v3;
	v4 =	vand.u32 $0xFFFFFFF0, v34  }
0x331: {  	v3 =	vor.u32 v3, v4  }
0x332: {  	v4 =	vperm.xlane v3, v0;
	_ =	sdelay $0x1  }
0x333: {  	v3 =	vperm.xlane v3, v2;
	v4 =	vadd.s32 v1, v4;
	_ =	sdelay $0x1  }
0x334: {  	v3 =	vadd.s32 v1, v3;
	_ =	sdelay $0x2  }
0x335: {  	[tilespmem:s17], [sflag:$0x3] =	stream.indirect_vreg.gather [hbm4b:s3+s2], $0x80, v4, vm0, $0xb8;
	[tilespmem:$0x18A00] =	vst v63  }
0x336: {  	s4 =	simm.s32 $0x13200  }
0x337: {  	[tilespmem:s4], [sflag:$0x3] =	stream.indirect_vreg.gather [hbm4b:s3+s2], $0x80, v3, vm0, $0xb8;
	[tilespmem:$0x18A00] =	vst v63  }
0x338: {  	v3 =	vld [tilespmem:$0x430];
	_ =	sdelay $0x4  }
0x339: {  	v35 =	vshll.u32 v3, $0x1  }
0x33a: {  	v3 =	vand.u32 $0x7, v3;
	v4 =	vand.u32 $0xFFFFFFF0, v35  }
0x33b: {  	v3 =	vor.u32 v3, v4  }
0x33c: {  	v4 =	vperm.xlane v3, v0;
	_ =	sdelay $0x1  }
0x33d: {  	v3 =	vperm.xlane v3, v2;
	v4 =	vadd.s32 v1, v4;
	_ =	sdelay $0x1  }
0x33e: {  	v3 =	vadd.s32 v1, v3;
	_ =	sdelay $0x2  }
0x33f: {  	[tilespmem:s11], [sflag:$0x3] =	stream.indirect_vreg.gather [hbm4b:s3+s2], $0x80, v4, vm0, $0xb8;
	[tilespmem:$0x18A00] =	vst v63  }
0x340: {  	s5 =	simm.s32 $0x14200  }
0x341: {  	[tilespmem:s5], [sflag:$0x3] =	stream.indirect_vreg.gather [hbm4b:s3+s2], $0x80, v3, vm0, $0xb8;
	[tilespmem:$0x18A00] =	vst v63  }
0x342: {  	v3 =	vld [tilespmem:$0x440];
	_ =	sdelay $0x4  }
0x343: {  	v36 =	vshll.u32 v3, $0x1  }
0x344: {  	v3 =	vand.u32 $0x7, v3;
	v4 =	vand.u32 $0xFFFFFFF0, v36  }
0x345: {  	v3 =	vor.u32 v3, v4  }
0x346: {  	v4 =	vperm.xlane v3, v0;
	_ =	sdelay $0x1  }
0x347: {  	v3 =	vperm.xlane v3, v2;
	v4 =	vadd.s32 v1, v4;
	_ =	sdelay $0x1  }
0x348: {  	v3 =	vadd.s32 v1, v3;
	_ =	sdelay $0x2  }
0x349: {  	[tilespmem:s12], [sflag:$0x3] =	stream.indirect_vreg.gather [hbm4b:s3+s2], $0x80, v4, vm0, $0xb8;
	[tilespmem:$0x18A00] =	vst v63  }
0x34a: {  	_ = 	snop  }
0x34b: {  	[tilespmem:s8], [sflag:$0x3] =	stream.indirect_vreg.gather [hbm4b:s3+s2], $0x80, v3, vm0, $0xb8;
	[tilespmem:$0x18A00] =	vst v63  }
0x34c: {  	v3 =	vld [tilespmem:$0x450];
	_ =	sdelay $0x4  }
0x34d: {  	v37 =	vshll.u32 v3, $0x1  }
0x34e: {  	v3 =	vand.u32 $0x7, v3;
	v4 =	vand.u32 $0xFFFFFFF0, v37  }
0x34f: {  	v3 =	vor.u32 v3, v4  }
0x350: {  	v4 =	vperm.xlane v3, v0;
	_ =	sdelay $0x1  }
0x351: {  	v3 =	vperm.xlane v3, v2;
	v4 =	vadd.s32 v1, v4;
	_ =	sdelay $0x1  }
0x352: {  	v3 =	vadd.s32 v1, v3;
	_ =	sdelay $0x1  }
0x353: {  	s29 =	simm.s32 $0x15A00  }
0x354: {  	[tilespmem:s29], [sflag:$0x3] =	stream.indirect_vreg.gather [hbm4b:s3+s2], $0x80, v4, vm0, $0xb8;
	[tilespmem:$0x18A00] =	vst v63  }
0x355: {  	_ = 	snop  }
0x356: {  	[tilespmem:s9], [sflag:$0x3] =	stream.indirect_vreg.gather [hbm4b:s3+s2], $0x80, v3, vm0, $0xb8;
	[tilespmem:$0x18A00] =	vst v63  }
0x357: {  	v3 =	vld [tilespmem:$0x460];
	_ =	sdelay $0x4  }
0x358: {  	v38 =	vshll.u32 v3, $0x1  }
0x359: {  	v3 =	vand.u32 $0x7, v3;
	v4 =	vand.u32 $0xFFFFFFF0, v38  }
0x35a: {  	v3 =	vor.u32 v3, v4  }
0x35b: {  	v4 =	vperm.xlane v3, v0;
	_ =	sdelay $0x1  }
0x35c: {  	v3 =	vperm.xlane v3, v2;
	v4 =	vadd.s32 v1, v4;
	_ =	sdelay $0x1  }
0x35d: {  	v3 =	vadd.s32 v1, v3;
	_ =	sdelay $0x2  }
0x35e: {  	[tilespmem:s6], [sflag:$0x3] =	stream.indirect_vreg.gather [hbm4b:s3+s2], $0x80, v4, vm0, $0xb8;
	[tilespmem:$0x18A00] =	vst v63  }
0x35f: {  	_ = 	snop  }
0x360: {  	[tilespmem:s10], [sflag:$0x3] =	stream.indirect_vreg.gather [hbm4b:s3+s2], $0x80, v3, vm0, $0xb8;
	[tilespmem:$0x18A00] =	vst v63  }
0x361: {  	v3 =	vld [tilespmem:$0x470];
	_ =	sdelay $0x4  }
0x362: {  	v39 =	vshll.u32 v3, $0x1  }
0x363: {  	v3 =	vand.u32 $0x7, v3;
	v4 =	vand.u32 $0xFFFFFFF0, v39  }
0x364: {  	v3 =	vor.u32 v3, v4  }
0x365: {  	v4 =	vperm.xlane v3, v0;
	_ =	sdelay $0x1  }
0x366: {  	v3 =	vperm.xlane v3, v2;
	v4 =	vadd.s32 v1, v4;
	_ =	sdelay $0x1  }
0x367: {  	v3 =	vadd.s32 v1, v3;
	_ =	sdelay $0x1  }
0x368: {  	s8 =	simm.s32 $0x17A00  }
0x369: {  	[tilespmem:s8], [sflag:$0x3] =	stream.indirect_vreg.gather [hbm4b:s3+s2], $0x80, v4, vm0, $0xb8;
	[tilespmem:$0x18A00] =	vst v63  }
0x36a: {  	_ = 	snop  }
0x36b: {  	[tilespmem:s14], [sflag:$0x3] =	stream.indirect_vreg.gather [hbm4b:s3+s2], $0x80, v3, vm0, $0xb8;
	[tilespmem:$0x18A00] =	vst v63  }
0x36c: {  	_ =	swait.ge [sflag:s21], $0x8000  }
0x36d: {  	[sflag:s21] =	ssyncset.done $0x0  }
0x36e: {  	s9 =	rddreg [dreg:$0xb];
	[sflag:s21] =	ssyncadd.s32 $0xFFFF8000  }
0x36f: {  	[hbm4b:s9+s2] =	stream.linear.scatter [tilespmem:s31], [sflag:$0x5], $0x8000, $0x38;
	[tilespmem:$0x18A00] =	vst v63  }
0x370: {  	_ =	swait.ge [sflag:s23], $0x8000  }
0x371: {  	[sflag:s23] =	ssyncset.done $0x0  }
0x372: {  	[sflag:s23] =	ssyncadd.s32 $0xFFFF8000  }
0x373: {  	v3 =	vld [tilespmem:$0x480];
	_ =	sdelay $0x4  }
0x374: {  	v40 =	vshll.u32 v3, $0x1  }
0x375: {  	v3 =	vand.u32 $0x7, v3;
	v4 =	vand.u32 $0xFFFFFFF0, v40  }
0x376: {  	v3 =	vor.u32 v3, v4  }
0x377: {  	v4 =	vperm.xlane v3, v0;
	_ =	sdelay $0x1  }
0x378: {  	v3 =	vperm.xlane v3, v2;
	v4 =	vadd.s32 v1, v4;
	_ =	sdelay $0x1  }
0x379: {  	v3 =	vadd.s32 v1, v3;
	_ =	sdelay $0x1  }
0x37a: {  	s11 =	simm.s32 $0xA00  }
0x37b: {  	[tilespmem:s11], [sflag:$0x1] =	stream.indirect_vreg.gather [hbm4b:s3+s2], $0x80, v4, vm0, $0xb8;
	[tilespmem:$0x18A00] =	vst v63  }
0x37c: {  	s10 =	simm.s32 $0x1200  }
0x37d: {  	[tilespmem:s10], [sflag:$0x1] =	stream.indirect_vreg.gather [hbm4b:s3+s2], $0x80, v3, vm0, $0xb8;
	[tilespmem:$0x18A00] =	vst v63  }
0x37e: {  	v3 =	vld [tilespmem:$0x490];
	_ =	sdelay $0x4  }
0x37f: {  	v41 =	vshll.u32 v3, $0x1  }
0x380: {  	v3 =	vand.u32 $0x7, v3;
	v4 =	vand.u32 $0xFFFFFFF0, v41  }
0x381: {  	v3 =	vor.u32 v3, v4  }
0x382: {  	v4 =	vperm.xlane v3, v0;
	_ =	sdelay $0x1  }
0x383: {  	v3 =	vperm.xlane v3, v2;
	v4 =	vadd.s32 v1, v4;
	_ =	sdelay $0x1  }
0x384: {  	v3 =	vadd.s32 v1, v3;
	_ =	sdelay $0x1  }
0x385: {  	s24 =	simm.s32 $0x1A00  }
0x386: {  	[tilespmem:s24], [sflag:$0x1] =	stream.indirect_vreg.gather [hbm4b:s3+s2], $0x80, v4, vm0, $0xb8;
	[tilespmem:$0x18A00] =	vst v63  }
0x387: {  	s12 =	simm.s32 $0x2200  }
0x388: {  	[tilespmem:s12], [sflag:$0x1] =	stream.indirect_vreg.gather [hbm4b:s3+s2], $0x80, v3, vm0, $0xb8;
	[tilespmem:$0x18A00] =	vst v63  }
0x389: {  	v3 =	vld [tilespmem:$0x4A0];
	_ =	sdelay $0x4  }
0x38a: {  	v42 =	vshll.u32 v3, $0x1  }
0x38b: {  	v3 =	vand.u32 $0x7, v3;
	v4 =	vand.u32 $0xFFFFFFF0, v42  }
0x38c: {  	v3 =	vor.u32 v3, v4  }
0x38d: {  	v4 =	vperm.xlane v3, v0;
	_ =	sdelay $0x1  }
0x38e: {  	v3 =	vperm.xlane v3, v2;
	v4 =	vadd.s32 v1, v4;
	_ =	sdelay $0x1  }
0x38f: {  	v3 =	vadd.s32 v1, v3;
	_ =	sdelay $0x1  }
0x390: {  	s6 =	simm.s32 $0x2A00  }
0x391: {  	[tilespmem:s6], [sflag:$0x1] =	stream.indirect_vreg.gather [hbm4b:s3+s2], $0x80, v4, vm0, $0xb8;
	[tilespmem:$0x18A00] =	vst v63  }
0x392: {  	s10 =	simm.s32 $0x3200  }
0x393: {  	[tilespmem:s10], [sflag:$0x1] =	stream.indirect_vreg.gather [hbm4b:s3+s2], $0x80, v3, vm0, $0xb8;
	[tilespmem:$0x18A00] =	vst v63  }
0x394: {  	v3 =	vld [tilespmem:$0x4B0];
	_ =	sdelay $0x4  }
0x395: {  	v43 =	vshll.u32 v3, $0x1  }
0x396: {  	v3 =	vand.u32 $0x7, v3;
	v4 =	vand.u32 $0xFFFFFFF0, v43  }
0x397: {  	v3 =	vor.u32 v3, v4  }
0x398: {  	v4 =	vperm.xlane v3, v0;
	_ =	sdelay $0x1  }
0x399: {  	v3 =	vperm.xlane v3, v2;
	v4 =	vadd.s32 v1, v4;
	_ =	sdelay $0x1  }
0x39a: {  	v3 =	vadd.s32 v1, v3;
	_ =	sdelay $0x1  }
0x39b: {  	s13 =	simm.s32 $0x3A00  }
0x39c: {  	[tilespmem:s13], [sflag:$0x1] =	stream.indirect_vreg.gather [hbm4b:s3+s2], $0x80, v4, vm0, $0xb8;
	[tilespmem:$0x18A00] =	vst v63  }
0x39d: {  	s29 =	simm.s32 $0x4200  }
0x39e: {  	[tilespmem:s29], [sflag:$0x1] =	stream.indirect_vreg.gather [hbm4b:s3+s2], $0x80, v3, vm0, $0xb8;
	[tilespmem:$0x18A00] =	vst v63  }
0x39f: {  	v3 =	vld [tilespmem:$0x4C0];
	_ =	sdelay $0x4  }
0x3a0: {  	v44 =	vshll.u32 v3, $0x1  }
0x3a1: {  	v3 =	vand.u32 $0x7, v3;
	v4 =	vand.u32 $0xFFFFFFF0, v44  }
0x3a2: {  	v3 =	vor.u32 v3, v4  }
0x3a3: {  	v4 =	vperm.xlane v3, v0;
	_ =	sdelay $0x1  }
0x3a4: {  	v3 =	vperm.xlane v3, v2;
	v4 =	vadd.s32 v1, v4;
	_ =	sdelay $0x1  }
0x3a5: {  	v3 =	vadd.s32 v1, v3;
	_ =	sdelay $0x1  }
0x3a6: {  	s8 =	simm.s32 $0x4A00  }
0x3a7: {  	[tilespmem:s8], [sflag:$0x1] =	stream.indirect_vreg.gather [hbm4b:s3+s2], $0x80, v4, vm0, $0xb8;
	[tilespmem:$0x18A00] =	vst v63  }
0x3a8: {  	s15 =	simm.s32 $0x5200  }
0x3a9: {  	[tilespmem:s15], [sflag:$0x1] =	stream.indirect_vreg.gather [hbm4b:s3+s2], $0x80, v3, vm0, $0xb8;
	[tilespmem:$0x18A00] =	vst v63  }
0x3aa: {  	v3 =	vld [tilespmem:$0x4D0];
	_ =	sdelay $0x4  }
0x3ab: {  	v45 =	vshll.u32 v3, $0x1  }
0x3ac: {  	v3 =	vand.u32 $0x7, v3;
	v4 =	vand.u32 $0xFFFFFFF0, v45  }
0x3ad: {  	v3 =	vor.u32 v3, v4  }
0x3ae: {  	v4 =	vperm.xlane v3, v0;
	_ =	sdelay $0x1  }
0x3af: {  	v3 =	vperm.xlane v3, v2;
	v4 =	vadd.s32 v1, v4;
	_ =	sdelay $0x1  }
0x3b0: {  	v3 =	vadd.s32 v1, v3;
	_ =	sdelay $0x1  }
0x3b1: {  	s9 =	simm.s32 $0x5A00  }
0x3b2: {  	[tilespmem:s9], [sflag:$0x1] =	stream.indirect_vreg.gather [hbm4b:s3+s2], $0x80, v4, vm0, $0xb8;
	[tilespmem:$0x18A00] =	vst v63  }
0x3b3: {  	s22 =	simm.s32 $0x6200  }
0x3b4: {  	[tilespmem:s22], [sflag:$0x1] =	stream.indirect_vreg.gather [hbm4b:s3+s2], $0x80, v3, vm0, $0xb8;
	[tilespmem:$0x18A00] =	vst v63  }
0x3b5: {  	v3 =	vld [tilespmem:$0x4E0];
	_ =	sdelay $0x4  }
0x3b6: {  	v46 =	vshll.u32 v3, $0x1  }
0x3b7: {  	v3 =	vand.u32 $0x7, v3;
	v4 =	vand.u32 $0xFFFFFFF0, v46  }
0x3b8: {  	v3 =	vor.u32 v3, v4  }
0x3b9: {  	v4 =	vperm.xlane v3, v0;
	_ =	sdelay $0x1  }
0x3ba: {  	v3 =	vperm.xlane v3, v2;
	v4 =	vadd.s32 v1, v4;
	_ =	sdelay $0x1  }
0x3bb: {  	v3 =	vadd.s32 v1, v3;
	_ =	sdelay $0x1  }
0x3bc: {  	s13 =	simm.s32 $0x6A00  }
0x3bd: {  	[tilespmem:s13], [sflag:$0x1] =	stream.indirect_vreg.gather [hbm4b:s3+s2], $0x80, v4, vm0, $0xb8;
	[tilespmem:$0x18A00] =	vst v63  }
0x3be: {  	s17 =	simm.s32 $0x7200  }
0x3bf: {  	[tilespmem:s17], [sflag:$0x1] =	stream.indirect_vreg.gather [hbm4b:s3+s2], $0x80, v3, vm0, $0xb8;
	[tilespmem:$0x18A00] =	vst v63  }
0x3c0: {  	v3 =	vld [tilespmem:$0x4F0];
	_ =	sdelay $0x4  }
0x3c1: {  	v47 =	vshll.u32 v3, $0x1  }
0x3c2: {  	v3 =	vand.u32 $0x7, v3;
	v4 =	vand.u32 $0xFFFFFFF0, v47  }
0x3c3: {  	v3 =	vor.u32 v3, v4  }
0x3c4: {  	v4 =	vperm.xlane v3, v0;
	_ =	sdelay $0x1  }
0x3c5: {  	v3 =	vperm.xlane v3, v2;
	v4 =	vadd.s32 v1, v4;
	_ =	sdelay $0x1  }
0x3c6: {  	v3 =	vadd.s32 v1, v3;
	_ =	sdelay $0x1  }
0x3c7: {  	s17 =	simm.s32 $0x7A00  }
0x3c8: {  	[tilespmem:s17], [sflag:$0x1] =	stream.indirect_vreg.gather [hbm4b:s3+s2], $0x80, v4, vm0, $0xb8;
	[tilespmem:$0x18A00] =	vst v63  }
0x3c9: {  	s25 =	simm.s32 $0x8200  }
0x3ca: {  	[tilespmem:s25], [sflag:$0x1] =	stream.indirect_vreg.gather [hbm4b:s3+s2], $0x80, v3, vm0, $0xb8;
	[tilespmem:$0x18A00] =	vst v63  }
0x3cb: {  	_ =	swait.ge [sflag:s26], $0x8000  }
0x3cc: {  	[sflag:s26] =	ssyncset.done $0x0  }
0x3cd: {  	s25 =	simm.s32 $0x10A00;
	s12 =	rddreg [dreg:$0xc];
	[sflag:s26] =	ssyncadd.s32 $0xFFFF8000  }
0x3ce: {  	[hbm4b:s12+s2] =	stream.linear.scatter [tilespmem:s25], [sflag:$0x6], $0x8000, $0x38;
	[tilespmem:$0x18A00] =	vst v63  }
0x3cf: {  	_ =	swait.ge [sflag:s0], $0x8000  }
0x3d0: {  	[sflag:s0] =	ssyncset.done $0x0  }
0x3d1: {  	[sflag:s0] =	ssyncadd.s32 $0xFFFF8000  }
0x3d2: {  	v3 =	vld [tilespmem:$0x500];
	_ =	sdelay $0x4  }
0x3d3: {  	v48 =	vshll.u32 v3, $0x1  }
0x3d4: {  	v3 =	vand.u32 $0x7, v3;
	v4 =	vand.u32 $0xFFFFFFF0, v48  }
0x3d5: {  	v3 =	vor.u32 v3, v4  }
0x3d6: {  	v4 =	vperm.xlane v3, v0;
	_ =	sdelay $0x1  }
0x3d7: {  	v3 =	vperm.xlane v3, v2;
	v4 =	vadd.s32 v1, v4;
	_ =	sdelay $0x1  }
0x3d8: {  	v3 =	vadd.s32 v1, v3;
	_ =	sdelay $0x2  }
0x3d9: {  	[tilespmem:s31], [sflag:$0x2] =	stream.indirect_vreg.gather [hbm4b:s3+s2], $0x80, v4, vm0, $0xb8;
	[tilespmem:$0x18A00] =	vst v63  }
0x3da: {  	_ = 	snop  }
0x3db: {  	[tilespmem:s16], [sflag:$0x2] =	stream.indirect_vreg.gather [hbm4b:s3+s2], $0x80, v3, vm0, $0xb8;
	[tilespmem:$0x18A00] =	vst v63  }
0x3dc: {  	v3 =	vld [tilespmem:$0x510];
	_ =	sdelay $0x4  }
0x3dd: {  	v49 =	vshll.u32 v3, $0x1  }
0x3de: {  	v3 =	vand.u32 $0x7, v3;
	v4 =	vand.u32 $0xFFFFFFF0, v49  }
0x3df: {  	v3 =	vor.u32 v3, v4  }
0x3e0: {  	v4 =	vperm.xlane v3, v0;
	_ =	sdelay $0x1  }
0x3e1: {  	v3 =	vperm.xlane v3, v2;
	v4 =	vadd.s32 v1, v4;
	_ =	sdelay $0x1  }
0x3e2: {  	v3 =	vadd.s32 v1, v3;
	_ =	sdelay $0x1  }
0x3e3: {  	s12 =	simm.s32 $0x9A00  }
0x3e4: {  	[tilespmem:s12], [sflag:$0x2] =	stream.indirect_vreg.gather [hbm4b:s3+s2], $0x80, v4, vm0, $0xb8;
	[tilespmem:$0x18A00] =	vst v63  }
0x3e5: {  	_ = 	snop  }
0x3e6: {  	[tilespmem:s20], [sflag:$0x2] =	stream.indirect_vreg.gather [hbm4b:s3+s2], $0x80, v3, vm0, $0xb8;
	[tilespmem:$0x18A00] =	vst v63  }
0x3e7: {  	v3 =	vld [tilespmem:$0x520];
	_ =	sdelay $0x4  }
0x3e8: {  	v50 =	vshll.u32 v3, $0x1  }
0x3e9: {  	v3 =	vand.u32 $0x7, v3;
	v4 =	vand.u32 $0xFFFFFFF0, v50  }
0x3ea: {  	v3 =	vor.u32 v3, v4  }
0x3eb: {  	v4 =	vperm.xlane v3, v0;
	_ =	sdelay $0x1  }
0x3ec: {  	v3 =	vperm.xlane v3, v2;
	v4 =	vadd.s32 v1, v4;
	_ =	sdelay $0x1  }
0x3ed: {  	v3 =	vadd.s32 v1, v3;
	_ =	sdelay $0x1  }
0x3ee: {  	s20 =	simm.s32 $0xAA00  }
0x3ef: {  	[tilespmem:s20], [sflag:$0x2] =	stream.indirect_vreg.gather [hbm4b:s3+s2], $0x80, v4, vm0, $0xb8;
	[tilespmem:$0x18A00] =	vst v63  }
0x3f0: {  	_ = 	snop  }
0x3f1: {  	[tilespmem:s28], [sflag:$0x2] =	stream.indirect_vreg.gather [hbm4b:s3+s2], $0x80, v3, vm0, $0xb8;
	[tilespmem:$0x18A00] =	vst v63  }
0x3f2: {  	v3 =	vld [tilespmem:$0x530];
	_ =	sdelay $0x4  }
0x3f3: {  	v51 =	vshll.u32 v3, $0x1  }
0x3f4: {  	v3 =	vand.u32 $0x7, v3;
	v4 =	vand.u32 $0xFFFFFFF0, v51  }
0x3f5: {  	v3 =	vor.u32 v3, v4  }
0x3f6: {  	v4 =	vperm.xlane v3, v0;
	_ =	sdelay $0x1  }
0x3f7: {  	v3 =	vperm.xlane v3, v2;
	v4 =	vadd.s32 v1, v4;
	_ =	sdelay $0x1  }
0x3f8: {  	v3 =	vadd.s32 v1, v3;
	_ =	sdelay $0x1  }
0x3f9: {  	s28 =	simm.s32 $0xBA00  }
0x3fa: {  	[tilespmem:s28], [sflag:$0x2] =	stream.indirect_vreg.gather [hbm4b:s3+s2], $0x80, v4, vm0, $0xb8;
	[tilespmem:$0x18A00] =	vst v63  }
0x3fb: {  	_ = 	snop  }
0x3fc: {  	[tilespmem:s30], [sflag:$0x2] =	stream.indirect_vreg.gather [hbm4b:s3+s2], $0x80, v3, vm0, $0xb8;
	[tilespmem:$0x18A00] =	vst v63  }
0x3fd: {  	v3 =	vld [tilespmem:$0x540];
	_ =	sdelay $0x4  }
0x3fe: {  	v52 =	vshll.u32 v3, $0x1  }
0x3ff: {  	v3 =	vand.u32 $0x7, v3;
	v4 =	vand.u32 $0xFFFFFFF0, v52  }
0x400: {  	v3 =	vor.u32 v3, v4  }
0x401: {  	v4 =	vperm.xlane v3, v0;
	_ =	sdelay $0x1  }
0x402: {  	v3 =	vperm.xlane v3, v2;
	v4 =	vadd.s32 v1, v4;
	_ =	sdelay $0x1  }
0x403: {  	v3 =	vadd.s32 v1, v3;
	_ =	sdelay $0x1  }
0x404: {  	s1 =	simm.s32 $0xCA00  }
0x405: {  	[tilespmem:s1], [sflag:$0x2] =	stream.indirect_vreg.gather [hbm4b:s3+s2], $0x80, v4, vm0, $0xb8;
	[tilespmem:$0x18A00] =	vst v63  }
0x406: {  	s15 =	simm.s32 $0xD200  }
0x407: {  	[tilespmem:s15], [sflag:$0x2] =	stream.indirect_vreg.gather [hbm4b:s3+s2], $0x80, v3, vm0, $0xb8;
	[tilespmem:$0x18A00] =	vst v63  }
0x408: {  	v3 =	vld [tilespmem:$0x550];
	_ =	sdelay $0x4  }
0x409: {  	v53 =	vshll.u32 v3, $0x1  }
0x40a: {  	v3 =	vand.u32 $0x7, v3;
	v4 =	vand.u32 $0xFFFFFFF0, v53  }
0x40b: {  	v3 =	vor.u32 v3, v4  }
0x40c: {  	v4 =	vperm.xlane v3, v0;
	_ =	sdelay $0x1  }
0x40d: {  	v3 =	vperm.xlane v3, v2;
	v4 =	vadd.s32 v1, v4;
	_ =	sdelay $0x1  }
0x40e: {  	v3 =	vadd.s32 v1, v3;
	_ =	sdelay $0x1  }
0x40f: {  	s28 =	simm.s32 $0xDA00  }
0x410: {  	[tilespmem:s28], [sflag:$0x2] =	stream.indirect_vreg.gather [hbm4b:s3+s2], $0x80, v4, vm0, $0xb8;
	[tilespmem:$0x18A00] =	vst v63  }
0x411: {  	s30 =	simm.s32 $0xE200  }
0x412: {  	[tilespmem:s30], [sflag:$0x2] =	stream.indirect_vreg.gather [hbm4b:s3+s2], $0x80, v3, vm0, $0xb8;
	[tilespmem:$0x18A00] =	vst v63  }
0x413: {  	v3 =	vld [tilespmem:$0x560];
	_ =	sdelay $0x4  }
0x414: {  	v54 =	vshll.u32 v3, $0x1  }
0x415: {  	v3 =	vand.u32 $0x7, v3;
	v4 =	vand.u32 $0xFFFFFFF0, v54  }
0x416: {  	v3 =	vor.u32 v3, v4  }
0x417: {  	v4 =	vperm.xlane v3, v0;
	_ =	sdelay $0x1  }
0x418: {  	v3 =	vperm.xlane v3, v2;
	v4 =	vadd.s32 v1, v4;
	_ =	sdelay $0x1  }
0x419: {  	v3 =	vadd.s32 v1, v3;
	_ =	sdelay $0x1  }
0x41a: {  	s1 =	simm.s32 $0xEA00  }
0x41b: {  	[tilespmem:s1], [sflag:$0x2] =	stream.indirect_vreg.gather [hbm4b:s3+s2], $0x80, v4, vm0, $0xb8;
	[tilespmem:$0x18A00] =	vst v63  }
0x41c: {  	s15 =	simm.s32 $0xF200  }
0x41d: {  	[tilespmem:s15], [sflag:$0x2] =	stream.indirect_vreg.gather [hbm4b:s3+s2], $0x80, v3, vm0, $0xb8;
	[tilespmem:$0x18A00] =	vst v63  }
0x41e: {  	v3 =	vld [tilespmem:$0x570];
	_ =	sdelay $0x4  }
0x41f: {  	v55 =	vshll.u32 v3, $0x1  }
0x420: {  	v3 =	vand.u32 $0x7, v3;
	v4 =	vand.u32 $0xFFFFFFF0, v55  }
0x421: {  	v3 =	vor.u32 v3, v4  }
0x422: {  	v4 =	vperm.xlane v3, v0;
	_ =	sdelay $0x1  }
0x423: {  	v3 =	vperm.xlane v3, v2;
	v4 =	vadd.s32 v1, v4;
	_ =	sdelay $0x1  }
0x424: {  	v3 =	vadd.s32 v1, v3;
	_ =	sdelay $0x1  }
0x425: {  	s28 =	simm.s32 $0xFA00  }
0x426: {  	[tilespmem:s28], [sflag:$0x2] =	stream.indirect_vreg.gather [hbm4b:s3+s2], $0x80, v4, vm0, $0xb8;
	[tilespmem:$0x18A00] =	vst v63  }
0x427: {  	s30 =	simm.s32 $0x10200  }
0x428: {  	[tilespmem:s30], [sflag:$0x2] =	stream.indirect_vreg.gather [hbm4b:s3+s2], $0x80, v3, vm0, $0xb8;
	[tilespmem:$0x18A00] =	vst v63  }
0x429: {  	_ =	swait.ge [sflag:s19], $0x8000  }
0x42a: {  	[sflag:s19] =	ssyncset.done $0x0  }
0x42b: {  	s14 =	simm.s32 $0x6;
	s1 =	rddreg [dreg:$0xd];
	[sflag:s19] =	ssyncadd.s32 $0xFFFF8000  }
0x42c: {  	[hbm4b:s1+s2] =	stream.linear.scatter [tilespmem:s11], [sflag:$0x4], $0x8000, $0x38;
	[tilespmem:$0x18A00] =	vst v63  }
0x42d: {  	_ =	swait.ge [sflag:s14], $0x8000  }
0x42e: {  	[sflag:s14] =	ssyncset.done $0x0  }
0x42f: {  	[sflag:s14] =	ssyncadd.s32 $0xFFFF8000  }
0x430: {  	v3 =	vld [tilespmem:$0x580];
	_ =	sdelay $0x4  }
0x431: {  	v56 =	vshll.u32 v3, $0x1  }
0x432: {  	v3 =	vand.u32 $0x7, v3;
	v4 =	vand.u32 $0xFFFFFFF0, v56  }
0x433: {  	v3 =	vor.u32 v3, v4  }
0x434: {  	v4 =	vperm.xlane v3, v0;
	_ =	sdelay $0x1  }
0x435: {  	v3 =	vperm.xlane v3, v2;
	v4 =	vadd.s32 v1, v4;
	_ =	sdelay $0x1  }
0x436: {  	v3 =	vadd.s32 v1, v3;
	_ =	sdelay $0x2  }
0x437: {  	[tilespmem:s25], [sflag:$0x3] =	stream.indirect_vreg.gather [hbm4b:s3+s2], $0x80, v4, vm0, $0xb8;
	[tilespmem:$0x18A00] =	vst v63  }
0x438: {  	_ = 	snop  }
0x439: {  	[tilespmem:s18], [sflag:$0x3] =	stream.indirect_vreg.gather [hbm4b:s3+s2], $0x80, v3, vm0, $0xb8;
	[tilespmem:$0x18A00] =	vst v63  }
0x43a: {  	v3 =	vld [tilespmem:$0x590];
	_ =	sdelay $0x4  }
0x43b: {  	v57 =	vshll.u32 v3, $0x1  }
0x43c: {  	v3 =	vand.u32 $0x7, v3;
	v4 =	vand.u32 $0xFFFFFFF0, v57  }
0x43d: {  	v3 =	vor.u32 v3, v4  }
0x43e: {  	v4 =	vperm.xlane v3, v0;
	_ =	sdelay $0x1  }
0x43f: {  	v3 =	vperm.xlane v3, v2;
	v4 =	vadd.s32 v1, v4;
	_ =	sdelay $0x1  }
0x440: {  	v3 =	vadd.s32 v1, v3;
	_ =	sdelay $0x1  }
0x441: {  	s18 =	simm.s32 $0x11A00  }
0x442: {  	[tilespmem:s18], [sflag:$0x3] =	stream.indirect_vreg.gather [hbm4b:s3+s2], $0x80, v4, vm0, $0xb8;
	[tilespmem:$0x18A00] =	vst v63  }
0x443: {  	_ = 	snop  }
0x444: {  	[tilespmem:s7], [sflag:$0x3] =	stream.indirect_vreg.gather [hbm4b:s3+s2], $0x80, v3, vm0, $0xb8;
	[tilespmem:$0x18A00] =	vst v63  }
0x445: {  	v3 =	vld [tilespmem:$0x5A0];
	_ =	sdelay $0x4  }
0x446: {  	v58 =	vshll.u32 v3, $0x1  }
0x447: {  	v3 =	vand.u32 $0x7, v3;
	v4 =	vand.u32 $0xFFFFFFF0, v58  }
0x448: {  	v3 =	vor.u32 v3, v4  }
0x449: {  	v4 =	vperm.xlane v3, v0;
	_ =	sdelay $0x1  }
0x44a: {  	v3 =	vperm.xlane v3, v2;
	v4 =	vadd.s32 v1, v4;
	_ =	sdelay $0x1  }
0x44b: {  	v3 =	vadd.s32 v1, v3;
	_ =	sdelay $0x1  }
0x44c: {  	s15 =	simm.s32 $0x12A00  }
0x44d: {  	[tilespmem:s15], [sflag:$0x3] =	stream.indirect_vreg.gather [hbm4b:s3+s2], $0x80, v4, vm0, $0xb8;
	[tilespmem:$0x18A00] =	vst v63  }
0x44e: {  	_ = 	snop  }
0x44f: {  	[tilespmem:s4], [sflag:$0x3] =	stream.indirect_vreg.gather [hbm4b:s3+s2], $0x80, v3, vm0, $0xb8;
	[tilespmem:$0x18A00] =	vst v63  }
0x450: {  	v3 =	vld [tilespmem:$0x5B0];
	_ =	sdelay $0x4  }
0x451: {  	v59 =	vshll.u32 v3, $0x1  }
0x452: {  	v3 =	vand.u32 $0x7, v3;
	v4 =	vand.u32 $0xFFFFFFF0, v59  }
0x453: {  	v3 =	vor.u32 v3, v4  }
0x454: {  	v4 =	vperm.xlane v3, v0;
	_ =	sdelay $0x1  }
0x455: {  	v3 =	vperm.xlane v3, v2;
	v4 =	vadd.s32 v1, v4;
	_ =	sdelay $0x1  }
0x456: {  	v3 =	vadd.s32 v1, v3;
	_ =	sdelay $0x1  }
0x457: {  	s4 =	simm.s32 $0x13A00  }
0x458: {  	[tilespmem:s4], [sflag:$0x3] =	stream.indirect_vreg.gather [hbm4b:s3+s2], $0x80, v4, vm0, $0xb8;
	[tilespmem:$0x18A00] =	vst v63  }
0x459: {  	_ = 	snop  }
0x45a: {  	[tilespmem:s5], [sflag:$0x3] =	stream.indirect_vreg.gather [hbm4b:s3+s2], $0x80, v3, vm0, $0xb8;
	[tilespmem:$0x18A00] =	vst v63  }
0x45b: {  	v3 =	vld [tilespmem:$0x5C0];
	_ =	sdelay $0x4  }
0x45c: {  	v60 =	vshll.u32 v3, $0x1  }
0x45d: {  	v3 =	vand.u32 $0x7, v3;
	v4 =	vand.u32 $0xFFFFFFF0, v60  }
0x45e: {  	v3 =	vor.u32 v3, v4  }
0x45f: {  	v4 =	vperm.xlane v3, v0;
	_ =	sdelay $0x1  }
0x460: {  	v3 =	vperm.xlane v3, v2;
	v4 =	vadd.s32 v1, v4;
	_ =	sdelay $0x1  }
0x461: {  	v3 =	vadd.s32 v1, v3;
	_ =	sdelay $0x1  }
0x462: {  	s5 =	simm.s32 $0x14A00  }
0x463: {  	[tilespmem:s5], [sflag:$0x3] =	stream.indirect_vreg.gather [hbm4b:s3+s2], $0x80, v4, vm0, $0xb8;
	[tilespmem:$0x18A00] =	vst v63  }
0x464: {  	s25 =	simm.s32 $0x15200  }
0x465: {  	[tilespmem:s25], [sflag:$0x3] =	stream.indirect_vreg.gather [hbm4b:s3+s2], $0x80, v3, vm0, $0xb8;
	[tilespmem:$0x18A00] =	vst v63  }
0x466: {  	v3 =	vld [tilespmem:$0x5D0];
	_ =	sdelay $0x4  }
0x467: {  	v61 =	vshll.u32 v3, $0x1  }
0x468: {  	v3 =	vand.u32 $0x7, v3;
	v4 =	vand.u32 $0xFFFFFFF0, v61  }
0x469: {  	v3 =	vor.u32 v3, v4  }
0x46a: {  	v4 =	vperm.xlane v3, v0;
	_ =	sdelay $0x1  }
0x46b: {  	v3 =	vperm.xlane v3, v2;
	v4 =	vadd.s32 v1, v4;
	_ =	sdelay $0x1  }
0x46c: {  	v3 =	vadd.s32 v1, v3;
	_ =	sdelay $0x1  }
0x46d: {  	s25 =	simm.s32 $0x15A00  }
0x46e: {  	[tilespmem:s25], [sflag:$0x3] =	stream.indirect_vreg.gather [hbm4b:s3+s2], $0x80, v4, vm0, $0xb8;
	[tilespmem:$0x18A00] =	vst v63  }
0x46f: {  	s28 =	simm.s32 $0x16200  }
0x470: {  	[tilespmem:s28], [sflag:$0x3] =	stream.indirect_vreg.gather [hbm4b:s3+s2], $0x80, v3, vm0, $0xb8;
	[tilespmem:$0x18A00] =	vst v63  }
0x471: {  	v3 =	vld [tilespmem:$0x5E0];
	_ =	sdelay $0x4  }
0x472: {  	v62 =	vshll.u32 v3, $0x1  }
0x473: {  	v3 =	vand.u32 $0x7, v3;
	v4 =	vand.u32 $0xFFFFFFF0, v62  }
0x474: {  	v3 =	vor.u32 v3, v4  }
0x475: {  	v4 =	vperm.xlane v3, v0;
	_ =	sdelay $0x1  }
0x476: {  	v3 =	vperm.xlane v3, v2;
	v4 =	vadd.s32 v1, v4;
	_ =	sdelay $0x1  }
0x477: {  	v3 =	vadd.s32 v1, v3;
	_ =	sdelay $0x1  }
0x478: {  	s28 =	simm.s32 $0x16A00  }
0x479: {  	[tilespmem:s28], [sflag:$0x3] =	stream.indirect_vreg.gather [hbm4b:s3+s2], $0x80, v4, vm0, $0xb8;
	[tilespmem:$0x18A00] =	vst v63  }
0x47a: {  	s30 =	simm.s32 $0x17200  }
0x47b: {  	[tilespmem:s30], [sflag:$0x3] =	stream.indirect_vreg.gather [hbm4b:s3+s2], $0x80, v3, vm0, $0xb8;
	[tilespmem:$0x18A00] =	vst v63  }
0x47c: {  	v3 =	vld [tilespmem:$0x5F0];
	_ =	sdelay $0x4  }
0x47d: {  	v63 =	vshll.u32 v3, $0x1  }
0x47e: {  	v3 =	vand.u32 $0x7, v3;
	v4 =	vand.u32 $0xFFFFFFF0, v63  }
0x47f: {  	v3 =	vor.u32 v3, v4  }
0x480: {  	v4 =	vperm.xlane v3, v0;
	_ =	sdelay $0x1  }
0x481: {  	v3 =	vperm.xlane v3, v2;
	v4 =	vadd.s32 v1, v4;
	_ =	sdelay $0x1  }
0x482: {  	v3 =	vadd.s32 v1, v3;
	_ =	sdelay $0x1  }
0x483: {  	s30 =	simm.s32 $0x17A00  }
0x484: {  	[tilespmem:s30], [sflag:$0x3] =	stream.indirect_vreg.gather [hbm4b:s3+s2], $0x80, v4, vm0, $0xb8;
	[tilespmem:$0x18A00] =	vst v63  }
0x485: {  	s7 =	simm.s32 $0x18200  }
0x486: {  	[tilespmem:s7], [sflag:$0x3] =	stream.indirect_vreg.gather [hbm4b:s3+s2], $0x80, v3, vm0, $0xb8;
	[tilespmem:$0x18A00] =	vst v63  }
0x487: {  	_ =	swait.ge [sflag:s21], $0x8000  }
0x488: {  	[sflag:s21] =	ssyncset.done $0x0  }
0x489: {  	s7 =	rddreg [dreg:$0xe];
	[sflag:s21] =	ssyncadd.s32 $0xFFFF8000  }
0x48a: {  	[hbm4b:s7+s2] =	stream.linear.scatter [tilespmem:s31], [sflag:$0x5], $0x8000, $0x38;
	[tilespmem:$0x18A00] =	vst v63  }
0x48b: {  	_ =	swait.ge [sflag:s23], $0x8000  }
0x48c: {  	[sflag:s23] =	ssyncset.done $0x0  }
0x48d: {  	[sflag:s23] =	ssyncadd.s32 $0xFFFF8000  }
0x48e: {  	v3 =	vld [tilespmem:$0x600];
	_ =	sdelay $0x4  }
0x48f: {  	v8 =	vshll.u32 v3, $0x1  }
0x490: {  	v3 =	vand.u32 $0x7, v3;
	v4 =	vand.u32 $0xFFFFFFF0, v8  }
0x491: {  	v3 =	vor.u32 v3, v4  }
0x492: {  	v4 =	vperm.xlane v3, v0;
	_ =	sdelay $0x1  }
0x493: {  	v3 =	vperm.xlane v3, v2;
	v4 =	vadd.s32 v1, v4;
	_ =	sdelay $0x1  }
0x494: {  	v3 =	vadd.s32 v1, v3;
	_ =	sdelay $0x2  }
0x495: {  	[tilespmem:s11], [sflag:$0x1] =	stream.indirect_vreg.gather [hbm4b:s3+s2], $0x80, v4, vm0, $0xb8;
	[tilespmem:$0x18A00] =	vst v63  }
0x496: {  	s15 =	simm.s32 $0x1200  }
0x497: {  	[tilespmem:s15], [sflag:$0x1] =	stream.indirect_vreg.gather [hbm4b:s3+s2], $0x80, v3, vm0, $0xb8;
	[tilespmem:$0x18A00] =	vst v63  }
0x498: {  	v3 =	vld [tilespmem:$0x610];
	_ =	sdelay $0x4  }
0x499: {  	v9 =	vshll.u32 v3, $0x1  }
0x49a: {  	v3 =	vand.u32 $0x7, v3;
	v4 =	vand.u32 $0xFFFFFFF0, v9  }
0x49b: {  	v3 =	vor.u32 v3, v4  }
0x49c: {  	v4 =	vperm.xlane v3, v0;
	_ =	sdelay $0x1  }
0x49d: {  	v3 =	vperm.xlane v3, v2;
	v4 =	vadd.s32 v1, v4;
	_ =	sdelay $0x1  }
0x49e: {  	v3 =	vadd.s32 v1, v3;
	_ =	sdelay $0x2  }
0x49f: {  	[tilespmem:s24], [sflag:$0x1] =	stream.indirect_vreg.gather [hbm4b:s3+s2], $0x80, v4, vm0, $0xb8;
	[tilespmem:$0x18A00] =	vst v63  }
0x4a0: {  	s24 =	simm.s32 $0x2200  }
0x4a1: {  	[tilespmem:s24], [sflag:$0x1] =	stream.indirect_vreg.gather [hbm4b:s3+s2], $0x80, v3, vm0, $0xb8;
	[tilespmem:$0x18A00] =	vst v63  }
0x4a2: {  	v3 =	vld [tilespmem:$0x620];
	_ =	sdelay $0x4  }
0x4a3: {  	v10 =	vshll.u32 v3, $0x1  }
0x4a4: {  	v3 =	vand.u32 $0x7, v3;
	v4 =	vand.u32 $0xFFFFFFF0, v10  }
0x4a5: {  	v3 =	vor.u32 v3, v4  }
0x4a6: {  	v4 =	vperm.xlane v3, v0;
	_ =	sdelay $0x1  }
0x4a7: {  	v3 =	vperm.xlane v3, v2;
	v4 =	vadd.s32 v1, v4;
	_ =	sdelay $0x1  }
0x4a8: {  	v3 =	vadd.s32 v1, v3;
	_ =	sdelay $0x2  }
0x4a9: {  	[tilespmem:s6], [sflag:$0x1] =	stream.indirect_vreg.gather [hbm4b:s3+s2], $0x80, v4, vm0, $0xb8;
	[tilespmem:$0x18A00] =	vst v63  }
0x4aa: {  	_ = 	snop  }
0x4ab: {  	[tilespmem:s10], [sflag:$0x1] =	stream.indirect_vreg.gather [hbm4b:s3+s2], $0x80, v3, vm0, $0xb8;
	[tilespmem:$0x18A00] =	vst v63  }
0x4ac: {  	v3 =	vld [tilespmem:$0x630];
	_ =	sdelay $0x4  }
0x4ad: {  	v11 =	vshll.u32 v3, $0x1  }
0x4ae: {  	v3 =	vand.u32 $0x7, v3;
	v4 =	vand.u32 $0xFFFFFFF0, v11  }
0x4af: {  	v3 =	vor.u32 v3, v4  }
0x4b0: {  	v4 =	vperm.xlane v3, v0;
	_ =	sdelay $0x1  }
0x4b1: {  	v3 =	vperm.xlane v3, v2;
	v4 =	vadd.s32 v1, v4;
	_ =	sdelay $0x1  }
0x4b2: {  	v3 =	vadd.s32 v1, v3;
	_ =	sdelay $0x1  }
0x4b3: {  	s7 =	simm.s32 $0x3A00  }
0x4b4: {  	[tilespmem:s7], [sflag:$0x1] =	stream.indirect_vreg.gather [hbm4b:s3+s2], $0x80, v4, vm0, $0xb8;
	[tilespmem:$0x18A00] =	vst v63  }
0x4b5: {  	_ = 	snop  }
0x4b6: {  	[tilespmem:s29], [sflag:$0x1] =	stream.indirect_vreg.gather [hbm4b:s3+s2], $0x80, v3, vm0, $0xb8;
	[tilespmem:$0x18A00] =	vst v63  }
0x4b7: {  	v3 =	vld [tilespmem:$0x640];
	_ =	sdelay $0x4  }
0x4b8: {  	v12 =	vshll.u32 v3, $0x1  }
0x4b9: {  	v3 =	vand.u32 $0x7, v3;
	v4 =	vand.u32 $0xFFFFFFF0, v12  }
0x4ba: {  	v3 =	vor.u32 v3, v4  }
0x4bb: {  	v4 =	vperm.xlane v3, v0;
	_ =	sdelay $0x1  }
0x4bc: {  	v3 =	vperm.xlane v3, v2;
	v4 =	vadd.s32 v1, v4;
	_ =	sdelay $0x1  }
0x4bd: {  	v3 =	vadd.s32 v1, v3;
	_ =	sdelay $0x2  }
0x4be: {  	[tilespmem:s8], [sflag:$0x1] =	stream.indirect_vreg.gather [hbm4b:s3+s2], $0x80, v4, vm0, $0xb8;
	[tilespmem:$0x18A00] =	vst v63  }
0x4bf: {  	s6 =	simm.s32 $0x5200  }
0x4c0: {  	[tilespmem:s6], [sflag:$0x1] =	stream.indirect_vreg.gather [hbm4b:s3+s2], $0x80, v3, vm0, $0xb8;
	[tilespmem:$0x18A00] =	vst v63  }
0x4c1: {  	v3 =	vld [tilespmem:$0x650];
	_ =	sdelay $0x4  }
0x4c2: {  	v13 =	vshll.u32 v3, $0x1  }
0x4c3: {  	v3 =	vand.u32 $0x7, v3;
	v4 =	vand.u32 $0xFFFFFFF0, v13  }
0x4c4: {  	v3 =	vor.u32 v3, v4  }
0x4c5: {  	v4 =	vperm.xlane v3, v0;
	_ =	sdelay $0x1  }
0x4c6: {  	v3 =	vperm.xlane v3, v2;
	v4 =	vadd.s32 v1, v4;
	_ =	sdelay $0x1  }
0x4c7: {  	v3 =	vadd.s32 v1, v3;
	_ =	sdelay $0x2  }
0x4c8: {  	[tilespmem:s9], [sflag:$0x1] =	stream.indirect_vreg.gather [hbm4b:s3+s2], $0x80, v4, vm0, $0xb8;
	[tilespmem:$0x18A00] =	vst v63  }
0x4c9: {  	_ = 	snop  }
0x4ca: {  	[tilespmem:s22], [sflag:$0x1] =	stream.indirect_vreg.gather [hbm4b:s3+s2], $0x80, v3, vm0, $0xb8;
	[tilespmem:$0x18A00] =	vst v63  }
0x4cb: {  	v3 =	vld [tilespmem:$0x660];
	_ =	sdelay $0x4  }
0x4cc: {  	v14 =	vshll.u32 v3, $0x1  }
0x4cd: {  	v3 =	vand.u32 $0x7, v3;
	v4 =	vand.u32 $0xFFFFFFF0, v14  }
0x4ce: {  	v3 =	vor.u32 v3, v4  }
0x4cf: {  	v4 =	vperm.xlane v3, v0;
	_ =	sdelay $0x1  }
0x4d0: {  	v3 =	vperm.xlane v3, v2;
	v4 =	vadd.s32 v1, v4;
	_ =	sdelay $0x1  }
0x4d1: {  	v3 =	vadd.s32 v1, v3;
	_ =	sdelay $0x2  }
0x4d2: {  	[tilespmem:s13], [sflag:$0x1] =	stream.indirect_vreg.gather [hbm4b:s3+s2], $0x80, v4, vm0, $0xb8;
	[tilespmem:$0x18A00] =	vst v63  }
0x4d3: {  	s8 =	simm.s32 $0x7200  }
0x4d4: {  	[tilespmem:s8], [sflag:$0x1] =	stream.indirect_vreg.gather [hbm4b:s3+s2], $0x80, v3, vm0, $0xb8;
	[tilespmem:$0x18A00] =	vst v63  }
0x4d5: {  	v3 =	vld [tilespmem:$0x670];
	_ =	sdelay $0x4  }
0x4d6: {  	v15 =	vshll.u32 v3, $0x1  }
0x4d7: {  	v3 =	vand.u32 $0x7, v3;
	v4 =	vand.u32 $0xFFFFFFF0, v15  }
0x4d8: {  	v3 =	vor.u32 v3, v4  }
0x4d9: {  	v4 =	vperm.xlane v3, v0;
	_ =	sdelay $0x1  }
0x4da: {  	v3 =	vperm.xlane v3, v2;
	v4 =	vadd.s32 v1, v4;
	_ =	sdelay $0x1  }
0x4db: {  	v3 =	vadd.s32 v1, v3;
	_ =	sdelay $0x2  }
0x4dc: {  	[tilespmem:s17], [sflag:$0x1] =	stream.indirect_vreg.gather [hbm4b:s3+s2], $0x80, v4, vm0, $0xb8;
	[tilespmem:$0x18A00] =	vst v63  }
0x4dd: {  	s13 =	simm.s32 $0x8200  }
0x4de: {  	[tilespmem:s13], [sflag:$0x1] =	stream.indirect_vreg.gather [hbm4b:s3+s2], $0x80, v3, vm0, $0xb8;
	[tilespmem:$0x18A00] =	vst v63  }
0x4df: {  	_ =	swait.ge [sflag:s26], $0x8000  }
0x4e0: {  	[sflag:s26] =	ssyncset.done $0x0  }
0x4e1: {  	s1 =	simm.s32 $0x10A00;
	s9 =	rddreg [dreg:$0xf];
	[sflag:s26] =	ssyncadd.s32 $0xFFFF8000  }
0x4e2: {  	[hbm4b:s9+s2] =	stream.linear.scatter [tilespmem:s1], [sflag:$0x6], $0x8000, $0x38;
	[tilespmem:$0x18A00] =	vst v63  }
0x4e3: {  	_ =	swait.ge [sflag:s0], $0x8000  }
0x4e4: {  	[sflag:s0] =	ssyncset.done $0x0  }
0x4e5: {  	[sflag:s0] =	ssyncadd.s32 $0xFFFF8000  }
0x4e6: {  	v3 =	vld [tilespmem:$0x680];
	_ =	sdelay $0x4  }
0x4e7: {  	v16 =	vshll.u32 v3, $0x1  }
0x4e8: {  	v3 =	vand.u32 $0x7, v3;
	v4 =	vand.u32 $0xFFFFFFF0, v16  }
0x4e9: {  	v3 =	vor.u32 v3, v4  }
0x4ea: {  	v4 =	vperm.xlane v3, v0;
	_ =	sdelay $0x1  }
0x4eb: {  	v3 =	vperm.xlane v3, v2;
	v4 =	vadd.s32 v1, v4;
	_ =	sdelay $0x1  }
0x4ec: {  	v3 =	vadd.s32 v1, v3;
	_ =	sdelay $0x2  }
0x4ed: {  	[tilespmem:s31], [sflag:$0x2] =	stream.indirect_vreg.gather [hbm4b:s3+s2], $0x80, v4, vm0, $0xb8;
	[tilespmem:$0x18A00] =	vst v63  }
0x4ee: {  	_ = 	snop  }
0x4ef: {  	[tilespmem:s16], [sflag:$0x2] =	stream.indirect_vreg.gather [hbm4b:s3+s2], $0x80, v3, vm0, $0xb8;
	[tilespmem:$0x18A00] =	vst v63  }
0x4f0: {  	v3 =	vld [tilespmem:$0x690];
	_ =	sdelay $0x4  }
0x4f1: {  	v17 =	vshll.u32 v3, $0x1  }
0x4f2: {  	v3 =	vand.u32 $0x7, v3;
	v4 =	vand.u32 $0xFFFFFFF0, v17  }
0x4f3: {  	v3 =	vor.u32 v3, v4  }
0x4f4: {  	v4 =	vperm.xlane v3, v0;
	_ =	sdelay $0x1  }
0x4f5: {  	v3 =	vperm.xlane v3, v2;
	v4 =	vadd.s32 v1, v4;
	_ =	sdelay $0x1  }
0x4f6: {  	v3 =	vadd.s32 v1, v3;
	_ =	sdelay $0x2  }
0x4f7: {  	[tilespmem:s12], [sflag:$0x2] =	stream.indirect_vreg.gather [hbm4b:s3+s2], $0x80, v4, vm0, $0xb8;
	[tilespmem:$0x18A00] =	vst v63  }
0x4f8: {  	s12 =	simm.s32 $0xA200  }
0x4f9: {  	[tilespmem:s12], [sflag:$0x2] =	stream.indirect_vreg.gather [hbm4b:s3+s2], $0x80, v3, vm0, $0xb8;
	[tilespmem:$0x18A00] =	vst v63  }
0x4fa: {  	v3 =	vld [tilespmem:$0x6A0];
	_ =	sdelay $0x4  }
0x4fb: {  	v18 =	vshll.u32 v3, $0x1  }
0x4fc: {  	v3 =	vand.u32 $0x7, v3;
	v4 =	vand.u32 $0xFFFFFFF0, v18  }
0x4fd: {  	v3 =	vor.u32 v3, v4  }
0x4fe: {  	v4 =	vperm.xlane v3, v0;
	_ =	sdelay $0x1  }
0x4ff: {  	v3 =	vperm.xlane v3, v2;
	v4 =	vadd.s32 v1, v4;
	_ =	sdelay $0x1  }
0x500: {  	v3 =	vadd.s32 v1, v3;
	_ =	sdelay $0x2  }
0x501: {  	[tilespmem:s20], [sflag:$0x2] =	stream.indirect_vreg.gather [hbm4b:s3+s2], $0x80, v4, vm0, $0xb8;
	[tilespmem:$0x18A00] =	vst v63  }
0x502: {  	s15 =	simm.s32 $0xB200  }
0x503: {  	[tilespmem:s15], [sflag:$0x2] =	stream.indirect_vreg.gather [hbm4b:s3+s2], $0x80, v3, vm0, $0xb8;
	[tilespmem:$0x18A00] =	vst v63  }
0x504: {  	v3 =	vld [tilespmem:$0x6B0];
	_ =	sdelay $0x4  }
0x505: {  	v19 =	vshll.u32 v3, $0x1  }
0x506: {  	v3 =	vand.u32 $0x7, v3;
	v4 =	vand.u32 $0xFFFFFFF0, v19  }
0x507: {  	v3 =	vor.u32 v3, v4  }
0x508: {  	v4 =	vperm.xlane v3, v0;
	_ =	sdelay $0x1  }
0x509: {  	v3 =	vperm.xlane v3, v2;
	v4 =	vadd.s32 v1, v4;
	_ =	sdelay $0x1  }
0x50a: {  	v3 =	vadd.s32 v1, v3;
	_ =	sdelay $0x1  }
0x50b: {  	s20 =	simm.s32 $0xBA00  }
0x50c: {  	[tilespmem:s20], [sflag:$0x2] =	stream.indirect_vreg.gather [hbm4b:s3+s2], $0x80, v4, vm0, $0xb8;
	[tilespmem:$0x18A00] =	vst v63  }
0x50d: {  	s29 =	simm.s32 $0xC200  }
0x50e: {  	[tilespmem:s29], [sflag:$0x2] =	stream.indirect_vreg.gather [hbm4b:s3+s2], $0x80, v3, vm0, $0xb8;
	[tilespmem:$0x18A00] =	vst v63  }
0x50f: {  	v3 =	vld [tilespmem:$0x6C0];
	_ =	sdelay $0x4  }
0x510: {  	v20 =	vshll.u32 v3, $0x1  }
0x511: {  	v3 =	vand.u32 $0x7, v3;
	v4 =	vand.u32 $0xFFFFFFF0, v20  }
0x512: {  	v3 =	vor.u32 v3, v4  }
0x513: {  	v4 =	vperm.xlane v3, v0;
	_ =	sdelay $0x1  }
0x514: {  	v3 =	vperm.xlane v3, v2;
	v4 =	vadd.s32 v1, v4;
	_ =	sdelay $0x1  }
0x515: {  	v3 =	vadd.s32 v1, v3;
	_ =	sdelay $0x1  }
0x516: {  	s15 =	simm.s32 $0xCA00  }
0x517: {  	[tilespmem:s15], [sflag:$0x2] =	stream.indirect_vreg.gather [hbm4b:s3+s2], $0x80, v4, vm0, $0xb8;
	[tilespmem:$0x18A00] =	vst v63  }
0x518: {  	s20 =	simm.s32 $0xD200  }
0x519: {  	[tilespmem:s20], [sflag:$0x2] =	stream.indirect_vreg.gather [hbm4b:s3+s2], $0x80, v3, vm0, $0xb8;
	[tilespmem:$0x18A00] =	vst v63  }
0x51a: {  	v3 =	vld [tilespmem:$0x6D0];
	_ =	sdelay $0x4  }
0x51b: {  	v21 =	vshll.u32 v3, $0x1  }
0x51c: {  	v3 =	vand.u32 $0x7, v3;
	v4 =	vand.u32 $0xFFFFFFF0, v21  }
0x51d: {  	v3 =	vor.u32 v3, v4  }
0x51e: {  	v4 =	vperm.xlane v3, v0;
	_ =	sdelay $0x1  }
0x51f: {  	v3 =	vperm.xlane v3, v2;
	v4 =	vadd.s32 v1, v4;
	_ =	sdelay $0x1  }
0x520: {  	v3 =	vadd.s32 v1, v3;
	_ =	sdelay $0x1  }
0x521: {  	s29 =	simm.s32 $0xDA00  }
0x522: {  	[tilespmem:s29], [sflag:$0x2] =	stream.indirect_vreg.gather [hbm4b:s3+s2], $0x80, v4, vm0, $0xb8;
	[tilespmem:$0x18A00] =	vst v63  }
0x523: {  	s15 =	simm.s32 $0xE200  }
0x524: {  	[tilespmem:s15], [sflag:$0x2] =	stream.indirect_vreg.gather [hbm4b:s3+s2], $0x80, v3, vm0, $0xb8;
	[tilespmem:$0x18A00] =	vst v63  }
0x525: {  	v3 =	vld [tilespmem:$0x6E0];
	_ =	sdelay $0x4  }
0x526: {  	v22 =	vshll.u32 v3, $0x1  }
0x527: {  	v3 =	vand.u32 $0x7, v3;
	v4 =	vand.u32 $0xFFFFFFF0, v22  }
0x528: {  	v3 =	vor.u32 v3, v4  }
0x529: {  	v4 =	vperm.xlane v3, v0;
	_ =	sdelay $0x1  }
0x52a: {  	v3 =	vperm.xlane v3, v2;
	v4 =	vadd.s32 v1, v4;
	_ =	sdelay $0x1  }
0x52b: {  	v3 =	vadd.s32 v1, v3;
	_ =	sdelay $0x1  }
0x52c: {  	s20 =	simm.s32 $0xEA00  }
0x52d: {  	[tilespmem:s20], [sflag:$0x2] =	stream.indirect_vreg.gather [hbm4b:s3+s2], $0x80, v4, vm0, $0xb8;
	[tilespmem:$0x18A00] =	vst v63  }
0x52e: {  	s29 =	simm.s32 $0xF200  }
0x52f: {  	[tilespmem:s29], [sflag:$0x2] =	stream.indirect_vreg.gather [hbm4b:s3+s2], $0x80, v3, vm0, $0xb8;
	[tilespmem:$0x18A00] =	vst v63  }
0x530: {  	v3 =	vld [tilespmem:$0x6F0];
	_ =	sdelay $0x4  }
0x531: {  	v23 =	vshll.u32 v3, $0x1  }
0x532: {  	v3 =	vand.u32 $0x7, v3;
	v4 =	vand.u32 $0xFFFFFFF0, v23  }
0x533: {  	v3 =	vor.u32 v3, v4  }
0x534: {  	v4 =	vperm.xlane v3, v0;
	_ =	sdelay $0x1  }
0x535: {  	v3 =	vperm.xlane v3, v2;
	v4 =	vadd.s32 v1, v4;
	_ =	sdelay $0x1  }
0x536: {  	v3 =	vadd.s32 v1, v3;
	_ =	sdelay $0x1  }
0x537: {  	s15 =	simm.s32 $0xFA00  }
0x538: {  	[tilespmem:s15], [sflag:$0x2] =	stream.indirect_vreg.gather [hbm4b:s3+s2], $0x80, v4, vm0, $0xb8;
	[tilespmem:$0x18A00] =	vst v63  }
0x539: {  	s20 =	simm.s32 $0x10200  }
0x53a: {  	[tilespmem:s20], [sflag:$0x2] =	stream.indirect_vreg.gather [hbm4b:s3+s2], $0x80, v3, vm0, $0xb8;
	[tilespmem:$0x18A00] =	vst v63  }
0x53b: {  	_ =	swait.ge [sflag:s19], $0x8000  }
0x53c: {  	[sflag:s19] =	ssyncset.done $0x0  }
0x53d: {  	s29 =	rddreg [dreg:$0x10];
	[sflag:s19] =	ssyncadd.s32 $0xFFFF8000  }
0x53e: {  	[hbm4b:s29+s2] =	stream.linear.scatter [tilespmem:s11], [sflag:$0x4], $0x8000, $0x38;
	[tilespmem:$0x18A00] =	vst v63  }
0x53f: {  	_ =	swait.ge [sflag:s14], $0x8000  }
0x540: {  	[sflag:s14] =	ssyncset.done $0x0  }
0x541: {  	[sflag:s14] =	ssyncadd.s32 $0xFFFF8000  }
0x542: {  	v3 =	vld [tilespmem:$0x700];
	_ =	sdelay $0x4  }
0x543: {  	v24 =	vshll.u32 v3, $0x1  }
0x544: {  	v3 =	vand.u32 $0x7, v3;
	v4 =	vand.u32 $0xFFFFFFF0, v24  }
0x545: {  	v3 =	vor.u32 v3, v4  }
0x546: {  	v4 =	vperm.xlane v3, v0;
	_ =	sdelay $0x1  }
0x547: {  	v3 =	vperm.xlane v3, v2;
	v4 =	vadd.s32 v1, v4;
	_ =	sdelay $0x1  }
0x548: {  	v3 =	vadd.s32 v1, v3;
	_ =	sdelay $0x2  }
0x549: {  	[tilespmem:s1], [sflag:$0x3] =	stream.indirect_vreg.gather [hbm4b:s3+s2], $0x80, v4, vm0, $0xb8;
	[tilespmem:$0x18A00] =	vst v63  }
0x54a: {  	s20 =	simm.s32 $0x11200  }
0x54b: {  	[tilespmem:s20], [sflag:$0x3] =	stream.indirect_vreg.gather [hbm4b:s3+s2], $0x80, v3, vm0, $0xb8;
	[tilespmem:$0x18A00] =	vst v63  }
0x54c: {  	v3 =	vld [tilespmem:$0x710];
	_ =	sdelay $0x4  }
0x54d: {  	v25 =	vshll.u32 v3, $0x1  }
0x54e: {  	v3 =	vand.u32 $0x7, v3;
	v4 =	vand.u32 $0xFFFFFFF0, v25  }
0x54f: {  	v3 =	vor.u32 v3, v4  }
0x550: {  	v4 =	vperm.xlane v3, v0;
	_ =	sdelay $0x1  }
0x551: {  	v3 =	vperm.xlane v3, v2;
	v4 =	vadd.s32 v1, v4;
	_ =	sdelay $0x1  }
0x552: {  	v3 =	vadd.s32 v1, v3;
	_ =	sdelay $0x2  }
0x553: {  	[tilespmem:s18], [sflag:$0x3] =	stream.indirect_vreg.gather [hbm4b:s3+s2], $0x80, v4, vm0, $0xb8;
	[tilespmem:$0x18A00] =	vst v63  }
0x554: {  	s18 =	simm.s32 $0x12200  }
0x555: {  	[tilespmem:s18], [sflag:$0x3] =	stream.indirect_vreg.gather [hbm4b:s3+s2], $0x80, v3, vm0, $0xb8;
	[tilespmem:$0x18A00] =	vst v63  }
0x556: {  	v3 =	vld [tilespmem:$0x720];
	_ =	sdelay $0x4  }
0x557: {  	v26 =	vshll.u32 v3, $0x1  }
0x558: {  	v3 =	vand.u32 $0x7, v3;
	v4 =	vand.u32 $0xFFFFFFF0, v26  }
0x559: {  	v3 =	vor.u32 v3, v4  }
0x55a: {  	v4 =	vperm.xlane v3, v0;
	_ =	sdelay $0x1  }
0x55b: {  	v3 =	vperm.xlane v3, v2;
	v4 =	vadd.s32 v1, v4;
	_ =	sdelay $0x1  }
0x55c: {  	v3 =	vadd.s32 v1, v3;
	_ =	sdelay $0x1  }
0x55d: {  	s12 =	simm.s32 $0x12A00  }
0x55e: {  	[tilespmem:s12], [sflag:$0x3] =	stream.indirect_vreg.gather [hbm4b:s3+s2], $0x80, v4, vm0, $0xb8;
	[tilespmem:$0x18A00] =	vst v63  }
0x55f: {  	s15 =	simm.s32 $0x13200  }
0x560: {  	[tilespmem:s15], [sflag:$0x3] =	stream.indirect_vreg.gather [hbm4b:s3+s2], $0x80, v3, vm0, $0xb8;
	[tilespmem:$0x18A00] =	vst v63  }
0x561: {  	v3 =	vld [tilespmem:$0x730];
	_ =	sdelay $0x4  }
0x562: {  	v27 =	vshll.u32 v3, $0x1  }
0x563: {  	v3 =	vand.u32 $0x7, v3;
	v4 =	vand.u32 $0xFFFFFFF0, v27  }
0x564: {  	v3 =	vor.u32 v3, v4  }
0x565: {  	v4 =	vperm.xlane v3, v0;
	_ =	sdelay $0x1  }
0x566: {  	v3 =	vperm.xlane v3, v2;
	v4 =	vadd.s32 v1, v4;
	_ =	sdelay $0x1  }
0x567: {  	v3 =	vadd.s32 v1, v3;
	_ =	sdelay $0x2  }
0x568: {  	[tilespmem:s4], [sflag:$0x3] =	stream.indirect_vreg.gather [hbm4b:s3+s2], $0x80, v4, vm0, $0xb8;
	[tilespmem:$0x18A00] =	vst v63  }
0x569: {  	s4 =	simm.s32 $0x14200  }
0x56a: {  	[tilespmem:s4], [sflag:$0x3] =	stream.indirect_vreg.gather [hbm4b:s3+s2], $0x80, v3, vm0, $0xb8;
	[tilespmem:$0x18A00] =	vst v63  }
0x56b: {  	v3 =	vld [tilespmem:$0x740];
	_ =	sdelay $0x4  }
0x56c: {  	v28 =	vshll.u32 v3, $0x1  }
0x56d: {  	v3 =	vand.u32 $0x7, v3;
	v4 =	vand.u32 $0xFFFFFFF0, v28  }
0x56e: {  	v3 =	vor.u32 v3, v4  }
0x56f: {  	v4 =	vperm.xlane v3, v0;
	_ =	sdelay $0x1  }
0x570: {  	v3 =	vperm.xlane v3, v2;
	v4 =	vadd.s32 v1, v4;
	_ =	sdelay $0x1  }
0x571: {  	v3 =	vadd.s32 v1, v3;
	_ =	sdelay $0x2  }
0x572: {  	[tilespmem:s5], [sflag:$0x3] =	stream.indirect_vreg.gather [hbm4b:s3+s2], $0x80, v4, vm0, $0xb8;
	[tilespmem:$0x18A00] =	vst v63  }
0x573: {  	s5 =	simm.s32 $0x15200  }
0x574: {  	[tilespmem:s5], [sflag:$0x3] =	stream.indirect_vreg.gather [hbm4b:s3+s2], $0x80, v3, vm0, $0xb8;
	[tilespmem:$0x18A00] =	vst v63  }
0x575: {  	v3 =	vld [tilespmem:$0x750];
	_ =	sdelay $0x4  }
0x576: {  	v29 =	vshll.u32 v3, $0x1  }
0x577: {  	v3 =	vand.u32 $0x7, v3;
	v4 =	vand.u32 $0xFFFFFFF0, v29  }
0x578: {  	v3 =	vor.u32 v3, v4  }
0x579: {  	v4 =	vperm.xlane v3, v0;
	_ =	sdelay $0x1  }
0x57a: {  	v3 =	vperm.xlane v3, v2;
	v4 =	vadd.s32 v1, v4;
	_ =	sdelay $0x1  }
0x57b: {  	v3 =	vadd.s32 v1, v3;
	_ =	sdelay $0x2  }
0x57c: {  	[tilespmem:s25], [sflag:$0x3] =	stream.indirect_vreg.gather [hbm4b:s3+s2], $0x80, v4, vm0, $0xb8;
	[tilespmem:$0x18A00] =	vst v63  }
0x57d: {  	s12 =	simm.s32 $0x16200  }
0x57e: {  	[tilespmem:s12], [sflag:$0x3] =	stream.indirect_vreg.gather [hbm4b:s3+s2], $0x80, v3, vm0, $0xb8;
	[tilespmem:$0x18A00] =	vst v63  }
0x57f: {  	v3 =	vld [tilespmem:$0x760];
	_ =	sdelay $0x4  }
0x580: {  	v30 =	vshll.u32 v3, $0x1  }
0x581: {  	v3 =	vand.u32 $0x7, v3;
	v4 =	vand.u32 $0xFFFFFFF0, v30  }
0x582: {  	v3 =	vor.u32 v3, v4  }
0x583: {  	v4 =	vperm.xlane v3, v0;
	_ =	sdelay $0x1  }
0x584: {  	v3 =	vperm.xlane v3, v2;
	v4 =	vadd.s32 v1, v4;
	_ =	sdelay $0x1  }
0x585: {  	v3 =	vadd.s32 v1, v3;
	_ =	sdelay $0x2  }
0x586: {  	[tilespmem:s28], [sflag:$0x3] =	stream.indirect_vreg.gather [hbm4b:s3+s2], $0x80, v4, vm0, $0xb8;
	[tilespmem:$0x18A00] =	vst v63  }
0x587: {  	s15 =	simm.s32 $0x17200  }
0x588: {  	[tilespmem:s15], [sflag:$0x3] =	stream.indirect_vreg.gather [hbm4b:s3+s2], $0x80, v3, vm0, $0xb8;
	[tilespmem:$0x18A00] =	vst v63  }
0x589: {  	v3 =	vld [tilespmem:$0x770];
	_ =	sdelay $0x4  }
0x58a: {  	v31 =	vshll.u32 v3, $0x1  }
0x58b: {  	v3 =	vand.u32 $0x7, v3;
	v4 =	vand.u32 $0xFFFFFFF0, v31  }
0x58c: {  	v3 =	vor.u32 v3, v4  }
0x58d: {  	v4 =	vperm.xlane v3, v0;
	_ =	sdelay $0x1  }
0x58e: {  	v3 =	vperm.xlane v3, v2;
	v4 =	vadd.s32 v1, v4;
	_ =	sdelay $0x1  }
0x58f: {  	v3 =	vadd.s32 v1, v3;
	_ =	sdelay $0x2  }
0x590: {  	[tilespmem:s30], [sflag:$0x3] =	stream.indirect_vreg.gather [hbm4b:s3+s2], $0x80, v4, vm0, $0xb8;
	[tilespmem:$0x18A00] =	vst v63  }
0x591: {  	s4 =	simm.s32 $0x18200  }
0x592: {  	[tilespmem:s4], [sflag:$0x3] =	stream.indirect_vreg.gather [hbm4b:s3+s2], $0x80, v3, vm0, $0xb8;
	[tilespmem:$0x18A00] =	vst v63  }
0x593: {  	_ =	swait.ge [sflag:s21], $0x8000  }
0x594: {  	[sflag:s21] =	ssyncset.done $0x0  }
0x595: {  	s5 =	rddreg [dreg:$0x11];
	[sflag:s21] =	ssyncadd.s32 $0xFFFF8000  }
0x596: {  	[hbm4b:s5+s2] =	stream.linear.scatter [tilespmem:s31], [sflag:$0x5], $0x8000, $0x38;
	[tilespmem:$0x18A00] =	vst v63  }
0x597: {  	_ =	swait.ge [sflag:s23], $0x8000  }
0x598: {  	[sflag:s23] =	ssyncset.done $0x0  }
0x599: {  	[sflag:s23] =	ssyncadd.s32 $0xFFFF8000  }
0x59a: {  	v3 =	vld [tilespmem:$0x780];
	_ =	sdelay $0x4  }
0x59b: {  	v32 =	vshll.u32 v3, $0x1  }
0x59c: {  	v3 =	vand.u32 $0x7, v3;
	v4 =	vand.u32 $0xFFFFFFF0, v32  }
0x59d: {  	v3 =	vor.u32 v3, v4  }
0x59e: {  	v4 =	vperm.xlane v3, v0;
	_ =	sdelay $0x1  }
0x59f: {  	v3 =	vperm.xlane v3, v2;
	v4 =	vadd.s32 v1, v4;
	_ =	sdelay $0x1  }
0x5a0: {  	v3 =	vadd.s32 v1, v3;
	_ =	sdelay $0x2  }
0x5a1: {  	[tilespmem:s11], [sflag:$0x1] =	stream.indirect_vreg.gather [hbm4b:s3+s2], $0x80, v4, vm0, $0xb8;
	[tilespmem:$0x18A00] =	vst v63  }
0x5a2: {  	s12 =	simm.s32 $0x1200  }
0x5a3: {  	[tilespmem:s12], [sflag:$0x1] =	stream.indirect_vreg.gather [hbm4b:s3+s2], $0x80, v3, vm0, $0xb8;
	[tilespmem:$0x18A00] =	vst v63  }
0x5a4: {  	v3 =	vld [tilespmem:$0x790];
	_ =	sdelay $0x4  }
0x5a5: {  	v33 =	vshll.u32 v3, $0x1  }
0x5a6: {  	v3 =	vand.u32 $0x7, v3;
	v4 =	vand.u32 $0xFFFFFFF0, v33  }
0x5a7: {  	v3 =	vor.u32 v3, v4  }
0x5a8: {  	v4 =	vperm.xlane v3, v0;
	_ =	sdelay $0x1  }
0x5a9: {  	v3 =	vperm.xlane v3, v2;
	v4 =	vadd.s32 v1, v4;
	_ =	sdelay $0x1  }
0x5aa: {  	v3 =	vadd.s32 v1, v3;
	_ =	sdelay $0x1  }
0x5ab: {  	s15 =	simm.s32 $0x1A00  }
0x5ac: {  	[tilespmem:s15], [sflag:$0x1] =	stream.indirect_vreg.gather [hbm4b:s3+s2], $0x80, v4, vm0, $0xb8;
	[tilespmem:$0x18A00] =	vst v63  }
0x5ad: {  	_ = 	snop  }
0x5ae: {  	[tilespmem:s24], [sflag:$0x1] =	stream.indirect_vreg.gather [hbm4b:s3+s2], $0x80, v3, vm0, $0xb8;
	[tilespmem:$0x18A00] =	vst v63  }
0x5af: {  	v3 =	vld [tilespmem:$0x7A0];
	_ =	sdelay $0x4  }
0x5b0: {  	v34 =	vshll.u32 v3, $0x1  }
0x5b1: {  	v3 =	vand.u32 $0x7, v3;
	v4 =	vand.u32 $0xFFFFFFF0, v34  }
0x5b2: {  	v3 =	vor.u32 v3, v4  }
0x5b3: {  	v4 =	vperm.xlane v3, v0;
	_ =	sdelay $0x1  }
0x5b4: {  	v3 =	vperm.xlane v3, v2;
	v4 =	vadd.s32 v1, v4;
	_ =	sdelay $0x1  }
0x5b5: {  	v3 =	vadd.s32 v1, v3;
	_ =	sdelay $0x1  }
0x5b6: {  	s24 =	simm.s32 $0x2A00  }
0x5b7: {  	[tilespmem:s24], [sflag:$0x1] =	stream.indirect_vreg.gather [hbm4b:s3+s2], $0x80, v4, vm0, $0xb8;
	[tilespmem:$0x18A00] =	vst v63  }
0x5b8: {  	s4 =	simm.s32 $0x3200  }
0x5b9: {  	[tilespmem:s4], [sflag:$0x1] =	stream.indirect_vreg.gather [hbm4b:s3+s2], $0x80, v3, vm0, $0xb8;
	[tilespmem:$0x18A00] =	vst v63  }
0x5ba: {  	v3 =	vld [tilespmem:$0x7B0];
	_ =	sdelay $0x4  }
0x5bb: {  	v35 =	vshll.u32 v3, $0x1  }
0x5bc: {  	v3 =	vand.u32 $0x7, v3;
	v4 =	vand.u32 $0xFFFFFFF0, v35  }
0x5bd: {  	v3 =	vor.u32 v3, v4  }
0x5be: {  	v4 =	vperm.xlane v3, v0;
	_ =	sdelay $0x1  }
0x5bf: {  	v3 =	vperm.xlane v3, v2;
	v4 =	vadd.s32 v1, v4;
	_ =	sdelay $0x1  }
0x5c0: {  	v3 =	vadd.s32 v1, v3;
	_ =	sdelay $0x1  }
0x5c1: {  	s10 =	simm.s32 $0x3A00  }
0x5c2: {  	[tilespmem:s10], [sflag:$0x1] =	stream.indirect_vreg.gather [hbm4b:s3+s2], $0x80, v4, vm0, $0xb8;
	[tilespmem:$0x18A00] =	vst v63  }
0x5c3: {  	s5 =	simm.s32 $0x4200  }
0x5c4: {  	[tilespmem:s5], [sflag:$0x1] =	stream.indirect_vreg.gather [hbm4b:s3+s2], $0x80, v3, vm0, $0xb8;
	[tilespmem:$0x18A00] =	vst v63  }
0x5c5: {  	v3 =	vld [tilespmem:$0x7C0];
	_ =	sdelay $0x4  }
0x5c6: {  	v36 =	vshll.u32 v3, $0x1  }
0x5c7: {  	v3 =	vand.u32 $0x7, v3;
	v4 =	vand.u32 $0xFFFFFFF0, v36  }
0x5c8: {  	v3 =	vor.u32 v3, v4  }
0x5c9: {  	v4 =	vperm.xlane v3, v0;
	_ =	sdelay $0x1  }
0x5ca: {  	v3 =	vperm.xlane v3, v2;
	v4 =	vadd.s32 v1, v4;
	_ =	sdelay $0x1  }
0x5cb: {  	v3 =	vadd.s32 v1, v3;
	_ =	sdelay $0x1  }
0x5cc: {  	s10 =	simm.s32 $0x4A00  }
0x5cd: {  	[tilespmem:s10], [sflag:$0x1] =	stream.indirect_vreg.gather [hbm4b:s3+s2], $0x80, v4, vm0, $0xb8;
	[tilespmem:$0x18A00] =	vst v63  }
0x5ce: {  	_ = 	snop  }
0x5cf: {  	[tilespmem:s6], [sflag:$0x1] =	stream.indirect_vreg.gather [hbm4b:s3+s2], $0x80, v3, vm0, $0xb8;
	[tilespmem:$0x18A00] =	vst v63  }
0x5d0: {  	v3 =	vld [tilespmem:$0x7D0];
	_ =	sdelay $0x4  }
0x5d1: {  	v37 =	vshll.u32 v3, $0x1  }
0x5d2: {  	v3 =	vand.u32 $0x7, v3;
	v4 =	vand.u32 $0xFFFFFFF0, v37  }
0x5d3: {  	v3 =	vor.u32 v3, v4  }
0x5d4: {  	v4 =	vperm.xlane v3, v0;
	_ =	sdelay $0x1  }
0x5d5: {  	v3 =	vperm.xlane v3, v2;
	v4 =	vadd.s32 v1, v4;
	_ =	sdelay $0x1  }
0x5d6: {  	v3 =	vadd.s32 v1, v3;
	_ =	sdelay $0x1  }
0x5d7: {  	s12 =	simm.s32 $0x5A00  }
0x5d8: {  	[tilespmem:s12], [sflag:$0x1] =	stream.indirect_vreg.gather [hbm4b:s3+s2], $0x80, v4, vm0, $0xb8;
	[tilespmem:$0x18A00] =	vst v63  }
0x5d9: {  	s15 =	simm.s32 $0x6200  }
0x5da: {  	[tilespmem:s15], [sflag:$0x1] =	stream.indirect_vreg.gather [hbm4b:s3+s2], $0x80, v3, vm0, $0xb8;
	[tilespmem:$0x18A00] =	vst v63  }
0x5db: {  	v3 =	vld [tilespmem:$0x7E0];
	_ =	sdelay $0x4  }
0x5dc: {  	v38 =	vshll.u32 v3, $0x1  }
0x5dd: {  	v3 =	vand.u32 $0x7, v3;
	v4 =	vand.u32 $0xFFFFFFF0, v38  }
0x5de: {  	v3 =	vor.u32 v3, v4  }
0x5df: {  	v4 =	vperm.xlane v3, v0;
	_ =	sdelay $0x1  }
0x5e0: {  	v3 =	vperm.xlane v3, v2;
	v4 =	vadd.s32 v1, v4;
	_ =	sdelay $0x1  }
0x5e1: {  	v3 =	vadd.s32 v1, v3;
	_ =	sdelay $0x1  }
0x5e2: {  	s22 =	simm.s32 $0x6A00  }
0x5e3: {  	[tilespmem:s22], [sflag:$0x1] =	stream.indirect_vreg.gather [hbm4b:s3+s2], $0x80, v4, vm0, $0xb8;
	[tilespmem:$0x18A00] =	vst v63  }
0x5e4: {  	_ = 	snop  }
0x5e5: {  	[tilespmem:s8], [sflag:$0x1] =	stream.indirect_vreg.gather [hbm4b:s3+s2], $0x80, v3, vm0, $0xb8;
	[tilespmem:$0x18A00] =	vst v63  }
0x5e6: {  	v3 =	vld [tilespmem:$0x7F0];
	_ =	sdelay $0x4  }
0x5e7: {  	v39 =	vshll.u32 v3, $0x1  }
0x5e8: {  	v3 =	vand.u32 $0x7, v3;
	v4 =	vand.u32 $0xFFFFFFF0, v39  }
0x5e9: {  	v3 =	vor.u32 v3, v4  }
0x5ea: {  	v4 =	vperm.xlane v3, v0;
	_ =	sdelay $0x1  }
0x5eb: {  	v3 =	vperm.xlane v3, v2;
	v4 =	vadd.s32 v1, v4;
	_ =	sdelay $0x1  }
0x5ec: {  	v3 =	vadd.s32 v1, v3;
	_ =	sdelay $0x1  }
0x5ed: {  	s17 =	simm.s32 $0x7A00  }
0x5ee: {  	[tilespmem:s17], [sflag:$0x1] =	stream.indirect_vreg.gather [hbm4b:s3+s2], $0x80, v4, vm0, $0xb8;
	[tilespmem:$0x18A00] =	vst v63  }
0x5ef: {  	_ = 	snop  }
0x5f0: {  	[tilespmem:s13], [sflag:$0x1] =	stream.indirect_vreg.gather [hbm4b:s3+s2], $0x80, v3, vm0, $0xb8;
	[tilespmem:$0x18A00] =	vst v63  }
0x5f1: {  	_ =	swait.ge [sflag:s26], $0x8000  }
0x5f2: {  	[sflag:s26] =	ssyncset.done $0x0  }
0x5f3: {  	s12 =	simm.s32 $0x10A00;
	s17 =	rddreg [dreg:$0x12];
	[sflag:s26] =	ssyncadd.s32 $0xFFFF8000  }
0x5f4: {  	[hbm4b:s17+s2] =	stream.linear.scatter [tilespmem:s12], [sflag:$0x6], $0x8000, $0x38;
	[tilespmem:$0x18A00] =	vst v63  }
0x5f5: {  	_ =	swait.ge [sflag:s0], $0x8000  }
0x5f6: {  	[sflag:s0] =	ssyncset.done $0x0  }
0x5f7: {  	[sflag:s0] =	ssyncadd.s32 $0xFFFF8000  }
0x5f8: {  	v3 =	vld [tilespmem:$0x800];
	_ =	sdelay $0x4  }
0x5f9: {  	v40 =	vshll.u32 v3, $0x1  }
0x5fa: {  	v3 =	vand.u32 $0x7, v3;
	v4 =	vand.u32 $0xFFFFFFF0, v40  }
0x5fb: {  	v3 =	vor.u32 v3, v4  }
0x5fc: {  	v4 =	vperm.xlane v3, v0;
	_ =	sdelay $0x1  }
0x5fd: {  	v3 =	vperm.xlane v3, v2;
	v4 =	vadd.s32 v1, v4;
	_ =	sdelay $0x1  }
0x5fe: {  	v3 =	vadd.s32 v1, v3;
	_ =	sdelay $0x2  }
0x5ff: {  	[tilespmem:s31], [sflag:$0x2] =	stream.indirect_vreg.gather [hbm4b:s3+s2], $0x80, v4, vm0, $0xb8;
	[tilespmem:$0x18A00] =	vst v63  }
0x600: {  	_ = 	snop  }
0x601: {  	[tilespmem:s16], [sflag:$0x2] =	stream.indirect_vreg.gather [hbm4b:s3+s2], $0x80, v3, vm0, $0xb8;
	[tilespmem:$0x18A00] =	vst v63  }
0x602: {  	v3 =	vld [tilespmem:$0x810];
	_ =	sdelay $0x4  }
0x603: {  	v41 =	vshll.u32 v3, $0x1  }
0x604: {  	v3 =	vand.u32 $0x7, v3;
	v4 =	vand.u32 $0xFFFFFFF0, v41  }
0x605: {  	v3 =	vor.u32 v3, v4  }
0x606: {  	v4 =	vperm.xlane v3, v0;
	_ =	sdelay $0x1  }
0x607: {  	v3 =	vperm.xlane v3, v2;
	v4 =	vadd.s32 v1, v4;
	_ =	sdelay $0x1  }
0x608: {  	v3 =	vadd.s32 v1, v3;
	_ =	sdelay $0x1  }
0x609: {  	s7 =	simm.s32 $0x9A00  }
0x60a: {  	[tilespmem:s7], [sflag:$0x2] =	stream.indirect_vreg.gather [hbm4b:s3+s2], $0x80, v4, vm0, $0xb8;
	[tilespmem:$0x18A00] =	vst v63  }
0x60b: {  	s22 =	simm.s32 $0xA200  }
0x60c: {  	[tilespmem:s22], [sflag:$0x2] =	stream.indirect_vreg.gather [hbm4b:s3+s2], $0x80, v3, vm0, $0xb8;
	[tilespmem:$0x18A00] =	vst v63  }
0x60d: {  	v3 =	vld [tilespmem:$0x820];
	_ =	sdelay $0x4  }
0x60e: {  	v42 =	vshll.u32 v3, $0x1  }
0x60f: {  	v3 =	vand.u32 $0x7, v3;
	v4 =	vand.u32 $0xFFFFFFF0, v42  }
0x610: {  	v3 =	vor.u32 v3, v4  }
0x611: {  	v4 =	vperm.xlane v3, v0;
	_ =	sdelay $0x1  }
0x612: {  	v3 =	vperm.xlane v3, v2;
	v4 =	vadd.s32 v1, v4;
	_ =	sdelay $0x1  }
0x613: {  	v3 =	vadd.s32 v1, v3;
	_ =	sdelay $0x1  }
0x614: {  	s9 =	simm.s32 $0xAA00  }
0x615: {  	[tilespmem:s9], [sflag:$0x2] =	stream.indirect_vreg.gather [hbm4b:s3+s2], $0x80, v4, vm0, $0xb8;
	[tilespmem:$0x18A00] =	vst v63  }
0x616: {  	s1 =	simm.s32 $0xB200  }
0x617: {  	[tilespmem:s1], [sflag:$0x2] =	stream.indirect_vreg.gather [hbm4b:s3+s2], $0x80, v3, vm0, $0xb8;
	[tilespmem:$0x18A00] =	vst v63  }
0x618: {  	v3 =	vld [tilespmem:$0x830];
	_ =	sdelay $0x4  }
0x619: {  	v43 =	vshll.u32 v3, $0x1  }
0x61a: {  	v3 =	vand.u32 $0x7, v3;
	v4 =	vand.u32 $0xFFFFFFF0, v43  }
0x61b: {  	v3 =	vor.u32 v3, v4  }
0x61c: {  	v4 =	vperm.xlane v3, v0;
	_ =	sdelay $0x1  }
0x61d: {  	v3 =	vperm.xlane v3, v2;
	v4 =	vadd.s32 v1, v4;
	_ =	sdelay $0x1  }
0x61e: {  	v3 =	vadd.s32 v1, v3;
	_ =	sdelay $0x1  }
0x61f: {  	s5 =	simm.s32 $0xBA00  }
0x620: {  	[tilespmem:s5], [sflag:$0x2] =	stream.indirect_vreg.gather [hbm4b:s3+s2], $0x80, v4, vm0, $0xb8;
	[tilespmem:$0x18A00] =	vst v63  }
0x621: {  	s6 =	simm.s32 $0xC200  }
0x622: {  	[tilespmem:s6], [sflag:$0x2] =	stream.indirect_vreg.gather [hbm4b:s3+s2], $0x80, v3, vm0, $0xb8;
	[tilespmem:$0x18A00] =	vst v63  }
0x623: {  	v3 =	vld [tilespmem:$0x840];
	_ =	sdelay $0x4  }
0x624: {  	v44 =	vshll.u32 v3, $0x1  }
0x625: {  	v3 =	vand.u32 $0x7, v3;
	v4 =	vand.u32 $0xFFFFFFF0, v44  }
0x626: {  	v3 =	vor.u32 v3, v4  }
0x627: {  	v4 =	vperm.xlane v3, v0;
	_ =	sdelay $0x1  }
0x628: {  	v3 =	vperm.xlane v3, v2;
	v4 =	vadd.s32 v1, v4;
	_ =	sdelay $0x1  }
0x629: {  	v3 =	vadd.s32 v1, v3;
	_ =	sdelay $0x1  }
0x62a: {  	s7 =	simm.s32 $0xCA00  }
0x62b: {  	[tilespmem:s7], [sflag:$0x2] =	stream.indirect_vreg.gather [hbm4b:s3+s2], $0x80, v4, vm0, $0xb8;
	[tilespmem:$0x18A00] =	vst v63  }
0x62c: {  	s8 =	simm.s32 $0xD200  }
0x62d: {  	[tilespmem:s8], [sflag:$0x2] =	stream.indirect_vreg.gather [hbm4b:s3+s2], $0x80, v3, vm0, $0xb8;
	[tilespmem:$0x18A00] =	vst v63  }
0x62e: {  	v3 =	vld [tilespmem:$0x850];
	_ =	sdelay $0x4  }
0x62f: {  	v45 =	vshll.u32 v3, $0x1  }
0x630: {  	v3 =	vand.u32 $0x7, v3;
	v4 =	vand.u32 $0xFFFFFFF0, v45  }
0x631: {  	v3 =	vor.u32 v3, v4  }
0x632: {  	v4 =	vperm.xlane v3, v0;
	_ =	sdelay $0x1  }
0x633: {  	v3 =	vperm.xlane v3, v2;
	v4 =	vadd.s32 v1, v4;
	_ =	sdelay $0x1  }
0x634: {  	v3 =	vadd.s32 v1, v3;
	_ =	sdelay $0x1  }
0x635: {  	s4 =	simm.s32 $0xDA00  }
0x636: {  	[tilespmem:s4], [sflag:$0x2] =	stream.indirect_vreg.gather [hbm4b:s3+s2], $0x80, v4, vm0, $0xb8;
	[tilespmem:$0x18A00] =	vst v63  }
0x637: {  	s9 =	simm.s32 $0xE200  }
0x638: {  	[tilespmem:s9], [sflag:$0x2] =	stream.indirect_vreg.gather [hbm4b:s3+s2], $0x80, v3, vm0, $0xb8;
	[tilespmem:$0x18A00] =	vst v63  }
0x639: {  	v3 =	vld [tilespmem:$0x860];
	_ =	sdelay $0x4  }
0x63a: {  	v46 =	vshll.u32 v3, $0x1  }
0x63b: {  	v3 =	vand.u32 $0x7, v3;
	v4 =	vand.u32 $0xFFFFFFF0, v46  }
0x63c: {  	v3 =	vor.u32 v3, v4  }
0x63d: {  	v4 =	vperm.xlane v3, v0;
	_ =	sdelay $0x1  }
0x63e: {  	v3 =	vperm.xlane v3, v2;
	v4 =	vadd.s32 v1, v4;
	_ =	sdelay $0x1  }
0x63f: {  	v3 =	vadd.s32 v1, v3;
	_ =	sdelay $0x1  }
0x640: {  	s17 =	simm.s32 $0xEA00  }
0x641: {  	[tilespmem:s17], [sflag:$0x2] =	stream.indirect_vreg.gather [hbm4b:s3+s2], $0x80, v4, vm0, $0xb8;
	[tilespmem:$0x18A00] =	vst v63  }
0x642: {  	s24 =	simm.s32 $0xF200  }
0x643: {  	[tilespmem:s24], [sflag:$0x2] =	stream.indirect_vreg.gather [hbm4b:s3+s2], $0x80, v3, vm0, $0xb8;
	[tilespmem:$0x18A00] =	vst v63  }
0x644: {  	v3 =	vld [tilespmem:$0x870];
	_ =	sdelay $0x4  }
0x645: {  	v47 =	vshll.u32 v3, $0x1  }
0x646: {  	v3 =	vand.u32 $0x7, v3;
	v4 =	vand.u32 $0xFFFFFFF0, v47  }
0x647: {  	v3 =	vor.u32 v3, v4  }
0x648: {  	v4 =	vperm.xlane v3, v0;
	_ =	sdelay $0x1  }
0x649: {  	v3 =	vperm.xlane v3, v2;
	v4 =	vadd.s32 v1, v4;
	_ =	sdelay $0x1  }
0x64a: {  	v3 =	vadd.s32 v1, v3;
	_ =	sdelay $0x1  }
0x64b: {  	s10 =	simm.s32 $0xFA00  }
0x64c: {  	[tilespmem:s10], [sflag:$0x2] =	stream.indirect_vreg.gather [hbm4b:s3+s2], $0x80, v4, vm0, $0xb8;
	[tilespmem:$0x18A00] =	vst v63  }
0x64d: {  	s13 =	simm.s32 $0x10200  }
0x64e: {  	[tilespmem:s13], [sflag:$0x2] =	stream.indirect_vreg.gather [hbm4b:s3+s2], $0x80, v3, vm0, $0xb8;
	[tilespmem:$0x18A00] =	vst v63  }
0x64f: {  	_ =	swait.ge [sflag:s19], $0x8000  }
0x650: {  	[sflag:s19] =	ssyncset.done $0x0  }
0x651: {  	s15 =	rddreg [dreg:$0x13];
	[sflag:s19] =	ssyncadd.s32 $0xFFFF8000  }
0x652: {  	[hbm4b:s15+s2] =	stream.linear.scatter [tilespmem:s11], [sflag:$0x4], $0x8000, $0x38;
	[tilespmem:$0x18A00] =	vst v63  }
0x653: {  	_ =	swait.ge [sflag:s14], $0x8000  }
0x654: {  	[sflag:s14] =	ssyncset.done $0x0  }
0x655: {  	[sflag:s14] =	ssyncadd.s32 $0xFFFF8000  }
0x656: {  	v3 =	vld [tilespmem:$0x880];
	_ =	sdelay $0x4  }
0x657: {  	v48 =	vshll.u32 v3, $0x1  }
0x658: {  	v3 =	vand.u32 $0x7, v3;
	v4 =	vand.u32 $0xFFFFFFF0, v48  }
0x659: {  	v3 =	vor.u32 v3, v4  }
0x65a: {  	v4 =	vperm.xlane v3, v0;
	_ =	sdelay $0x1  }
0x65b: {  	v3 =	vperm.xlane v3, v2;
	v4 =	vadd.s32 v1, v4;
	_ =	sdelay $0x1  }
0x65c: {  	v3 =	vadd.s32 v1, v3;
	_ =	sdelay $0x2  }
0x65d: {  	[tilespmem:s12], [sflag:$0x3] =	stream.indirect_vreg.gather [hbm4b:s3+s2], $0x80, v4, vm0, $0xb8;
	[tilespmem:$0x18A00] =	vst v63  }
0x65e: {  	_ = 	snop  }
0x65f: {  	[tilespmem:s20], [sflag:$0x3] =	stream.indirect_vreg.gather [hbm4b:s3+s2], $0x80, v3, vm0, $0xb8;
	[tilespmem:$0x18A00] =	vst v63  }
0x660: {  	v3 =	vld [tilespmem:$0x890];
	_ =	sdelay $0x4  }
0x661: {  	v49 =	vshll.u32 v3, $0x1  }
0x662: {  	v3 =	vand.u32 $0x7, v3;
	v4 =	vand.u32 $0xFFFFFFF0, v49  }
0x663: {  	v3 =	vor.u32 v3, v4  }
0x664: {  	v4 =	vperm.xlane v3, v0;
	_ =	sdelay $0x1  }
0x665: {  	v3 =	vperm.xlane v3, v2;
	v4 =	vadd.s32 v1, v4;
	_ =	sdelay $0x1  }
0x666: {  	v3 =	vadd.s32 v1, v3;
	_ =	sdelay $0x1  }
0x667: {  	s20 =	simm.s32 $0x11A00  }
0x668: {  	[tilespmem:s20], [sflag:$0x3] =	stream.indirect_vreg.gather [hbm4b:s3+s2], $0x80, v4, vm0, $0xb8;
	[tilespmem:$0x18A00] =	vst v63  }
0x669: {  	_ = 	snop  }
0x66a: {  	[tilespmem:s18], [sflag:$0x3] =	stream.indirect_vreg.gather [hbm4b:s3+s2], $0x80, v3, vm0, $0xb8;
	[tilespmem:$0x18A00] =	vst v63  }
0x66b: {  	v3 =	vld [tilespmem:$0x8A0];
	_ =	sdelay $0x4  }
0x66c: {  	v50 =	vshll.u32 v3, $0x1  }
0x66d: {  	v3 =	vand.u32 $0x7, v3;
	v4 =	vand.u32 $0xFFFFFFF0, v50  }
0x66e: {  	v3 =	vor.u32 v3, v4  }
0x66f: {  	v4 =	vperm.xlane v3, v0;
	_ =	sdelay $0x1  }
0x670: {  	v3 =	vperm.xlane v3, v2;
	v4 =	vadd.s32 v1, v4;
	_ =	sdelay $0x1  }
0x671: {  	v3 =	vadd.s32 v1, v3;
	_ =	sdelay $0x1  }
0x672: {  	s29 =	simm.s32 $0x12A00  }
0x673: {  	[tilespmem:s29], [sflag:$0x3] =	stream.indirect_vreg.gather [hbm4b:s3+s2], $0x80, v4, vm0, $0xb8;
	[tilespmem:$0x18A00] =	vst v63  }
0x674: {  	s18 =	simm.s32 $0x13200  }
0x675: {  	[tilespmem:s18], [sflag:$0x3] =	stream.indirect_vreg.gather [hbm4b:s3+s2], $0x80, v3, vm0, $0xb8;
	[tilespmem:$0x18A00] =	vst v63  }
0x676: {  	v3 =	vld [tilespmem:$0x8B0];
	_ =	sdelay $0x4  }
0x677: {  	v51 =	vshll.u32 v3, $0x1  }
0x678: {  	v3 =	vand.u32 $0x7, v3;
	v4 =	vand.u32 $0xFFFFFFF0, v51  }
0x679: {  	v3 =	vor.u32 v3, v4  }
0x67a: {  	v4 =	vperm.xlane v3, v0;
	_ =	sdelay $0x1  }
0x67b: {  	v3 =	vperm.xlane v3, v2;
	v4 =	vadd.s32 v1, v4;
	_ =	sdelay $0x1  }
0x67c: {  	v3 =	vadd.s32 v1, v3;
	_ =	sdelay $0x1  }
0x67d: {  	s20 =	simm.s32 $0x13A00  }
0x67e: {  	[tilespmem:s20], [sflag:$0x3] =	stream.indirect_vreg.gather [hbm4b:s3+s2], $0x80, v4, vm0, $0xb8;
	[tilespmem:$0x18A00] =	vst v63  }
0x67f: {  	s29 =	simm.s32 $0x14200  }
0x680: {  	[tilespmem:s29], [sflag:$0x3] =	stream.indirect_vreg.gather [hbm4b:s3+s2], $0x80, v3, vm0, $0xb8;
	[tilespmem:$0x18A00] =	vst v63  }
0x681: {  	v3 =	vld [tilespmem:$0x8C0];
	_ =	sdelay $0x4  }
0x682: {  	v52 =	vshll.u32 v3, $0x1  }
0x683: {  	v3 =	vand.u32 $0x7, v3;
	v4 =	vand.u32 $0xFFFFFFF0, v52  }
0x684: {  	v3 =	vor.u32 v3, v4  }
0x685: {  	v4 =	vperm.xlane v3, v0;
	_ =	sdelay $0x1  }
0x686: {  	v3 =	vperm.xlane v3, v2;
	v4 =	vadd.s32 v1, v4;
	_ =	sdelay $0x1  }
0x687: {  	v3 =	vadd.s32 v1, v3;
	_ =	sdelay $0x1  }
0x688: {  	s18 =	simm.s32 $0x14A00  }
0x689: {  	[tilespmem:s18], [sflag:$0x3] =	stream.indirect_vreg.gather [hbm4b:s3+s2], $0x80, v4, vm0, $0xb8;
	[tilespmem:$0x18A00] =	vst v63  }
0x68a: {  	s20 =	simm.s32 $0x15200  }
0x68b: {  	[tilespmem:s20], [sflag:$0x3] =	stream.indirect_vreg.gather [hbm4b:s3+s2], $0x80, v3, vm0, $0xb8;
	[tilespmem:$0x18A00] =	vst v63  }
0x68c: {  	v3 =	vld [tilespmem:$0x8D0];
	_ =	sdelay $0x4  }
0x68d: {  	v53 =	vshll.u32 v3, $0x1  }
0x68e: {  	v3 =	vand.u32 $0x7, v3;
	v4 =	vand.u32 $0xFFFFFFF0, v53  }
0x68f: {  	v3 =	vor.u32 v3, v4  }
0x690: {  	v4 =	vperm.xlane v3, v0;
	_ =	sdelay $0x1  }
0x691: {  	v3 =	vperm.xlane v3, v2;
	v4 =	vadd.s32 v1, v4;
	_ =	sdelay $0x1  }
0x692: {  	v3 =	vadd.s32 v1, v3;
	_ =	sdelay $0x1  }
0x693: {  	s25 =	simm.s32 $0x15A00  }
0x694: {  	[tilespmem:s25], [sflag:$0x3] =	stream.indirect_vreg.gather [hbm4b:s3+s2], $0x80, v4, vm0, $0xb8;
	[tilespmem:$0x18A00] =	vst v63  }
0x695: {  	s25 =	simm.s32 $0x16200  }
0x696: {  	[tilespmem:s25], [sflag:$0x3] =	stream.indirect_vreg.gather [hbm4b:s3+s2], $0x80, v3, vm0, $0xb8;
	[tilespmem:$0x18A00] =	vst v63  }
0x697: {  	v3 =	vld [tilespmem:$0x8E0];
	_ =	sdelay $0x4  }
0x698: {  	v54 =	vshll.u32 v3, $0x1  }
0x699: {  	v3 =	vand.u32 $0x7, v3;
	v4 =	vand.u32 $0xFFFFFFF0, v54  }
0x69a: {  	v3 =	vor.u32 v3, v4  }
0x69b: {  	v4 =	vperm.xlane v3, v0;
	_ =	sdelay $0x1  }
0x69c: {  	v3 =	vperm.xlane v3, v2;
	v4 =	vadd.s32 v1, v4;
	_ =	sdelay $0x1  }
0x69d: {  	v3 =	vadd.s32 v1, v3;
	_ =	sdelay $0x1  }
0x69e: {  	s28 =	simm.s32 $0x16A00  }
0x69f: {  	[tilespmem:s28], [sflag:$0x3] =	stream.indirect_vreg.gather [hbm4b:s3+s2], $0x80, v4, vm0, $0xb8;
	[tilespmem:$0x18A00] =	vst v63  }
0x6a0: {  	s29 =	simm.s32 $0x17200  }
0x6a1: {  	[tilespmem:s29], [sflag:$0x3] =	stream.indirect_vreg.gather [hbm4b:s3+s2], $0x80, v3, vm0, $0xb8;
	[tilespmem:$0x18A00] =	vst v63  }
0x6a2: {  	v3 =	vld [tilespmem:$0x8F0];
	_ =	sdelay $0x4  }
0x6a3: {  	v55 =	vshll.u32 v3, $0x1  }
0x6a4: {  	v3 =	vand.u32 $0x7, v3;
	v4 =	vand.u32 $0xFFFFFFF0, v55  }
0x6a5: {  	v3 =	vor.u32 v3, v4  }
0x6a6: {  	v4 =	vperm.xlane v3, v0;
	_ =	sdelay $0x1  }
0x6a7: {  	v3 =	vperm.xlane v3, v2;
	v4 =	vadd.s32 v1, v4;
	_ =	sdelay $0x1  }
0x6a8: {  	v3 =	vadd.s32 v1, v3;
	_ =	sdelay $0x1  }
0x6a9: {  	s30 =	simm.s32 $0x17A00  }
0x6aa: {  	[tilespmem:s30], [sflag:$0x3] =	stream.indirect_vreg.gather [hbm4b:s3+s2], $0x80, v4, vm0, $0xb8;
	[tilespmem:$0x18A00] =	vst v63  }
0x6ab: {  	s18 =	simm.s32 $0x18200  }
0x6ac: {  	[tilespmem:s18], [sflag:$0x3] =	stream.indirect_vreg.gather [hbm4b:s3+s2], $0x80, v3, vm0, $0xb8;
	[tilespmem:$0x18A00] =	vst v63  }
0x6ad: {  	_ =	swait.ge [sflag:s21], $0x8000  }
0x6ae: {  	[sflag:s21] =	ssyncset.done $0x0  }
0x6af: {  	s20 =	rddreg [dreg:$0x14];
	[sflag:s21] =	ssyncadd.s32 $0xFFFF8000  }
0x6b0: {  	[hbm4b:s20+s2] =	stream.linear.scatter [tilespmem:s31], [sflag:$0x5], $0x8000, $0x38;
	[tilespmem:$0x18A00] =	vst v63  }
0x6b1: {  	_ =	swait.ge [sflag:s23], $0x8000  }
0x6b2: {  	[sflag:s23] =	ssyncset.done $0x0  }
0x6b3: {  	[sflag:s23] =	ssyncadd.s32 $0xFFFF8000  }
0x6b4: {  	v3 =	vld [tilespmem:$0x900];
	_ =	sdelay $0x4  }
0x6b5: {  	v56 =	vshll.u32 v3, $0x1  }
0x6b6: {  	v3 =	vand.u32 $0x7, v3;
	v4 =	vand.u32 $0xFFFFFFF0, v56  }
0x6b7: {  	v3 =	vor.u32 v3, v4  }
0x6b8: {  	v4 =	vperm.xlane v3, v0;
	_ =	sdelay $0x1  }
0x6b9: {  	v3 =	vperm.xlane v3, v2;
	v4 =	vadd.s32 v1, v4;
	_ =	sdelay $0x1  }
0x6ba: {  	v3 =	vadd.s32 v1, v3;
	_ =	sdelay $0x2  }
0x6bb: {  	[tilespmem:s11], [sflag:$0x1] =	stream.indirect_vreg.gather [hbm4b:s3+s2], $0x80, v4, vm0, $0xb8;
	[tilespmem:$0x18A00] =	vst v63  }
0x6bc: {  	s25 =	simm.s32 $0x1200  }
0x6bd: {  	[tilespmem:s25], [sflag:$0x1] =	stream.indirect_vreg.gather [hbm4b:s3+s2], $0x80, v3, vm0, $0xb8;
	[tilespmem:$0x18A00] =	vst v63  }
0x6be: {  	v3 =	vld [tilespmem:$0x910];
	_ =	sdelay $0x4  }
0x6bf: {  	v57 =	vshll.u32 v3, $0x1  }
0x6c0: {  	v3 =	vand.u32 $0x7, v3;
	v4 =	vand.u32 $0xFFFFFFF0, v57  }
0x6c1: {  	v3 =	vor.u32 v3, v4  }
0x6c2: {  	v4 =	vperm.xlane v3, v0;
	_ =	sdelay $0x1  }
0x6c3: {  	v3 =	vperm.xlane v3, v2;
	v4 =	vadd.s32 v1, v4;
	_ =	sdelay $0x1  }
0x6c4: {  	v3 =	vadd.s32 v1, v3;
	_ =	sdelay $0x1  }
0x6c5: {  	s28 =	simm.s32 $0x1A00  }
0x6c6: {  	[tilespmem:s28], [sflag:$0x1] =	stream.indirect_vreg.gather [hbm4b:s3+s2], $0x80, v4, vm0, $0xb8;
	[tilespmem:$0x18A00] =	vst v63  }
0x6c7: {  	s29 =	simm.s32 $0x2200  }
0x6c8: {  	[tilespmem:s29], [sflag:$0x1] =	stream.indirect_vreg.gather [hbm4b:s3+s2], $0x80, v3, vm0, $0xb8;
	[tilespmem:$0x18A00] =	vst v63  }
0x6c9: {  	v3 =	vld [tilespmem:$0x920];
	_ =	sdelay $0x4  }
0x6ca: {  	v58 =	vshll.u32 v3, $0x1  }
0x6cb: {  	v3 =	vand.u32 $0x7, v3;
	v4 =	vand.u32 $0xFFFFFFF0, v58  }
0x6cc: {  	v3 =	vor.u32 v3, v4  }
0x6cd: {  	v4 =	vperm.xlane v3, v0;
	_ =	sdelay $0x1  }
0x6ce: {  	v3 =	vperm.xlane v3, v2;
	v4 =	vadd.s32 v1, v4;
	_ =	sdelay $0x1  }
0x6cf: {  	v3 =	vadd.s32 v1, v3;
	_ =	sdelay $0x1  }
0x6d0: {  	s30 =	simm.s32 $0x2A00  }
0x6d1: {  	[tilespmem:s30], [sflag:$0x1] =	stream.indirect_vreg.gather [hbm4b:s3+s2], $0x80, v4, vm0, $0xb8;
	[tilespmem:$0x18A00] =	vst v63  }
0x6d2: {  	s18 =	simm.s32 $0x3200  }
0x6d3: {  	[tilespmem:s18], [sflag:$0x1] =	stream.indirect_vreg.gather [hbm4b:s3+s2], $0x80, v3, vm0, $0xb8;
	[tilespmem:$0x18A00] =	vst v63  }
0x6d4: {  	v3 =	vld [tilespmem:$0x930];
	_ =	sdelay $0x4  }
0x6d5: {  	v59 =	vshll.u32 v3, $0x1  }
0x6d6: {  	v3 =	vand.u32 $0x7, v3;
	v4 =	vand.u32 $0xFFFFFFF0, v59  }
0x6d7: {  	v3 =	vor.u32 v3, v4  }
0x6d8: {  	v4 =	vperm.xlane v3, v0;
	_ =	sdelay $0x1  }
0x6d9: {  	v3 =	vperm.xlane v3, v2;
	v4 =	vadd.s32 v1, v4;
	_ =	sdelay $0x1  }
0x6da: {  	v3 =	vadd.s32 v1, v3;
	_ =	sdelay $0x1  }
0x6db: {  	s20 =	simm.s32 $0x3A00  }
0x6dc: {  	[tilespmem:s20], [sflag:$0x1] =	stream.indirect_vreg.gather [hbm4b:s3+s2], $0x80, v4, vm0, $0xb8;
	[tilespmem:$0x18A00] =	vst v63  }
0x6dd: {  	s25 =	simm.s32 $0x4200  }
0x6de: {  	[tilespmem:s25], [sflag:$0x1] =	stream.indirect_vreg.gather [hbm4b:s3+s2], $0x80, v3, vm0, $0xb8;
	[tilespmem:$0x18A00] =	vst v63  }
0x6df: {  	v3 =	vld [tilespmem:$0x940];
	_ =	sdelay $0x4  }
0x6e0: {  	v60 =	vshll.u32 v3, $0x1  }
0x6e1: {  	v3 =	vand.u32 $0x7, v3;
	v4 =	vand.u32 $0xFFFFFFF0, v60  }
0x6e2: {  	v3 =	vor.u32 v3, v4  }
0x6e3: {  	v4 =	vperm.xlane v3, v0;
	_ =	sdelay $0x1  }
0x6e4: {  	v3 =	vperm.xlane v3, v2;
	v4 =	vadd.s32 v1, v4;
	_ =	sdelay $0x1  }
0x6e5: {  	v3 =	vadd.s32 v1, v3;
	_ =	sdelay $0x1  }
0x6e6: {  	s28 =	simm.s32 $0x4A00  }
0x6e7: {  	[tilespmem:s28], [sflag:$0x1] =	stream.indirect_vreg.gather [hbm4b:s3+s2], $0x80, v4, vm0, $0xb8;
	[tilespmem:$0x18A00] =	vst v63  }
0x6e8: {  	s29 =	simm.s32 $0x5200  }
0x6e9: {  	[tilespmem:s29], [sflag:$0x1] =	stream.indirect_vreg.gather [hbm4b:s3+s2], $0x80, v3, vm0, $0xb8;
	[tilespmem:$0x18A00] =	vst v63  }
0x6ea: {  	v3 =	vld [tilespmem:$0x950];
	_ =	sdelay $0x4  }
0x6eb: {  	v61 =	vshll.u32 v3, $0x1  }
0x6ec: {  	v3 =	vand.u32 $0x7, v3;
	v4 =	vand.u32 $0xFFFFFFF0, v61  }
0x6ed: {  	v3 =	vor.u32 v3, v4  }
0x6ee: {  	v4 =	vperm.xlane v3, v0;
	_ =	sdelay $0x1  }
0x6ef: {  	v3 =	vperm.xlane v3, v2;
	v4 =	vadd.s32 v1, v4;
	_ =	sdelay $0x1  }
0x6f0: {  	v3 =	vadd.s32 v1, v3;
	_ =	sdelay $0x1  }
0x6f1: {  	s30 =	simm.s32 $0x5A00  }
0x6f2: {  	[tilespmem:s30], [sflag:$0x1] =	stream.indirect_vreg.gather [hbm4b:s3+s2], $0x80, v4, vm0, $0xb8;
	[tilespmem:$0x18A00] =	vst v63  }
0x6f3: {  	s18 =	simm.s32 $0x6200  }
0x6f4: {  	[tilespmem:s18], [sflag:$0x1] =	stream.indirect_vreg.gather [hbm4b:s3+s2], $0x80, v3, vm0, $0xb8;
	[tilespmem:$0x18A00] =	vst v63  }
0x6f5: {  	v3 =	vld [tilespmem:$0x960];
	_ =	sdelay $0x4  }
0x6f6: {  	v62 =	vshll.u32 v3, $0x1  }
0x6f7: {  	v3 =	vand.u32 $0x7, v3;
	v4 =	vand.u32 $0xFFFFFFF0, v62  }
0x6f8: {  	v3 =	vor.u32 v3, v4  }
0x6f9: {  	v4 =	vperm.xlane v3, v0;
	_ =	sdelay $0x1  }
0x6fa: {  	v3 =	vperm.xlane v3, v2;
	v4 =	vadd.s32 v1, v4;
	_ =	sdelay $0x1  }
0x6fb: {  	v3 =	vadd.s32 v1, v3;
	_ =	sdelay $0x1  }
0x6fc: {  	s20 =	simm.s32 $0x6A00  }
0x6fd: {  	[tilespmem:s20], [sflag:$0x1] =	stream.indirect_vreg.gather [hbm4b:s3+s2], $0x80, v4, vm0, $0xb8;
	[tilespmem:$0x18A00] =	vst v63  }
0x6fe: {  	s25 =	simm.s32 $0x7200  }
0x6ff: {  	[tilespmem:s25], [sflag:$0x1] =	stream.indirect_vreg.gather [hbm4b:s3+s2], $0x80, v3, vm0, $0xb8;
	[tilespmem:$0x18A00] =	vst v63  }
0x700: {  	v3 =	vld [tilespmem:$0x970];
	_ =	sdelay $0x4  }
0x701: {  	v63 =	vshll.u32 v3, $0x1  }
0x702: {  	v3 =	vand.u32 $0x7, v3;
	v4 =	vand.u32 $0xFFFFFFF0, v63  }
0x703: {  	v3 =	vor.u32 v3, v4  }
0x704: {  	v4 =	vperm.xlane v3, v0;
	_ =	sdelay $0x1  }
0x705: {  	v3 =	vperm.xlane v3, v2;
	v4 =	vadd.s32 v1, v4;
	_ =	sdelay $0x1  }
0x706: {  	v3 =	vadd.s32 v1, v3;
	_ =	sdelay $0x1  }
0x707: {  	s28 =	simm.s32 $0x7A00  }
0x708: {  	[tilespmem:s28], [sflag:$0x1] =	stream.indirect_vreg.gather [hbm4b:s3+s2], $0x80, v4, vm0, $0xb8;
	[tilespmem:$0x18A00] =	vst v63  }
0x709: {  	s29 =	simm.s32 $0x8200  }
0x70a: {  	[tilespmem:s29], [sflag:$0x1] =	stream.indirect_vreg.gather [hbm4b:s3+s2], $0x80, v3, vm0, $0xb8;
	[tilespmem:$0x18A00] =	vst v63  }
0x70b: {  	_ =	swait.ge [sflag:s26], $0x8000  }
0x70c: {  	s12 =	simm.s32 $0x10A00;
	[sflag:s26] =	ssyncset.done $0x0  }
.Ltmp2:
0x70d: {  	s30 =	rddreg [dreg:$0x15];
	[sflag:s26] =	ssyncadd.s32 $0xFFFF8000;
	(pc) =	sbr.rel @p0 .LBB2_3-.Ltmp2, $4  }
0x70e: {  	[hbm4b:s30+s2] =	stream.linear.scatter [tilespmem:s12], [sflag:$0x6], $0x8000, $0x38;
	[tilespmem:$0x18A00] =	vst v63  }
0x70f: {  	_ =	swait.ge [sflag:s0], $0x8000  }
0x710: {  	[sflag:s0] =	ssyncset.done $0x0  }
0x711: {  	[sflag:s0] =	ssyncadd.s32 $0xFFFF8000  }
0x712: {  	v3 =	vld [tilespmem:$0x980];
	_ =	sdelay $0x4  }
0x713: {  	v4 =	vshll.u32 v3, $0x1  }
0x714: {  	v3 =	vand.u32 $0x7, v3;
	v4 =	vand.u32 $0xFFFFFFF0, v4  }
0x715: {  	v3 =	vor.u32 v3, v4  }
0x716: {  	v4 =	vperm.xlane v3, v0;
	_ =	sdelay $0x1  }
0x717: {  	v3 =	vperm.xlane v3, v2;
	v4 =	vadd.s32 v1, v4;
	_ =	sdelay $0x1  }
0x718: {  	v3 =	vadd.s32 v1, v3;
	_ =	sdelay $0x2  }
0x719: {  	[tilespmem:s31], [sflag:$0x2] =	stream.indirect_vreg.gather [hbm4b:s3+s2], $0x80, v4, vm0, $0xb8;
	[tilespmem:$0x18A00] =	vst v63  }
0x71a: {  	_ = 	snop  }
0x71b: {  	[tilespmem:s16], [sflag:$0x2] =	stream.indirect_vreg.gather [hbm4b:s3+s2], $0x80, v3, vm0, $0xb8;
	[tilespmem:$0x18A00] =	vst v63  }
0x71c: {  	v3 =	vld [tilespmem:$0x990];
	_ =	sdelay $0x4  }
0x71d: {  	v57 =	vshll.u32 v3, $0x1  }
0x71e: {  	v3 =	vand.u32 $0x7, v3;
	v4 =	vand.u32 $0xFFFFFFF0, v57  }
0x71f: {  	v3 =	vor.u32 v3, v4  }
0x720: {  	v4 =	vperm.xlane v3, v0;
	_ =	sdelay $0x1  }
0x721: {  	v3 =	vperm.xlane v3, v2;
	v4 =	vadd.s32 v1, v4;
	_ =	sdelay $0x1  }
0x722: {  	v3 =	vadd.s32 v1, v3;
	_ =	sdelay $0x1  }
0x723: {  	s0 =	simm.s32 $0x9A00  }
0x724: {  	[tilespmem:s0], [sflag:$0x2] =	stream.indirect_vreg.gather [hbm4b:s3+s2], $0x80, v4, vm0, $0xb8;
	[tilespmem:$0x18A00] =	vst v63  }
0x725: {  	_ = 	snop  }
0x726: {  	[tilespmem:s22], [sflag:$0x2] =	stream.indirect_vreg.gather [hbm4b:s3+s2], $0x80, v3, vm0, $0xb8;
	[tilespmem:$0x18A00] =	vst v63  }
0x727: {  	v3 =	vld [tilespmem:$0x9A0];
	_ =	sdelay $0x4  }
0x728: {  	v58 =	vshll.u32 v3, $0x1  }
0x729: {  	v3 =	vand.u32 $0x7, v3;
	v4 =	vand.u32 $0xFFFFFFF0, v58  }
0x72a: {  	v3 =	vor.u32 v3, v4  }
0x72b: {  	v4 =	vperm.xlane v3, v0;
	_ =	sdelay $0x1  }
0x72c: {  	v3 =	vperm.xlane v3, v2;
	v4 =	vadd.s32 v1, v4;
	_ =	sdelay $0x1  }
0x72d: {  	v3 =	vadd.s32 v1, v3;
	_ =	sdelay $0x1  }
0x72e: {  	s29 =	simm.s32 $0xAA00  }
0x72f: {  	[tilespmem:s29], [sflag:$0x2] =	stream.indirect_vreg.gather [hbm4b:s3+s2], $0x80, v4, vm0, $0xb8;
	[tilespmem:$0x18A00] =	vst v63  }
0x730: {  	_ = 	snop  }
0x731: {  	[tilespmem:s1], [sflag:$0x2] =	stream.indirect_vreg.gather [hbm4b:s3+s2], $0x80, v3, vm0, $0xb8;
	[tilespmem:$0x18A00] =	vst v63  }
0x732: {  	v3 =	vld [tilespmem:$0x9B0];
	_ =	sdelay $0x4  }
0x733: {  	v59 =	vshll.u32 v3, $0x1  }
0x734: {  	v3 =	vand.u32 $0x7, v3;
	v4 =	vand.u32 $0xFFFFFFF0, v59  }
0x735: {  	v3 =	vor.u32 v3, v4  }
0x736: {  	v4 =	vperm.xlane v3, v0;
	_ =	sdelay $0x1  }
0x737: {  	v3 =	vperm.xlane v3, v2;
	v4 =	vadd.s32 v1, v4;
	_ =	sdelay $0x1  }
0x738: {  	v3 =	vadd.s32 v1, v3;
	_ =	sdelay $0x2  }
0x739: {  	[tilespmem:s5], [sflag:$0x2] =	stream.indirect_vreg.gather [hbm4b:s3+s2], $0x80, v4, vm0, $0xb8;
	[tilespmem:$0x18A00] =	vst v63  }
0x73a: {  	_ = 	snop  }
0x73b: {  	[tilespmem:s6], [sflag:$0x2] =	stream.indirect_vreg.gather [hbm4b:s3+s2], $0x80, v3, vm0, $0xb8;
	[tilespmem:$0x18A00] =	vst v63  }
0x73c: {  	v3 =	vld [tilespmem:$0x9C0];
	_ =	sdelay $0x4  }
0x73d: {  	v60 =	vshll.u32 v3, $0x1  }
0x73e: {  	v3 =	vand.u32 $0x7, v3;
	v4 =	vand.u32 $0xFFFFFFF0, v60  }
0x73f: {  	v3 =	vor.u32 v3, v4  }
0x740: {  	v4 =	vperm.xlane v3, v0;
	_ =	sdelay $0x1  }
0x741: {  	v3 =	vperm.xlane v3, v2;
	v4 =	vadd.s32 v1, v4;
	_ =	sdelay $0x1  }
0x742: {  	v3 =	vadd.s32 v1, v3;
	_ =	sdelay $0x2  }
0x743: {  	[tilespmem:s7], [sflag:$0x2] =	stream.indirect_vreg.gather [hbm4b:s3+s2], $0x80, v4, vm0, $0xb8;
	[tilespmem:$0x18A00] =	vst v63  }
0x744: {  	_ = 	snop  }
0x745: {  	[tilespmem:s8], [sflag:$0x2] =	stream.indirect_vreg.gather [hbm4b:s3+s2], $0x80, v3, vm0, $0xb8;
	[tilespmem:$0x18A00] =	vst v63  }
0x746: {  	v3 =	vld [tilespmem:$0x9D0];
	_ =	sdelay $0x4  }
0x747: {  	v61 =	vshll.u32 v3, $0x1  }
0x748: {  	v3 =	vand.u32 $0x7, v3;
	v4 =	vand.u32 $0xFFFFFFF0, v61  }
0x749: {  	v3 =	vor.u32 v3, v4  }
0x74a: {  	v4 =	vperm.xlane v3, v0;
	_ =	sdelay $0x1  }
0x74b: {  	v3 =	vperm.xlane v3, v2;
	v4 =	vadd.s32 v1, v4;
	_ =	sdelay $0x1  }
0x74c: {  	v3 =	vadd.s32 v1, v3;
	_ =	sdelay $0x2  }
0x74d: {  	[tilespmem:s4], [sflag:$0x2] =	stream.indirect_vreg.gather [hbm4b:s3+s2], $0x80, v4, vm0, $0xb8;
	[tilespmem:$0x18A00] =	vst v63  }
0x74e: {  	_ = 	snop  }
0x74f: {  	[tilespmem:s9], [sflag:$0x2] =	stream.indirect_vreg.gather [hbm4b:s3+s2], $0x80, v3, vm0, $0xb8;
	[tilespmem:$0x18A00] =	vst v63  }
0x750: {  	v3 =	vld [tilespmem:$0x9E0];
	_ =	sdelay $0x4  }
0x751: {  	v62 =	vshll.u32 v3, $0x1  }
0x752: {  	v3 =	vand.u32 $0x7, v3;
	v4 =	vand.u32 $0xFFFFFFF0, v62  }
0x753: {  	v3 =	vor.u32 v3, v4  }
0x754: {  	v4 =	vperm.xlane v3, v0;
	_ =	sdelay $0x1  }
0x755: {  	v3 =	vperm.xlane v3, v2;
	v4 =	vadd.s32 v1, v4;
	_ =	sdelay $0x1  }
0x756: {  	v3 =	vadd.s32 v1, v3;
	_ =	sdelay $0x2  }
0x757: {  	[tilespmem:s17], [sflag:$0x2] =	stream.indirect_vreg.gather [hbm4b:s3+s2], $0x80, v4, vm0, $0xb8;
	[tilespmem:$0x18A00] =	vst v63  }
0x758: {  	_ = 	snop  }
0x759: {  	[tilespmem:s24], [sflag:$0x2] =	stream.indirect_vreg.gather [hbm4b:s3+s2], $0x80, v3, vm0, $0xb8;
	[tilespmem:$0x18A00] =	vst v63  }
0x75a: {  	v3 =	vld [tilespmem:$0x9F0];
	_ =	sdelay $0x4  }
0x75b: {  	v63 =	vshll.u32 v3, $0x1  }
0x75c: {  	v3 =	vand.u32 $0x7, v3;
	v4 =	vand.u32 $0xFFFFFFF0, v63  }
0x75d: {  	v3 =	vor.u32 v3, v4  }
0x75e: {  	v4 =	vperm.xlane v3, v0;
	_ =	sdelay $0x1  }
0x75f: {  	v3 =	vperm.xlane v3, v2;
	v4 =	vadd.s32 v1, v4;
	_ =	sdelay $0x1  }
0x760: {  	v3 =	vadd.s32 v1, v3;
	_ =	sdelay $0x2  }
0x761: {  	[tilespmem:s10], [sflag:$0x2] =	stream.indirect_vreg.gather [hbm4b:s3+s2], $0x80, v4, vm0, $0xb8;
	[tilespmem:$0x18A00] =	vst v63  }
0x762: {  	_ = 	snop  }
0x763: {  	[tilespmem:s13], [sflag:$0x2] =	stream.indirect_vreg.gather [hbm4b:s3+s2], $0x80, v3, vm0, $0xb8;
	[tilespmem:$0x18A00] =	vst v63  }
0x764: {  	_ =	swait.ge [sflag:s19], $0x8000  }
0x765: {  	[sflag:s19] =	ssyncset.done $0x0  }
0x766: {  	s15 =	rddreg [dreg:$0x16];
	[sflag:s19] =	ssyncadd.s32 $0xFFFF8000  }
0x767: {  	[hbm4b:s15+s2] =	stream.linear.scatter [tilespmem:s11], [sflag:$0x4], $0x8000, $0x38;
	[tilespmem:$0x18A00] =	vst v63  }
0x768: {  	_ =	swait.ge [sflag:s14], $0x8000  }
0x769: {  	[sflag:s14] =	ssyncset.done $0x0  }
.Ltmp3:
0x76a: {  	[sflag:s14] =	ssyncadd.s32 $0xFFFF8000;
	(pc) =	sbr.rel .LBB2_4-.Ltmp3, $4  }
0x76b: {  	_ =	swait.ge [sflag:s21], $0x8000  }
0x76c: {  	s16 =	simm.s32 $0x4;
	[sflag:s21] =	ssyncset.done $0x0;
	s30 =	rddreg [dreg:$0x17]  }
0x76d: {  	s15 =	simm.s32 $0x5;
	s0 =	rddreg [dreg:$0x18];
	[sflag:s21] =	ssyncadd.s32 $0xFFFF8000  }
0x76e: {  	[hbm4b:s30+s2] =	stream.linear.scatter [tilespmem:s31], [sflag:$0x5], $0x8000, $0x38;
	[tilespmem:$0x18A00] =	vst v63  }
.LBB2_5:
0x76f: {  	_ =	sfence.sel $0x180000  }
0x770: {  	[bflag:$0x0] =	sbarrier.arrive $0xFFFF  }
0x771: {  	_ =	strace $0x9000004D  }
0x772: {  	s0 =	stileid.u32;
	[bflag:$0x2] =	sbarrier.arrive $0xFFFF  }
0x773: {  	p0 =	sne.s32 s0, $0x0;
	s0 =	rddreg [dreg:$0x2]  }
0x774: {  	s0 =	sadd.s32 @!p0 $0x100000, s0  }
0x775: {  	[sflag:s0] =	ssyncadd.tile.s32 @!p0 $0x1;
	_ =	shalt  }
.Lfunc_end2:
_tile_overlayer_lowered:
.L_overlay_start_2:
0x776: {  	(tag) =	ssettag $0x2  }
0x777: {  	s0 =	rddreg [dreg:$0x0];
	s2 =	stileid.u32  }
0x778: {  	s1 =	rddreg [dreg:$0x1];
	p0 =	sne.s32 s2, $0x0  }
0x779: {  	s3 =	rddreg [dreg:$0x2];
	[bflag:$0x3] =	sbarrier.arrive $0xFFFF;
	s2 =	simm.s32 @!p0 $0x1C07  }
0x77a: {  	[timem:s3], [sflag:s2] =	dma.local @!p0 [hbm:s0], s1  }
0x77b: {  	s0 =	simm.s32 @!p0 $0x7  }
0x77c: {  	_ =	swait.ge @!p0 [sflag:s0], s1  }
0x77d: {  	s1 =	ssub.s32 @!p0 $0x0, s1;
	[sflag:s0] =	ssyncset.done @!p0 $0x0  }
0x77e: {  	[sflag:s0] =	ssyncadd.s32 @!p0 s1  }
0x77f: {  	[bflag:$0x3] =	sbarrier.arrive $0xFFFF  }
0x780: {  	_ =	shalt  }

</sc_bundles>
